<compile_context>
chip_gen: v7x
topology: tpu7x:2x2x1
jax: 0.10.2.dev20260603
libtpu: 0.0.44.dev20260713+nightly
codegen_flags: <defaults>
</compile_context>

<pallas_src>
import functools

import jax
import jax.numpy as jnp
from jax import lax
from jax.experimental import pallas as pl
from jax.experimental.pallas import tpu as pltpu
from jax.experimental.pallas import tpu_sc as plsc

N = 10000
E = 320000
D = 128
DH = D // 2
NC = 2
NS = 16
L = 16
CK = 125
NCH = (E // NS) // CK
STRIPE = 624
LAST_STRIPE = N - (NS - 1) * STRIPE
NP = 10240

_MESH = plsc.VectorSubcoreMesh(
    core_axis_name="c", subcore_axis_name="s", num_cores=NC, num_subcores=NS
)
_SC_PARAMS = pltpu.CompilerParams(use_tc_tiling_on_sc=False, skip_device_barrier=True)
_SC_PARAMS_NL = pltpu.CompilerParams(
    use_tc_tiling_on_sc=False, skip_device_barrier=True, needs_layout_passes=False
)


def _zero_stripe(zsrc, acc, base):
    for k in range(5):
        pltpu.sync_copy(zsrc.at[pl.ds(0, 120)], acc.at[pl.ds(base + 120 * k, 120)])
    pltpu.sync_copy(zsrc.at[pl.ds(0, 40)], acc.at[pl.ds(base + 600, 40)])


def _stripe_out(acc, out_ref, s):
    base = s * STRIPE

    @pl.when(s < NS - 1)
    def _():
        pltpu.sync_copy(acc.at[pl.ds(base, STRIPE)], out_ref.at[pl.ds(base, STRIPE)])

    @pl.when(s == NS - 1)
    def _():
        pltpu.sync_copy(
            acc.at[pl.ds(base, LAST_STRIPE)], out_ref.at[pl.ds(base, LAST_STRIPE)]
        )


def _degree_body(idx_hbm, out_hbm, idx_v, hist_v, rid_v, acc):
    c = lax.axis_index("c")
    s = lax.axis_index("s")
    ones16 = jnp.full((L,), 1.0, jnp.float32)
    zeros16 = jnp.zeros((L,), jnp.float32)
    iota16 = lax.iota(jnp.int32, L)
    ept = E // NS
    hrows = NP // L

    pltpu.sync_copy(idx_hbm.at[c, pl.ds(s * ept, ept)], idx_v)

    @pl.loop(0, hrows)
    def _(j):
        hist_v[j] = zeros16

    for k in range(hrows // 128):
        for m in range(8):
            rid_v[k, pl.ds(m * L, L)] = iota16 + (k * 128 + m * L)

    pltpu.sync_copy(hist_v.at[pl.ds(s * 40, 40)], acc.at[pl.ds(s * 40, 40)])
    plsc.subcore_barrier()

    @pl.loop(0, ept // L)
    def _(i):
        idx16 = idx_v[pl.ds(i * L, L)]
        row16 = lax.shift_right_logical(idx16, 4)
        col16 = lax.bitwise_and(idx16, 15)
        plsc.addupdate_scatter(hist_v, [row16, col16], ones16)

    for k in range(hrows // 128):
        pltpu.sync_copy(
            hist_v.at[pl.ds(k * 128, 128)], acc.at[rid_v.at[k]], add=True
        )
    plsc.subcore_barrier()

    pltpu.sync_copy(acc.at[pl.ds(s * 40, 40)], out_hbm.at[c, pl.ds(s * 40, 40)])


_degree_call = functools.partial(
    pl.kernel,
    out_type=jax.ShapeDtypeStruct((NC, NP // L, L), jnp.float32),
    mesh=_MESH,
    scratch_types=[
        pltpu.VMEM((E // NS,), jnp.int32),
        pltpu.VMEM((NP // L, L), jnp.float32),
        pltpu.VMEM((NP // L // 128, 128), jnp.int32),
        pltpu.VMEM_SHARED((NP // L, L), jnp.float32),
    ],
    compiler_params=_SC_PARAMS_NL,
)(_degree_body)


NBUF = 6


def _scatter_body(
    hlo_hbm, hhi_hbm, sidx_hbm, ridx_hbm, olo_hbm, ohi_hbm,
    sidx_v, ridx_v, rb0, rb1, rb2, rb3, rb4, rb5, acc,
    gs0, gs1, gs2, gs3, gs4, gs5, isem,
):
    rows_bufs = (rb0, rb1, rb2, rb3, rb4, rb5)
    gsems = (gs0, gs1, gs2, gs3, gs4, gs5)
    c = lax.axis_index("c")
    s = lax.axis_index("s")
    zeros16 = jnp.zeros((L,), jnp.float32)

    pltpu.async_copy(sidx_hbm.at[s], sidx_v, isem)
    pltpu.async_copy(ridx_hbm.at[s], ridx_v, isem)

    @pl.loop(0, CK)
    def _(j):
        for k in range(DH // L):
            rb0[j, pl.ds(k * L, L)] = zeros16

    base = s * STRIPE
    _zero_stripe(rb0, acc, base)
    pltpu.make_async_copy(sidx_hbm.at[s], sidx_v, isem).wait()
    pltpu.make_async_copy(ridx_hbm.at[s], ridx_v, isem).wait()
    plsc.subcore_barrier()

    def gather(j, rows, gsem):
        @pl.when(c == 0)
        def _():
            pltpu.async_copy(hlo_hbm.at[sidx_v.at[j]], rows, gsem)

        @pl.when(c == 1)
        def _():
            pltpu.async_copy(hhi_hbm.at[sidx_v.at[j]], rows, gsem)

    def gather_wait(j, rows, gsem):
        pltpu.make_async_copy(hlo_hbm.at[sidx_v.at[j]], rows, gsem).wait()

    for b in range(NBUF):
        gather(b, rows_bufs[b], gsems[b])

    NFULL = NCH // NBUF
    NREM = NCH - NFULL * NBUF

    @pl.loop(0, NFULL)
    def _(g):
        a = g * NBUF
        for b in range(NBUF):
            j = a + b
            gather_wait(j, rows_bufs[b], gsems[b])
            pltpu.sync_copy(rows_bufs[b], acc.at[ridx_v.at[j]], add=True)
            jn = j + NBUF

            @pl.when(jn < NCH)
            def _():
                gather(jn, rows_bufs[b], gsems[b])

    for b in range(NREM):
        j = NFULL * NBUF + b
        gather_wait(j, rows_bufs[b], gsems[b])
        pltpu.sync_copy(rows_bufs[b], acc.at[ridx_v.at[j]], add=True)

    plsc.subcore_barrier()

    @pl.when(c == 0)
    def _():
        _stripe_out(acc, olo_hbm, s)

    @pl.when(c == 1)
    def _():
        _stripe_out(acc, ohi_hbm, s)


_scatter_call = functools.partial(
    pl.kernel,
    out_type=[
        jax.ShapeDtypeStruct((N, DH), jnp.float32),
        jax.ShapeDtypeStruct((N, DH), jnp.float32),
    ],
    mesh=_MESH,
    scratch_types=[
        pltpu.VMEM((NCH, CK), jnp.int32),
        pltpu.VMEM((NCH, CK), jnp.int32),
        pltpu.VMEM((CK, DH), jnp.float32),
        pltpu.VMEM((CK, DH), jnp.float32),
        pltpu.VMEM((CK, DH), jnp.float32),
        pltpu.VMEM((CK, DH), jnp.float32),
        pltpu.VMEM((CK, DH), jnp.float32),
        pltpu.VMEM((CK, DH), jnp.float32),
        pltpu.VMEM_SHARED((N, DH), jnp.float32),
        pltpu.SemaphoreType.DMA,
        pltpu.SemaphoreType.DMA,
        pltpu.SemaphoreType.DMA,
        pltpu.SemaphoreType.DMA,
        pltpu.SemaphoreType.DMA,
        pltpu.SemaphoreType.DMA,
        pltpu.SemaphoreType.DMA,
    ],
    compiler_params=_SC_PARAMS,
)(_scatter_body)


_BLK = 2000
_TC_PARAMS = pltpu.CompilerParams(dimension_semantics=("parallel",))


def _l1_body(x_ref, w_ref, b_ref, d_ref, olo_ref, ohi_ref):
    h = jnp.tanh(
        jnp.dot(x_ref[...], w_ref[...], preferred_element_type=jnp.float32)
        + b_ref[...]
    )
    dcol = d_ref[...][:, 0:1]
    h = h * lax.rsqrt(jnp.maximum(dcol + 1.0, 1.0))
    olo_ref[...] = h[:, :DH]
    ohi_ref[...] = h[:, DH:]


def _l2_body(plo_ref, phi_ref, hlo_ref, hhi_ref, w_ref, b_ref, d_ref,
             olo_ref, ohi_ref):
    agg = jnp.concatenate(
        [plo_ref[...] + hlo_ref[...], phi_ref[...] + hhi_ref[...]], axis=1
    ) * lax.rsqrt(jnp.maximum(d_ref[...][:, 1:2] + 1.0, 1.0))
    h2 = jnp.dot(agg, w_ref[...], preferred_element_type=jnp.float32) + b_ref[...]
    h2 = h2 * lax.rsqrt(jnp.maximum(d_ref[...][:, 0:1], 1.0))
    olo_ref[...] = h2[:, :DH]
    ohi_ref[...] = h2[:, DH:]


def _fin_body(qlo_ref, qhi_ref, dr_ref, o_ref):
    o_ref[...] = jnp.concatenate(
        [qlo_ref[...], qhi_ref[...]], axis=1
    ) * lax.rsqrt(jnp.maximum(dr_ref[...][:, 1:2], 1.0))


def _row_spec(i_dim):
    return pl.BlockSpec((_BLK, i_dim), lambda i: (i, 0))


def _full_spec(r, c):
    return pl.BlockSpec((r, c), lambda i: (0, 0))


def _tc_layer1(x, W1, b1, degp):
    return pl.pallas_call(
        _l1_body,
        grid=(N // _BLK,),
        compiler_params=_TC_PARAMS,
        in_specs=[_row_spec(D), _full_spec(D, D), _full_spec(1, D), _row_spec(2)],
        out_specs=[_row_spec(DH), _row_spec(DH)],
        out_shape=[
            jax.ShapeDtypeStruct((N, DH), jnp.float32),
            jax.ShapeDtypeStruct((N, DH), jnp.float32),
        ],
    )(x, W1, b1.reshape(1, D), degp)


def _tc_layer2(plo, phi, hlo, hhi, W2, b2, degp):
    return pl.pallas_call(
        _l2_body,
        grid=(N // _BLK,),
        compiler_params=_TC_PARAMS,
        in_specs=[
            _row_spec(DH),
            _row_spec(DH),
            _row_spec(DH),
            _row_spec(DH),
            _full_spec(D, D),
            _full_spec(1, D),
            _row_spec(2),
        ],
        out_specs=[_row_spec(DH), _row_spec(DH)],
        out_shape=[
            jax.ShapeDtypeStruct((N, DH), jnp.float32),
            jax.ShapeDtypeStruct((N, DH), jnp.float32),
        ],
    )(plo, phi, hlo, hhi, W2, b2.reshape(1, D), degp)


def _tc_final(qlo, qhi, degp):
    return pl.pallas_call(
        _fin_body,
        grid=(N // _BLK,),
        compiler_params=_TC_PARAMS,
        in_specs=[_row_spec(DH), _row_spec(DH), _row_spec(2)],
        out_specs=_row_spec(D),
        out_shape=jax.ShapeDtypeStruct((N, D), jnp.float32),
    )(qlo, qhi, degp)


@jax.jit
def kernel(x, senders, receivers, W1, b1, W2, b2):
    senders = senders.astype(jnp.int32)
    receivers = receivers.astype(jnp.int32)

    sidx = senders.reshape(NS, NCH, CK)
    ridx = receivers.reshape(NS, NCH, CK)
    deg_in = jnp.stack([senders, receivers])
    deg = _degree_call(deg_in).reshape(NC, NP)[:, :N]
    degp = deg.T

    h1lo, h1hi = _tc_layer1(x, W1, b1, degp)
    plo, phi = _scatter_call(h1lo, h1hi, sidx, ridx)
    h2lo, h2hi = _tc_layer2(plo, phi, h1lo, h1hi, W2, b2, degp)
    qlo, qhi = _scatter_call(h2lo, h2hi, sidx, ridx)
    return _tc_final(qlo, qhi, degp)

# --- scband reference (transcript-rebuilt; emitter-appended) ---
"""Pipeline reference for scband-gcn-5531917877789 (READ-ONLY COPY).

The authoritative reference and input builder live on the scoring server;
editing this copy changes nothing except your own understanding.
"""

import jax, jax.numpy as jnp
import numpy as np

N_NODES = 10000
N_EDGES = 320000
D_FEAT = 128
FEATURES = [128, 128]


def setup_inputs(seed: int = 0) -> dict:
    key = jax.random.key(seed)
    ks = jax.random.split(key, 8)
    x = jax.random.normal(ks[0], (N_NODES, D_FEAT), dtype=jnp.float32)
    senders = jax.random.randint(ks[1], (N_EDGES,), 0, N_NODES, dtype=jnp.int64 if jax.config.read('jax_enable_x64') else jnp.int32)
    receivers = jax.random.randint(ks[2], (N_EDGES,), 0, N_NODES, dtype=jnp.int64 if jax.config.read('jax_enable_x64') else jnp.int32)
    # hk.Linear params: W ~ truncated normal (approx with normal * stddev), b = 0
    s1 = 1.0 / np.sqrt(D_FEAT)
    W1 = jax.random.normal(ks[3], (D_FEAT, FEATURES[0]), dtype=jnp.float32) * s1
    b1 = jnp.zeros((FEATURES[0],), dtype=jnp.float32)
    s2 = 1.0 / np.sqrt(FEATURES[0])
    W2 = jax.random.normal(ks[4], (FEATURES[0], FEATURES[1]), dtype=jnp.float32) * s2
    b2 = jnp.zeros((FEATURES[1],), dtype=jnp.float32)
    return {"x": x, "senders": senders, "receivers": receivers, "W1": W1, "b1": b1, "W2": W2, "b2": b2}


def _gcn_layer(nodes, senders, receivers, add_self_edges):
    """Symmetric-normalized GCN aggregation (post node-update)."""
    n = nodes.shape[0]
    if add_self_edges:
        self_idx = jnp.arange(n, dtype=senders.dtype)
        conv_senders = jnp.concatenate((senders, self_idx), axis=0)
        conv_receivers = jnp.concatenate((receivers, self_idx), axis=0)
    else:
        conv_senders = senders
        conv_receivers = receivers
    ones = jnp.ones_like(conv_senders)
    sender_degree = jax.ops.segment_sum(ones, conv_senders, n)
    receiver_degree = jax.ops.segment_sum(ones, conv_receivers, n)
    h = nodes * jax.lax.rsqrt(jnp.maximum(sender_degree.astype(nodes.dtype), 1.0))[:, None]
    h = jax.ops.segment_sum(h[conv_senders], conv_receivers, n)
    h = h * jax.lax.rsqrt(jnp.maximum(receiver_degree.astype(nodes.dtype), 1.0))[:, None]
    return h


def reference(x, senders, receivers, W1, b1, W2, b2):
    # Layer 1: update_node_fn = tanh(Linear), add_self_edges=True, symmetric_normalization=True
    h = jnp.tanh(x @ W1 + b1)
    h = _gcn_layer(h, senders, receivers, add_self_edges=True)
    # Layer 2 (last): update_node_fn = Linear, add_self_edges=False, symmetric_normalization=True
    h = h @ W2 + b2
    h = _gcn_layer(h, senders, receivers, add_self_edges=False)
    return h

if __name__ == "__main__":
    import jax
    _d = setup_inputs()
    print(jax.jit(kernel)(*tuple(_d.values())))

</pallas_src>

<mosaic_0001>
#map = affine_map<(d0, d1) -> (0, 0)>
#map1 = affine_map<(d0, d1) -> (0, 0, 0)>
module attributes {stable_mosaic.version = 14 : i64} {
  func.func @_scatter_body(%arg0: i32, %arg1: i32, %arg2: memref<10000x64xf32, #tpu.memory_space<hbm>>, %arg3: memref<10000x64xf32, #tpu.memory_space<hbm>>, %arg4: memref<16x160x125xi32, #tpu.memory_space<hbm>>, %arg5: memref<16x160x125xi32, #tpu.memory_space<hbm>>, %arg6: memref<10000x64xf32, #tpu.memory_space<hbm>>, %arg7: memref<10000x64xf32, #tpu.memory_space<hbm>>, %arg8: memref<160x125xi32, #tpu.memory_space<vmem>>, %arg9: memref<160x125xi32, #tpu.memory_space<vmem>>, %arg10: memref<125x64xf32, #tpu.memory_space<vmem>>, %arg11: memref<125x64xf32, #tpu.memory_space<vmem>>, %arg12: memref<125x64xf32, #tpu.memory_space<vmem>>, %arg13: memref<125x64xf32, #tpu.memory_space<vmem>>, %arg14: memref<125x64xf32, #tpu.memory_space<vmem>>, %arg15: memref<125x64xf32, #tpu.memory_space<vmem>>, %arg16: memref<10000x64xf32, #tpu.memory_space<vmem_shared>>, %arg17: memref<!tpu.dma_semaphore, #tpu.memory_space<semaphore_mem>>, %arg18: memref<!tpu.dma_semaphore, #tpu.memory_space<semaphore_mem>>, %arg19: memref<!tpu.dma_semaphore, #tpu.memory_space<semaphore_mem>>, %arg20: memref<!tpu.dma_semaphore, #tpu.memory_space<semaphore_mem>>, %arg21: memref<!tpu.dma_semaphore, #tpu.memory_space<semaphore_mem>>, %arg22: memref<!tpu.dma_semaphore, #tpu.memory_space<semaphore_mem>>, %arg23: memref<!tpu.dma_semaphore, #tpu.memory_space<semaphore_mem>>) attributes {dimension_semantics = [#tpu.dimension_semantics<core_parallel>, #tpu.dimension_semantics<subcore_parallel>], iteration_bounds = array<i64: 2, 16>, scalar_prefetch = 0 : i64, scratch_operands = 16 : i64, tpu.core_type = #tpu.core_type<sc_vector_subcore>, window_params = [{transform_indices = #map}, {transform_indices = #map}, {transform_indices = #map1}, {transform_indices = #map1}, {transform_indices = #map}, {transform_indices = #map}]} {
    %broadcast_in_dim3A = arith.constant 0.000000e+00 : f32
    %broadcast_in_dim3A_0 = vector.broadcast %broadcast_in_dim3A : f32 to vector<16xf32>
    %dma_start3A = arith.constant 0 : i32
    %dma_start3A_1 = arith.constant 0 : i32
    %dma_start3A_2 = tpu.memref_slice %arg4[%arg1, %dma_start3A, %dma_start3A_1] : memref<16x160x125xi32, #tpu.memory_space<hbm>> -> memref<1x160x125xi32, #tpu.memory_space<hbm>>
    %dma_start3A_3 = tpu.memref_squeeze %dma_start3A_2 : memref<1x160x125xi32, #tpu.memory_space<hbm>> -> memref<160x125xi32, #tpu.memory_space<hbm>>
    %dma_start3A_4 = arith.constant 0 : i32
    %dma_start3A_5 = arith.constant 0 : i32
    %dma_start3A_6 = tpu.memref_slice %arg4[%arg1, %dma_start3A_4, %dma_start3A_5] : memref<16x160x125xi32, #tpu.memory_space<hbm>> -> memref<1x160x125xi32, #tpu.memory_space<hbm>>
    %dma_start3A_7 = tpu.memref_squeeze %dma_start3A_6 : memref<1x160x125xi32, #tpu.memory_space<hbm>> -> memref<160x125xi32, #tpu.memory_space<hbm>>
    tpu.enqueue_dma source(%dma_start3A_7 : memref<160x125xi32, #tpu.memory_space<hbm>>) target(%arg8 : memref<160x125xi32, #tpu.memory_space<vmem>>) target_semaphore(%arg23 : memref<!tpu.dma_semaphore, #tpu.memory_space<semaphore_mem>>)
    %dma_start3A_8 = arith.constant 0 : i32
    %dma_start3A_9 = arith.constant 0 : i32
    %dma_start3A_10 = tpu.memref_slice %arg5[%arg1, %dma_start3A_8, %dma_start3A_9] : memref<16x160x125xi32, #tpu.memory_space<hbm>> -> memref<1x160x125xi32, #tpu.memory_space<hbm>>
    %dma_start3A_11 = tpu.memref_squeeze %dma_start3A_10 : memref<1x160x125xi32, #tpu.memory_space<hbm>> -> memref<160x125xi32, #tpu.memory_space<hbm>>
    %dma_start3A_12 = arith.constant 0 : i32
    %dma_start3A_13 = arith.constant 0 : i32
    %dma_start3A_14 = tpu.memref_slice %arg5[%arg1, %dma_start3A_12, %dma_start3A_13] : memref<16x160x125xi32, #tpu.memory_space<hbm>> -> memref<1x160x125xi32, #tpu.memory_space<hbm>>
    %dma_start3A_15 = tpu.memref_squeeze %dma_start3A_14 : memref<1x160x125xi32, #tpu.memory_space<hbm>> -> memref<160x125xi32, #tpu.memory_space<hbm>>
    tpu.enqueue_dma source(%dma_start3A_15 : memref<160x125xi32, #tpu.memory_space<hbm>>) target(%arg9 : memref<160x125xi32, #tpu.memory_space<vmem>>) target_semaphore(%arg23 : memref<!tpu.dma_semaphore, #tpu.memory_space<semaphore_mem>>)
    %scan3A = arith.constant 0 : i32
    %scan3A_16 = arith.constant 125 : i32
    %scan3A_17 = arith.addi %scan3A, %scan3A_16 : i32
    %scan3A_18 = arith.constant 1 : i32
    scf.for %scan3A_151 = %scan3A to %scan3A_17 step %scan3A_18  : i32 {
      %mul3A_152 = arith.constant 1 : i32
      %mul3A_153 = arith.muli %scan3A_151, %mul3A_152 : i32
      %add3A_154 = arith.constant 0 : i32
      %add3A_155 = arith.addi %add3A_154, %mul3A_153 : i32
      %swap3A = arith.index_cast %add3A_155 : i32 to index
      %swap3A_156 = arith.constant 0 : index
      %swap3A_157 = tpu.vector_load %arg10[%swap3A, %swap3A_156] {strides = array<i32>} : memref<125x64xf32, #tpu.memory_space<vmem>>, vector<1x16xf32>,
      %swap3A_158 = vector.shape_cast %swap3A_157 : vector<1x16xf32> to vector<16xf32>
      %swap3A_159 = vector.shape_cast %broadcast_in_dim3A_0 : vector<16xf32> to vector<1x16xf32>
      tpu.vector_store %arg10[%swap3A, %swap3A_156], %swap3A_159 {strides = array<i32>} : memref<125x64xf32, #tpu.memory_space<vmem>>, vector<1x16xf32>,
      %swap3A_160 = arith.index_cast %add3A_155 : i32 to index
      %swap3A_161 = arith.constant 16 : index
      %swap3A_162 = tpu.vector_load %arg10[%swap3A_160, %swap3A_161] {strides = array<i32>} : memref<125x64xf32, #tpu.memory_space<vmem>>, vector<1x16xf32>,
      %swap3A_163 = vector.shape_cast %swap3A_162 : vector<1x16xf32> to vector<16xf32>
      %swap3A_164 = vector.shape_cast %broadcast_in_dim3A_0 : vector<16xf32> to vector<1x16xf32>
      tpu.vector_store %arg10[%swap3A_160, %swap3A_161], %swap3A_164 {strides = array<i32>} : memref<125x64xf32, #tpu.memory_space<vmem>>, vector<1x16xf32>,
      %swap3A_165 = arith.index_cast %add3A_155 : i32 to index
      %swap3A_166 = arith.constant 32 : index
      %swap3A_167 = tpu.vector_load %arg10[%swap3A_165, %swap3A_166] {strides = array<i32>} : memref<125x64xf32, #tpu.memory_space<vmem>>, vector<1x16xf32>,
      %swap3A_168 = vector.shape_cast %swap3A_167 : vector<1x16xf32> to vector<16xf32>
      %swap3A_169 = vector.shape_cast %broadcast_in_dim3A_0 : vector<16xf32> to vector<1x16xf32>
      tpu.vector_store %arg10[%swap3A_165, %swap3A_166], %swap3A_169 {strides = array<i32>} : memref<125x64xf32, #tpu.memory_space<vmem>>, vector<1x16xf32>,
      %swap3A_170 = arith.index_cast %add3A_155 : i32 to index
      %swap3A_171 = arith.constant 48 : index
      %swap3A_172 = tpu.vector_load %arg10[%swap3A_170, %swap3A_171] {strides = array<i32>} : memref<125x64xf32, #tpu.memory_space<vmem>>, vector<1x16xf32>,
      %swap3A_173 = vector.shape_cast %swap3A_172 : vector<1x16xf32> to vector<16xf32>
      %swap3A_174 = vector.shape_cast %broadcast_in_dim3A_0 : vector<16xf32> to vector<1x16xf32>
      tpu.vector_store %arg10[%swap3A_170, %swap3A_171], %swap3A_174 {strides = array<i32>} : memref<125x64xf32, #tpu.memory_space<vmem>>, vector<1x16xf32>,
    }
    %scan3A_19 = arith.constant 125 : i32
    %mul3A = arith.constant 624 : i32
    %mul3A_20 = arith.muli %arg1, %mul3A : i32
    %add3A = arith.constant 0 : i32
    %add3A_21 = arith.addi %mul3A_20, %add3A : i32
    "tpu.region"() ({
      %run_scoped3A_151 = tpu.sem_alloc : memref<!tpu.dma_semaphore, #tpu.memory_space<semaphore_mem>>
      %dma_start3A_152 = arith.constant 0 : i32
      %dma_start3A_153 = arith.constant 0 : i32
      %dma_start3A_154 = tpu.memref_slice %arg10[%dma_start3A_152, %dma_start3A_153] : memref<125x64xf32, #tpu.memory_space<vmem>> -> memref<120x64xf32, #tpu.memory_space<vmem>>
      %dma_start3A_155 = arith.constant 0 : i32
      %dma_start3A_156 = tpu.memref_slice %arg16[%add3A_21, %dma_start3A_155] : memref<10000x64xf32, #tpu.memory_space<vmem_shared>> -> memref<120x64xf32, #tpu.memory_space<vmem_shared>>
      %dma_start3A_157 = arith.constant 0 : i32
      %dma_start3A_158 = tpu.memref_slice %arg16[%add3A_21, %dma_start3A_157] : memref<10000x64xf32, #tpu.memory_space<vmem_shared>> -> memref<120x64xf32, #tpu.memory_space<vmem_shared>>
      %dma_start3A_159 = arith.constant 0 : i32
      %dma_start3A_160 = arith.constant 0 : i32
      %dma_start3A_161 = tpu.memref_slice %arg10[%dma_start3A_159, %dma_start3A_160] : memref<125x64xf32, #tpu.memory_space<vmem>> -> memref<120x64xf32, #tpu.memory_space<vmem>>
      tpu.enqueue_dma source(%dma_start3A_161 : memref<120x64xf32, #tpu.memory_space<vmem>>) target(%dma_start3A_158 : memref<120x64xf32, #tpu.memory_space<vmem_shared>>) target_semaphore(%run_scoped3A_151 : memref<!tpu.dma_semaphore, #tpu.memory_space<semaphore_mem>>)
      %dma_wait3A_162 = arith.constant 0 : i32
      %dma_wait3A_163 = arith.constant 0 : i32
      %dma_wait3A_164 = tpu.memref_slice %arg10[%dma_wait3A_162, %dma_wait3A_163] : memref<125x64xf32, #tpu.memory_space<vmem>> -> memref<120x64xf32, #tpu.memory_space<vmem>>
      %dma_wait3A_165 = arith.constant 0 : i32
      %dma_wait3A_166 = tpu.memref_slice %arg16[%add3A_21, %dma_wait3A_165] : memref<10000x64xf32, #tpu.memory_space<vmem_shared>> -> memref<120x64xf32, #tpu.memory_space<vmem_shared>>
      %dma_wait3A_167 = arith.constant 0 : i32
      %dma_wait3A_168 = tpu.memref_slice %arg16[%add3A_21, %dma_wait3A_167] : memref<10000x64xf32, #tpu.memory_space<vmem_shared>> -> memref<120x64xf32, #tpu.memory_space<vmem_shared>>
      %dma_wait3A_169 = arith.constant 0 : i32
      %dma_wait3A_170 = arith.constant 0 : i32
      %dma_wait3A_171 = tpu.memref_slice %arg10[%dma_wait3A_169, %dma_wait3A_170] : memref<125x64xf32, #tpu.memory_space<vmem>> -> memref<120x64xf32, #tpu.memory_space<vmem>>
      tpu.wait_dma2 semaphore(%run_scoped3A_151 : memref<!tpu.dma_semaphore, #tpu.memory_space<semaphore_mem>>) src(%dma_wait3A_171 : memref<120x64xf32, #tpu.memory_space<vmem>>) dst(%dma_wait3A_168 : memref<120x64xf32, #tpu.memory_space<vmem_shared>>)
      tpu.yield
    }) : () -> ()
    %add3A_22 = arith.constant 120 : i32
    %add3A_23 = arith.addi %mul3A_20, %add3A_22 : i32
    "tpu.region"() ({
      %run_scoped3A_151 = tpu.sem_alloc : memref<!tpu.dma_semaphore, #tpu.memory_space<semaphore_mem>>
      %dma_start3A_152 = arith.constant 0 : i32
      %dma_start3A_153 = arith.constant 0 : i32
      %dma_start3A_154 = tpu.memref_slice %arg10[%dma_start3A_152, %dma_start3A_153] : memref<125x64xf32, #tpu.memory_space<vmem>> -> memref<120x64xf32, #tpu.memory_space<vmem>>
      %dma_start3A_155 = arith.constant 0 : i32
      %dma_start3A_156 = tpu.memref_slice %arg16[%add3A_23, %dma_start3A_155] : memref<10000x64xf32, #tpu.memory_space<vmem_shared>> -> memref<120x64xf32, #tpu.memory_space<vmem_shared>>
      %dma_start3A_157 = arith.constant 0 : i32
      %dma_start3A_158 = tpu.memref_slice %arg16[%add3A_23, %dma_start3A_157] : memref<10000x64xf32, #tpu.memory_space<vmem_shared>> -> memref<120x64xf32, #tpu.memory_space<vmem_shared>>
      %dma_start3A_159 = arith.constant 0 : i32
      %dma_start3A_160 = arith.constant 0 : i32
      %dma_start3A_161 = tpu.memref_slice %arg10[%dma_start3A_159, %dma_start3A_160] : memref<125x64xf32, #tpu.memory_space<vmem>> -> memref<120x64xf32, #tpu.memory_space<vmem>>
      tpu.enqueue_dma source(%dma_start3A_161 : memref<120x64xf32, #tpu.memory_space<vmem>>) target(%dma_start3A_158 : memref<120x64xf32, #tpu.memory_space<vmem_shared>>) target_semaphore(%run_scoped3A_151 : memref<!tpu.dma_semaphore, #tpu.memory_space<semaphore_mem>>)
      %dma_wait3A_162 = arith.constant 0 : i32
      %dma_wait3A_163 = arith.constant 0 : i32
      %dma_wait3A_164 = tpu.memref_slice %arg10[%dma_wait3A_162, %dma_wait3A_163] : memref<125x64xf32, #tpu.memory_space<vmem>> -> memref<120x64xf32, #tpu.memory_space<vmem>>
      %dma_wait3A_165 = arith.constant 0 : i32
      %dma_wait3A_166 = tpu.memref_slice %arg16[%add3A_23, %dma_wait3A_165] : memref<10000x64xf32, #tpu.memory_space<vmem_shared>> -> memref<120x64xf32, #tpu.memory_space<vmem_shared>>
      %dma_wait3A_167 = arith.constant 0 : i32
      %dma_wait3A_168 = tpu.memref_slice %arg16[%add3A_23, %dma_wait3A_167] : memref<10000x64xf32, #tpu.memory_space<vmem_shared>> -> memref<120x64xf32, #tpu.memory_space<vmem_shared>>
      %dma_wait3A_169 = arith.constant 0 : i32
      %dma_wait3A_170 = arith.constant 0 : i32
      %dma_wait3A_171 = tpu.memref_slice %arg10[%dma_wait3A_169, %dma_wait3A_170] : memref<125x64xf32, #tpu.memory_space<vmem>> -> memref<120x64xf32, #tpu.memory_space<vmem>>
      tpu.wait_dma2 semaphore(%run_scoped3A_151 : memref<!tpu.dma_semaphore, #tpu.memory_space<semaphore_mem>>) src(%dma_wait3A_171 : memref<120x64xf32, #tpu.memory_space<vmem>>) dst(%dma_wait3A_168 : memref<120x64xf32, #tpu.memory_space<vmem_shared>>)
      tpu.yield
    }) : () -> ()
    %add3A_24 = arith.constant 240 : i32
    %add3A_25 = arith.addi %mul3A_20, %add3A_24 : i32
    "tpu.region"() ({
      %run_scoped3A_151 = tpu.sem_alloc : memref<!tpu.dma_semaphore, #tpu.memory_space<semaphore_mem>>
      %dma_start3A_152 = arith.constant 0 : i32
      %dma_start3A_153 = arith.constant 0 : i32
      %dma_start3A_154 = tpu.memref_slice %arg10[%dma_start3A_152, %dma_start3A_153] : memref<125x64xf32, #tpu.memory_space<vmem>> -> memref<120x64xf32, #tpu.memory_space<vmem>>
      %dma_start3A_155 = arith.constant 0 : i32
      %dma_start3A_156 = tpu.memref_slice %arg16[%add3A_25, %dma_start3A_155] : memref<10000x64xf32, #tpu.memory_space<vmem_shared>> -> memref<120x64xf32, #tpu.memory_space<vmem_shared>>
      %dma_start3A_157 = arith.constant 0 : i32
      %dma_start3A_158 = tpu.memref_slice %arg16[%add3A_25, %dma_start3A_157] : memref<10000x64xf32, #tpu.memory_space<vmem_shared>> -> memref<120x64xf32, #tpu.memory_space<vmem_shared>>
      %dma_start3A_159 = arith.constant 0 : i32
      %dma_start3A_160 = arith.constant 0 : i32
      %dma_start3A_161 = tpu.memref_slice %arg10[%dma_start3A_159, %dma_start3A_160] : memref<125x64xf32, #tpu.memory_space<vmem>> -> memref<120x64xf32, #tpu.memory_space<vmem>>
      tpu.enqueue_dma source(%dma_start3A_161 : memref<120x64xf32, #tpu.memory_space<vmem>>) target(%dma_start3A_158 : memref<120x64xf32, #tpu.memory_space<vmem_shared>>) target_semaphore(%run_scoped3A_151 : memref<!tpu.dma_semaphore, #tpu.memory_space<semaphore_mem>>)
      %dma_wait3A_162 = arith.constant 0 : i32
      %dma_wait3A_163 = arith.constant 0 : i32
      %dma_wait3A_164 = tpu.memref_slice %arg10[%dma_wait3A_162, %dma_wait3A_163] : memref<125x64xf32, #tpu.memory_space<vmem>> -> memref<120x64xf32, #tpu.memory_space<vmem>>
      %dma_wait3A_165 = arith.constant 0 : i32
      %dma_wait3A_166 = tpu.memref_slice %arg16[%add3A_25, %dma_wait3A_165] : memref<10000x64xf32, #tpu.memory_space<vmem_shared>> -> memref<120x64xf32, #tpu.memory_space<vmem_shared>>
      %dma_wait3A_167 = arith.constant 0 : i32
      %dma_wait3A_168 = tpu.memref_slice %arg16[%add3A_25, %dma_wait3A_167] : memref<10000x64xf32, #tpu.memory_space<vmem_shared>> -> memref<120x64xf32, #tpu.memory_space<vmem_shared>>
      %dma_wait3A_169 = arith.constant 0 : i32
      %dma_wait3A_170 = arith.constant 0 : i32
      %dma_wait3A_171 = tpu.memref_slice %arg10[%dma_wait3A_169, %dma_wait3A_170] : memref<125x64xf32, #tpu.memory_space<vmem>> -> memref<120x64xf32, #tpu.memory_space<vmem>>
      tpu.wait_dma2 semaphore(%run_scoped3A_151 : memref<!tpu.dma_semaphore, #tpu.memory_space<semaphore_mem>>) src(%dma_wait3A_171 : memref<120x64xf32, #tpu.memory_space<vmem>>) dst(%dma_wait3A_168 : memref<120x64xf32, #tpu.memory_space<vmem_shared>>)
      tpu.yield
    }) : () -> ()
    %add3A_26 = arith.constant 360 : i32
    %add3A_27 = arith.addi %mul3A_20, %add3A_26 : i32
    "tpu.region"() ({
      %run_scoped3A_151 = tpu.sem_alloc : memref<!tpu.dma_semaphore, #tpu.memory_space<semaphore_mem>>
      %dma_start3A_152 = arith.constant 0 : i32
      %dma_start3A_153 = arith.constant 0 : i32
      %dma_start3A_154 = tpu.memref_slice %arg10[%dma_start3A_152, %dma_start3A_153] : memref<125x64xf32, #tpu.memory_space<vmem>> -> memref<120x64xf32, #tpu.memory_space<vmem>>
      %dma_start3A_155 = arith.constant 0 : i32
      %dma_start3A_156 = tpu.memref_slice %arg16[%add3A_27, %dma_start3A_155] : memref<10000x64xf32, #tpu.memory_space<vmem_shared>> -> memref<120x64xf32, #tpu.memory_space<vmem_shared>>
      %dma_start3A_157 = arith.constant 0 : i32
      %dma_start3A_158 = tpu.memref_slice %arg16[%add3A_27, %dma_start3A_157] : memref<10000x64xf32, #tpu.memory_space<vmem_shared>> -> memref<120x64xf32, #tpu.memory_space<vmem_shared>>
      %dma_start3A_159 = arith.constant 0 : i32
      %dma_start3A_160 = arith.constant 0 : i32
      %dma_start3A_161 = tpu.memref_slice %arg10[%dma_start3A_159, %dma_start3A_160] : memref<125x64xf32, #tpu.memory_space<vmem>> -> memref<120x64xf32, #tpu.memory_space<vmem>>
      tpu.enqueue_dma source(%dma_start3A_161 : memref<120x64xf32, #tpu.memory_space<vmem>>) target(%dma_start3A_158 : memref<120x64xf32, #tpu.memory_space<vmem_shared>>) target_semaphore(%run_scoped3A_151 : memref<!tpu.dma_semaphore, #tpu.memory_space<semaphore_mem>>)
      %dma_wait3A_162 = arith.constant 0 : i32
      %dma_wait3A_163 = arith.constant 0 : i32
      %dma_wait3A_164 = tpu.memref_slice %arg10[%dma_wait3A_162, %dma_wait3A_163] : memref<125x64xf32, #tpu.memory_space<vmem>> -> memref<120x64xf32, #tpu.memory_space<vmem>>
      %dma_wait3A_165 = arith.constant 0 : i32
      %dma_wait3A_166 = tpu.memref_slice %arg16[%add3A_27, %dma_wait3A_165] : memref<10000x64xf32, #tpu.memory_space<vmem_shared>> -> memref<120x64xf32, #tpu.memory_space<vmem_shared>>
      %dma_wait3A_167 = arith.constant 0 : i32
      %dma_wait3A_168 = tpu.memref_slice %arg16[%add3A_27, %dma_wait3A_167] : memref<10000x64xf32, #tpu.memory_space<vmem_shared>> -> memref<120x64xf32, #tpu.memory_space<vmem_shared>>
      %dma_wait3A_169 = arith.constant 0 : i32
      %dma_wait3A_170 = arith.constant 0 : i32
      %dma_wait3A_171 = tpu.memref_slice %arg10[%dma_wait3A_169, %dma_wait3A_170] : memref<125x64xf32, #tpu.memory_space<vmem>> -> memref<120x64xf32, #tpu.memory_space<vmem>>
      tpu.wait_dma2 semaphore(%run_scoped3A_151 : memref<!tpu.dma_semaphore, #tpu.memory_space<semaphore_mem>>) src(%dma_wait3A_171 : memref<120x64xf32, #tpu.memory_space<vmem>>) dst(%dma_wait3A_168 : memref<120x64xf32, #tpu.memory_space<vmem_shared>>)
      tpu.yield
    }) : () -> ()
    %add3A_28 = arith.constant 480 : i32
    %add3A_29 = arith.addi %mul3A_20, %add3A_28 : i32
    "tpu.region"() ({
      %run_scoped3A_151 = tpu.sem_alloc : memref<!tpu.dma_semaphore, #tpu.memory_space<semaphore_mem>>
      %dma_start3A_152 = arith.constant 0 : i32
      %dma_start3A_153 = arith.constant 0 : i32
      %dma_start3A_154 = tpu.memref_slice %arg10[%dma_start3A_152, %dma_start3A_153] : memref<125x64xf32, #tpu.memory_space<vmem>> -> memref<120x64xf32, #tpu.memory_space<vmem>>
      %dma_start3A_155 = arith.constant 0 : i32
      %dma_start3A_156 = tpu.memref_slice %arg16[%add3A_29, %dma_start3A_155] : memref<10000x64xf32, #tpu.memory_space<vmem_shared>> -> memref<120x64xf32, #tpu.memory_space<vmem_shared>>
      %dma_start3A_157 = arith.constant 0 : i32
      %dma_start3A_158 = tpu.memref_slice %arg16[%add3A_29, %dma_start3A_157] : memref<10000x64xf32, #tpu.memory_space<vmem_shared>> -> memref<120x64xf32, #tpu.memory_space<vmem_shared>>
      %dma_start3A_159 = arith.constant 0 : i32
      %dma_start3A_160 = arith.constant 0 : i32
      %dma_start3A_161 = tpu.memref_slice %arg10[%dma_start3A_159, %dma_start3A_160] : memref<125x64xf32, #tpu.memory_space<vmem>> -> memref<120x64xf32, #tpu.memory_space<vmem>>
      tpu.enqueue_dma source(%dma_start3A_161 : memref<120x64xf32, #tpu.memory_space<vmem>>) target(%dma_start3A_158 : memref<120x64xf32, #tpu.memory_space<vmem_shared>>) target_semaphore(%run_scoped3A_151 : memref<!tpu.dma_semaphore, #tpu.memory_space<semaphore_mem>>)
      %dma_wait3A_162 = arith.constant 0 : i32
      %dma_wait3A_163 = arith.constant 0 : i32
      %dma_wait3A_164 = tpu.memref_slice %arg10[%dma_wait3A_162, %dma_wait3A_163] : memref<125x64xf32, #tpu.memory_space<vmem>> -> memref<120x64xf32, #tpu.memory_space<vmem>>
      %dma_wait3A_165 = arith.constant 0 : i32
      %dma_wait3A_166 = tpu.memref_slice %arg16[%add3A_29, %dma_wait3A_165] : memref<10000x64xf32, #tpu.memory_space<vmem_shared>> -> memref<120x64xf32, #tpu.memory_space<vmem_shared>>
      %dma_wait3A_167 = arith.constant 0 : i32
      %dma_wait3A_168 = tpu.memref_slice %arg16[%add3A_29, %dma_wait3A_167] : memref<10000x64xf32, #tpu.memory_space<vmem_shared>> -> memref<120x64xf32, #tpu.memory_space<vmem_shared>>
      %dma_wait3A_169 = arith.constant 0 : i32
      %dma_wait3A_170 = arith.constant 0 : i32
      %dma_wait3A_171 = tpu.memref_slice %arg10[%dma_wait3A_169, %dma_wait3A_170] : memref<125x64xf32, #tpu.memory_space<vmem>> -> memref<120x64xf32, #tpu.memory_space<vmem>>
      tpu.wait_dma2 semaphore(%run_scoped3A_151 : memref<!tpu.dma_semaphore, #tpu.memory_space<semaphore_mem>>) src(%dma_wait3A_171 : memref<120x64xf32, #tpu.memory_space<vmem>>) dst(%dma_wait3A_168 : memref<120x64xf32, #tpu.memory_space<vmem_shared>>)
      tpu.yield
    }) : () -> ()
    %add3A_30 = arith.constant 600 : i32
    %add3A_31 = arith.addi %mul3A_20, %add3A_30 : i32
    "tpu.region"() ({
      %run_scoped3A_151 = tpu.sem_alloc : memref<!tpu.dma_semaphore, #tpu.memory_space<semaphore_mem>>
      %dma_start3A_152 = arith.constant 0 : i32
      %dma_start3A_153 = arith.constant 0 : i32
      %dma_start3A_154 = tpu.memref_slice %arg10[%dma_start3A_152, %dma_start3A_153] : memref<125x64xf32, #tpu.memory_space<vmem>> -> memref<40x64xf32, #tpu.memory_space<vmem>>
      %dma_start3A_155 = arith.constant 0 : i32
      %dma_start3A_156 = tpu.memref_slice %arg16[%add3A_31, %dma_start3A_155] : memref<10000x64xf32, #tpu.memory_space<vmem_shared>> -> memref<40x64xf32, #tpu.memory_space<vmem_shared>>
      %dma_start3A_157 = arith.constant 0 : i32
      %dma_start3A_158 = tpu.memref_slice %arg16[%add3A_31, %dma_start3A_157] : memref<10000x64xf32, #tpu.memory_space<vmem_shared>> -> memref<40x64xf32, #tpu.memory_space<vmem_shared>>
      %dma_start3A_159 = arith.constant 0 : i32
      %dma_start3A_160 = arith.constant 0 : i32
      %dma_start3A_161 = tpu.memref_slice %arg10[%dma_start3A_159, %dma_start3A_160] : memref<125x64xf32, #tpu.memory_space<vmem>> -> memref<40x64xf32, #tpu.memory_space<vmem>>
      tpu.enqueue_dma source(%dma_start3A_161 : memref<40x64xf32, #tpu.memory_space<vmem>>) target(%dma_start3A_158 : memref<40x64xf32, #tpu.memory_space<vmem_shared>>) target_semaphore(%run_scoped3A_151 : memref<!tpu.dma_semaphore, #tpu.memory_space<semaphore_mem>>)
      %dma_wait3A_162 = arith.constant 0 : i32
      %dma_wait3A_163 = arith.constant 0 : i32
      %dma_wait3A_164 = tpu.memref_slice %arg10[%dma_wait3A_162, %dma_wait3A_163] : memref<125x64xf32, #tpu.memory_space<vmem>> -> memref<40x64xf32, #tpu.memory_space<vmem>>
      %dma_wait3A_165 = arith.constant 0 : i32
      %dma_wait3A_166 = tpu.memref_slice %arg16[%add3A_31, %dma_wait3A_165] : memref<10000x64xf32, #tpu.memory_space<vmem_shared>> -> memref<40x64xf32, #tpu.memory_space<vmem_shared>>
      %dma_wait3A_167 = arith.constant 0 : i32
      %dma_wait3A_168 = tpu.memref_slice %arg16[%add3A_31, %dma_wait3A_167] : memref<10000x64xf32, #tpu.memory_space<vmem_shared>> -> memref<40x64xf32, #tpu.memory_space<vmem_shared>>
      %dma_wait3A_169 = arith.constant 0 : i32
      %dma_wait3A_170 = arith.constant 0 : i32
      %dma_wait3A_171 = tpu.memref_slice %arg10[%dma_wait3A_169, %dma_wait3A_170] : memref<125x64xf32, #tpu.memory_space<vmem>> -> memref<40x64xf32, #tpu.memory_space<vmem>>
      tpu.wait_dma2 semaphore(%run_scoped3A_151 : memref<!tpu.dma_semaphore, #tpu.memory_space<semaphore_mem>>) src(%dma_wait3A_171 : memref<40x64xf32, #tpu.memory_space<vmem>>) dst(%dma_wait3A_168 : memref<40x64xf32, #tpu.memory_space<vmem_shared>>)
      tpu.yield
    }) : () -> ()
    %dma_wait3A = arith.constant 0 : i32
    %dma_wait3A_32 = arith.constant 0 : i32
    %dma_wait3A_33 = tpu.memref_slice %arg4[%arg1, %dma_wait3A, %dma_wait3A_32] : memref<16x160x125xi32, #tpu.memory_space<hbm>> -> memref<1x160x125xi32, #tpu.memory_space<hbm>>
    %dma_wait3A_34 = tpu.memref_squeeze %dma_wait3A_33 : memref<1x160x125xi32, #tpu.memory_space<hbm>> -> memref<160x125xi32, #tpu.memory_space<hbm>>
    %dma_wait3A_35 = arith.constant 0 : i32
    %dma_wait3A_36 = arith.constant 0 : i32
    %dma_wait3A_37 = tpu.memref_slice %arg4[%arg1, %dma_wait3A_35, %dma_wait3A_36] : memref<16x160x125xi32, #tpu.memory_space<hbm>> -> memref<1x160x125xi32, #tpu.memory_space<hbm>>
    %dma_wait3A_38 = tpu.memref_squeeze %dma_wait3A_37 : memref<1x160x125xi32, #tpu.memory_space<hbm>> -> memref<160x125xi32, #tpu.memory_space<hbm>>
    tpu.wait_dma2 semaphore(%arg23 : memref<!tpu.dma_semaphore, #tpu.memory_space<semaphore_mem>>) src(%dma_wait3A_38 : memref<160x125xi32, #tpu.memory_space<hbm>>) dst(%arg8 : memref<160x125xi32, #tpu.memory_space<vmem>>)
    %dma_wait3A_39 = arith.constant 0 : i32
    %dma_wait3A_40 = arith.constant 0 : i32
    %dma_wait3A_41 = tpu.memref_slice %arg5[%arg1, %dma_wait3A_39, %dma_wait3A_40] : memref<16x160x125xi32, #tpu.memory_space<hbm>> -> memref<1x160x125xi32, #tpu.memory_space<hbm>>
    %dma_wait3A_42 = tpu.memref_squeeze %dma_wait3A_41 : memref<1x160x125xi32, #tpu.memory_space<hbm>> -> memref<160x125xi32, #tpu.memory_space<hbm>>
    %dma_wait3A_43 = arith.constant 0 : i32
    %dma_wait3A_44 = arith.constant 0 : i32
    %dma_wait3A_45 = tpu.memref_slice %arg5[%arg1, %dma_wait3A_43, %dma_wait3A_44] : memref<16x160x125xi32, #tpu.memory_space<hbm>> -> memref<1x160x125xi32, #tpu.memory_space<hbm>>
    %dma_wait3A_46 = tpu.memref_squeeze %dma_wait3A_45 : memref<1x160x125xi32, #tpu.memory_space<hbm>> -> memref<160x125xi32, #tpu.memory_space<hbm>>
    tpu.wait_dma2 semaphore(%arg23 : memref<!tpu.dma_semaphore, #tpu.memory_space<semaphore_mem>>) src(%dma_wait3A_46 : memref<160x125xi32, #tpu.memory_space<hbm>>) dst(%arg9 : memref<160x125xi32, #tpu.memory_space<vmem>>)
    %barrier3A = arith.constant 0 : index
    tpu.barrier barrier_id(%barrier3A)
    %eq3A = arith.constant 0 : i32
    %eq3A_47 = arith.cmpi eq, %arg0, %eq3A : i32
    %convert_element_type3A = arith.extui %eq3A_47 : i1 to i32
    %cond3A = arith.constant 0 : i32
    %cond3A_48 = arith.cmpi ne, %convert_element_type3A, %cond3A : i32
    scf.if %cond3A_48 {
      %dma_start3A_151 = arith.constant 0 : i32
      %dma_start3A_152 = arith.constant 0 : i32
      %dma_start3A_153 = tpu.memref_slice %arg8[%dma_start3A_151, %dma_start3A_152] : memref<160x125xi32, #tpu.memory_space<vmem>> -> memref<1x125xi32, #tpu.memory_space<vmem>>
      %dma_start3A_154 = tpu.memref_squeeze %dma_start3A_153 : memref<1x125xi32, #tpu.memory_space<vmem>> -> memref<125xi32, #tpu.memory_space<vmem>>
      %dma_start3A_155 = arith.constant 0 : i32
      %dma_start3A_156 = arith.constant 0 : i32
      %dma_start3A_157 = tpu.memref_slice %arg2[%dma_start3A_155, %dma_start3A_156] : memref<10000x64xf32, #tpu.memory_space<hbm>> -> memref<10000x64xf32, #tpu.memory_space<hbm>>
      tpu.enqueue_indirect_dma source(%dma_start3A_157 : memref<10000x64xf32, #tpu.memory_space<hbm>>) target(%arg10 : memref<125x64xf32, #tpu.memory_space<vmem>>) offsets(%dma_start3A_154 : memref<125xi32, #tpu.memory_space<vmem>>) semaphore(%arg17 : memref<!tpu.dma_semaphore, #tpu.memory_space<semaphore_mem>>)
    } else {
    }
    %eq3A_49 = arith.constant 1 : i32
    %eq3A_50 = arith.cmpi eq, %arg0, %eq3A_49 : i32
    %convert_element_type3A_51 = arith.extui %eq3A_50 : i1 to i32
    %cond3A_52 = arith.constant 0 : i32
    %cond3A_53 = arith.cmpi ne, %convert_element_type3A_51, %cond3A_52 : i32
    scf.if %cond3A_53 {
      %dma_start3A_151 = arith.constant 0 : i32
      %dma_start3A_152 = arith.constant 0 : i32
      %dma_start3A_153 = tpu.memref_slice %arg8[%dma_start3A_151, %dma_start3A_152] : memref<160x125xi32, #tpu.memory_space<vmem>> -> memref<1x125xi32, #tpu.memory_space<vmem>>
      %dma_start3A_154 = tpu.memref_squeeze %dma_start3A_153 : memref<1x125xi32, #tpu.memory_space<vmem>> -> memref<125xi32, #tpu.memory_space<vmem>>
      %dma_start3A_155 = arith.constant 0 : i32
      %dma_start3A_156 = arith.constant 0 : i32
      %dma_start3A_157 = tpu.memref_slice %arg3[%dma_start3A_155, %dma_start3A_156] : memref<10000x64xf32, #tpu.memory_space<hbm>> -> memref<10000x64xf32, #tpu.memory_space<hbm>>
      tpu.enqueue_indirect_dma source(%dma_start3A_157 : memref<10000x64xf32, #tpu.memory_space<hbm>>) target(%arg10 : memref<125x64xf32, #tpu.memory_space<vmem>>) offsets(%dma_start3A_154 : memref<125xi32, #tpu.memory_space<vmem>>) semaphore(%arg17 : memref<!tpu.dma_semaphore, #tpu.memory_space<semaphore_mem>>)
    } else {
    }
    %eq3A_54 = arith.constant 0 : i32
    %eq3A_55 = arith.cmpi eq, %arg0, %eq3A_54 : i32
    %convert_element_type3A_56 = arith.extui %eq3A_55 : i1 to i32
    %cond3A_57 = arith.constant 0 : i32
    %cond3A_58 = arith.cmpi ne, %convert_element_type3A_56, %cond3A_57 : i32
    scf.if %cond3A_58 {
      %dma_start3A_151 = arith.constant 1 : i32
      %dma_start3A_152 = arith.constant 0 : i32
      %dma_start3A_153 = tpu.memref_slice %arg8[%dma_start3A_151, %dma_start3A_152] : memref<160x125xi32, #tpu.memory_space<vmem>> -> memref<1x125xi32, #tpu.memory_space<vmem>>
      %dma_start3A_154 = tpu.memref_squeeze %dma_start3A_153 : memref<1x125xi32, #tpu.memory_space<vmem>> -> memref<125xi32, #tpu.memory_space<vmem>>
      %dma_start3A_155 = arith.constant 0 : i32
      %dma_start3A_156 = arith.constant 0 : i32
      %dma_start3A_157 = tpu.memref_slice %arg2[%dma_start3A_155, %dma_start3A_156] : memref<10000x64xf32, #tpu.memory_space<hbm>> -> memref<10000x64xf32, #tpu.memory_space<hbm>>
      tpu.enqueue_indirect_dma source(%dma_start3A_157 : memref<10000x64xf32, #tpu.memory_space<hbm>>) target(%arg11 : memref<125x64xf32, #tpu.memory_space<vmem>>) offsets(%dma_start3A_154 : memref<125xi32, #tpu.memory_space<vmem>>) semaphore(%arg18 : memref<!tpu.dma_semaphore, #tpu.memory_space<semaphore_mem>>)
    } else {
    }
    %eq3A_59 = arith.constant 1 : i32
    %eq3A_60 = arith.cmpi eq, %arg0, %eq3A_59 : i32
    %convert_element_type3A_61 = arith.extui %eq3A_60 : i1 to i32
    %cond3A_62 = arith.constant 0 : i32
    %cond3A_63 = arith.cmpi ne, %convert_element_type3A_61, %cond3A_62 : i32
    scf.if %cond3A_63 {
      %dma_start3A_151 = arith.constant 1 : i32
      %dma_start3A_152 = arith.constant 0 : i32
      %dma_start3A_153 = tpu.memref_slice %arg8[%dma_start3A_151, %dma_start3A_152] : memref<160x125xi32, #tpu.memory_space<vmem>> -> memref<1x125xi32, #tpu.memory_space<vmem>>
      %dma_start3A_154 = tpu.memref_squeeze %dma_start3A_153 : memref<1x125xi32, #tpu.memory_space<vmem>> -> memref<125xi32, #tpu.memory_space<vmem>>
      %dma_start3A_155 = arith.constant 0 : i32
      %dma_start3A_156 = arith.constant 0 : i32
      %dma_start3A_157 = tpu.memref_slice %arg3[%dma_start3A_155, %dma_start3A_156] : memref<10000x64xf32, #tpu.memory_space<hbm>> -> memref<10000x64xf32, #tpu.memory_space<hbm>>
      tpu.enqueue_indirect_dma source(%dma_start3A_157 : memref<10000x64xf32, #tpu.memory_space<hbm>>) target(%arg11 : memref<125x64xf32, #tpu.memory_space<vmem>>) offsets(%dma_start3A_154 : memref<125xi32, #tpu.memory_space<vmem>>) semaphore(%arg18 : memref<!tpu.dma_semaphore, #tpu.memory_space<semaphore_mem>>)
    } else {
    }
    %eq3A_64 = arith.constant 0 : i32
    %eq3A_65 = arith.cmpi eq, %arg0, %eq3A_64 : i32
    %convert_element_type3A_66 = arith.extui %eq3A_65 : i1 to i32
    %cond3A_67 = arith.constant 0 : i32
    %cond3A_68 = arith.cmpi ne, %convert_element_type3A_66, %cond3A_67 : i32
    scf.if %cond3A_68 {
      %dma_start3A_151 = arith.constant 2 : i32
      %dma_start3A_152 = arith.constant 0 : i32
      %dma_start3A_153 = tpu.memref_slice %arg8[%dma_start3A_151, %dma_start3A_152] : memref<160x125xi32, #tpu.memory_space<vmem>> -> memref<1x125xi32, #tpu.memory_space<vmem>>
      %dma_start3A_154 = tpu.memref_squeeze %dma_start3A_153 : memref<1x125xi32, #tpu.memory_space<vmem>> -> memref<125xi32, #tpu.memory_space<vmem>>
      %dma_start3A_155 = arith.constant 0 : i32
      %dma_start3A_156 = arith.constant 0 : i32
      %dma_start3A_157 = tpu.memref_slice %arg2[%dma_start3A_155, %dma_start3A_156] : memref<10000x64xf32, #tpu.memory_space<hbm>> -> memref<10000x64xf32, #tpu.memory_space<hbm>>
      tpu.enqueue_indirect_dma source(%dma_start3A_157 : memref<10000x64xf32, #tpu.memory_space<hbm>>) target(%arg12 : memref<125x64xf32, #tpu.memory_space<vmem>>) offsets(%dma_start3A_154 : memref<125xi32, #tpu.memory_space<vmem>>) semaphore(%arg19 : memref<!tpu.dma_semaphore, #tpu.memory_space<semaphore_mem>>)
    } else {
    }
    %eq3A_69 = arith.constant 1 : i32
    %eq3A_70 = arith.cmpi eq, %arg0, %eq3A_69 : i32
    %convert_element_type3A_71 = arith.extui %eq3A_70 : i1 to i32
    %cond3A_72 = arith.constant 0 : i32
    %cond3A_73 = arith.cmpi ne, %convert_element_type3A_71, %cond3A_72 : i32
    scf.if %cond3A_73 {
      %dma_start3A_151 = arith.constant 2 : i32
      %dma_start3A_152 = arith.constant 0 : i32
      %dma_start3A_153 = tpu.memref_slice %arg8[%dma_start3A_151, %dma_start3A_152] : memref<160x125xi32, #tpu.memory_space<vmem>> -> memref<1x125xi32, #tpu.memory_space<vmem>>
      %dma_start3A_154 = tpu.memref_squeeze %dma_start3A_153 : memref<1x125xi32, #tpu.memory_space<vmem>> -> memref<125xi32, #tpu.memory_space<vmem>>
      %dma_start3A_155 = arith.constant 0 : i32
      %dma_start3A_156 = arith.constant 0 : i32
      %dma_start3A_157 = tpu.memref_slice %arg3[%dma_start3A_155, %dma_start3A_156] : memref<10000x64xf32, #tpu.memory_space<hbm>> -> memref<10000x64xf32, #tpu.memory_space<hbm>>
      tpu.enqueue_indirect_dma source(%dma_start3A_157 : memref<10000x64xf32, #tpu.memory_space<hbm>>) target(%arg12 : memref<125x64xf32, #tpu.memory_space<vmem>>) offsets(%dma_start3A_154 : memref<125xi32, #tpu.memory_space<vmem>>) semaphore(%arg19 : memref<!tpu.dma_semaphore, #tpu.memory_space<semaphore_mem>>)
    } else {
    }
    %eq3A_74 = arith.constant 0 : i32
    %eq3A_75 = arith.cmpi eq, %arg0, %eq3A_74 : i32
    %convert_element_type3A_76 = arith.extui %eq3A_75 : i1 to i32
    %cond3A_77 = arith.constant 0 : i32
    %cond3A_78 = arith.cmpi ne, %convert_element_type3A_76, %cond3A_77 : i32
    scf.if %cond3A_78 {
      %dma_start3A_151 = arith.constant 3 : i32
      %dma_start3A_152 = arith.constant 0 : i32
      %dma_start3A_153 = tpu.memref_slice %arg8[%dma_start3A_151, %dma_start3A_152] : memref<160x125xi32, #tpu.memory_space<vmem>> -> memref<1x125xi32, #tpu.memory_space<vmem>>
      %dma_start3A_154 = tpu.memref_squeeze %dma_start3A_153 : memref<1x125xi32, #tpu.memory_space<vmem>> -> memref<125xi32, #tpu.memory_space<vmem>>
      %dma_start3A_155 = arith.constant 0 : i32
      %dma_start3A_156 = arith.constant 0 : i32
      %dma_start3A_157 = tpu.memref_slice %arg2[%dma_start3A_155, %dma_start3A_156] : memref<10000x64xf32, #tpu.memory_space<hbm>> -> memref<10000x64xf32, #tpu.memory_space<hbm>>
      tpu.enqueue_indirect_dma source(%dma_start3A_157 : memref<10000x64xf32, #tpu.memory_space<hbm>>) target(%arg13 : memref<125x64xf32, #tpu.memory_space<vmem>>) offsets(%dma_start3A_154 : memref<125xi32, #tpu.memory_space<vmem>>) semaphore(%arg20 : memref<!tpu.dma_semaphore, #tpu.memory_space<semaphore_mem>>)
    } else {
    }
    %eq3A_79 = arith.constant 1 : i32
    %eq3A_80 = arith.cmpi eq, %arg0, %eq3A_79 : i32
    %convert_element_type3A_81 = arith.extui %eq3A_80 : i1 to i32
    %cond3A_82 = arith.constant 0 : i32
    %cond3A_83 = arith.cmpi ne, %convert_element_type3A_81, %cond3A_82 : i32
    scf.if %cond3A_83 {
      %dma_start3A_151 = arith.constant 3 : i32
      %dma_start3A_152 = arith.constant 0 : i32
      %dma_start3A_153 = tpu.memref_slice %arg8[%dma_start3A_151, %dma_start3A_152] : memref<160x125xi32, #tpu.memory_space<vmem>> -> memref<1x125xi32, #tpu.memory_space<vmem>>
      %dma_start3A_154 = tpu.memref_squeeze %dma_start3A_153 : memref<1x125xi32, #tpu.memory_space<vmem>> -> memref<125xi32, #tpu.memory_space<vmem>>
      %dma_start3A_155 = arith.constant 0 : i32
      %dma_start3A_156 = arith.constant 0 : i32
      %dma_start3A_157 = tpu.memref_slice %arg3[%dma_start3A_155, %dma_start3A_156] : memref<10000x64xf32, #tpu.memory_space<hbm>> -> memref<10000x64xf32, #tpu.memory_space<hbm>>
      tpu.enqueue_indirect_dma source(%dma_start3A_157 : memref<10000x64xf32, #tpu.memory_space<hbm>>) target(%arg13 : memref<125x64xf32, #tpu.memory_space<vmem>>) offsets(%dma_start3A_154 : memref<125xi32, #tpu.memory_space<vmem>>) semaphore(%arg20 : memref<!tpu.dma_semaphore, #tpu.memory_space<semaphore_mem>>)
    } else {
    }
    %eq3A_84 = arith.constant 0 : i32
    %eq3A_85 = arith.cmpi eq, %arg0, %eq3A_84 : i32
    %convert_element_type3A_86 = arith.extui %eq3A_85 : i1 to i32
    %cond3A_87 = arith.constant 0 : i32
    %cond3A_88 = arith.cmpi ne, %convert_element_type3A_86, %cond3A_87 : i32
    scf.if %cond3A_88 {
      %dma_start3A_151 = arith.constant 4 : i32
      %dma_start3A_152 = arith.constant 0 : i32
      %dma_start3A_153 = tpu.memref_slice %arg8[%dma_start3A_151, %dma_start3A_152] : memref<160x125xi32, #tpu.memory_space<vmem>> -> memref<1x125xi32, #tpu.memory_space<vmem>>
      %dma_start3A_154 = tpu.memref_squeeze %dma_start3A_153 : memref<1x125xi32, #tpu.memory_space<vmem>> -> memref<125xi32, #tpu.memory_space<vmem>>
      %dma_start3A_155 = arith.constant 0 : i32
      %dma_start3A_156 = arith.constant 0 : i32
      %dma_start3A_157 = tpu.memref_slice %arg2[%dma_start3A_155, %dma_start3A_156] : memref<10000x64xf32, #tpu.memory_space<hbm>> -> memref<10000x64xf32, #tpu.memory_space<hbm>>
      tpu.enqueue_indirect_dma source(%dma_start3A_157 : memref<10000x64xf32, #tpu.memory_space<hbm>>) target(%arg14 : memref<125x64xf32, #tpu.memory_space<vmem>>) offsets(%dma_start3A_154 : memref<125xi32, #tpu.memory_space<vmem>>) semaphore(%arg21 : memref<!tpu.dma_semaphore, #tpu.memory_space<semaphore_mem>>)
    } else {
    }
    %eq3A_89 = arith.constant 1 : i32
    %eq3A_90 = arith.cmpi eq, %arg0, %eq3A_89 : i32
    %convert_element_type3A_91 = arith.extui %eq3A_90 : i1 to i32
    %cond3A_92 = arith.constant 0 : i32
    %cond3A_93 = arith.cmpi ne, %convert_element_type3A_91, %cond3A_92 : i32
    scf.if %cond3A_93 {
      %dma_start3A_151 = arith.constant 4 : i32
      %dma_start3A_152 = arith.constant 0 : i32
      %dma_start3A_153 = tpu.memref_slice %arg8[%dma_start3A_151, %dma_start3A_152] : memref<160x125xi32, #tpu.memory_space<vmem>> -> memref<1x125xi32, #tpu.memory_space<vmem>>
      %dma_start3A_154 = tpu.memref_squeeze %dma_start3A_153 : memref<1x125xi32, #tpu.memory_space<vmem>> -> memref<125xi32, #tpu.memory_space<vmem>>
      %dma_start3A_155 = arith.constant 0 : i32
      %dma_start3A_156 = arith.constant 0 : i32
      %dma_start3A_157 = tpu.memref_slice %arg3[%dma_start3A_155, %dma_start3A_156] : memref<10000x64xf32, #tpu.memory_space<hbm>> -> memref<10000x64xf32, #tpu.memory_space<hbm>>
      tpu.enqueue_indirect_dma source(%dma_start3A_157 : memref<10000x64xf32, #tpu.memory_space<hbm>>) target(%arg14 : memref<125x64xf32, #tpu.memory_space<vmem>>) offsets(%dma_start3A_154 : memref<125xi32, #tpu.memory_space<vmem>>) semaphore(%arg21 : memref<!tpu.dma_semaphore, #tpu.memory_space<semaphore_mem>>)
    } else {
    }
    %eq3A_94 = arith.constant 0 : i32
    %eq3A_95 = arith.cmpi eq, %arg0, %eq3A_94 : i32
    %convert_element_type3A_96 = arith.extui %eq3A_95 : i1 to i32
    %cond3A_97 = arith.constant 0 : i32
    %cond3A_98 = arith.cmpi ne, %convert_element_type3A_96, %cond3A_97 : i32
    scf.if %cond3A_98 {
      %dma_start3A_151 = arith.constant 5 : i32
      %dma_start3A_152 = arith.constant 0 : i32
      %dma_start3A_153 = tpu.memref_slice %arg8[%dma_start3A_151, %dma_start3A_152] : memref<160x125xi32, #tpu.memory_space<vmem>> -> memref<1x125xi32, #tpu.memory_space<vmem>>
      %dma_start3A_154 = tpu.memref_squeeze %dma_start3A_153 : memref<1x125xi32, #tpu.memory_space<vmem>> -> memref<125xi32, #tpu.memory_space<vmem>>
      %dma_start3A_155 = arith.constant 0 : i32
      %dma_start3A_156 = arith.constant 0 : i32
      %dma_start3A_157 = tpu.memref_slice %arg2[%dma_start3A_155, %dma_start3A_156] : memref<10000x64xf32, #tpu.memory_space<hbm>> -> memref<10000x64xf32, #tpu.memory_space<hbm>>
      tpu.enqueue_indirect_dma source(%dma_start3A_157 : memref<10000x64xf32, #tpu.memory_space<hbm>>) target(%arg15 : memref<125x64xf32, #tpu.memory_space<vmem>>) offsets(%dma_start3A_154 : memref<125xi32, #tpu.memory_space<vmem>>) semaphore(%arg22 : memref<!tpu.dma_semaphore, #tpu.memory_space<semaphore_mem>>)
    } else {
    }
    %eq3A_99 = arith.constant 1 : i32
    %eq3A_100 = arith.cmpi eq, %arg0, %eq3A_99 : i32
    %convert_element_type3A_101 = arith.extui %eq3A_100 : i1 to i32
    %cond3A_102 = arith.constant 0 : i32
    %cond3A_103 = arith.cmpi ne, %convert_element_type3A_101, %cond3A_102 : i32
    scf.if %cond3A_103 {
      %dma_start3A_151 = arith.constant 5 : i32
      %dma_start3A_152 = arith.constant 0 : i32
      %dma_start3A_153 = tpu.memref_slice %arg8[%dma_start3A_151, %dma_start3A_152] : memref<160x125xi32, #tpu.memory_space<vmem>> -> memref<1x125xi32, #tpu.memory_space<vmem>>
      %dma_start3A_154 = tpu.memref_squeeze %dma_start3A_153 : memref<1x125xi32, #tpu.memory_space<vmem>> -> memref<125xi32, #tpu.memory_space<vmem>>
      %dma_start3A_155 = arith.constant 0 : i32
      %dma_start3A_156 = arith.constant 0 : i32
      %dma_start3A_157 = tpu.memref_slice %arg3[%dma_start3A_155, %dma_start3A_156] : memref<10000x64xf32, #tpu.memory_space<hbm>> -> memref<10000x64xf32, #tpu.memory_space<hbm>>
      tpu.enqueue_indirect_dma source(%dma_start3A_157 : memref<10000x64xf32, #tpu.memory_space<hbm>>) target(%arg15 : memref<125x64xf32, #tpu.memory_space<vmem>>) offsets(%dma_start3A_154 : memref<125xi32, #tpu.memory_space<vmem>>) semaphore(%arg22 : memref<!tpu.dma_semaphore, #tpu.memory_space<semaphore_mem>>)
    } else {
    }
    %scan3A_104 = arith.constant 0 : i32
    %scan3A_105 = arith.constant 26 : i32
    %scan3A_106 = arith.addi %scan3A_104, %scan3A_105 : i32
    %scan3A_107 = arith.constant 1 : i32
    scf.for %scan3A_151 = %scan3A_104 to %scan3A_106 step %scan3A_107  : i32 {
      %mul3A_152 = arith.constant 1 : i32
      %mul3A_153 = arith.muli %scan3A_151, %mul3A_152 : i32
      %add3A_154 = arith.constant 0 : i32
      %add3A_155 = arith.addi %add3A_154, %mul3A_153 : i32
      %mul3A_156 = arith.constant 6 : i32
      %mul3A_157 = arith.muli %add3A_155, %mul3A_156 : i32
      %add3A_158 = arith.constant 0 : i32
      %add3A_159 = arith.addi %mul3A_157, %add3A_158 : i32
      %dma_wait3A_160 = arith.constant 0 : i32
      %dma_wait3A_161 = tpu.memref_slice %arg8[%add3A_159, %dma_wait3A_160] : memref<160x125xi32, #tpu.memory_space<vmem>> -> memref<1x125xi32, #tpu.memory_space<vmem>>
      %dma_wait3A_162 = tpu.memref_squeeze %dma_wait3A_161 : memref<1x125xi32, #tpu.memory_space<vmem>> -> memref<125xi32, #tpu.memory_space<vmem>>
      %dma_wait3A_163 = arith.constant 0 : i32
      %dma_wait3A_164 = arith.constant 0 : i32
      %dma_wait3A_165 = tpu.memref_slice %arg2[%dma_wait3A_163, %dma_wait3A_164] : memref<10000x64xf32, #tpu.memory_space<hbm>> -> memref<10000x64xf32, #tpu.memory_space<hbm>>
      tpu.wait_indirect_dma semaphore(%arg17 : memref<!tpu.dma_semaphore, #tpu.memory_space<semaphore_mem>>) src(%dma_wait3A_165 : memref<10000x64xf32, #tpu.memory_space<hbm>>) dst(%arg10 : memref<125x64xf32, #tpu.memory_space<vmem>>)
      "tpu.region"() ({
        %run_scoped3A_247 = tpu.sem_alloc : memref<!tpu.dma_semaphore, #tpu.memory_space<semaphore_mem>>
        %dma_start3A_248 = arith.constant 0 : i32
        %dma_start3A_249 = tpu.memref_slice %arg9[%add3A_159, %dma_start3A_248] : memref<160x125xi32, #tpu.memory_space<vmem>> -> memref<1x125xi32, #tpu.memory_space<vmem>>
        %dma_start3A_250 = tpu.memref_squeeze %dma_start3A_249 : memref<1x125xi32, #tpu.memory_space<vmem>> -> memref<125xi32, #tpu.memory_space<vmem>>
        %dma_start3A_251 = arith.constant 0 : i32
        %dma_start3A_252 = arith.constant 0 : i32
        %dma_start3A_253 = tpu.memref_slice %arg16[%dma_start3A_251, %dma_start3A_252] : memref<10000x64xf32, #tpu.memory_space<vmem_shared>> -> memref<10000x64xf32, #tpu.memory_space<vmem_shared>>
        tpu.enqueue_indirect_dma source(%arg10 : memref<125x64xf32, #tpu.memory_space<vmem>>) target(%dma_start3A_253 : memref<10000x64xf32, #tpu.memory_space<vmem_shared>>) offsets(%dma_start3A_250 : memref<125xi32, #tpu.memory_space<vmem>>) semaphore(%run_scoped3A_247 : memref<!tpu.dma_semaphore, #tpu.memory_space<semaphore_mem>>) {add = true}
        %dma_wait3A_254 = arith.constant 0 : i32
        %dma_wait3A_255 = tpu.memref_slice %arg9[%add3A_159, %dma_wait3A_254] : memref<160x125xi32, #tpu.memory_space<vmem>> -> memref<1x125xi32, #tpu.memory_space<vmem>>
        %dma_wait3A_256 = tpu.memref_squeeze %dma_wait3A_255 : memref<1x125xi32, #tpu.memory_space<vmem>> -> memref<125xi32, #tpu.memory_space<vmem>>
        %dma_wait3A_257 = arith.constant 0 : i32
        %dma_wait3A_258 = arith.constant 0 : i32
        %dma_wait3A_259 = tpu.memref_slice %arg16[%dma_wait3A_257, %dma_wait3A_258] : memref<10000x64xf32, #tpu.memory_space<vmem_shared>> -> memref<10000x64xf32, #tpu.memory_space<vmem_shared>>
        tpu.wait_indirect_dma semaphore(%run_scoped3A_247 : memref<!tpu.dma_semaphore, #tpu.memory_space<semaphore_mem>>) src(%arg10 : memref<125x64xf32, #tpu.memory_space<vmem>>) dst(%dma_wait3A_259 : memref<10000x64xf32, #tpu.memory_space<vmem_shared>>)
        tpu.yield
      }) : () -> ()
      %add3A_166 = arith.constant 6 : i32
      %add3A_167 = arith.addi %add3A_159, %add3A_166 : i32
      %lt3A = arith.constant 160 : i32
      %lt3A_168 = arith.cmpi slt, %add3A_167, %lt3A : i32
      %convert_element_type3A_169 = arith.extui %lt3A_168 : i1 to i32
      %cond3A_170 = arith.constant 0 : i32
      %cond3A_171 = arith.cmpi ne, %convert_element_type3A_169, %cond3A_170 : i32
      scf.if %cond3A_171 {
        %eq3A_247 = arith.constant 0 : i32
        %eq3A_248 = arith.cmpi eq, %arg0, %eq3A_247 : i32
        %convert_element_type3A_249 = arith.extui %eq3A_248 : i1 to i32
        %cond3A_250 = arith.constant 0 : i32
        %cond3A_251 = arith.cmpi ne, %convert_element_type3A_249, %cond3A_250 : i32
        scf.if %cond3A_251 {
          %dma_start3A_257 = arith.constant 0 : i32
          %dma_start3A_258 = tpu.memref_slice %arg8[%add3A_167, %dma_start3A_257] : memref<160x125xi32, #tpu.memory_space<vmem>> -> memref<1x125xi32, #tpu.memory_space<vmem>>
          %dma_start3A_259 = tpu.memref_squeeze %dma_start3A_258 : memref<1x125xi32, #tpu.memory_space<vmem>> -> memref<125xi32, #tpu.memory_space<vmem>>
          %dma_start3A_260 = arith.constant 0 : i32
          %dma_start3A_261 = arith.constant 0 : i32
          %dma_start3A_262 = tpu.memref_slice %arg2[%dma_start3A_260, %dma_start3A_261] : memref<10000x64xf32, #tpu.memory_space<hbm>> -> memref<10000x64xf32, #tpu.memory_space<hbm>>
          tpu.enqueue_indirect_dma source(%dma_start3A_262 : memref<10000x64xf32, #tpu.memory_space<hbm>>) target(%arg10 : memref<125x64xf32, #tpu.memory_space<vmem>>) offsets(%dma_start3A_259 : memref<125xi32, #tpu.memory_space<vmem>>) semaphore(%arg17 : memref<!tpu.dma_semaphore, #tpu.memory_space<semaphore_mem>>)
        } else {
        }
        %eq3A_252 = arith.constant 1 : i32
        %eq3A_253 = arith.cmpi eq, %arg0, %eq3A_252 : i32
        %convert_element_type3A_254 = arith.extui %eq3A_253 : i1 to i32
        %cond3A_255 = arith.constant 0 : i32
        %cond3A_256 = arith.cmpi ne, %convert_element_type3A_254, %cond3A_255 : i32
        scf.if %cond3A_256 {
          %dma_start3A_257 = arith.constant 0 : i32
          %dma_start3A_258 = tpu.memref_slice %arg8[%add3A_167, %dma_start3A_257] : memref<160x125xi32, #tpu.memory_space<vmem>> -> memref<1x125xi32, #tpu.memory_space<vmem>>
          %dma_start3A_259 = tpu.memref_squeeze %dma_start3A_258 : memref<1x125xi32, #tpu.memory_space<vmem>> -> memref<125xi32, #tpu.memory_space<vmem>>
          %dma_start3A_260 = arith.constant 0 : i32
          %dma_start3A_261 = arith.constant 0 : i32
          %dma_start3A_262 = tpu.memref_slice %arg3[%dma_start3A_260, %dma_start3A_261] : memref<10000x64xf32, #tpu.memory_space<hbm>> -> memref<10000x64xf32, #tpu.memory_space<hbm>>
          tpu.enqueue_indirect_dma source(%dma_start3A_262 : memref<10000x64xf32, #tpu.memory_space<hbm>>) target(%arg10 : memref<125x64xf32, #tpu.memory_space<vmem>>) offsets(%dma_start3A_259 : memref<125xi32, #tpu.memory_space<vmem>>) semaphore(%arg17 : memref<!tpu.dma_semaphore, #tpu.memory_space<semaphore_mem>>)
        } else {
        }
      } else {
      }
      %add3A_172 = arith.constant 1 : i32
      %add3A_173 = arith.addi %mul3A_157, %add3A_172 : i32
      %dma_wait3A_174 = arith.constant 0 : i32
      %dma_wait3A_175 = tpu.memref_slice %arg8[%add3A_173, %dma_wait3A_174] : memref<160x125xi32, #tpu.memory_space<vmem>> -> memref<1x125xi32, #tpu.memory_space<vmem>>
      %dma_wait3A_176 = tpu.memref_squeeze %dma_wait3A_175 : memref<1x125xi32, #tpu.memory_space<vmem>> -> memref<125xi32, #tpu.memory_space<vmem>>
      %dma_wait3A_177 = arith.constant 0 : i32
      %dma_wait3A_178 = arith.constant 0 : i32
      %dma_wait3A_179 = tpu.memref_slice %arg2[%dma_wait3A_177, %dma_wait3A_178] : memref<10000x64xf32, #tpu.memory_space<hbm>> -> memref<10000x64xf32, #tpu.memory_space<hbm>>
      tpu.wait_indirect_dma semaphore(%arg18 : memref<!tpu.dma_semaphore, #tpu.memory_space<semaphore_mem>>) src(%dma_wait3A_179 : memref<10000x64xf32, #tpu.memory_space<hbm>>) dst(%arg11 : memref<125x64xf32, #tpu.memory_space<vmem>>)
      "tpu.region"() ({
        %run_scoped3A_247 = tpu.sem_alloc : memref<!tpu.dma_semaphore, #tpu.memory_space<semaphore_mem>>
        %dma_start3A_248 = arith.constant 0 : i32
        %dma_start3A_249 = tpu.memref_slice %arg9[%add3A_173, %dma_start3A_248] : memref<160x125xi32, #tpu.memory_space<vmem>> -> memref<1x125xi32, #tpu.memory_space<vmem>>
        %dma_start3A_250 = tpu.memref_squeeze %dma_start3A_249 : memref<1x125xi32, #tpu.memory_space<vmem>> -> memref<125xi32, #tpu.memory_space<vmem>>
        %dma_start3A_251 = arith.constant 0 : i32
        %dma_start3A_252 = arith.constant 0 : i32
        %dma_start3A_253 = tpu.memref_slice %arg16[%dma_start3A_251, %dma_start3A_252] : memref<10000x64xf32, #tpu.memory_space<vmem_shared>> -> memref<10000x64xf32, #tpu.memory_space<vmem_shared>>
        tpu.enqueue_indirect_dma source(%arg11 : memref<125x64xf32, #tpu.memory_space<vmem>>) target(%dma_start3A_253 : memref<10000x64xf32, #tpu.memory_space<vmem_shared>>) offsets(%dma_start3A_250 : memref<125xi32, #tpu.memory_space<vmem>>) semaphore(%run_scoped3A_247 : memref<!tpu.dma_semaphore, #tpu.memory_space<semaphore_mem>>) {add = true}
        %dma_wait3A_254 = arith.constant 0 : i32
        %dma_wait3A_255 = tpu.memref_slice %arg9[%add3A_173, %dma_wait3A_254] : memref<160x125xi32, #tpu.memory_space<vmem>> -> memref<1x125xi32, #tpu.memory_space<vmem>>
        %dma_wait3A_256 = tpu.memref_squeeze %dma_wait3A_255 : memref<1x125xi32, #tpu.memory_space<vmem>> -> memref<125xi32, #tpu.memory_space<vmem>>
        %dma_wait3A_257 = arith.constant 0 : i32
        %dma_wait3A_258 = arith.constant 0 : i32
        %dma_wait3A_259 = tpu.memref_slice %arg16[%dma_wait3A_257, %dma_wait3A_258] : memref<10000x64xf32, #tpu.memory_space<vmem_shared>> -> memref<10000x64xf32, #tpu.memory_space<vmem_shared>>
        tpu.wait_indirect_dma semaphore(%run_scoped3A_247 : memref<!tpu.dma_semaphore, #tpu.memory_space<semaphore_mem>>) src(%arg11 : memref<125x64xf32, #tpu.memory_space<vmem>>) dst(%dma_wait3A_259 : memref<10000x64xf32, #tpu.memory_space<vmem_shared>>)
        tpu.yield
      }) : () -> ()
      %add3A_180 = arith.constant 6 : i32
      %add3A_181 = arith.addi %add3A_173, %add3A_180 : i32
      %lt3A_182 = arith.constant 160 : i32
      %lt3A_183 = arith.cmpi slt, %add3A_181, %lt3A_182 : i32
      %convert_element_type3A_184 = arith.extui %lt3A_183 : i1 to i32
      %cond3A_185 = arith.constant 0 : i32
      %cond3A_186 = arith.cmpi ne, %convert_element_type3A_184, %cond3A_185 : i32
      scf.if %cond3A_186 {
        %eq3A_247 = arith.constant 0 : i32
        %eq3A_248 = arith.cmpi eq, %arg0, %eq3A_247 : i32
        %convert_element_type3A_249 = arith.extui %eq3A_248 : i1 to i32
        %cond3A_250 = arith.constant 0 : i32
        %cond3A_251 = arith.cmpi ne, %convert_element_type3A_249, %cond3A_250 : i32
        scf.if %cond3A_251 {
          %dma_start3A_257 = arith.constant 0 : i32
          %dma_start3A_258 = tpu.memref_slice %arg8[%add3A_181, %dma_start3A_257] : memref<160x125xi32, #tpu.memory_space<vmem>> -> memref<1x125xi32, #tpu.memory_space<vmem>>
          %dma_start3A_259 = tpu.memref_squeeze %dma_start3A_258 : memref<1x125xi32, #tpu.memory_space<vmem>> -> memref<125xi32, #tpu.memory_space<vmem>>
          %dma_start3A_260 = arith.constant 0 : i32
          %dma_start3A_261 = arith.constant 0 : i32
          %dma_start3A_262 = tpu.memref_slice %arg2[%dma_start3A_260, %dma_start3A_261] : memref<10000x64xf32, #tpu.memory_space<hbm>> -> memref<10000x64xf32, #tpu.memory_space<hbm>>
          tpu.enqueue_indirect_dma source(%dma_start3A_262 : memref<10000x64xf32, #tpu.memory_space<hbm>>) target(%arg11 : memref<125x64xf32, #tpu.memory_space<vmem>>) offsets(%dma_start3A_259 : memref<125xi32, #tpu.memory_space<vmem>>) semaphore(%arg18 : memref<!tpu.dma_semaphore, #tpu.memory_space<semaphore_mem>>)
        } else {
        }
        %eq3A_252 = arith.constant 1 : i32
        %eq3A_253 = arith.cmpi eq, %arg0, %eq3A_252 : i32
        %convert_element_type3A_254 = arith.extui %eq3A_253 : i1 to i32
        %cond3A_255 = arith.constant 0 : i32
        %cond3A_256 = arith.cmpi ne, %convert_element_type3A_254, %cond3A_255 : i32
        scf.if %cond3A_256 {
          %dma_start3A_257 = arith.constant 0 : i32
          %dma_start3A_258 = tpu.memref_slice %arg8[%add3A_181, %dma_start3A_257] : memref<160x125xi32, #tpu.memory_space<vmem>> -> memref<1x125xi32, #tpu.memory_space<vmem>>
          %dma_start3A_259 = tpu.memref_squeeze %dma_start3A_258 : memref<1x125xi32, #tpu.memory_space<vmem>> -> memref<125xi32, #tpu.memory_space<vmem>>
          %dma_start3A_260 = arith.constant 0 : i32
          %dma_start3A_261 = arith.constant 0 : i32
          %dma_start3A_262 = tpu.memref_slice %arg3[%dma_start3A_260, %dma_start3A_261] : memref<10000x64xf32, #tpu.memory_space<hbm>> -> memref<10000x64xf32, #tpu.memory_space<hbm>>
          tpu.enqueue_indirect_dma source(%dma_start3A_262 : memref<10000x64xf32, #tpu.memory_space<hbm>>) target(%arg11 : memref<125x64xf32, #tpu.memory_space<vmem>>) offsets(%dma_start3A_259 : memref<125xi32, #tpu.memory_space<vmem>>) semaphore(%arg18 : memref<!tpu.dma_semaphore, #tpu.memory_space<semaphore_mem>>)
        } else {
        }
      } else {
      }
      %add3A_187 = arith.constant 2 : i32
      %add3A_188 = arith.addi %mul3A_157, %add3A_187 : i32
      %dma_wait3A_189 = arith.constant 0 : i32
      %dma_wait3A_190 = tpu.memref_slice %arg8[%add3A_188, %dma_wait3A_189] : memref<160x125xi32, #tpu.memory_space<vmem>> -> memref<1x125xi32, #tpu.memory_space<vmem>>
      %dma_wait3A_191 = tpu.memref_squeeze %dma_wait3A_190 : memref<1x125xi32, #tpu.memory_space<vmem>> -> memref<125xi32, #tpu.memory_space<vmem>>
      %dma_wait3A_192 = arith.constant 0 : i32
      %dma_wait3A_193 = arith.constant 0 : i32
      %dma_wait3A_194 = tpu.memref_slice %arg2[%dma_wait3A_192, %dma_wait3A_193] : memref<10000x64xf32, #tpu.memory_space<hbm>> -> memref<10000x64xf32, #tpu.memory_space<hbm>>
      tpu.wait_indirect_dma semaphore(%arg19 : memref<!tpu.dma_semaphore, #tpu.memory_space<semaphore_mem>>) src(%dma_wait3A_194 : memref<10000x64xf32, #tpu.memory_space<hbm>>) dst(%arg12 : memref<125x64xf32, #tpu.memory_space<vmem>>)
      "tpu.region"() ({
        %run_scoped3A_247 = tpu.sem_alloc : memref<!tpu.dma_semaphore, #tpu.memory_space<semaphore_mem>>
        %dma_start3A_248 = arith.constant 0 : i32
        %dma_start3A_249 = tpu.memref_slice %arg9[%add3A_188, %dma_start3A_248] : memref<160x125xi32, #tpu.memory_space<vmem>> -> memref<1x125xi32, #tpu.memory_space<vmem>>
        %dma_start3A_250 = tpu.memref_squeeze %dma_start3A_249 : memref<1x125xi32, #tpu.memory_space<vmem>> -> memref<125xi32, #tpu.memory_space<vmem>>
        %dma_start3A_251 = arith.constant 0 : i32
        %dma_start3A_252 = arith.constant 0 : i32
        %dma_start3A_253 = tpu.memref_slice %arg16[%dma_start3A_251, %dma_start3A_252] : memref<10000x64xf32, #tpu.memory_space<vmem_shared>> -> memref<10000x64xf32, #tpu.memory_space<vmem_shared>>
        tpu.enqueue_indirect_dma source(%arg12 : memref<125x64xf32, #tpu.memory_space<vmem>>) target(%dma_start3A_253 : memref<10000x64xf32, #tpu.memory_space<vmem_shared>>) offsets(%dma_start3A_250 : memref<125xi32, #tpu.memory_space<vmem>>) semaphore(%run_scoped3A_247 : memref<!tpu.dma_semaphore, #tpu.memory_space<semaphore_mem>>) {add = true}
        %dma_wait3A_254 = arith.constant 0 : i32
        %dma_wait3A_255 = tpu.memref_slice %arg9[%add3A_188, %dma_wait3A_254] : memref<160x125xi32, #tpu.memory_space<vmem>> -> memref<1x125xi32, #tpu.memory_space<vmem>>
        %dma_wait3A_256 = tpu.memref_squeeze %dma_wait3A_255 : memref<1x125xi32, #tpu.memory_space<vmem>> -> memref<125xi32, #tpu.memory_space<vmem>>
        %dma_wait3A_257 = arith.constant 0 : i32
        %dma_wait3A_258 = arith.constant 0 : i32
        %dma_wait3A_259 = tpu.memref_slice %arg16[%dma_wait3A_257, %dma_wait3A_258] : memref<10000x64xf32, #tpu.memory_space<vmem_shared>> -> memref<10000x64xf32, #tpu.memory_space<vmem_shared>>
        tpu.wait_indirect_dma semaphore(%run_scoped3A_247 : memref<!tpu.dma_semaphore, #tpu.memory_space<semaphore_mem>>) src(%arg12 : memref<125x64xf32, #tpu.memory_space<vmem>>) dst(%dma_wait3A_259 : memref<10000x64xf32, #tpu.memory_space<vmem_shared>>)
        tpu.yield
      }) : () -> ()
      %add3A_195 = arith.constant 6 : i32
      %add3A_196 = arith.addi %add3A_188, %add3A_195 : i32
      %lt3A_197 = arith.constant 160 : i32
      %lt3A_198 = arith.cmpi slt, %add3A_196, %lt3A_197 : i32
      %convert_element_type3A_199 = arith.extui %lt3A_198 : i1 to i32
      %cond3A_200 = arith.constant 0 : i32
      %cond3A_201 = arith.cmpi ne, %convert_element_type3A_199, %cond3A_200 : i32
      scf.if %cond3A_201 {
        %eq3A_247 = arith.constant 0 : i32
        %eq3A_248 = arith.cmpi eq, %arg0, %eq3A_247 : i32
        %convert_element_type3A_249 = arith.extui %eq3A_248 : i1 to i32
        %cond3A_250 = arith.constant 0 : i32
        %cond3A_251 = arith.cmpi ne, %convert_element_type3A_249, %cond3A_250 : i32
        scf.if %cond3A_251 {
          %dma_start3A_257 = arith.constant 0 : i32
          %dma_start3A_258 = tpu.memref_slice %arg8[%add3A_196, %dma_start3A_257] : memref<160x125xi32, #tpu.memory_space<vmem>> -> memref<1x125xi32, #tpu.memory_space<vmem>>
          %dma_start3A_259 = tpu.memref_squeeze %dma_start3A_258 : memref<1x125xi32, #tpu.memory_space<vmem>> -> memref<125xi32, #tpu.memory_space<vmem>>
          %dma_start3A_260 = arith.constant 0 : i32
          %dma_start3A_261 = arith.constant 0 : i32
          %dma_start3A_262 = tpu.memref_slice %arg2[%dma_start3A_260, %dma_start3A_261] : memref<10000x64xf32, #tpu.memory_space<hbm>> -> memref<10000x64xf32, #tpu.memory_space<hbm>>
          tpu.enqueue_indirect_dma source(%dma_start3A_262 : memref<10000x64xf32, #tpu.memory_space<hbm>>) target(%arg12 : memref<125x64xf32, #tpu.memory_space<vmem>>) offsets(%dma_start3A_259 : memref<125xi32, #tpu.memory_space<vmem>>) semaphore(%arg19 : memref<!tpu.dma_semaphore, #tpu.memory_space<semaphore_mem>>)
        } else {
        }
        %eq3A_252 = arith.constant 1 : i32
        %eq3A_253 = arith.cmpi eq, %arg0, %eq3A_252 : i32
        %convert_element_type3A_254 = arith.extui %eq3A_253 : i1 to i32
        %cond3A_255 = arith.constant 0 : i32
        %cond3A_256 = arith.cmpi ne, %convert_element_type3A_254, %cond3A_255 : i32
        scf.if %cond3A_256 {
          %dma_start3A_257 = arith.constant 0 : i32
          %dma_start3A_258 = tpu.memref_slice %arg8[%add3A_196, %dma_start3A_257] : memref<160x125xi32, #tpu.memory_space<vmem>> -> memref<1x125xi32, #tpu.memory_space<vmem>>
          %dma_start3A_259 = tpu.memref_squeeze %dma_start3A_258 : memref<1x125xi32, #tpu.memory_space<vmem>> -> memref<125xi32, #tpu.memory_space<vmem>>
          %dma_start3A_260 = arith.constant 0 : i32
          %dma_start3A_261 = arith.constant 0 : i32
          %dma_start3A_262 = tpu.memref_slice %arg3[%dma_start3A_260, %dma_start3A_261] : memref<10000x64xf32, #tpu.memory_space<hbm>> -> memref<10000x64xf32, #tpu.memory_space<hbm>>
          tpu.enqueue_indirect_dma source(%dma_start3A_262 : memref<10000x64xf32, #tpu.memory_space<hbm>>) target(%arg12 : memref<125x64xf32, #tpu.memory_space<vmem>>) offsets(%dma_start3A_259 : memref<125xi32, #tpu.memory_space<vmem>>) semaphore(%arg19 : memref<!tpu.dma_semaphore, #tpu.memory_space<semaphore_mem>>)
        } else {
        }
      } else {
      }
      %add3A_202 = arith.constant 3 : i32
      %add3A_203 = arith.addi %mul3A_157, %add3A_202 : i32
      %dma_wait3A_204 = arith.constant 0 : i32
      %dma_wait3A_205 = tpu.memref_slice %arg8[%add3A_203, %dma_wait3A_204] : memref<160x125xi32, #tpu.memory_space<vmem>> -> memref<1x125xi32, #tpu.memory_space<vmem>>
      %dma_wait3A_206 = tpu.memref_squeeze %dma_wait3A_205 : memref<1x125xi32, #tpu.memory_space<vmem>> -> memref<125xi32, #tpu.memory_space<vmem>>
      %dma_wait3A_207 = arith.constant 0 : i32
      %dma_wait3A_208 = arith.constant 0 : i32
      %dma_wait3A_209 = tpu.memref_slice %arg2[%dma_wait3A_207, %dma_wait3A_208] : memref<10000x64xf32, #tpu.memory_space<hbm>> -> memref<10000x64xf32, #tpu.memory_space<hbm>>
      tpu.wait_indirect_dma semaphore(%arg20 : memref<!tpu.dma_semaphore, #tpu.memory_space<semaphore_mem>>) src(%dma_wait3A_209 : memref<10000x64xf32, #tpu.memory_space<hbm>>) dst(%arg13 : memref<125x64xf32, #tpu.memory_space<vmem>>)
      "tpu.region"() ({
        %run_scoped3A_247 = tpu.sem_alloc : memref<!tpu.dma_semaphore, #tpu.memory_space<semaphore_mem>>
        %dma_start3A_248 = arith.constant 0 : i32
        %dma_start3A_249 = tpu.memref_slice %arg9[%add3A_203, %dma_start3A_248] : memref<160x125xi32, #tpu.memory_space<vmem>> -> memref<1x125xi32, #tpu.memory_space<vmem>>
        %dma_start3A_250 = tpu.memref_squeeze %dma_start3A_249 : memref<1x125xi32, #tpu.memory_space<vmem>> -> memref<125xi32, #tpu.memory_space<vmem>>
        %dma_start3A_251 = arith.constant 0 : i32
        %dma_start3A_252 = arith.constant 0 : i32
        %dma_start3A_253 = tpu.memref_slice %arg16[%dma_start3A_251, %dma_start3A_252] : memref<10000x64xf32, #tpu.memory_space<vmem_shared>> -> memref<10000x64xf32, #tpu.memory_space<vmem_shared>>
        tpu.enqueue_indirect_dma source(%arg13 : memref<125x64xf32, #tpu.memory_space<vmem>>) target(%dma_start3A_253 : memref<10000x64xf32, #tpu.memory_space<vmem_shared>>) offsets(%dma_start3A_250 : memref<125xi32, #tpu.memory_space<vmem>>) semaphore(%run_scoped3A_247 : memref<!tpu.dma_semaphore, #tpu.memory_space<semaphore_mem>>) {add = true}
        %dma_wait3A_254 = arith.constant 0 : i32
        %dma_wait3A_255 = tpu.memref_slice %arg9[%add3A_203, %dma_wait3A_254] : memref<160x125xi32, #tpu.memory_space<vmem>> -> memref<1x125xi32, #tpu.memory_space<vmem>>
        %dma_wait3A_256 = tpu.memref_squeeze %dma_wait3A_255 : memref<1x125xi32, #tpu.memory_space<vmem>> -> memref<125xi32, #tpu.memory_space<vmem>>
        %dma_wait3A_257 = arith.constant 0 : i32
        %dma_wait3A_258 = arith.constant 0 : i32
        %dma_wait3A_259 = tpu.memref_slice %arg16[%dma_wait3A_257, %dma_wait3A_258] : memref<10000x64xf32, #tpu.memory_space<vmem_shared>> -> memref<10000x64xf32, #tpu.memory_space<vmem_shared>>
        tpu.wait_indirect_dma semaphore(%run_scoped3A_247 : memref<!tpu.dma_semaphore, #tpu.memory_space<semaphore_mem>>) src(%arg13 : memref<125x64xf32, #tpu.memory_space<vmem>>) dst(%dma_wait3A_259 : memref<10000x64xf32, #tpu.memory_space<vmem_shared>>)
        tpu.yield
      }) : () -> ()
      %add3A_210 = arith.constant 6 : i32
      %add3A_211 = arith.addi %add3A_203, %add3A_210 : i32
      %lt3A_212 = arith.constant 160 : i32
      %lt3A_213 = arith.cmpi slt, %add3A_211, %lt3A_212 : i32
      %convert_element_type3A_214 = arith.extui %lt3A_213 : i1 to i32
      %cond3A_215 = arith.constant 0 : i32
      %cond3A_216 = arith.cmpi ne, %convert_element_type3A_214, %cond3A_215 : i32
      scf.if %cond3A_216 {
        %eq3A_247 = arith.constant 0 : i32
        %eq3A_248 = arith.cmpi eq, %arg0, %eq3A_247 : i32
        %convert_element_type3A_249 = arith.extui %eq3A_248 : i1 to i32
        %cond3A_250 = arith.constant 0 : i32
        %cond3A_251 = arith.cmpi ne, %convert_element_type3A_249, %cond3A_250 : i32
        scf.if %cond3A_251 {
          %dma_start3A_257 = arith.constant 0 : i32
          %dma_start3A_258 = tpu.memref_slice %arg8[%add3A_211, %dma_start3A_257] : memref<160x125xi32, #tpu.memory_space<vmem>> -> memref<1x125xi32, #tpu.memory_space<vmem>>
          %dma_start3A_259 = tpu.memref_squeeze %dma_start3A_258 : memref<1x125xi32, #tpu.memory_space<vmem>> -> memref<125xi32, #tpu.memory_space<vmem>>
          %dma_start3A_260 = arith.constant 0 : i32
          %dma_start3A_261 = arith.constant 0 : i32
          %dma_start3A_262 = tpu.memref_slice %arg2[%dma_start3A_260, %dma_start3A_261] : memref<10000x64xf32, #tpu.memory_space<hbm>> -> memref<10000x64xf32, #tpu.memory_space<hbm>>
          tpu.enqueue_indirect_dma source(%dma_start3A_262 : memref<10000x64xf32, #tpu.memory_space<hbm>>) target(%arg13 : memref<125x64xf32, #tpu.memory_space<vmem>>) offsets(%dma_start3A_259 : memref<125xi32, #tpu.memory_space<vmem>>) semaphore(%arg20 : memref<!tpu.dma_semaphore, #tpu.memory_space<semaphore_mem>>)
        } else {
        }
        %eq3A_252 = arith.constant 1 : i32
        %eq3A_253 = arith.cmpi eq, %arg0, %eq3A_252 : i32
        %convert_element_type3A_254 = arith.extui %eq3A_253 : i1 to i32
        %cond3A_255 = arith.constant 0 : i32
        %cond3A_256 = arith.cmpi ne, %convert_element_type3A_254, %cond3A_255 : i32
        scf.if %cond3A_256 {
          %dma_start3A_257 = arith.constant 0 : i32
          %dma_start3A_258 = tpu.memref_slice %arg8[%add3A_211, %dma_start3A_257] : memref<160x125xi32, #tpu.memory_space<vmem>> -> memref<1x125xi32, #tpu.memory_space<vmem>>
          %dma_start3A_259 = tpu.memref_squeeze %dma_start3A_258 : memref<1x125xi32, #tpu.memory_space<vmem>> -> memref<125xi32, #tpu.memory_space<vmem>>
          %dma_start3A_260 = arith.constant 0 : i32
          %dma_start3A_261 = arith.constant 0 : i32
          %dma_start3A_262 = tpu.memref_slice %arg3[%dma_start3A_260, %dma_start3A_261] : memref<10000x64xf32, #tpu.memory_space<hbm>> -> memref<10000x64xf32, #tpu.memory_space<hbm>>
          tpu.enqueue_indirect_dma source(%dma_start3A_262 : memref<10000x64xf32, #tpu.memory_space<hbm>>) target(%arg13 : memref<125x64xf32, #tpu.memory_space<vmem>>) offsets(%dma_start3A_259 : memref<125xi32, #tpu.memory_space<vmem>>) semaphore(%arg20 : memref<!tpu.dma_semaphore, #tpu.memory_space<semaphore_mem>>)
        } else {
        }
      } else {
      }
      %add3A_217 = arith.constant 4 : i32
      %add3A_218 = arith.addi %mul3A_157, %add3A_217 : i32
      %dma_wait3A_219 = arith.constant 0 : i32
      %dma_wait3A_220 = tpu.memref_slice %arg8[%add3A_218, %dma_wait3A_219] : memref<160x125xi32, #tpu.memory_space<vmem>> -> memref<1x125xi32, #tpu.memory_space<vmem>>
      %dma_wait3A_221 = tpu.memref_squeeze %dma_wait3A_220 : memref<1x125xi32, #tpu.memory_space<vmem>> -> memref<125xi32, #tpu.memory_space<vmem>>
      %dma_wait3A_222 = arith.constant 0 : i32
      %dma_wait3A_223 = arith.constant 0 : i32
      %dma_wait3A_224 = tpu.memref_slice %arg2[%dma_wait3A_222, %dma_wait3A_223] : memref<10000x64xf32, #tpu.memory_space<hbm>> -> memref<10000x64xf32, #tpu.memory_space<hbm>>
      tpu.wait_indirect_dma semaphore(%arg21 : memref<!tpu.dma_semaphore, #tpu.memory_space<semaphore_mem>>) src(%dma_wait3A_224 : memref<10000x64xf32, #tpu.memory_space<hbm>>) dst(%arg14 : memref<125x64xf32, #tpu.memory_space<vmem>>)
      "tpu.region"() ({
        %run_scoped3A_247 = tpu.sem_alloc : memref<!tpu.dma_semaphore, #tpu.memory_space<semaphore_mem>>
        %dma_start3A_248 = arith.constant 0 : i32
        %dma_start3A_249 = tpu.memref_slice %arg9[%add3A_218, %dma_start3A_248] : memref<160x125xi32, #tpu.memory_space<vmem>> -> memref<1x125xi32, #tpu.memory_space<vmem>>
        %dma_start3A_250 = tpu.memref_squeeze %dma_start3A_249 : memref<1x125xi32, #tpu.memory_space<vmem>> -> memref<125xi32, #tpu.memory_space<vmem>>
        %dma_start3A_251 = arith.constant 0 : i32
        %dma_start3A_252 = arith.constant 0 : i32
        %dma_start3A_253 = tpu.memref_slice %arg16[%dma_start3A_251, %dma_start3A_252] : memref<10000x64xf32, #tpu.memory_space<vmem_shared>> -> memref<10000x64xf32, #tpu.memory_space<vmem_shared>>
        tpu.enqueue_indirect_dma source(%arg14 : memref<125x64xf32, #tpu.memory_space<vmem>>) target(%dma_start3A_253 : memref<10000x64xf32, #tpu.memory_space<vmem_shared>>) offsets(%dma_start3A_250 : memref<125xi32, #tpu.memory_space<vmem>>) semaphore(%run_scoped3A_247 : memref<!tpu.dma_semaphore, #tpu.memory_space<semaphore_mem>>) {add = true}
        %dma_wait3A_254 = arith.constant 0 : i32
        %dma_wait3A_255 = tpu.memref_slice %arg9[%add3A_218, %dma_wait3A_254] : memref<160x125xi32, #tpu.memory_space<vmem>> -> memref<1x125xi32, #tpu.memory_space<vmem>>
        %dma_wait3A_256 = tpu.memref_squeeze %dma_wait3A_255 : memref<1x125xi32, #tpu.memory_space<vmem>> -> memref<125xi32, #tpu.memory_space<vmem>>
        %dma_wait3A_257 = arith.constant 0 : i32
        %dma_wait3A_258 = arith.constant 0 : i32
        %dma_wait3A_259 = tpu.memref_slice %arg16[%dma_wait3A_257, %dma_wait3A_258] : memref<10000x64xf32, #tpu.memory_space<vmem_shared>> -> memref<10000x64xf32, #tpu.memory_space<vmem_shared>>
        tpu.wait_indirect_dma semaphore(%run_scoped3A_247 : memref<!tpu.dma_semaphore, #tpu.memory_space<semaphore_mem>>) src(%arg14 : memref<125x64xf32, #tpu.memory_space<vmem>>) dst(%dma_wait3A_259 : memref<10000x64xf32, #tpu.memory_space<vmem_shared>>)
        tpu.yield
      }) : () -> ()
      %add3A_225 = arith.constant 6 : i32
      %add3A_226 = arith.addi %add3A_218, %add3A_225 : i32
      %lt3A_227 = arith.constant 160 : i32
      %lt3A_228 = arith.cmpi slt, %add3A_226, %lt3A_227 : i32
      %convert_element_type3A_229 = arith.extui %lt3A_228 : i1 to i32
      %cond3A_230 = arith.constant 0 : i32
      %cond3A_231 = arith.cmpi ne, %convert_element_type3A_229, %cond3A_230 : i32
      scf.if %cond3A_231 {
        %eq3A_247 = arith.constant 0 : i32
        %eq3A_248 = arith.cmpi eq, %arg0, %eq3A_247 : i32
        %convert_element_type3A_249 = arith.extui %eq3A_248 : i1 to i32
        %cond3A_250 = arith.constant 0 : i32
        %cond3A_251 = arith.cmpi ne, %convert_element_type3A_249, %cond3A_250 : i32
        scf.if %cond3A_251 {
          %dma_start3A_257 = arith.constant 0 : i32
          %dma_start3A_258 = tpu.memref_slice %arg8[%add3A_226, %dma_start3A_257] : memref<160x125xi32, #tpu.memory_space<vmem>> -> memref<1x125xi32, #tpu.memory_space<vmem>>
          %dma_start3A_259 = tpu.memref_squeeze %dma_start3A_258 : memref<1x125xi32, #tpu.memory_space<vmem>> -> memref<125xi32, #tpu.memory_space<vmem>>
          %dma_start3A_260 = arith.constant 0 : i32
          %dma_start3A_261 = arith.constant 0 : i32
          %dma_start3A_262 = tpu.memref_slice %arg2[%dma_start3A_260, %dma_start3A_261] : memref<10000x64xf32, #tpu.memory_space<hbm>> -> memref<10000x64xf32, #tpu.memory_space<hbm>>
          tpu.enqueue_indirect_dma source(%dma_start3A_262 : memref<10000x64xf32, #tpu.memory_space<hbm>>) target(%arg14 : memref<125x64xf32, #tpu.memory_space<vmem>>) offsets(%dma_start3A_259 : memref<125xi32, #tpu.memory_space<vmem>>) semaphore(%arg21 : memref<!tpu.dma_semaphore, #tpu.memory_space<semaphore_mem>>)
        } else {
        }
        %eq3A_252 = arith.constant 1 : i32
        %eq3A_253 = arith.cmpi eq, %arg0, %eq3A_252 : i32
        %convert_element_type3A_254 = arith.extui %eq3A_253 : i1 to i32
        %cond3A_255 = arith.constant 0 : i32
        %cond3A_256 = arith.cmpi ne, %convert_element_type3A_254, %cond3A_255 : i32
        scf.if %cond3A_256 {
          %dma_start3A_257 = arith.constant 0 : i32
          %dma_start3A_258 = tpu.memref_slice %arg8[%add3A_226, %dma_start3A_257] : memref<160x125xi32, #tpu.memory_space<vmem>> -> memref<1x125xi32, #tpu.memory_space<vmem>>
          %dma_start3A_259 = tpu.memref_squeeze %dma_start3A_258 : memref<1x125xi32, #tpu.memory_space<vmem>> -> memref<125xi32, #tpu.memory_space<vmem>>
          %dma_start3A_260 = arith.constant 0 : i32
          %dma_start3A_261 = arith.constant 0 : i32
          %dma_start3A_262 = tpu.memref_slice %arg3[%dma_start3A_260, %dma_start3A_261] : memref<10000x64xf32, #tpu.memory_space<hbm>> -> memref<10000x64xf32, #tpu.memory_space<hbm>>
          tpu.enqueue_indirect_dma source(%dma_start3A_262 : memref<10000x64xf32, #tpu.memory_space<hbm>>) target(%arg14 : memref<125x64xf32, #tpu.memory_space<vmem>>) offsets(%dma_start3A_259 : memref<125xi32, #tpu.memory_space<vmem>>) semaphore(%arg21 : memref<!tpu.dma_semaphore, #tpu.memory_space<semaphore_mem>>)
        } else {
        }
      } else {
      }
      %add3A_232 = arith.constant 5 : i32
      %add3A_233 = arith.addi %mul3A_157, %add3A_232 : i32
      %dma_wait3A_234 = arith.constant 0 : i32
      %dma_wait3A_235 = tpu.memref_slice %arg8[%add3A_233, %dma_wait3A_234] : memref<160x125xi32, #tpu.memory_space<vmem>> -> memref<1x125xi32, #tpu.memory_space<vmem>>
      %dma_wait3A_236 = tpu.memref_squeeze %dma_wait3A_235 : memref<1x125xi32, #tpu.memory_space<vmem>> -> memref<125xi32, #tpu.memory_space<vmem>>
      %dma_wait3A_237 = arith.constant 0 : i32
      %dma_wait3A_238 = arith.constant 0 : i32
      %dma_wait3A_239 = tpu.memref_slice %arg2[%dma_wait3A_237, %dma_wait3A_238] : memref<10000x64xf32, #tpu.memory_space<hbm>> -> memref<10000x64xf32, #tpu.memory_space<hbm>>
      tpu.wait_indirect_dma semaphore(%arg22 : memref<!tpu.dma_semaphore, #tpu.memory_space<semaphore_mem>>) src(%dma_wait3A_239 : memref<10000x64xf32, #tpu.memory_space<hbm>>) dst(%arg15 : memref<125x64xf32, #tpu.memory_space<vmem>>)
      "tpu.region"() ({
        %run_scoped3A_247 = tpu.sem_alloc : memref<!tpu.dma_semaphore, #tpu.memory_space<semaphore_mem>>
        %dma_start3A_248 = arith.constant 0 : i32
        %dma_start3A_249 = tpu.memref_slice %arg9[%add3A_233, %dma_start3A_248] : memref<160x125xi32, #tpu.memory_space<vmem>> -> memref<1x125xi32, #tpu.memory_space<vmem>>
        %dma_start3A_250 = tpu.memref_squeeze %dma_start3A_249 : memref<1x125xi32, #tpu.memory_space<vmem>> -> memref<125xi32, #tpu.memory_space<vmem>>
        %dma_start3A_251 = arith.constant 0 : i32
        %dma_start3A_252 = arith.constant 0 : i32
        %dma_start3A_253 = tpu.memref_slice %arg16[%dma_start3A_251, %dma_start3A_252] : memref<10000x64xf32, #tpu.memory_space<vmem_shared>> -> memref<10000x64xf32, #tpu.memory_space<vmem_shared>>
        tpu.enqueue_indirect_dma source(%arg15 : memref<125x64xf32, #tpu.memory_space<vmem>>) target(%dma_start3A_253 : memref<10000x64xf32, #tpu.memory_space<vmem_shared>>) offsets(%dma_start3A_250 : memref<125xi32, #tpu.memory_space<vmem>>) semaphore(%run_scoped3A_247 : memref<!tpu.dma_semaphore, #tpu.memory_space<semaphore_mem>>) {add = true}
        %dma_wait3A_254 = arith.constant 0 : i32
        %dma_wait3A_255 = tpu.memref_slice %arg9[%add3A_233, %dma_wait3A_254] : memref<160x125xi32, #tpu.memory_space<vmem>> -> memref<1x125xi32, #tpu.memory_space<vmem>>
        %dma_wait3A_256 = tpu.memref_squeeze %dma_wait3A_255 : memref<1x125xi32, #tpu.memory_space<vmem>> -> memref<125xi32, #tpu.memory_space<vmem>>
        %dma_wait3A_257 = arith.constant 0 : i32
        %dma_wait3A_258 = arith.constant 0 : i32
        %dma_wait3A_259 = tpu.memref_slice %arg16[%dma_wait3A_257, %dma_wait3A_258] : memref<10000x64xf32, #tpu.memory_space<vmem_shared>> -> memref<10000x64xf32, #tpu.memory_space<vmem_shared>>
        tpu.wait_indirect_dma semaphore(%run_scoped3A_247 : memref<!tpu.dma_semaphore, #tpu.memory_space<semaphore_mem>>) src(%arg15 : memref<125x64xf32, #tpu.memory_space<vmem>>) dst(%dma_wait3A_259 : memref<10000x64xf32, #tpu.memory_space<vmem_shared>>)
        tpu.yield
      }) : () -> ()
      %add3A_240 = arith.constant 6 : i32
      %add3A_241 = arith.addi %add3A_233, %add3A_240 : i32
      %lt3A_242 = arith.constant 160 : i32
      %lt3A_243 = arith.cmpi slt, %add3A_241, %lt3A_242 : i32
      %convert_element_type3A_244 = arith.extui %lt3A_243 : i1 to i32
      %cond3A_245 = arith.constant 0 : i32
      %cond3A_246 = arith.cmpi ne, %convert_element_type3A_244, %cond3A_245 : i32
      scf.if %cond3A_246 {
        %eq3A_247 = arith.constant 0 : i32
        %eq3A_248 = arith.cmpi eq, %arg0, %eq3A_247 : i32
        %convert_element_type3A_249 = arith.extui %eq3A_248 : i1 to i32
        %cond3A_250 = arith.constant 0 : i32
        %cond3A_251 = arith.cmpi ne, %convert_element_type3A_249, %cond3A_250 : i32
        scf.if %cond3A_251 {
          %dma_start3A_257 = arith.constant 0 : i32
          %dma_start3A_258 = tpu.memref_slice %arg8[%add3A_241, %dma_start3A_257] : memref<160x125xi32, #tpu.memory_space<vmem>> -> memref<1x125xi32, #tpu.memory_space<vmem>>
          %dma_start3A_259 = tpu.memref_squeeze %dma_start3A_258 : memref<1x125xi32, #tpu.memory_space<vmem>> -> memref<125xi32, #tpu.memory_space<vmem>>
          %dma_start3A_260 = arith.constant 0 : i32
          %dma_start3A_261 = arith.constant 0 : i32
          %dma_start3A_262 = tpu.memref_slice %arg2[%dma_start3A_260, %dma_start3A_261] : memref<10000x64xf32, #tpu.memory_space<hbm>> -> memref<10000x64xf32, #tpu.memory_space<hbm>>
          tpu.enqueue_indirect_dma source(%dma_start3A_262 : memref<10000x64xf32, #tpu.memory_space<hbm>>) target(%arg15 : memref<125x64xf32, #tpu.memory_space<vmem>>) offsets(%dma_start3A_259 : memref<125xi32, #tpu.memory_space<vmem>>) semaphore(%arg22 : memref<!tpu.dma_semaphore, #tpu.memory_space<semaphore_mem>>)
        } else {
        }
        %eq3A_252 = arith.constant 1 : i32
        %eq3A_253 = arith.cmpi eq, %arg0, %eq3A_252 : i32
        %convert_element_type3A_254 = arith.extui %eq3A_253 : i1 to i32
        %cond3A_255 = arith.constant 0 : i32
        %cond3A_256 = arith.cmpi ne, %convert_element_type3A_254, %cond3A_255 : i32
        scf.if %cond3A_256 {
          %dma_start3A_257 = arith.constant 0 : i32
          %dma_start3A_258 = tpu.memref_slice %arg8[%add3A_241, %dma_start3A_257] : memref<160x125xi32, #tpu.memory_space<vmem>> -> memref<1x125xi32, #tpu.memory_space<vmem>>
          %dma_start3A_259 = tpu.memref_squeeze %dma_start3A_258 : memref<1x125xi32, #tpu.memory_space<vmem>> -> memref<125xi32, #tpu.memory_space<vmem>>
          %dma_start3A_260 = arith.constant 0 : i32
          %dma_start3A_261 = arith.constant 0 : i32
          %dma_start3A_262 = tpu.memref_slice %arg3[%dma_start3A_260, %dma_start3A_261] : memref<10000x64xf32, #tpu.memory_space<hbm>> -> memref<10000x64xf32, #tpu.memory_space<hbm>>
          tpu.enqueue_indirect_dma source(%dma_start3A_262 : memref<10000x64xf32, #tpu.memory_space<hbm>>) target(%arg15 : memref<125x64xf32, #tpu.memory_space<vmem>>) offsets(%dma_start3A_259 : memref<125xi32, #tpu.memory_space<vmem>>) semaphore(%arg22 : memref<!tpu.dma_semaphore, #tpu.memory_space<semaphore_mem>>)
        } else {
        }
      } else {
      }
    }
    %scan3A_108 = arith.constant 26 : i32
    %dma_wait3A_109 = arith.constant 156 : i32
    %dma_wait3A_110 = arith.constant 0 : i32
    %dma_wait3A_111 = tpu.memref_slice %arg8[%dma_wait3A_109, %dma_wait3A_110] : memref<160x125xi32, #tpu.memory_space<vmem>> -> memref<1x125xi32, #tpu.memory_space<vmem>>
    %dma_wait3A_112 = tpu.memref_squeeze %dma_wait3A_111 : memref<1x125xi32, #tpu.memory_space<vmem>> -> memref<125xi32, #tpu.memory_space<vmem>>
    %dma_wait3A_113 = arith.constant 0 : i32
    %dma_wait3A_114 = arith.constant 0 : i32
    %dma_wait3A_115 = tpu.memref_slice %arg2[%dma_wait3A_113, %dma_wait3A_114] : memref<10000x64xf32, #tpu.memory_space<hbm>> -> memref<10000x64xf32, #tpu.memory_space<hbm>>
    tpu.wait_indirect_dma semaphore(%arg17 : memref<!tpu.dma_semaphore, #tpu.memory_space<semaphore_mem>>) src(%dma_wait3A_115 : memref<10000x64xf32, #tpu.memory_space<hbm>>) dst(%arg10 : memref<125x64xf32, #tpu.memory_space<vmem>>)
    %run_scoped3A = arith.constant 156 : i32
    "tpu.region"() ({
      %run_scoped3A_151 = tpu.sem_alloc : memref<!tpu.dma_semaphore, #tpu.memory_space<semaphore_mem>>
      %dma_start3A_152 = arith.constant 0 : i32
      %dma_start3A_153 = tpu.memref_slice %arg9[%run_scoped3A, %dma_start3A_152] : memref<160x125xi32, #tpu.memory_space<vmem>> -> memref<1x125xi32, #tpu.memory_space<vmem>>
      %dma_start3A_154 = tpu.memref_squeeze %dma_start3A_153 : memref<1x125xi32, #tpu.memory_space<vmem>> -> memref<125xi32, #tpu.memory_space<vmem>>
      %dma_start3A_155 = arith.constant 0 : i32
      %dma_start3A_156 = arith.constant 0 : i32
      %dma_start3A_157 = tpu.memref_slice %arg16[%dma_start3A_155, %dma_start3A_156] : memref<10000x64xf32, #tpu.memory_space<vmem_shared>> -> memref<10000x64xf32, #tpu.memory_space<vmem_shared>>
      tpu.enqueue_indirect_dma source(%arg10 : memref<125x64xf32, #tpu.memory_space<vmem>>) target(%dma_start3A_157 : memref<10000x64xf32, #tpu.memory_space<vmem_shared>>) offsets(%dma_start3A_154 : memref<125xi32, #tpu.memory_space<vmem>>) semaphore(%run_scoped3A_151 : memref<!tpu.dma_semaphore, #tpu.memory_space<semaphore_mem>>) {add = true}
      %dma_wait3A_158 = arith.constant 0 : i32
      %dma_wait3A_159 = tpu.memref_slice %arg9[%run_scoped3A, %dma_wait3A_158] : memref<160x125xi32, #tpu.memory_space<vmem>> -> memref<1x125xi32, #tpu.memory_space<vmem>>
      %dma_wait3A_160 = tpu.memref_squeeze %dma_wait3A_159 : memref<1x125xi32, #tpu.memory_space<vmem>> -> memref<125xi32, #tpu.memory_space<vmem>>
      %dma_wait3A_161 = arith.constant 0 : i32
      %dma_wait3A_162 = arith.constant 0 : i32
      %dma_wait3A_163 = tpu.memref_slice %arg16[%dma_wait3A_161, %dma_wait3A_162] : memref<10000x64xf32, #tpu.memory_space<vmem_shared>> -> memref<10000x64xf32, #tpu.memory_space<vmem_shared>>
      tpu.wait_indirect_dma semaphore(%run_scoped3A_151 : memref<!tpu.dma_semaphore, #tpu.memory_space<semaphore_mem>>) src(%arg10 : memref<125x64xf32, #tpu.memory_space<vmem>>) dst(%dma_wait3A_163 : memref<10000x64xf32, #tpu.memory_space<vmem_shared>>)
      tpu.yield
    }) : () -> ()
    %dma_wait3A_116 = arith.constant 157 : i32
    %dma_wait3A_117 = arith.constant 0 : i32
    %dma_wait3A_118 = tpu.memref_slice %arg8[%dma_wait3A_116, %dma_wait3A_117] : memref<160x125xi32, #tpu.memory_space<vmem>> -> memref<1x125xi32, #tpu.memory_space<vmem>>
    %dma_wait3A_119 = tpu.memref_squeeze %dma_wait3A_118 : memref<1x125xi32, #tpu.memory_space<vmem>> -> memref<125xi32, #tpu.memory_space<vmem>>
    %dma_wait3A_120 = arith.constant 0 : i32
    %dma_wait3A_121 = arith.constant 0 : i32
    %dma_wait3A_122 = tpu.memref_slice %arg2[%dma_wait3A_120, %dma_wait3A_121] : memref<10000x64xf32, #tpu.memory_space<hbm>> -> memref<10000x64xf32, #tpu.memory_space<hbm>>
    tpu.wait_indirect_dma semaphore(%arg18 : memref<!tpu.dma_semaphore, #tpu.memory_space<semaphore_mem>>) src(%dma_wait3A_122 : memref<10000x64xf32, #tpu.memory_space<hbm>>) dst(%arg11 : memref<125x64xf32, #tpu.memory_space<vmem>>)
    %run_scoped3A_123 = arith.constant 157 : i32
    "tpu.region"() ({
      %run_scoped3A_151 = tpu.sem_alloc : memref<!tpu.dma_semaphore, #tpu.memory_space<semaphore_mem>>
      %dma_start3A_152 = arith.constant 0 : i32
      %dma_start3A_153 = tpu.memref_slice %arg9[%run_scoped3A_123, %dma_start3A_152] : memref<160x125xi32, #tpu.memory_space<vmem>> -> memref<1x125xi32, #tpu.memory_space<vmem>>
      %dma_start3A_154 = tpu.memref_squeeze %dma_start3A_153 : memref<1x125xi32, #tpu.memory_space<vmem>> -> memref<125xi32, #tpu.memory_space<vmem>>
      %dma_start3A_155 = arith.constant 0 : i32
      %dma_start3A_156 = arith.constant 0 : i32
      %dma_start3A_157 = tpu.memref_slice %arg16[%dma_start3A_155, %dma_start3A_156] : memref<10000x64xf32, #tpu.memory_space<vmem_shared>> -> memref<10000x64xf32, #tpu.memory_space<vmem_shared>>
      tpu.enqueue_indirect_dma source(%arg11 : memref<125x64xf32, #tpu.memory_space<vmem>>) target(%dma_start3A_157 : memref<10000x64xf32, #tpu.memory_space<vmem_shared>>) offsets(%dma_start3A_154 : memref<125xi32, #tpu.memory_space<vmem>>) semaphore(%run_scoped3A_151 : memref<!tpu.dma_semaphore, #tpu.memory_space<semaphore_mem>>) {add = true}
      %dma_wait3A_158 = arith.constant 0 : i32
      %dma_wait3A_159 = tpu.memref_slice %arg9[%run_scoped3A_123, %dma_wait3A_158] : memref<160x125xi32, #tpu.memory_space<vmem>> -> memref<1x125xi32, #tpu.memory_space<vmem>>
      %dma_wait3A_160 = tpu.memref_squeeze %dma_wait3A_159 : memref<1x125xi32, #tpu.memory_space<vmem>> -> memref<125xi32, #tpu.memory_space<vmem>>
      %dma_wait3A_161 = arith.constant 0 : i32
      %dma_wait3A_162 = arith.constant 0 : i32
      %dma_wait3A_163 = tpu.memref_slice %arg16[%dma_wait3A_161, %dma_wait3A_162] : memref<10000x64xf32, #tpu.memory_space<vmem_shared>> -> memref<10000x64xf32, #tpu.memory_space<vmem_shared>>
      tpu.wait_indirect_dma semaphore(%run_scoped3A_151 : memref<!tpu.dma_semaphore, #tpu.memory_space<semaphore_mem>>) src(%arg11 : memref<125x64xf32, #tpu.memory_space<vmem>>) dst(%dma_wait3A_163 : memref<10000x64xf32, #tpu.memory_space<vmem_shared>>)
      tpu.yield
    }) : () -> ()
    %dma_wait3A_124 = arith.constant 158 : i32
    %dma_wait3A_125 = arith.constant 0 : i32
    %dma_wait3A_126 = tpu.memref_slice %arg8[%dma_wait3A_124, %dma_wait3A_125] : memref<160x125xi32, #tpu.memory_space<vmem>> -> memref<1x125xi32, #tpu.memory_space<vmem>>
    %dma_wait3A_127 = tpu.memref_squeeze %dma_wait3A_126 : memref<1x125xi32, #tpu.memory_space<vmem>> -> memref<125xi32, #tpu.memory_space<vmem>>
    %dma_wait3A_128 = arith.constant 0 : i32
    %dma_wait3A_129 = arith.constant 0 : i32
    %dma_wait3A_130 = tpu.memref_slice %arg2[%dma_wait3A_128, %dma_wait3A_129] : memref<10000x64xf32, #tpu.memory_space<hbm>> -> memref<10000x64xf32, #tpu.memory_space<hbm>>
    tpu.wait_indirect_dma semaphore(%arg19 : memref<!tpu.dma_semaphore, #tpu.memory_space<semaphore_mem>>) src(%dma_wait3A_130 : memref<10000x64xf32, #tpu.memory_space<hbm>>) dst(%arg12 : memref<125x64xf32, #tpu.memory_space<vmem>>)
    %run_scoped3A_131 = arith.constant 158 : i32
    "tpu.region"() ({
      %run_scoped3A_151 = tpu.sem_alloc : memref<!tpu.dma_semaphore, #tpu.memory_space<semaphore_mem>>
      %dma_start3A_152 = arith.constant 0 : i32
      %dma_start3A_153 = tpu.memref_slice %arg9[%run_scoped3A_131, %dma_start3A_152] : memref<160x125xi32, #tpu.memory_space<vmem>> -> memref<1x125xi32, #tpu.memory_space<vmem>>
      %dma_start3A_154 = tpu.memref_squeeze %dma_start3A_153 : memref<1x125xi32, #tpu.memory_space<vmem>> -> memref<125xi32, #tpu.memory_space<vmem>>
      %dma_start3A_155 = arith.constant 0 : i32
      %dma_start3A_156 = arith.constant 0 : i32
      %dma_start3A_157 = tpu.memref_slice %arg16[%dma_start3A_155, %dma_start3A_156] : memref<10000x64xf32, #tpu.memory_space<vmem_shared>> -> memref<10000x64xf32, #tpu.memory_space<vmem_shared>>
      tpu.enqueue_indirect_dma source(%arg12 : memref<125x64xf32, #tpu.memory_space<vmem>>) target(%dma_start3A_157 : memref<10000x64xf32, #tpu.memory_space<vmem_shared>>) offsets(%dma_start3A_154 : memref<125xi32, #tpu.memory_space<vmem>>) semaphore(%run_scoped3A_151 : memref<!tpu.dma_semaphore, #tpu.memory_space<semaphore_mem>>) {add = true}
      %dma_wait3A_158 = arith.constant 0 : i32
      %dma_wait3A_159 = tpu.memref_slice %arg9[%run_scoped3A_131, %dma_wait3A_158] : memref<160x125xi32, #tpu.memory_space<vmem>> -> memref<1x125xi32, #tpu.memory_space<vmem>>
      %dma_wait3A_160 = tpu.memref_squeeze %dma_wait3A_159 : memref<1x125xi32, #tpu.memory_space<vmem>> -> memref<125xi32, #tpu.memory_space<vmem>>
      %dma_wait3A_161 = arith.constant 0 : i32
      %dma_wait3A_162 = arith.constant 0 : i32
      %dma_wait3A_163 = tpu.memref_slice %arg16[%dma_wait3A_161, %dma_wait3A_162] : memref<10000x64xf32, #tpu.memory_space<vmem_shared>> -> memref<10000x64xf32, #tpu.memory_space<vmem_shared>>
      tpu.wait_indirect_dma semaphore(%run_scoped3A_151 : memref<!tpu.dma_semaphore, #tpu.memory_space<semaphore_mem>>) src(%arg12 : memref<125x64xf32, #tpu.memory_space<vmem>>) dst(%dma_wait3A_163 : memref<10000x64xf32, #tpu.memory_space<vmem_shared>>)
      tpu.yield
    }) : () -> ()
    %dma_wait3A_132 = arith.constant 159 : i32
    %dma_wait3A_133 = arith.constant 0 : i32
    %dma_wait3A_134 = tpu.memref_slice %arg8[%dma_wait3A_132, %dma_wait3A_133] : memref<160x125xi32, #tpu.memory_space<vmem>> -> memref<1x125xi32, #tpu.memory_space<vmem>>
    %dma_wait3A_135 = tpu.memref_squeeze %dma_wait3A_134 : memref<1x125xi32, #tpu.memory_space<vmem>> -> memref<125xi32, #tpu.memory_space<vmem>>
    %dma_wait3A_136 = arith.constant 0 : i32
    %dma_wait3A_137 = arith.constant 0 : i32
    %dma_wait3A_138 = tpu.memref_slice %arg2[%dma_wait3A_136, %dma_wait3A_137] : memref<10000x64xf32, #tpu.memory_space<hbm>> -> memref<10000x64xf32, #tpu.memory_space<hbm>>
    tpu.wait_indirect_dma semaphore(%arg20 : memref<!tpu.dma_semaphore, #tpu.memory_space<semaphore_mem>>) src(%dma_wait3A_138 : memref<10000x64xf32, #tpu.memory_space<hbm>>) dst(%arg13 : memref<125x64xf32, #tpu.memory_space<vmem>>)
    %run_scoped3A_139 = arith.constant 159 : i32
    "tpu.region"() ({
      %run_scoped3A_151 = tpu.sem_alloc : memref<!tpu.dma_semaphore, #tpu.memory_space<semaphore_mem>>
      %dma_start3A_152 = arith.constant 0 : i32
      %dma_start3A_153 = tpu.memref_slice %arg9[%run_scoped3A_139, %dma_start3A_152] : memref<160x125xi32, #tpu.memory_space<vmem>> -> memref<1x125xi32, #tpu.memory_space<vmem>>
      %dma_start3A_154 = tpu.memref_squeeze %dma_start3A_153 : memref<1x125xi32, #tpu.memory_space<vmem>> -> memref<125xi32, #tpu.memory_space<vmem>>
      %dma_start3A_155 = arith.constant 0 : i32
      %dma_start3A_156 = arith.constant 0 : i32
      %dma_start3A_157 = tpu.memref_slice %arg16[%dma_start3A_155, %dma_start3A_156] : memref<10000x64xf32, #tpu.memory_space<vmem_shared>> -> memref<10000x64xf32, #tpu.memory_space<vmem_shared>>
      tpu.enqueue_indirect_dma source(%arg13 : memref<125x64xf32, #tpu.memory_space<vmem>>) target(%dma_start3A_157 : memref<10000x64xf32, #tpu.memory_space<vmem_shared>>) offsets(%dma_start3A_154 : memref<125xi32, #tpu.memory_space<vmem>>) semaphore(%run_scoped3A_151 : memref<!tpu.dma_semaphore, #tpu.memory_space<semaphore_mem>>) {add = true}
      %dma_wait3A_158 = arith.constant 0 : i32
      %dma_wait3A_159 = tpu.memref_slice %arg9[%run_scoped3A_139, %dma_wait3A_158] : memref<160x125xi32, #tpu.memory_space<vmem>> -> memref<1x125xi32, #tpu.memory_space<vmem>>
      %dma_wait3A_160 = tpu.memref_squeeze %dma_wait3A_159 : memref<1x125xi32, #tpu.memory_space<vmem>> -> memref<125xi32, #tpu.memory_space<vmem>>
      %dma_wait3A_161 = arith.constant 0 : i32
      %dma_wait3A_162 = arith.constant 0 : i32
      %dma_wait3A_163 = tpu.memref_slice %arg16[%dma_wait3A_161, %dma_wait3A_162] : memref<10000x64xf32, #tpu.memory_space<vmem_shared>> -> memref<10000x64xf32, #tpu.memory_space<vmem_shared>>
      tpu.wait_indirect_dma semaphore(%run_scoped3A_151 : memref<!tpu.dma_semaphore, #tpu.memory_space<semaphore_mem>>) src(%arg13 : memref<125x64xf32, #tpu.memory_space<vmem>>) dst(%dma_wait3A_163 : memref<10000x64xf32, #tpu.memory_space<vmem_shared>>)
      tpu.yield
    }) : () -> ()
    %barrier3A_140 = arith.constant 0 : index
    tpu.barrier barrier_id(%barrier3A_140)
    %eq3A_141 = arith.constant 0 : i32
    %eq3A_142 = arith.cmpi eq, %arg0, %eq3A_141 : i32
    %convert_element_type3A_143 = arith.extui %eq3A_142 : i1 to i32
    %cond3A_144 = arith.constant 0 : i32
    %cond3A_145 = arith.cmpi ne, %convert_element_type3A_143, %cond3A_144 : i32
    scf.if %cond3A_145 {
      %mul3A_151 = arith.constant 624 : i32
      %mul3A_152 = arith.muli %arg1, %mul3A_151 : i32
      %lt3A = arith.constant 15 : i32
      %lt3A_153 = arith.cmpi slt, %arg1, %lt3A : i32
      %convert_element_type3A_154 = arith.extui %lt3A_153 : i1 to i32
      %cond3A_155 = arith.constant 0 : i32
      %cond3A_156 = arith.cmpi ne, %convert_element_type3A_154, %cond3A_155 : i32
      scf.if %cond3A_156 {
        "tpu.region"() ({
          %run_scoped3A_162 = tpu.sem_alloc : memref<!tpu.dma_semaphore, #tpu.memory_space<semaphore_mem>>
          %dma_start3A_163 = arith.constant 0 : i32
          %dma_start3A_164 = tpu.memref_slice %arg6[%mul3A_152, %dma_start3A_163] : memref<10000x64xf32, #tpu.memory_space<hbm>> -> memref<624x64xf32, #tpu.memory_space<hbm>>
          %dma_start3A_165 = arith.constant 0 : i32
          %dma_start3A_166 = tpu.memref_slice %arg16[%mul3A_152, %dma_start3A_165] : memref<10000x64xf32, #tpu.memory_space<vmem_shared>> -> memref<624x64xf32, #tpu.memory_space<vmem_shared>>
          tpu.enqueue_dma source(%dma_start3A_166 : memref<624x64xf32, #tpu.memory_space<vmem_shared>>) target(%dma_start3A_164 : memref<624x64xf32, #tpu.memory_space<hbm>>) target_semaphore(%run_scoped3A_162 : memref<!tpu.dma_semaphore, #tpu.memory_space<semaphore_mem>>)
          %dma_wait3A_167 = arith.constant 0 : i32
          %dma_wait3A_168 = tpu.memref_slice %arg6[%mul3A_152, %dma_wait3A_167] : memref<10000x64xf32, #tpu.memory_space<hbm>> -> memref<624x64xf32, #tpu.memory_space<hbm>>
          %dma_wait3A_169 = arith.constant 0 : i32
          %dma_wait3A_170 = tpu.memref_slice %arg16[%mul3A_152, %dma_wait3A_169] : memref<10000x64xf32, #tpu.memory_space<vmem_shared>> -> memref<624x64xf32, #tpu.memory_space<vmem_shared>>
          tpu.wait_dma2 semaphore(%run_scoped3A_162 : memref<!tpu.dma_semaphore, #tpu.memory_space<semaphore_mem>>) src(%dma_wait3A_170 : memref<624x64xf32, #tpu.memory_space<vmem_shared>>) dst(%dma_wait3A_168 : memref<624x64xf32, #tpu.memory_space<hbm>>)
          tpu.yield
        }) : () -> ()
      } else {
      }
      %eq3A_157 = arith.constant 15 : i32
      %eq3A_158 = arith.cmpi eq, %arg1, %eq3A_157 : i32
      %convert_element_type3A_159 = arith.extui %eq3A_158 : i1 to i32
      %cond3A_160 = arith.constant 0 : i32
      %cond3A_161 = arith.cmpi ne, %convert_element_type3A_159, %cond3A_160 : i32
      scf.if %cond3A_161 {
        "tpu.region"() ({
          %run_scoped3A_162 = tpu.sem_alloc : memref<!tpu.dma_semaphore, #tpu.memory_space<semaphore_mem>>
          %dma_start3A_163 = arith.constant 0 : i32
          %dma_start3A_164 = tpu.memref_slice %arg6[%mul3A_152, %dma_start3A_163] : memref<10000x64xf32, #tpu.memory_space<hbm>> -> memref<640x64xf32, #tpu.memory_space<hbm>>
          %dma_start3A_165 = arith.constant 0 : i32
          %dma_start3A_166 = tpu.memref_slice %arg16[%mul3A_152, %dma_start3A_165] : memref<10000x64xf32, #tpu.memory_space<vmem_shared>> -> memref<640x64xf32, #tpu.memory_space<vmem_shared>>
          tpu.enqueue_dma source(%dma_start3A_166 : memref<640x64xf32, #tpu.memory_space<vmem_shared>>) target(%dma_start3A_164 : memref<640x64xf32, #tpu.memory_space<hbm>>) target_semaphore(%run_scoped3A_162 : memref<!tpu.dma_semaphore, #tpu.memory_space<semaphore_mem>>)
          %dma_wait3A_167 = arith.constant 0 : i32
          %dma_wait3A_168 = tpu.memref_slice %arg6[%mul3A_152, %dma_wait3A_167] : memref<10000x64xf32, #tpu.memory_space<hbm>> -> memref<640x64xf32, #tpu.memory_space<hbm>>
          %dma_wait3A_169 = arith.constant 0 : i32
          %dma_wait3A_170 = tpu.memref_slice %arg16[%mul3A_152, %dma_wait3A_169] : memref<10000x64xf32, #tpu.memory_space<vmem_shared>> -> memref<640x64xf32, #tpu.memory_space<vmem_shared>>
          tpu.wait_dma2 semaphore(%run_scoped3A_162 : memref<!tpu.dma_semaphore, #tpu.memory_space<semaphore_mem>>) src(%dma_wait3A_170 : memref<640x64xf32, #tpu.memory_space<vmem_shared>>) dst(%dma_wait3A_168 : memref<640x64xf32, #tpu.memory_space<hbm>>)
          tpu.yield
        }) : () -> ()
      } else {
      }
    } else {
    }
    %eq3A_146 = arith.constant 1 : i32
    %eq3A_147 = arith.cmpi eq, %arg0, %eq3A_146 : i32
    %convert_element_type3A_148 = arith.extui %eq3A_147 : i1 to i32
    %cond3A_149 = arith.constant 0 : i32
    %cond3A_150 = arith.cmpi ne, %convert_element_type3A_148, %cond3A_149 : i32
    scf.if %cond3A_150 {
      %mul3A_151 = arith.constant 624 : i32
      %mul3A_152 = arith.muli %arg1, %mul3A_151 : i32
      %lt3A = arith.constant 15 : i32
      %lt3A_153 = arith.cmpi slt, %arg1, %lt3A : i32
      %convert_element_type3A_154 = arith.extui %lt3A_153 : i1 to i32
      %cond3A_155 = arith.constant 0 : i32
      %cond3A_156 = arith.cmpi ne, %convert_element_type3A_154, %cond3A_155 : i32
      scf.if %cond3A_156 {
        "tpu.region"() ({
          %run_scoped3A_162 = tpu.sem_alloc : memref<!tpu.dma_semaphore, #tpu.memory_space<semaphore_mem>>
          %dma_start3A_163 = arith.constant 0 : i32
          %dma_start3A_164 = tpu.memref_slice %arg7[%mul3A_152, %dma_start3A_163] : memref<10000x64xf32, #tpu.memory_space<hbm>> -> memref<624x64xf32, #tpu.memory_space<hbm>>
          %dma_start3A_165 = arith.constant 0 : i32
          %dma_start3A_166 = tpu.memref_slice %arg16[%mul3A_152, %dma_start3A_165] : memref<10000x64xf32, #tpu.memory_space<vmem_shared>> -> memref<624x64xf32, #tpu.memory_space<vmem_shared>>
          tpu.enqueue_dma source(%dma_start3A_166 : memref<624x64xf32, #tpu.memory_space<vmem_shared>>) target(%dma_start3A_164 : memref<624x64xf32, #tpu.memory_space<hbm>>) target_semaphore(%run_scoped3A_162 : memref<!tpu.dma_semaphore, #tpu.memory_space<semaphore_mem>>)
          %dma_wait3A_167 = arith.constant 0 : i32
          %dma_wait3A_168 = tpu.memref_slice %arg7[%mul3A_152, %dma_wait3A_167] : memref<10000x64xf32, #tpu.memory_space<hbm>> -> memref<624x64xf32, #tpu.memory_space<hbm>>
          %dma_wait3A_169 = arith.constant 0 : i32
          %dma_wait3A_170 = tpu.memref_slice %arg16[%mul3A_152, %dma_wait3A_169] : memref<10000x64xf32, #tpu.memory_space<vmem_shared>> -> memref<624x64xf32, #tpu.memory_space<vmem_shared>>
          tpu.wait_dma2 semaphore(%run_scoped3A_162 : memref<!tpu.dma_semaphore, #tpu.memory_space<semaphore_mem>>) src(%dma_wait3A_170 : memref<624x64xf32, #tpu.memory_space<vmem_shared>>) dst(%dma_wait3A_168 : memref<624x64xf32, #tpu.memory_space<hbm>>)
          tpu.yield
        }) : () -> ()
      } else {
      }
      %eq3A_157 = arith.constant 15 : i32
      %eq3A_158 = arith.cmpi eq, %arg1, %eq3A_157 : i32
      %convert_element_type3A_159 = arith.extui %eq3A_158 : i1 to i32
      %cond3A_160 = arith.constant 0 : i32
      %cond3A_161 = arith.cmpi ne, %convert_element_type3A_159, %cond3A_160 : i32
      scf.if %cond3A_161 {
        "tpu.region"() ({
          %run_scoped3A_162 = tpu.sem_alloc : memref<!tpu.dma_semaphore, #tpu.memory_space<semaphore_mem>>
          %dma_start3A_163 = arith.constant 0 : i32
          %dma_start3A_164 = tpu.memref_slice %arg7[%mul3A_152, %dma_start3A_163] : memref<10000x64xf32, #tpu.memory_space<hbm>> -> memref<640x64xf32, #tpu.memory_space<hbm>>
          %dma_start3A_165 = arith.constant 0 : i32
          %dma_start3A_166 = tpu.memref_slice %arg16[%mul3A_152, %dma_start3A_165] : memref<10000x64xf32, #tpu.memory_space<vmem_shared>> -> memref<640x64xf32, #tpu.memory_space<vmem_shared>>
          tpu.enqueue_dma source(%dma_start3A_166 : memref<640x64xf32, #tpu.memory_space<vmem_shared>>) target(%dma_start3A_164 : memref<640x64xf32, #tpu.memory_space<hbm>>) target_semaphore(%run_scoped3A_162 : memref<!tpu.dma_semaphore, #tpu.memory_space<semaphore_mem>>)
          %dma_wait3A_167 = arith.constant 0 : i32
          %dma_wait3A_168 = tpu.memref_slice %arg7[%mul3A_152, %dma_wait3A_167] : memref<10000x64xf32, #tpu.memory_space<hbm>> -> memref<640x64xf32, #tpu.memory_space<hbm>>
          %dma_wait3A_169 = arith.constant 0 : i32
          %dma_wait3A_170 = tpu.memref_slice %arg16[%mul3A_152, %dma_wait3A_169] : memref<10000x64xf32, #tpu.memory_space<vmem_shared>> -> memref<640x64xf32, #tpu.memory_space<vmem_shared>>
          tpu.wait_dma2 semaphore(%run_scoped3A_162 : memref<!tpu.dma_semaphore, #tpu.memory_space<semaphore_mem>>) src(%dma_wait3A_170 : memref<640x64xf32, #tpu.memory_space<vmem_shared>>) dst(%dma_wait3A_168 : memref<640x64xf32, #tpu.memory_space<hbm>>)
          tpu.yield
        }) : () -> ()
      } else {
      }
    } else {
    }
    return
  }
}

#map = affine_map<(d0, d1) -> (0, 0)>
#map1 = affine_map<(d0, d1) -> (0, 0, 0)>
module attributes {stable_mosaic.version = 14 : i64} {
  func.func @_scatter_body(%arg0: i32, %arg1: i32, %arg2: memref<10000x64xf32, #tpu.memory_space<hbm>>, %arg3: memref<10000x64xf32, #tpu.memory_space<hbm>>, %arg4: memref<16x160x125xi32, #tpu.memory_space<hbm>>, %arg5: memref<16x160x125xi32, #tpu.memory_space<hbm>>, %arg6: memref<10000x64xf32, #tpu.memory_space<hbm>>, %arg7: memref<10000x64xf32, #tpu.memory_space<hbm>>, %arg8: memref<160x125xi32, #tpu.memory_space<vmem>>, %arg9: memref<160x125xi32, #tpu.memory_space<vmem>>, %arg10: memref<125x64xf32, #tpu.memory_space<vmem>>, %arg11: memref<125x64xf32, #tpu.memory_space<vmem>>, %arg12: memref<125x64xf32, #tpu.memory_space<vmem>>, %arg13: memref<125x64xf32, #tpu.memory_space<vmem>>, %arg14: memref<125x64xf32, #tpu.memory_space<vmem>>, %arg15: memref<125x64xf32, #tpu.memory_space<vmem>>, %arg16: memref<10000x64xf32, #tpu.memory_space<vmem_shared>>, %arg17: memref<!tpu.dma_semaphore, #tpu.memory_space<semaphore_mem>>, %arg18: memref<!tpu.dma_semaphore, #tpu.memory_space<semaphore_mem>>, %arg19: memref<!tpu.dma_semaphore, #tpu.memory_space<semaphore_mem>>, %arg20: memref<!tpu.dma_semaphore, #tpu.memory_space<semaphore_mem>>, %arg21: memref<!tpu.dma_semaphore, #tpu.memory_space<semaphore_mem>>, %arg22: memref<!tpu.dma_semaphore, #tpu.memory_space<semaphore_mem>>, %arg23: memref<!tpu.dma_semaphore, #tpu.memory_space<semaphore_mem>>) attributes {dimension_semantics = [#tpu.dimension_semantics<core_parallel>, #tpu.dimension_semantics<subcore_parallel>], iteration_bounds = array<i64: 2, 16>, scalar_prefetch = 0 : i64, scratch_operands = 16 : i64, tpu.core_type = #tpu.core_type<sc_vector_subcore>, window_params = [{transform_indices = #map}, {transform_indices = #map}, {transform_indices = #map1}, {transform_indices = #map1}, {transform_indices = #map}, {transform_indices = #map}]} {
    %broadcast_in_dim3A = arith.constant 0.000000e+00 : f32
    %broadcast_in_dim3A_0 = vector.broadcast %broadcast_in_dim3A : f32 to vector<16xf32>
    %dma_start3A = arith.constant 0 : i32
    %dma_start3A_1 = arith.constant 0 : i32
    %dma_start3A_2 = tpu.memref_slice %arg4[%arg1, %dma_start3A, %dma_start3A_1] : memref<16x160x125xi32, #tpu.memory_space<hbm>> -> memref<1x160x125xi32, #tpu.memory_space<hbm>>
    %dma_start3A_3 = tpu.memref_squeeze %dma_start3A_2 : memref<1x160x125xi32, #tpu.memory_space<hbm>> -> memref<160x125xi32, #tpu.memory_space<hbm>>
    %dma_start3A_4 = arith.constant 0 : i32
    %dma_start3A_5 = arith.constant 0 : i32
    %dma_start3A_6 = tpu.memref_slice %arg4[%arg1, %dma_start3A_4, %dma_start3A_5] : memref<16x160x125xi32, #tpu.memory_space<hbm>> -> memref<1x160x125xi32, #tpu.memory_space<hbm>>
    %dma_start3A_7 = tpu.memref_squeeze %dma_start3A_6 : memref<1x160x125xi32, #tpu.memory_space<hbm>> -> memref<160x125xi32, #tpu.memory_space<hbm>>
    tpu.enqueue_dma source(%dma_start3A_7 : memref<160x125xi32, #tpu.memory_space<hbm>>) target(%arg8 : memref<160x125xi32, #tpu.memory_space<vmem>>) target_semaphore(%arg23 : memref<!tpu.dma_semaphore, #tpu.memory_space<semaphore_mem>>)
    %dma_start3A_8 = arith.constant 0 : i32
    %dma_start3A_9 = arith.constant 0 : i32
    %dma_start3A_10 = tpu.memref_slice %arg5[%arg1, %dma_start3A_8, %dma_start3A_9] : memref<16x160x125xi32, #tpu.memory_space<hbm>> -> memref<1x160x125xi32, #tpu.memory_space<hbm>>
    %dma_start3A_11 = tpu.memref_squeeze %dma_start3A_10 : memref<1x160x125xi32, #tpu.memory_space<hbm>> -> memref<160x125xi32, #tpu.memory_space<hbm>>
    %dma_start3A_12 = arith.constant 0 : i32
    %dma_start3A_13 = arith.constant 0 : i32
    %dma_start3A_14 = tpu.memref_slice %arg5[%arg1, %dma_start3A_12, %dma_start3A_13] : memref<16x160x125xi32, #tpu.memory_space<hbm>> -> memref<1x160x125xi32, #tpu.memory_space<hbm>>
    %dma_start3A_15 = tpu.memref_squeeze %dma_start3A_14 : memref<1x160x125xi32, #tpu.memory_space<hbm>> -> memref<160x125xi32, #tpu.memory_space<hbm>>
    tpu.enqueue_dma source(%dma_start3A_15 : memref<160x125xi32, #tpu.memory_space<hbm>>) target(%arg9 : memref<160x125xi32, #tpu.memory_space<vmem>>) target_semaphore(%arg23 : memref<!tpu.dma_semaphore, #tpu.memory_space<semaphore_mem>>)
    %scan3A = arith.constant 0 : i32
    %scan3A_16 = arith.constant 125 : i32
    %scan3A_17 = arith.addi %scan3A, %scan3A_16 : i32
    %scan3A_18 = arith.constant 1 : i32
    scf.for %scan3A_151 = %scan3A to %scan3A_17 step %scan3A_18  : i32 {
      %mul3A_152 = arith.constant 1 : i32
      %mul3A_153 = arith.muli %scan3A_151, %mul3A_152 : i32
      %add3A_154 = arith.constant 0 : i32
      %add3A_155 = arith.addi %add3A_154, %mul3A_153 : i32
      %swap3A = arith.index_cast %add3A_155 : i32 to index
      %swap3A_156 = arith.constant 0 : index
      %swap3A_157 = tpu.vector_load %arg10[%swap3A, %swap3A_156] {strides = array<i32>} : memref<125x64xf32, #tpu.memory_space<vmem>>, vector<1x16xf32>,
      %swap3A_158 = vector.shape_cast %swap3A_157 : vector<1x16xf32> to vector<16xf32>
      %swap3A_159 = vector.shape_cast %broadcast_in_dim3A_0 : vector<16xf32> to vector<1x16xf32>
      tpu.vector_store %arg10[%swap3A, %swap3A_156], %swap3A_159 {strides = array<i32>} : memref<125x64xf32, #tpu.memory_space<vmem>>, vector<1x16xf32>,
      %swap3A_160 = arith.index_cast %add3A_155 : i32 to index
      %swap3A_161 = arith.constant 16 : index
      %swap3A_162 = tpu.vector_load %arg10[%swap3A_160, %swap3A_161] {strides = array<i32>} : memref<125x64xf32, #tpu.memory_space<vmem>>, vector<1x16xf32>,
      %swap3A_163 = vector.shape_cast %swap3A_162 : vector<1x16xf32> to vector<16xf32>
      %swap3A_164 = vector.shape_cast %broadcast_in_dim3A_0 : vector<16xf32> to vector<1x16xf32>
      tpu.vector_store %arg10[%swap3A_160, %swap3A_161], %swap3A_164 {strides = array<i32>} : memref<125x64xf32, #tpu.memory_space<vmem>>, vector<1x16xf32>,
      %swap3A_165 = arith.index_cast %add3A_155 : i32 to index
      %swap3A_166 = arith.constant 32 : index
      %swap3A_167 = tpu.vector_load %arg10[%swap3A_165, %swap3A_166] {strides = array<i32>} : memref<125x64xf32, #tpu.memory_space<vmem>>, vector<1x16xf32>,
      %swap3A_168 = vector.shape_cast %swap3A_167 : vector<1x16xf32> to vector<16xf32>
      %swap3A_169 = vector.shape_cast %broadcast_in_dim3A_0 : vector<16xf32> to vector<1x16xf32>
      tpu.vector_store %arg10[%swap3A_165, %swap3A_166], %swap3A_169 {strides = array<i32>} : memref<125x64xf32, #tpu.memory_space<vmem>>, vector<1x16xf32>,
      %swap3A_170 = arith.index_cast %add3A_155 : i32 to index
      %swap3A_171 = arith.constant 48 : index
      %swap3A_172 = tpu.vector_load %arg10[%swap3A_170, %swap3A_171] {strides = array<i32>} : memref<125x64xf32, #tpu.memory_space<vmem>>, vector<1x16xf32>,
      %swap3A_173 = vector.shape_cast %swap3A_172 : vector<1x16xf32> to vector<16xf32>
      %swap3A_174 = vector.shape_cast %broadcast_in_dim3A_0 : vector<16xf32> to vector<1x16xf32>
      tpu.vector_store %arg10[%swap3A_170, %swap3A_171], %swap3A_174 {strides = array<i32>} : memref<125x64xf32, #tpu.memory_space<vmem>>, vector<1x16xf32>,
    }
    %scan3A_19 = arith.constant 125 : i32
    %mul3A = arith.constant 624 : i32
    %mul3A_20 = arith.muli %arg1, %mul3A : i32
    %add3A = arith.constant 0 : i32
    %add3A_21 = arith.addi %mul3A_20, %add3A : i32
    "tpu.region"() ({
      %run_scoped3A_151 = tpu.sem_alloc : memref<!tpu.dma_semaphore, #tpu.memory_space<semaphore_mem>>
      %dma_start3A_152 = arith.constant 0 : i32
      %dma_start3A_153 = arith.constant 0 : i32
      %dma_start3A_154 = tpu.memref_slice %arg10[%dma_start3A_152, %dma_start3A_153] : memref<125x64xf32, #tpu.memory_space<vmem>> -> memref<120x64xf32, #tpu.memory_space<vmem>>
      %dma_start3A_155 = arith.constant 0 : i32
      %dma_start3A_156 = tpu.memref_slice %arg16[%add3A_21, %dma_start3A_155] : memref<10000x64xf32, #tpu.memory_space<vmem_shared>> -> memref<120x64xf32, #tpu.memory_space<vmem_shared>>
      %dma_start3A_157 = arith.constant 0 : i32
      %dma_start3A_158 = tpu.memref_slice %arg16[%add3A_21, %dma_start3A_157] : memref<10000x64xf32, #tpu.memory_space<vmem_shared>> -> memref<120x64xf32, #tpu.memory_space<vmem_shared>>
      %dma_start3A_159 = arith.constant 0 : i32
      %dma_start3A_160 = arith.constant 0 : i32
      %dma_start3A_161 = tpu.memref_slice %arg10[%dma_start3A_159, %dma_start3A_160] : memref<125x64xf32, #tpu.memory_space<vmem>> -> memref<120x64xf32, #tpu.memory_space<vmem>>
      tpu.enqueue_dma source(%dma_start3A_161 : memref<120x64xf32, #tpu.memory_space<vmem>>) target(%dma_start3A_158 : memref<120x64xf32, #tpu.memory_space<vmem_shared>>) target_semaphore(%run_scoped3A_151 : memref<!tpu.dma_semaphore, #tpu.memory_space<semaphore_mem>>)
      %dma_wait3A_162 = arith.constant 0 : i32
      %dma_wait3A_163 = arith.constant 0 : i32
      %dma_wait3A_164 = tpu.memref_slice %arg10[%dma_wait3A_162, %dma_wait3A_163] : memref<125x64xf32, #tpu.memory_space<vmem>> -> memref<120x64xf32, #tpu.memory_space<vmem>>
      %dma_wait3A_165 = arith.constant 0 : i32
      %dma_wait3A_166 = tpu.memref_slice %arg16[%add3A_21, %dma_wait3A_165] : memref<10000x64xf32, #tpu.memory_space<vmem_shared>> -> memref<120x64xf32, #tpu.memory_space<vmem_shared>>
      %dma_wait3A_167 = arith.constant 0 : i32
      %dma_wait3A_168 = tpu.memref_slice %arg16[%add3A_21, %dma_wait3A_167] : memref<10000x64xf32, #tpu.memory_space<vmem_shared>> -> memref<120x64xf32, #tpu.memory_space<vmem_shared>>
      %dma_wait3A_169 = arith.constant 0 : i32
      %dma_wait3A_170 = arith.constant 0 : i32
      %dma_wait3A_171 = tpu.memref_slice %arg10[%dma_wait3A_169, %dma_wait3A_170] : memref<125x64xf32, #tpu.memory_space<vmem>> -> memref<120x64xf32, #tpu.memory_space<vmem>>
      tpu.wait_dma2 semaphore(%run_scoped3A_151 : memref<!tpu.dma_semaphore, #tpu.memory_space<semaphore_mem>>) src(%dma_wait3A_171 : memref<120x64xf32, #tpu.memory_space<vmem>>) dst(%dma_wait3A_168 : memref<120x64xf32, #tpu.memory_space<vmem_shared>>)
      tpu.yield
    }) : () -> ()
    %add3A_22 = arith.constant 120 : i32
    %add3A_23 = arith.addi %mul3A_20, %add3A_22 : i32
    "tpu.region"() ({
      %run_scoped3A_151 = tpu.sem_alloc : memref<!tpu.dma_semaphore, #tpu.memory_space<semaphore_mem>>
      %dma_start3A_152 = arith.constant 0 : i32
      %dma_start3A_153 = arith.constant 0 : i32
      %dma_start3A_154 = tpu.memref_slice %arg10[%dma_start3A_152, %dma_start3A_153] : memref<125x64xf32, #tpu.memory_space<vmem>> -> memref<120x64xf32, #tpu.memory_space<vmem>>
      %dma_start3A_155 = arith.constant 0 : i32
      %dma_start3A_156 = tpu.memref_slice %arg16[%add3A_23, %dma_start3A_155] : memref<10000x64xf32, #tpu.memory_space<vmem_shared>> -> memref<120x64xf32, #tpu.memory_space<vmem_shared>>
      %dma_start3A_157 = arith.constant 0 : i32
      %dma_start3A_158 = tpu.memref_slice %arg16[%add3A_23, %dma_start3A_157] : memref<10000x64xf32, #tpu.memory_space<vmem_shared>> -> memref<120x64xf32, #tpu.memory_space<vmem_shared>>
      %dma_start3A_159 = arith.constant 0 : i32
      %dma_start3A_160 = arith.constant 0 : i32
      %dma_start3A_161 = tpu.memref_slice %arg10[%dma_start3A_159, %dma_start3A_160] : memref<125x64xf32, #tpu.memory_space<vmem>> -> memref<120x64xf32, #tpu.memory_space<vmem>>
      tpu.enqueue_dma source(%dma_start3A_161 : memref<120x64xf32, #tpu.memory_space<vmem>>) target(%dma_start3A_158 : memref<120x64xf32, #tpu.memory_space<vmem_shared>>) target_semaphore(%run_scoped3A_151 : memref<!tpu.dma_semaphore, #tpu.memory_space<semaphore_mem>>)
      %dma_wait3A_162 = arith.constant 0 : i32
      %dma_wait3A_163 = arith.constant 0 : i32
      %dma_wait3A_164 = tpu.memref_slice %arg10[%dma_wait3A_162, %dma_wait3A_163] : memref<125x64xf32, #tpu.memory_space<vmem>> -> memref<120x64xf32, #tpu.memory_space<vmem>>
      %dma_wait3A_165 = arith.constant 0 : i32
      %dma_wait3A_166 = tpu.memref_slice %arg16[%add3A_23, %dma_wait3A_165] : memref<10000x64xf32, #tpu.memory_space<vmem_shared>> -> memref<120x64xf32, #tpu.memory_space<vmem_shared>>
      %dma_wait3A_167 = arith.constant 0 : i32
      %dma_wait3A_168 = tpu.memref_slice %arg16[%add3A_23, %dma_wait3A_167] : memref<10000x64xf32, #tpu.memory_space<vmem_shared>> -> memref<120x64xf32, #tpu.memory_space<vmem_shared>>
      %dma_wait3A_169 = arith.constant 0 : i32
      %dma_wait3A_170 = arith.constant 0 : i32
      %dma_wait3A_171 = tpu.memref_slice %arg10[%dma_wait3A_169, %dma_wait3A_170] : memref<125x64xf32, #tpu.memory_space<vmem>> -> memref<120x64xf32, #tpu.memory_space<vmem>>
      tpu.wait_dma2 semaphore(%run_scoped3A_151 : memref<!tpu.dma_semaphore, #tpu.memory_space<semaphore_mem>>) src(%dma_wait3A_171 : memref<120x64xf32, #tpu.memory_space<vmem>>) dst(%dma_wait3A_168 : memref<120x64xf32, #tpu.memory_space<vmem_shared>>)
      tpu.yield
    }) : () -> ()
    %add3A_24 = arith.constant 240 : i32
    %add3A_25 = arith.addi %mul3A_20, %add3A_24 : i32
    "tpu.region"() ({
      %run_scoped3A_151 = tpu.sem_alloc : memref<!tpu.dma_semaphore, #tpu.memory_space<semaphore_mem>>
      %dma_start3A_152 = arith.constant 0 : i32
      %dma_start3A_153 = arith.constant 0 : i32
      %dma_start3A_154 = tpu.memref_slice %arg10[%dma_start3A_152, %dma_start3A_153] : memref<125x64xf32, #tpu.memory_space<vmem>> -> memref<120x64xf32, #tpu.memory_space<vmem>>
      %dma_start3A_155 = arith.constant 0 : i32
      %dma_start3A_156 = tpu.memref_slice %arg16[%add3A_25, %dma_start3A_155] : memref<10000x64xf32, #tpu.memory_space<vmem_shared>> -> memref<120x64xf32, #tpu.memory_space<vmem_shared>>
      %dma_start3A_157 = arith.constant 0 : i32
      %dma_start3A_158 = tpu.memref_slice %arg16[%add3A_25, %dma_start3A_157] : memref<10000x64xf32, #tpu.memory_space<vmem_shared>> -> memref<120x64xf32, #tpu.memory_space<vmem_shared>>
      %dma_start3A_159 = arith.constant 0 : i32
      %dma_start3A_160 = arith.constant 0 : i32
      %dma_start3A_161 = tpu.memref_slice %arg10[%dma_start3A_159, %dma_start3A_160] : memref<125x64xf32, #tpu.memory_space<vmem>> -> memref<120x64xf32, #tpu.memory_space<vmem>>
      tpu.enqueue_dma source(%dma_start3A_161 : memref<120x64xf32, #tpu.memory_space<vmem>>) target(%dma_start3A_158 : memref<120x64xf32, #tpu.memory_space<vmem_shared>>) target_semaphore(%run_scoped3A_151 : memref<!tpu.dma_semaphore, #tpu.memory_space<semaphore_mem>>)
      %dma_wait3A_162 = arith.constant 0 : i32
      %dma_wait3A_163 = arith.constant 0 : i32
      %dma_wait3A_164 = tpu.memref_slice %arg10[%dma_wait3A_162, %dma_wait3A_163] : memref<125x64xf32, #tpu.memory_space<vmem>> -> memref<120x64xf32, #tpu.memory_space<vmem>>
      %dma_wait3A_165 = arith.constant 0 : i32
      %dma_wait3A_166 = tpu.memref_slice %arg16[%add3A_25, %dma_wait3A_165] : memref<10000x64xf32, #tpu.memory_space<vmem_shared>> -> memref<120x64xf32, #tpu.memory_space<vmem_shared>>
      %dma_wait3A_167 = arith.constant 0 : i32
      %dma_wait3A_168 = tpu.memref_slice %arg16[%add3A_25, %dma_wait3A_167] : memref<10000x64xf32, #tpu.memory_space<vmem_shared>> -> memref<120x64xf32, #tpu.memory_space<vmem_shared>>
      %dma_wait3A_169 = arith.constant 0 : i32
      %dma_wait3A_170 = arith.constant 0 : i32
      %dma_wait3A_171 = tpu.memref_slice %arg10[%dma_wait3A_169, %dma_wait3A_170] : memref<125x64xf32, #tpu.memory_space<vmem>> -> memref<120x64xf32, #tpu.memory_space<vmem>>
      tpu.wait_dma2 semaphore(%run_scoped3A_151 : memref<!tpu.dma_semaphore, #tpu.memory_space<semaphore_mem>>) src(%dma_wait3A_171 : memref<120x64xf32, #tpu.memory_space<vmem>>) dst(%dma_wait3A_168 : memref<120x64xf32, #tpu.memory_space<vmem_shared>>)
      tpu.yield
    }) : () -> ()
    %add3A_26 = arith.constant 360 : i32
    %add3A_27 = arith.addi %mul3A_20, %add3A_26 : i32
    "tpu.region"() ({
      %run_scoped3A_151 = tpu.sem_alloc : memref<!tpu.dma_semaphore, #tpu.memory_space<semaphore_mem>>
      %dma_start3A_152 = arith.constant 0 : i32
      %dma_start3A_153 = arith.constant 0 : i32
      %dma_start3A_154 = tpu.memref_slice %arg10[%dma_start3A_152, %dma_start3A_153] : memref<125x64xf32, #tpu.memory_space<vmem>> -> memref<120x64xf32, #tpu.memory_space<vmem>>
      %dma_start3A_155 = arith.constant 0 : i32
      %dma_start3A_156 = tpu.memref_slice %arg16[%add3A_27, %dma_start3A_155] : memref<10000x64xf32, #tpu.memory_space<vmem_shared>> -> memref<120x64xf32, #tpu.memory_space<vmem_shared>>
      %dma_start3A_157 = arith.constant 0 : i32
      %dma_start3A_158 = tpu.memref_slice %arg16[%add3A_27, %dma_start3A_157] : memref<10000x64xf32, #tpu.memory_space<vmem_shared>> -> memref<120x64xf32, #tpu.memory_space<vmem_shared>>
      %dma_start3A_159 = arith.constant 0 : i32
      %dma_start3A_160 = arith.constant 0 : i32
      %dma_start3A_161 = tpu.memref_slice %arg10[%dma_start3A_159, %dma_start3A_160] : memref<125x64xf32, #tpu.memory_space<vmem>> -> memref<120x64xf32, #tpu.memory_space<vmem>>
      tpu.enqueue_dma source(%dma_start3A_161 : memref<120x64xf32, #tpu.memory_space<vmem>>) target(%dma_start3A_158 : memref<120x64xf32, #tpu.memory_space<vmem_shared>>) target_semaphore(%run_scoped3A_151 : memref<!tpu.dma_semaphore, #tpu.memory_space<semaphore_mem>>)
      %dma_wait3A_162 = arith.constant 0 : i32
      %dma_wait3A_163 = arith.constant 0 : i32
      %dma_wait3A_164 = tpu.memref_slice %arg10[%dma_wait3A_162, %dma_wait3A_163] : memref<125x64xf32, #tpu.memory_space<vmem>> -> memref<120x64xf32, #tpu.memory_space<vmem>>
      %dma_wait3A_165 = arith.constant 0 : i32
      %dma_wait3A_166 = tpu.memref_slice %arg16[%add3A_27, %dma_wait3A_165] : memref<10000x64xf32, #tpu.memory_space<vmem_shared>> -> memref<120x64xf32, #tpu.memory_space<vmem_shared>>
      %dma_wait3A_167 = arith.constant 0 : i32
      %dma_wait3A_168 = tpu.memref_slice %arg16[%add3A_27, %dma_wait3A_167] : memref<10000x64xf32, #tpu.memory_space<vmem_shared>> -> memref<120x64xf32, #tpu.memory_space<vmem_shared>>
      %dma_wait3A_169 = arith.constant 0 : i32
      %dma_wait3A_170 = arith.constant 0 : i32
      %dma_wait3A_171 = tpu.memref_slice %arg10[%dma_wait3A_169, %dma_wait3A_170] : memref<125x64xf32, #tpu.memory_space<vmem>> -> memref<120x64xf32, #tpu.memory_space<vmem>>
      tpu.wait_dma2 semaphore(%run_scoped3A_151 : memref<!tpu.dma_semaphore, #tpu.memory_space<semaphore_mem>>) src(%dma_wait3A_171 : memref<120x64xf32, #tpu.memory_space<vmem>>) dst(%dma_wait3A_168 : memref<120x64xf32, #tpu.memory_space<vmem_shared>>)
      tpu.yield
    }) : () -> ()
    %add3A_28 = arith.constant 480 : i32
    %add3A_29 = arith.addi %mul3A_20, %add3A_28 : i32
    "tpu.region"() ({
      %run_scoped3A_151 = tpu.sem_alloc : memref<!tpu.dma_semaphore, #tpu.memory_space<semaphore_mem>>
      %dma_start3A_152 = arith.constant 0 : i32
      %dma_start3A_153 = arith.constant 0 : i32
      %dma_start3A_154 = tpu.memref_slice %arg10[%dma_start3A_152, %dma_start3A_153] : memref<125x64xf32, #tpu.memory_space<vmem>> -> memref<120x64xf32, #tpu.memory_space<vmem>>
      %dma_start3A_155 = arith.constant 0 : i32
      %dma_start3A_156 = tpu.memref_slice %arg16[%add3A_29, %dma_start3A_155] : memref<10000x64xf32, #tpu.memory_space<vmem_shared>> -> memref<120x64xf32, #tpu.memory_space<vmem_shared>>
      %dma_start3A_157 = arith.constant 0 : i32
      %dma_start3A_158 = tpu.memref_slice %arg16[%add3A_29, %dma_start3A_157] : memref<10000x64xf32, #tpu.memory_space<vmem_shared>> -> memref<120x64xf32, #tpu.memory_space<vmem_shared>>
      %dma_start3A_159 = arith.constant 0 : i32
      %dma_start3A_160 = arith.constant 0 : i32
      %dma_start3A_161 = tpu.memref_slice %arg10[%dma_start3A_159, %dma_start3A_160] : memref<125x64xf32, #tpu.memory_space<vmem>> -> memref<120x64xf32, #tpu.memory_space<vmem>>
      tpu.enqueue_dma source(%dma_start3A_161 : memref<120x64xf32, #tpu.memory_space<vmem>>) target(%dma_start3A_158 : memref<120x64xf32, #tpu.memory_space<vmem_shared>>) target_semaphore(%run_scoped3A_151 : memref<!tpu.dma_semaphore, #tpu.memory_space<semaphore_mem>>)
      %dma_wait3A_162 = arith.constant 0 : i32
      %dma_wait3A_163 = arith.constant 0 : i32
      %dma_wait3A_164 = tpu.memref_slice %arg10[%dma_wait3A_162, %dma_wait3A_163] : memref<125x64xf32, #tpu.memory_space<vmem>> -> memref<120x64xf32, #tpu.memory_space<vmem>>
      %dma_wait3A_165 = arith.constant 0 : i32
      %dma_wait3A_166 = tpu.memref_slice %arg16[%add3A_29, %dma_wait3A_165] : memref<10000x64xf32, #tpu.memory_space<vmem_shared>> -> memref<120x64xf32, #tpu.memory_space<vmem_shared>>
      %dma_wait3A_167 = arith.constant 0 : i32
      %dma_wait3A_168 = tpu.memref_slice %arg16[%add3A_29, %dma_wait3A_167] : memref<10000x64xf32, #tpu.memory_space<vmem_shared>> -> memref<120x64xf32, #tpu.memory_space<vmem_shared>>
      %dma_wait3A_169 = arith.constant 0 : i32
      %dma_wait3A_170 = arith.constant 0 : i32
      %dma_wait3A_171 = tpu.memref_slice %arg10[%dma_wait3A_169, %dma_wait3A_170] : memref<125x64xf32, #tpu.memory_space<vmem>> -> memref<120x64xf32, #tpu.memory_space<vmem>>
      tpu.wait_dma2 semaphore(%run_scoped3A_151 : memref<!tpu.dma_semaphore, #tpu.memory_space<semaphore_mem>>) src(%dma_wait3A_171 : memref<120x64xf32, #tpu.memory_space<vmem>>) dst(%dma_wait3A_168 : memref<120x64xf32, #tpu.memory_space<vmem_shared>>)
      tpu.yield
    }) : () -> ()
    %add3A_30 = arith.constant 600 : i32
    %add3A_31 = arith.addi %mul3A_20, %add3A_30 : i32
    "tpu.region"() ({
      %run_scoped3A_151 = tpu.sem_alloc : memref<!tpu.dma_semaphore, #tpu.memory_space<semaphore_mem>>
      %dma_start3A_152 = arith.constant 0 : i32
      %dma_start3A_153 = arith.constant 0 : i32
      %dma_start3A_154 = tpu.memref_slice %arg10[%dma_start3A_152, %dma_start3A_153] : memref<125x64xf32, #tpu.memory_space<vmem>> -> memref<40x64xf32, #tpu.memory_space<vmem>>
      %dma_start3A_155 = arith.constant 0 : i32
      %dma_start3A_156 = tpu.memref_slice %arg16[%add3A_31, %dma_start3A_155] : memref<10000x64xf32, #tpu.memory_space<vmem_shared>> -> memref<40x64xf32, #tpu.memory_space<vmem_shared>>
      %dma_start3A_157 = arith.constant 0 : i32
      %dma_start3A_158 = tpu.memref_slice %arg16[%add3A_31, %dma_start3A_157] : memref<10000x64xf32, #tpu.memory_space<vmem_shared>> -> memref<40x64xf32, #tpu.memory_space<vmem_shared>>
      %dma_start3A_159 = arith.constant 0 : i32
      %dma_start3A_160 = arith.constant 0 : i32
      %dma_start3A_161 = tpu.memref_slice %arg10[%dma_start3A_159, %dma_start3A_160] : memref<125x64xf32, #tpu.memory_space<vmem>> -> memref<40x64xf32, #tpu.memory_space<vmem>>
      tpu.enqueue_dma source(%dma_start3A_161 : memref<40x64xf32, #tpu.memory_space<vmem>>) target(%dma_start3A_158 : memref<40x64xf32, #tpu.memory_space<vmem_shared>>) target_semaphore(%run_scoped3A_151 : memref<!tpu.dma_semaphore, #tpu.memory_space<semaphore_mem>>)
      %dma_wait3A_162 = arith.constant 0 : i32
      %dma_wait3A_163 = arith.constant 0 : i32
      %dma_wait3A_164 = tpu.memref_slice %arg10[%dma_wait3A_162, %dma_wait3A_163] : memref<125x64xf32, #tpu.memory_space<vmem>> -> memref<40x64xf32, #tpu.memory_space<vmem>>
      %dma_wait3A_165 = arith.constant 0 : i32
      %dma_wait3A_166 = tpu.memref_slice %arg16[%add3A_31, %dma_wait3A_165] : memref<10000x64xf32, #tpu.memory_space<vmem_shared>> -> memref<40x64xf32, #tpu.memory_space<vmem_shared>>
      %dma_wait3A_167 = arith.constant 0 : i32
      %dma_wait3A_168 = tpu.memref_slice %arg16[%add3A_31, %dma_wait3A_167] : memref<10000x64xf32, #tpu.memory_space<vmem_shared>> -> memref<40x64xf32, #tpu.memory_space<vmem_shared>>
      %dma_wait3A_169 = arith.constant 0 : i32
      %dma_wait3A_170 = arith.constant 0 : i32
      %dma_wait3A_171 = tpu.memref_slice %arg10[%dma_wait3A_169, %dma_wait3A_170] : memref<125x64xf32, #tpu.memory_space<vmem>> -> memref<40x64xf32, #tpu.memory_space<vmem>>
      tpu.wait_dma2 semaphore(%run_scoped3A_151 : memref<!tpu.dma_semaphore, #tpu.memory_space<semaphore_mem>>) src(%dma_wait3A_171 : memref<40x64xf32, #tpu.memory_space<vmem>>) dst(%dma_wait3A_168 : memref<40x64xf32, #tpu.memory_space<vmem_shared>>)
      tpu.yield
    }) : () -> ()
    %dma_wait3A = arith.constant 0 : i32
    %dma_wait3A_32 = arith.constant 0 : i32
    %dma_wait3A_33 = tpu.memref_slice %arg4[%arg1, %dma_wait3A, %dma_wait3A_32] : memref<16x160x125xi32, #tpu.memory_space<hbm>> -> memref<1x160x125xi32, #tpu.memory_space<hbm>>
    %dma_wait3A_34 = tpu.memref_squeeze %dma_wait3A_33 : memref<1x160x125xi32, #tpu.memory_space<hbm>> -> memref<160x125xi32, #tpu.memory_space<hbm>>
    %dma_wait3A_35 = arith.constant 0 : i32
    %dma_wait3A_36 = arith.constant 0 : i32
    %dma_wait3A_37 = tpu.memref_slice %arg4[%arg1, %dma_wait3A_35, %dma_wait3A_36] : memref<16x160x125xi32, #tpu.memory_space<hbm>> -> memref<1x160x125xi32, #tpu.memory_space<hbm>>
    %dma_wait3A_38 = tpu.memref_squeeze %dma_wait3A_37 : memref<1x160x125xi32, #tpu.memory_space<hbm>> -> memref<160x125xi32, #tpu.memory_space<hbm>>
    tpu.wait_dma2 semaphore(%arg23 : memref<!tpu.dma_semaphore, #tpu.memory_space<semaphore_mem>>) src(%dma_wait3A_38 : memref<160x125xi32, #tpu.memory_space<hbm>>) dst(%arg8 : memref<160x125xi32, #tpu.memory_space<vmem>>)
    %dma_wait3A_39 = arith.constant 0 : i32
    %dma_wait3A_40 = arith.constant 0 : i32
    %dma_wait3A_41 = tpu.memref_slice %arg5[%arg1, %dma_wait3A_39, %dma_wait3A_40] : memref<16x160x125xi32, #tpu.memory_space<hbm>> -> memref<1x160x125xi32, #tpu.memory_space<hbm>>
    %dma_wait3A_42 = tpu.memref_squeeze %dma_wait3A_41 : memref<1x160x125xi32, #tpu.memory_space<hbm>> -> memref<160x125xi32, #tpu.memory_space<hbm>>
    %dma_wait3A_43 = arith.constant 0 : i32
    %dma_wait3A_44 = arith.constant 0 : i32
    %dma_wait3A_45 = tpu.memref_slice %arg5[%arg1, %dma_wait3A_43, %dma_wait3A_44] : memref<16x160x125xi32, #tpu.memory_space<hbm>> -> memref<1x160x125xi32, #tpu.memory_space<hbm>>
    %dma_wait3A_46 = tpu.memref_squeeze %dma_wait3A_45 : memref<1x160x125xi32, #tpu.memory_space<hbm>> -> memref<160x125xi32, #tpu.memory_space<hbm>>
    tpu.wait_dma2 semaphore(%arg23 : memref<!tpu.dma_semaphore, #tpu.memory_space<semaphore_mem>>) src(%dma_wait3A_46 : memref<160x125xi32, #tpu.memory_space<hbm>>) dst(%arg9 : memref<160x125xi32, #tpu.memory_space<vmem>>)
    %barrier3A = arith.constant 0 : index
    tpu.barrier barrier_id(%barrier3A)
    %eq3A = arith.constant 0 : i32
    %eq3A_47 = arith.cmpi eq, %arg0, %eq3A : i32
    %convert_element_type3A = arith.extui %eq3A_47 : i1 to i32
    %cond3A = arith.constant 0 : i32
    %cond3A_48 = arith.cmpi ne, %convert_element_type3A, %cond3A : i32
    scf.if %cond3A_48 {
      %dma_start3A_151 = arith.constant 0 : i32
      %dma_start3A_152 = arith.constant 0 : i32
      %dma_start3A_153 = tpu.memref_slice %arg8[%dma_start3A_151, %dma_start3A_152] : memref<160x125xi32, #tpu.memory_space<vmem>> -> memref<1x125xi32, #tpu.memory_space<vmem>>
      %dma_start3A_154 = tpu.memref_squeeze %dma_start3A_153 : memref<1x125xi32, #tpu.memory_space<vmem>> -> memref<125xi32, #tpu.memory_space<vmem>>
      %dma_start3A_155 = arith.constant 0 : i32
      %dma_start3A_156 = arith.constant 0 : i32
      %dma_start3A_157 = tpu.memref_slice %arg2[%dma_start3A_155, %dma_start3A_156] : memref<10000x64xf32, #tpu.memory_space<hbm>> -> memref<10000x64xf32, #tpu.memory_space<hbm>>
      tpu.enqueue_indirect_dma source(%dma_start3A_157 : memref<10000x64xf32, #tpu.memory_space<hbm>>) target(%arg10 : memref<125x64xf32, #tpu.memory_space<vmem>>) offsets(%dma_start3A_154 : memref<125xi32, #tpu.memory_space<vmem>>) semaphore(%arg17 : memref<!tpu.dma_semaphore, #tpu.memory_space<semaphore_mem>>)
    } else {
    }
    %eq3A_49 = arith.constant 1 : i32
    %eq3A_50 = arith.cmpi eq, %arg0, %eq3A_49 : i32
    %convert_element_type3A_51 = arith.extui %eq3A_50 : i1 to i32
    %cond3A_52 = arith.constant 0 : i32
    %cond3A_53 = arith.cmpi ne, %convert_element_type3A_51, %cond3A_52 : i32
    scf.if %cond3A_53 {
      %dma_start3A_151 = arith.constant 0 : i32
      %dma_start3A_152 = arith.constant 0 : i32
      %dma_start3A_153 = tpu.memref_slice %arg8[%dma_start3A_151, %dma_start3A_152] : memref<160x125xi32, #tpu.memory_space<vmem>> -> memref<1x125xi32, #tpu.memory_space<vmem>>
      %dma_start3A_154 = tpu.memref_squeeze %dma_start3A_153 : memref<1x125xi32, #tpu.memory_space<vmem>> -> memref<125xi32, #tpu.memory_space<vmem>>
      %dma_start3A_155 = arith.constant 0 : i32
      %dma_start3A_156 = arith.constant 0 : i32
      %dma_start3A_157 = tpu.memref_slice %arg3[%dma_start3A_155, %dma_start3A_156] : memref<10000x64xf32, #tpu.memory_space<hbm>> -> memref<10000x64xf32, #tpu.memory_space<hbm>>
      tpu.enqueue_indirect_dma source(%dma_start3A_157 : memref<10000x64xf32, #tpu.memory_space<hbm>>) target(%arg10 : memref<125x64xf32, #tpu.memory_space<vmem>>) offsets(%dma_start3A_154 : memref<125xi32, #tpu.memory_space<vmem>>) semaphore(%arg17 : memref<!tpu.dma_semaphore, #tpu.memory_space<semaphore_mem>>)
    } else {
    }
    %eq3A_54 = arith.constant 0 : i32
    %eq3A_55 = arith.cmpi eq, %arg0, %eq3A_54 : i32
    %convert_element_type3A_56 = arith.extui %eq3A_55 : i1 to i32
    %cond3A_57 = arith.constant 0 : i32
    %cond3A_58 = arith.cmpi ne, %convert_element_type3A_56, %cond3A_57 : i32
    scf.if %cond3A_58 {
      %dma_start3A_151 = arith.constant 1 : i32
      %dma_start3A_152 = arith.constant 0 : i32
      %dma_start3A_153 = tpu.memref_slice %arg8[%dma_start3A_151, %dma_start3A_152] : memref<160x125xi32, #tpu.memory_space<vmem>> -> memref<1x125xi32, #tpu.memory_space<vmem>>
      %dma_start3A_154 = tpu.memref_squeeze %dma_start3A_153 : memref<1x125xi32, #tpu.memory_space<vmem>> -> memref<125xi32, #tpu.memory_space<vmem>>
      %dma_start3A_155 = arith.constant 0 : i32
      %dma_start3A_156 = arith.constant 0 : i32
      %dma_start3A_157 = tpu.memref_slice %arg2[%dma_start3A_155, %dma_start3A_156] : memref<10000x64xf32, #tpu.memory_space<hbm>> -> memref<10000x64xf32, #tpu.memory_space<hbm>>
      tpu.enqueue_indirect_dma source(%dma_start3A_157 : memref<10000x64xf32, #tpu.memory_space<hbm>>) target(%arg11 : memref<125x64xf32, #tpu.memory_space<vmem>>) offsets(%dma_start3A_154 : memref<125xi32, #tpu.memory_space<vmem>>) semaphore(%arg18 : memref<!tpu.dma_semaphore, #tpu.memory_space<semaphore_mem>>)
    } else {
    }
    %eq3A_59 = arith.constant 1 : i32
    %eq3A_60 = arith.cmpi eq, %arg0, %eq3A_59 : i32
    %convert_element_type3A_61 = arith.extui %eq3A_60 : i1 to i32
    %cond3A_62 = arith.constant 0 : i32
    %cond3A_63 = arith.cmpi ne, %convert_element_type3A_61, %cond3A_62 : i32
    scf.if %cond3A_63 {
      %dma_start3A_151 = arith.constant 1 : i32
      %dma_start3A_152 = arith.constant 0 : i32
      %dma_start3A_153 = tpu.memref_slice %arg8[%dma_start3A_151, %dma_start3A_152] : memref<160x125xi32, #tpu.memory_space<vmem>> -> memref<1x125xi32, #tpu.memory_space<vmem>>
      %dma_start3A_154 = tpu.memref_squeeze %dma_start3A_153 : memref<1x125xi32, #tpu.memory_space<vmem>> -> memref<125xi32, #tpu.memory_space<vmem>>
      %dma_start3A_155 = arith.constant 0 : i32
      %dma_start3A_156 = arith.constant 0 : i32
      %dma_start3A_157 = tpu.memref_slice %arg3[%dma_start3A_155, %dma_start3A_156] : memref<10000x64xf32, #tpu.memory_space<hbm>> -> memref<10000x64xf32, #tpu.memory_space<hbm>>
      tpu.enqueue_indirect_dma source(%dma_start3A_157 : memref<10000x64xf32, #tpu.memory_space<hbm>>) target(%arg11 : memref<125x64xf32, #tpu.memory_space<vmem>>) offsets(%dma_start3A_154 : memref<125xi32, #tpu.memory_space<vmem>>) semaphore(%arg18 : memref<!tpu.dma_semaphore, #tpu.memory_space<semaphore_mem>>)
    } else {
    }
    %eq3A_64 = arith.constant 0 : i32
    %eq3A_65 = arith.cmpi eq, %arg0, %eq3A_64 : i32
    %convert_element_type3A_66 = arith.extui %eq3A_65 : i1 to i32
    %cond3A_67 = arith.constant 0 : i32
    %cond3A_68 = arith.cmpi ne, %convert_element_type3A_66, %cond3A_67 : i32
    scf.if %cond3A_68 {
      %dma_start3A_151 = arith.constant 2 : i32
      %dma_start3A_152 = arith.constant 0 : i32
      %dma_start3A_153 = tpu.memref_slice %arg8[%dma_start3A_151, %dma_start3A_152] : memref<160x125xi32, #tpu.memory_space<vmem>> -> memref<1x125xi32, #tpu.memory_space<vmem>>
      %dma_start3A_154 = tpu.memref_squeeze %dma_start3A_153 : memref<1x125xi32, #tpu.memory_space<vmem>> -> memref<125xi32, #tpu.memory_space<vmem>>
      %dma_start3A_155 = arith.constant 0 : i32
      %dma_start3A_156 = arith.constant 0 : i32
      %dma_start3A_157 = tpu.memref_slice %arg2[%dma_start3A_155, %dma_start3A_156] : memref<10000x64xf32, #tpu.memory_space<hbm>> -> memref<10000x64xf32, #tpu.memory_space<hbm>>
      tpu.enqueue_indirect_dma source(%dma_start3A_157 : memref<10000x64xf32, #tpu.memory_space<hbm>>) target(%arg12 : memref<125x64xf32, #tpu.memory_space<vmem>>) offsets(%dma_start3A_154 : memref<125xi32, #tpu.memory_space<vmem>>) semaphore(%arg19 : memref<!tpu.dma_semaphore, #tpu.memory_space<semaphore_mem>>)
    } else {
    }
    %eq3A_69 = arith.constant 1 : i32
    %eq3A_70 = arith.cmpi eq, %arg0, %eq3A_69 : i32
    %convert_element_type3A_71 = arith.extui %eq3A_70 : i1 to i32
    %cond3A_72 = arith.constant 0 : i32
    %cond3A_73 = arith.cmpi ne, %convert_element_type3A_71, %cond3A_72 : i32
    scf.if %cond3A_73 {
      %dma_start3A_151 = arith.constant 2 : i32
      %dma_start3A_152 = arith.constant 0 : i32
      %dma_start3A_153 = tpu.memref_slice %arg8[%dma_start3A_151, %dma_start3A_152] : memref<160x125xi32, #tpu.memory_space<vmem>> -> memref<1x125xi32, #tpu.memory_space<vmem>>
      %dma_start3A_154 = tpu.memref_squeeze %dma_start3A_153 : memref<1x125xi32, #tpu.memory_space<vmem>> -> memref<125xi32, #tpu.memory_space<vmem>>
      %dma_start3A_155 = arith.constant 0 : i32
      %dma_start3A_156 = arith.constant 0 : i32
      %dma_start3A_157 = tpu.memref_slice %arg3[%dma_start3A_155, %dma_start3A_156] : memref<10000x64xf32, #tpu.memory_space<hbm>> -> memref<10000x64xf32, #tpu.memory_space<hbm>>
      tpu.enqueue_indirect_dma source(%dma_start3A_157 : memref<10000x64xf32, #tpu.memory_space<hbm>>) target(%arg12 : memref<125x64xf32, #tpu.memory_space<vmem>>) offsets(%dma_start3A_154 : memref<125xi32, #tpu.memory_space<vmem>>) semaphore(%arg19 : memref<!tpu.dma_semaphore, #tpu.memory_space<semaphore_mem>>)
    } else {
    }
    %eq3A_74 = arith.constant 0 : i32
    %eq3A_75 = arith.cmpi eq, %arg0, %eq3A_74 : i32
    %convert_element_type3A_76 = arith.extui %eq3A_75 : i1 to i32
    %cond3A_77 = arith.constant 0 : i32
    %cond3A_78 = arith.cmpi ne, %convert_element_type3A_76, %cond3A_77 : i32
    scf.if %cond3A_78 {
      %dma_start3A_151 = arith.constant 3 : i32
      %dma_start3A_152 = arith.constant 0 : i32
      %dma_start3A_153 = tpu.memref_slice %arg8[%dma_start3A_151, %dma_start3A_152] : memref<160x125xi32, #tpu.memory_space<vmem>> -> memref<1x125xi32, #tpu.memory_space<vmem>>
      %dma_start3A_154 = tpu.memref_squeeze %dma_start3A_153 : memref<1x125xi32, #tpu.memory_space<vmem>> -> memref<125xi32, #tpu.memory_space<vmem>>
      %dma_start3A_155 = arith.constant 0 : i32
      %dma_start3A_156 = arith.constant 0 : i32
      %dma_start3A_157 = tpu.memref_slice %arg2[%dma_start3A_155, %dma_start3A_156] : memref<10000x64xf32, #tpu.memory_space<hbm>> -> memref<10000x64xf32, #tpu.memory_space<hbm>>
      tpu.enqueue_indirect_dma source(%dma_start3A_157 : memref<10000x64xf32, #tpu.memory_space<hbm>>) target(%arg13 : memref<125x64xf32, #tpu.memory_space<vmem>>) offsets(%dma_start3A_154 : memref<125xi32, #tpu.memory_space<vmem>>) semaphore(%arg20 : memref<!tpu.dma_semaphore, #tpu.memory_space<semaphore_mem>>)
    } else {
    }
    %eq3A_79 = arith.constant 1 : i32
    %eq3A_80 = arith.cmpi eq, %arg0, %eq3A_79 : i32
    %convert_element_type3A_81 = arith.extui %eq3A_80 : i1 to i32
    %cond3A_82 = arith.constant 0 : i32
    %cond3A_83 = arith.cmpi ne, %convert_element_type3A_81, %cond3A_82 : i32
    scf.if %cond3A_83 {
      %dma_start3A_151 = arith.constant 3 : i32
      %dma_start3A_152 = arith.constant 0 : i32
      %dma_start3A_153 = tpu.memref_slice %arg8[%dma_start3A_151, %dma_start3A_152] : memref<160x125xi32, #tpu.memory_space<vmem>> -> memref<1x125xi32, #tpu.memory_space<vmem>>
      %dma_start3A_154 = tpu.memref_squeeze %dma_start3A_153 : memref<1x125xi32, #tpu.memory_space<vmem>> -> memref<125xi32, #tpu.memory_space<vmem>>
      %dma_start3A_155 = arith.constant 0 : i32
      %dma_start3A_156 = arith.constant 0 : i32
      %dma_start3A_157 = tpu.memref_slice %arg3[%dma_start3A_155, %dma_start3A_156] : memref<10000x64xf32, #tpu.memory_space<hbm>> -> memref<10000x64xf32, #tpu.memory_space<hbm>>
      tpu.enqueue_indirect_dma source(%dma_start3A_157 : memref<10000x64xf32, #tpu.memory_space<hbm>>) target(%arg13 : memref<125x64xf32, #tpu.memory_space<vmem>>) offsets(%dma_start3A_154 : memref<125xi32, #tpu.memory_space<vmem>>) semaphore(%arg20 : memref<!tpu.dma_semaphore, #tpu.memory_space<semaphore_mem>>)
    } else {
    }
    %eq3A_84 = arith.constant 0 : i32
    %eq3A_85 = arith.cmpi eq, %arg0, %eq3A_84 : i32
    %convert_element_type3A_86 = arith.extui %eq3A_85 : i1 to i32
    %cond3A_87 = arith.constant 0 : i32
    %cond3A_88 = arith.cmpi ne, %convert_element_type3A_86, %cond3A_87 : i32
    scf.if %cond3A_88 {
      %dma_start3A_151 = arith.constant 4 : i32
      %dma_start3A_152 = arith.constant 0 : i32
      %dma_start3A_153 = tpu.memref_slice %arg8[%dma_start3A_151, %dma_start3A_152] : memref<160x125xi32, #tpu.memory_space<vmem>> -> memref<1x125xi32, #tpu.memory_space<vmem>>
      %dma_start3A_154 = tpu.memref_squeeze %dma_start3A_153 : memref<1x125xi32, #tpu.memory_space<vmem>> -> memref<125xi32, #tpu.memory_space<vmem>>
      %dma_start3A_155 = arith.constant 0 : i32
      %dma_start3A_156 = arith.constant 0 : i32
      %dma_start3A_157 = tpu.memref_slice %arg2[%dma_start3A_155, %dma_start3A_156] : memref<10000x64xf32, #tpu.memory_space<hbm>> -> memref<10000x64xf32, #tpu.memory_space<hbm>>
      tpu.enqueue_indirect_dma source(%dma_start3A_157 : memref<10000x64xf32, #tpu.memory_space<hbm>>) target(%arg14 : memref<125x64xf32, #tpu.memory_space<vmem>>) offsets(%dma_start3A_154 : memref<125xi32, #tpu.memory_space<vmem>>) semaphore(%arg21 : memref<!tpu.dma_semaphore, #tpu.memory_space<semaphore_mem>>)
    } else {
    }
    %eq3A_89 = arith.constant 1 : i32
    %eq3A_90 = arith.cmpi eq, %arg0, %eq3A_89 : i32
    %convert_element_type3A_91 = arith.extui %eq3A_90 : i1 to i32
    %cond3A_92 = arith.constant 0 : i32
    %cond3A_93 = arith.cmpi ne, %convert_element_type3A_91, %cond3A_92 : i32
    scf.if %cond3A_93 {
      %dma_start3A_151 = arith.constant 4 : i32
      %dma_start3A_152 = arith.constant 0 : i32
      %dma_start3A_153 = tpu.memref_slice %arg8[%dma_start3A_151, %dma_start3A_152] : memref<160x125xi32, #tpu.memory_space<vmem>> -> memref<1x125xi32, #tpu.memory_space<vmem>>
      %dma_start3A_154 = tpu.memref_squeeze %dma_start3A_153 : memref<1x125xi32, #tpu.memory_space<vmem>> -> memref<125xi32, #tpu.memory_space<vmem>>
      %dma_start3A_155 = arith.constant 0 : i32
      %dma_start3A_156 = arith.constant 0 : i32
      %dma_start3A_157 = tpu.memref_slice %arg3[%dma_start3A_155, %dma_start3A_156] : memref<10000x64xf32, #tpu.memory_space<hbm>> -> memref<10000x64xf32, #tpu.memory_space<hbm>>
      tpu.enqueue_indirect_dma source(%dma_start3A_157 : memref<10000x64xf32, #tpu.memory_space<hbm>>) target(%arg14 : memref<125x64xf32, #tpu.memory_space<vmem>>) offsets(%dma_start3A_154 : memref<125xi32, #tpu.memory_space<vmem>>) semaphore(%arg21 : memref<!tpu.dma_semaphore, #tpu.memory_space<semaphore_mem>>)
    } else {
    }
    %eq3A_94 = arith.constant 0 : i32
    %eq3A_95 = arith.cmpi eq, %arg0, %eq3A_94 : i32
    %convert_element_type3A_96 = arith.extui %eq3A_95 : i1 to i32
    %cond3A_97 = arith.constant 0 : i32
    %cond3A_98 = arith.cmpi ne, %convert_element_type3A_96, %cond3A_97 : i32
    scf.if %cond3A_98 {
      %dma_start3A_151 = arith.constant 5 : i32
      %dma_start3A_152 = arith.constant 0 : i32
      %dma_start3A_153 = tpu.memref_slice %arg8[%dma_start3A_151, %dma_start3A_152] : memref<160x125xi32, #tpu.memory_space<vmem>> -> memref<1x125xi32, #tpu.memory_space<vmem>>
      %dma_start3A_154 = tpu.memref_squeeze %dma_start3A_153 : memref<1x125xi32, #tpu.memory_space<vmem>> -> memref<125xi32, #tpu.memory_space<vmem>>
      %dma_start3A_155 = arith.constant 0 : i32
      %dma_start3A_156 = arith.constant 0 : i32
      %dma_start3A_157 = tpu.memref_slice %arg2[%dma_start3A_155, %dma_start3A_156] : memref<10000x64xf32, #tpu.memory_space<hbm>> -> memref<10000x64xf32, #tpu.memory_space<hbm>>
      tpu.enqueue_indirect_dma source(%dma_start3A_157 : memref<10000x64xf32, #tpu.memory_space<hbm>>) target(%arg15 : memref<125x64xf32, #tpu.memory_space<vmem>>) offsets(%dma_start3A_154 : memref<125xi32, #tpu.memory_space<vmem>>) semaphore(%arg22 : memref<!tpu.dma_semaphore, #tpu.memory_space<semaphore_mem>>)
    } else {
    }
    %eq3A_99 = arith.constant 1 : i32
    %eq3A_100 = arith.cmpi eq, %arg0, %eq3A_99 : i32
    %convert_element_type3A_101 = arith.extui %eq3A_100 : i1 to i32
    %cond3A_102 = arith.constant 0 : i32
    %cond3A_103 = arith.cmpi ne, %convert_element_type3A_101, %cond3A_102 : i32
    scf.if %cond3A_103 {
      %dma_start3A_151 = arith.constant 5 : i32
      %dma_start3A_152 = arith.constant 0 : i32
      %dma_start3A_153 = tpu.memref_slice %arg8[%dma_start3A_151, %dma_start3A_152] : memref<160x125xi32, #tpu.memory_space<vmem>> -> memref<1x125xi32, #tpu.memory_space<vmem>>
      %dma_start3A_154 = tpu.memref_squeeze %dma_start3A_153 : memref<1x125xi32, #tpu.memory_space<vmem>> -> memref<125xi32, #tpu.memory_space<vmem>>
      %dma_start3A_155 = arith.constant 0 : i32
      %dma_start3A_156 = arith.constant 0 : i32
      %dma_start3A_157 = tpu.memref_slice %arg3[%dma_start3A_155, %dma_start3A_156] : memref<10000x64xf32, #tpu.memory_space<hbm>> -> memref<10000x64xf32, #tpu.memory_space<hbm>>
      tpu.enqueue_indirect_dma source(%dma_start3A_157 : memref<10000x64xf32, #tpu.memory_space<hbm>>) target(%arg15 : memref<125x64xf32, #tpu.memory_space<vmem>>) offsets(%dma_start3A_154 : memref<125xi32, #tpu.memory_space<vmem>>) semaphore(%arg22 : memref<!tpu.dma_semaphore, #tpu.memory_space<semaphore_mem>>)
    } else {
    }
    %scan3A_104 = arith.constant 0 : i32
    %scan3A_105 = arith.constant 26 : i32
    %scan3A_106 = arith.addi %scan3A_104, %scan3A_105 : i32
    %scan3A_107 = arith.constant 1 : i32
    scf.for %scan3A_151 = %scan3A_104 to %scan3A_106 step %scan3A_107  : i32 {
      %mul3A_152 = arith.constant 1 : i32
      %mul3A_153 = arith.muli %scan3A_151, %mul3A_152 : i32
      %add3A_154 = arith.constant 0 : i32
      %add3A_155 = arith.addi %add3A_154, %mul3A_153 : i32
      %mul3A_156 = arith.constant 6 : i32
      %mul3A_157 = arith.muli %add3A_155, %mul3A_156 : i32
      %add3A_158 = arith.constant 0 : i32
      %add3A_159 = arith.addi %mul3A_157, %add3A_158 : i32
      %dma_wait3A_160 = arith.constant 0 : i32
      %dma_wait3A_161 = tpu.memref_slice %arg8[%add3A_159, %dma_wait3A_160] : memref<160x125xi32, #tpu.memory_space<vmem>> -> memref<1x125xi32, #tpu.memory_space<vmem>>
      %dma_wait3A_162 = tpu.memref_squeeze %dma_wait3A_161 : memref<1x125xi32, #tpu.memory_space<vmem>> -> memref<125xi32, #tpu.memory_space<vmem>>
      %dma_wait3A_163 = arith.constant 0 : i32
      %dma_wait3A_164 = arith.constant 0 : i32
      %dma_wait3A_165 = tpu.memref_slice %arg2[%dma_wait3A_163, %dma_wait3A_164] : memref<10000x64xf32, #tpu.memory_space<hbm>> -> memref<10000x64xf32, #tpu.memory_space<hbm>>
      tpu.wait_indirect_dma semaphore(%arg17 : memref<!tpu.dma_semaphore, #tpu.memory_space<semaphore_mem>>) src(%dma_wait3A_165 : memref<10000x64xf32, #tpu.memory_space<hbm>>) dst(%arg10 : memref<125x64xf32, #tpu.memory_space<vmem>>)
      "tpu.region"() ({
        %run_scoped3A_247 = tpu.sem_alloc : memref<!tpu.dma_semaphore, #tpu.memory_space<semaphore_mem>>
        %dma_start3A_248 = arith.constant 0 : i32
        %dma_start3A_249 = tpu.memref_slice %arg9[%add3A_159, %dma_start3A_248] : memref<160x125xi32, #tpu.memory_space<vmem>> -> memref<1x125xi32, #tpu.memory_space<vmem>>
        %dma_start3A_250 = tpu.memref_squeeze %dma_start3A_249 : memref<1x125xi32, #tpu.memory_space<vmem>> -> memref<125xi32, #tpu.memory_space<vmem>>
        %dma_start3A_251 = arith.constant 0 : i32
        %dma_start3A_252 = arith.constant 0 : i32
        %dma_start3A_253 = tpu.memref_slice %arg16[%dma_start3A_251, %dma_start3A_252] : memref<10000x64xf32, #tpu.memory_space<vmem_shared>> -> memref<10000x64xf32, #tpu.memory_space<vmem_shared>>
        tpu.enqueue_indirect_dma source(%arg10 : memref<125x64xf32, #tpu.memory_space<vmem>>) target(%dma_start3A_253 : memref<10000x64xf32, #tpu.memory_space<vmem_shared>>) offsets(%dma_start3A_250 : memref<125xi32, #tpu.memory_space<vmem>>) semaphore(%run_scoped3A_247 : memref<!tpu.dma_semaphore, #tpu.memory_space<semaphore_mem>>) {add = true}
        %dma_wait3A_254 = arith.constant 0 : i32
        %dma_wait3A_255 = tpu.memref_slice %arg9[%add3A_159, %dma_wait3A_254] : memref<160x125xi32, #tpu.memory_space<vmem>> -> memref<1x125xi32, #tpu.memory_space<vmem>>
        %dma_wait3A_256 = tpu.memref_squeeze %dma_wait3A_255 : memref<1x125xi32, #tpu.memory_space<vmem>> -> memref<125xi32, #tpu.memory_space<vmem>>
        %dma_wait3A_257 = arith.constant 0 : i32
        %dma_wait3A_258 = arith.constant 0 : i32
        %dma_wait3A_259 = tpu.memref_slice %arg16[%dma_wait3A_257, %dma_wait3A_258] : memref<10000x64xf32, #tpu.memory_space<vmem_shared>> -> memref<10000x64xf32, #tpu.memory_space<vmem_shared>>
        tpu.wait_indirect_dma semaphore(%run_scoped3A_247 : memref<!tpu.dma_semaphore, #tpu.memory_space<semaphore_mem>>) src(%arg10 : memref<125x64xf32, #tpu.memory_space<vmem>>) dst(%dma_wait3A_259 : memref<10000x64xf32, #tpu.memory_space<vmem_shared>>)
        tpu.yield
      }) : () -> ()
      %add3A_166 = arith.constant 6 : i32
      %add3A_167 = arith.addi %add3A_159, %add3A_166 : i32
      %lt3A = arith.constant 160 : i32
      %lt3A_168 = arith.cmpi slt, %add3A_167, %lt3A : i32
      %convert_element_type3A_169 = arith.extui %lt3A_168 : i1 to i32
      %cond3A_170 = arith.constant 0 : i32
      %cond3A_171 = arith.cmpi ne, %convert_element_type3A_169, %cond3A_170 : i32
      scf.if %cond3A_171 {
        %eq3A_247 = arith.constant 0 : i32
        %eq3A_248 = arith.cmpi eq, %arg0, %eq3A_247 : i32
        %convert_element_type3A_249 = arith.extui %eq3A_248 : i1 to i32
        %cond3A_250 = arith.constant 0 : i32
        %cond3A_251 = arith.cmpi ne, %convert_element_type3A_249, %cond3A_250 : i32
        scf.if %cond3A_251 {
          %dma_start3A_257 = arith.constant 0 : i32
          %dma_start3A_258 = tpu.memref_slice %arg8[%add3A_167, %dma_start3A_257] : memref<160x125xi32, #tpu.memory_space<vmem>> -> memref<1x125xi32, #tpu.memory_space<vmem>>
          %dma_start3A_259 = tpu.memref_squeeze %dma_start3A_258 : memref<1x125xi32, #tpu.memory_space<vmem>> -> memref<125xi32, #tpu.memory_space<vmem>>
          %dma_start3A_260 = arith.constant 0 : i32
          %dma_start3A_261 = arith.constant 0 : i32
          %dma_start3A_262 = tpu.memref_slice %arg2[%dma_start3A_260, %dma_start3A_261] : memref<10000x64xf32, #tpu.memory_space<hbm>> -> memref<10000x64xf32, #tpu.memory_space<hbm>>
          tpu.enqueue_indirect_dma source(%dma_start3A_262 : memref<10000x64xf32, #tpu.memory_space<hbm>>) target(%arg10 : memref<125x64xf32, #tpu.memory_space<vmem>>) offsets(%dma_start3A_259 : memref<125xi32, #tpu.memory_space<vmem>>) semaphore(%arg17 : memref<!tpu.dma_semaphore, #tpu.memory_space<semaphore_mem>>)
        } else {
        }
        %eq3A_252 = arith.constant 1 : i32
        %eq3A_253 = arith.cmpi eq, %arg0, %eq3A_252 : i32
        %convert_element_type3A_254 = arith.extui %eq3A_253 : i1 to i32
        %cond3A_255 = arith.constant 0 : i32
        %cond3A_256 = arith.cmpi ne, %convert_element_type3A_254, %cond3A_255 : i32
        scf.if %cond3A_256 {
          %dma_start3A_257 = arith.constant 0 : i32
          %dma_start3A_258 = tpu.memref_slice %arg8[%add3A_167, %dma_start3A_257] : memref<160x125xi32, #tpu.memory_space<vmem>> -> memref<1x125xi32, #tpu.memory_space<vmem>>
          %dma_start3A_259 = tpu.memref_squeeze %dma_start3A_258 : memref<1x125xi32, #tpu.memory_space<vmem>> -> memref<125xi32, #tpu.memory_space<vmem>>
          %dma_start3A_260 = arith.constant 0 : i32
          %dma_start3A_261 = arith.constant 0 : i32
          %dma_start3A_262 = tpu.memref_slice %arg3[%dma_start3A_260, %dma_start3A_261] : memref<10000x64xf32, #tpu.memory_space<hbm>> -> memref<10000x64xf32, #tpu.memory_space<hbm>>
          tpu.enqueue_indirect_dma source(%dma_start3A_262 : memref<10000x64xf32, #tpu.memory_space<hbm>>) target(%arg10 : memref<125x64xf32, #tpu.memory_space<vmem>>) offsets(%dma_start3A_259 : memref<125xi32, #tpu.memory_space<vmem>>) semaphore(%arg17 : memref<!tpu.dma_semaphore, #tpu.memory_space<semaphore_mem>>)
        } else {
        }
      } else {
      }
      %add3A_172 = arith.constant 1 : i32
      %add3A_173 = arith.addi %mul3A_157, %add3A_172 : i32
      %dma_wait3A_174 = arith.constant 0 : i32
      %dma_wait3A_175 = tpu.memref_slice %arg8[%add3A_173, %dma_wait3A_174] : memref<160x125xi32, #tpu.memory_space<vmem>> -> memref<1x125xi32, #tpu.memory_space<vmem>>
      %dma_wait3A_176 = tpu.memref_squeeze %dma_wait3A_175 : memref<1x125xi32, #tpu.memory_space<vmem>> -> memref<125xi32, #tpu.memory_space<vmem>>
      %dma_wait3A_177 = arith.constant 0 : i32
      %dma_wait3A_178 = arith.constant 0 : i32
      %dma_wait3A_179 = tpu.memref_slice %arg2[%dma_wait3A_177, %dma_wait3A_178] : memref<10000x64xf32, #tpu.memory_space<hbm>> -> memref<10000x64xf32, #tpu.memory_space<hbm>>
      tpu.wait_indirect_dma semaphore(%arg18 : memref<!tpu.dma_semaphore, #tpu.memory_space<semaphore_mem>>) src(%dma_wait3A_179 : memref<10000x64xf32, #tpu.memory_space<hbm>>) dst(%arg11 : memref<125x64xf32, #tpu.memory_space<vmem>>)
      "tpu.region"() ({
        %run_scoped3A_247 = tpu.sem_alloc : memref<!tpu.dma_semaphore, #tpu.memory_space<semaphore_mem>>
        %dma_start3A_248 = arith.constant 0 : i32
        %dma_start3A_249 = tpu.memref_slice %arg9[%add3A_173, %dma_start3A_248] : memref<160x125xi32, #tpu.memory_space<vmem>> -> memref<1x125xi32, #tpu.memory_space<vmem>>
        %dma_start3A_250 = tpu.memref_squeeze %dma_start3A_249 : memref<1x125xi32, #tpu.memory_space<vmem>> -> memref<125xi32, #tpu.memory_space<vmem>>
        %dma_start3A_251 = arith.constant 0 : i32
        %dma_start3A_252 = arith.constant 0 : i32
        %dma_start3A_253 = tpu.memref_slice %arg16[%dma_start3A_251, %dma_start3A_252] : memref<10000x64xf32, #tpu.memory_space<vmem_shared>> -> memref<10000x64xf32, #tpu.memory_space<vmem_shared>>
        tpu.enqueue_indirect_dma source(%arg11 : memref<125x64xf32, #tpu.memory_space<vmem>>) target(%dma_start3A_253 : memref<10000x64xf32, #tpu.memory_space<vmem_shared>>) offsets(%dma_start3A_250 : memref<125xi32, #tpu.memory_space<vmem>>) semaphore(%run_scoped3A_247 : memref<!tpu.dma_semaphore, #tpu.memory_space<semaphore_mem>>) {add = true}
        %dma_wait3A_254 = arith.constant 0 : i32
        %dma_wait3A_255 = tpu.memref_slice %arg9[%add3A_173, %dma_wait3A_254] : memref<160x125xi32, #tpu.memory_space<vmem>> -> memref<1x125xi32, #tpu.memory_space<vmem>>
        %dma_wait3A_256 = tpu.memref_squeeze %dma_wait3A_255 : memref<1x125xi32, #tpu.memory_space<vmem>> -> memref<125xi32, #tpu.memory_space<vmem>>
        %dma_wait3A_257 = arith.constant 0 : i32
        %dma_wait3A_258 = arith.constant 0 : i32
        %dma_wait3A_259 = tpu.memref_slice %arg16[%dma_wait3A_257, %dma_wait3A_258] : memref<10000x64xf32, #tpu.memory_space<vmem_shared>> -> memref<10000x64xf32, #tpu.memory_space<vmem_shared>>
        tpu.wait_indirect_dma semaphore(%run_scoped3A_247 : memref<!tpu.dma_semaphore, #tpu.memory_space<semaphore_mem>>) src(%arg11 : memref<125x64xf32, #tpu.memory_space<vmem>>) dst(%dma_wait3A_259 : memref<10000x64xf32, #tpu.memory_space<vmem_shared>>)
        tpu.yield
      }) : () -> ()
      %add3A_180 = arith.constant 6 : i32
      %add3A_181 = arith.addi %add3A_173, %add3A_180 : i32
      %lt3A_182 = arith.constant 160 : i32
      %lt3A_183 = arith.cmpi slt, %add3A_181, %lt3A_182 : i32
      %convert_element_type3A_184 = arith.extui %lt3A_183 : i1 to i32
      %cond3A_185 = arith.constant 0 : i32
      %cond3A_186 = arith.cmpi ne, %convert_element_type3A_184, %cond3A_185 : i32
      scf.if %cond3A_186 {
        %eq3A_247 = arith.constant 0 : i32
        %eq3A_248 = arith.cmpi eq, %arg0, %eq3A_247 : i32
        %convert_element_type3A_249 = arith.extui %eq3A_248 : i1 to i32
        %cond3A_250 = arith.constant 0 : i32
        %cond3A_251 = arith.cmpi ne, %convert_element_type3A_249, %cond3A_250 : i32
        scf.if %cond3A_251 {
          %dma_start3A_257 = arith.constant 0 : i32
          %dma_start3A_258 = tpu.memref_slice %arg8[%add3A_181, %dma_start3A_257] : memref<160x125xi32, #tpu.memory_space<vmem>> -> memref<1x125xi32, #tpu.memory_space<vmem>>
          %dma_start3A_259 = tpu.memref_squeeze %dma_start3A_258 : memref<1x125xi32, #tpu.memory_space<vmem>> -> memref<125xi32, #tpu.memory_space<vmem>>
          %dma_start3A_260 = arith.constant 0 : i32
          %dma_start3A_261 = arith.constant 0 : i32
          %dma_start3A_262 = tpu.memref_slice %arg2[%dma_start3A_260, %dma_start3A_261] : memref<10000x64xf32, #tpu.memory_space<hbm>> -> memref<10000x64xf32, #tpu.memory_space<hbm>>
          tpu.enqueue_indirect_dma source(%dma_start3A_262 : memref<10000x64xf32, #tpu.memory_space<hbm>>) target(%arg11 : memref<125x64xf32, #tpu.memory_space<vmem>>) offsets(%dma_start3A_259 : memref<125xi32, #tpu.memory_space<vmem>>) semaphore(%arg18 : memref<!tpu.dma_semaphore, #tpu.memory_space<semaphore_mem>>)
        } else {
        }
        %eq3A_252 = arith.constant 1 : i32
        %eq3A_253 = arith.cmpi eq, %arg0, %eq3A_252 : i32
        %convert_element_type3A_254 = arith.extui %eq3A_253 : i1 to i32
        %cond3A_255 = arith.constant 0 : i32
        %cond3A_256 = arith.cmpi ne, %convert_element_type3A_254, %cond3A_255 : i32
        scf.if %cond3A_256 {
          %dma_start3A_257 = arith.constant 0 : i32
          %dma_start3A_258 = tpu.memref_slice %arg8[%add3A_181, %dma_start3A_257] : memref<160x125xi32, #tpu.memory_space<vmem>> -> memref<1x125xi32, #tpu.memory_space<vmem>>
          %dma_start3A_259 = tpu.memref_squeeze %dma_start3A_258 : memref<1x125xi32, #tpu.memory_space<vmem>> -> memref<125xi32, #tpu.memory_space<vmem>>
          %dma_start3A_260 = arith.constant 0 : i32
          %dma_start3A_261 = arith.constant 0 : i32
          %dma_start3A_262 = tpu.memref_slice %arg3[%dma_start3A_260, %dma_start3A_261] : memref<10000x64xf32, #tpu.memory_space<hbm>> -> memref<10000x64xf32, #tpu.memory_space<hbm>>
          tpu.enqueue_indirect_dma source(%dma_start3A_262 : memref<10000x64xf32, #tpu.memory_space<hbm>>) target(%arg11 : memref<125x64xf32, #tpu.memory_space<vmem>>) offsets(%dma_start3A_259 : memref<125xi32, #tpu.memory_space<vmem>>) semaphore(%arg18 : memref<!tpu.dma_semaphore, #tpu.memory_space<semaphore_mem>>)
        } else {
        }
      } else {
      }
      %add3A_187 = arith.constant 2 : i32
      %add3A_188 = arith.addi %mul3A_157, %add3A_187 : i32
      %dma_wait3A_189 = arith.constant 0 : i32
      %dma_wait3A_190 = tpu.memref_slice %arg8[%add3A_188, %dma_wait3A_189] : memref<160x125xi32, #tpu.memory_space<vmem>> -> memref<1x125xi32, #tpu.memory_space<vmem>>
      %dma_wait3A_191 = tpu.memref_squeeze %dma_wait3A_190 : memref<1x125xi32, #tpu.memory_space<vmem>> -> memref<125xi32, #tpu.memory_space<vmem>>
      %dma_wait3A_192 = arith.constant 0 : i32
      %dma_wait3A_193 = arith.constant 0 : i32
      %dma_wait3A_194 = tpu.memref_slice %arg2[%dma_wait3A_192, %dma_wait3A_193] : memref<10000x64xf32, #tpu.memory_space<hbm>> -> memref<10000x64xf32, #tpu.memory_space<hbm>>
      tpu.wait_indirect_dma semaphore(%arg19 : memref<!tpu.dma_semaphore, #tpu.memory_space<semaphore_mem>>) src(%dma_wait3A_194 : memref<10000x64xf32, #tpu.memory_space<hbm>>) dst(%arg12 : memref<125x64xf32, #tpu.memory_space<vmem>>)
      "tpu.region"() ({
        %run_scoped3A_247 = tpu.sem_alloc : memref<!tpu.dma_semaphore, #tpu.memory_space<semaphore_mem>>
        %dma_start3A_248 = arith.constant 0 : i32
        %dma_start3A_249 = tpu.memref_slice %arg9[%add3A_188, %dma_start3A_248] : memref<160x125xi32, #tpu.memory_space<vmem>> -> memref<1x125xi32, #tpu.memory_space<vmem>>
        %dma_start3A_250 = tpu.memref_squeeze %dma_start3A_249 : memref<1x125xi32, #tpu.memory_space<vmem>> -> memref<125xi32, #tpu.memory_space<vmem>>
        %dma_start3A_251 = arith.constant 0 : i32
        %dma_start3A_252 = arith.constant 0 : i32
        %dma_start3A_253 = tpu.memref_slice %arg16[%dma_start3A_251, %dma_start3A_252] : memref<10000x64xf32, #tpu.memory_space<vmem_shared>> -> memref<10000x64xf32, #tpu.memory_space<vmem_shared>>
        tpu.enqueue_indirect_dma source(%arg12 : memref<125x64xf32, #tpu.memory_space<vmem>>) target(%dma_start3A_253 : memref<10000x64xf32, #tpu.memory_space<vmem_shared>>) offsets(%dma_start3A_250 : memref<125xi32, #tpu.memory_space<vmem>>) semaphore(%run_scoped3A_247 : memref<!tpu.dma_semaphore, #tpu.memory_space<semaphore_mem>>) {add = true}
        %dma_wait3A_254 = arith.constant 0 : i32
        %dma_wait3A_255 = tpu.memref_slice %arg9[%add3A_188, %dma_wait3A_254] : memref<160x125xi32, #tpu.memory_space<vmem>> -> memref<1x125xi32, #tpu.memory_space<vmem>>
        %dma_wait3A_256 = tpu.memref_squeeze %dma_wait3A_255 : memref<1x125xi32, #tpu.memory_space<vmem>> -> memref<125xi32, #tpu.memory_space<vmem>>
        %dma_wait3A_257 = arith.constant 0 : i32
        %dma_wait3A_258 = arith.constant 0 : i32
        %dma_wait3A_259 = tpu.memref_slice %arg16[%dma_wait3A_257, %dma_wait3A_258] : memref<10000x64xf32, #tpu.memory_space<vmem_shared>> -> memref<10000x64xf32, #tpu.memory_space<vmem_shared>>
        tpu.wait_indirect_dma semaphore(%run_scoped3A_247 : memref<!tpu.dma_semaphore, #tpu.memory_space<semaphore_mem>>) src(%arg12 : memref<125x64xf32, #tpu.memory_space<vmem>>) dst(%dma_wait3A_259 : memref<10000x64xf32, #tpu.memory_space<vmem_shared>>)
        tpu.yield
      }) : () -> ()
      %add3A_195 = arith.constant 6 : i32
      %add3A_196 = arith.addi %add3A_188, %add3A_195 : i32
      %lt3A_197 = arith.constant 160 : i32
      %lt3A_198 = arith.cmpi slt, %add3A_196, %lt3A_197 : i32
      %convert_element_type3A_199 = arith.extui %lt3A_198 : i1 to i32
      %cond3A_200 = arith.constant 0 : i32
      %cond3A_201 = arith.cmpi ne, %convert_element_type3A_199, %cond3A_200 : i32
      scf.if %cond3A_201 {
        %eq3A_247 = arith.constant 0 : i32
        %eq3A_248 = arith.cmpi eq, %arg0, %eq3A_247 : i32
        %convert_element_type3A_249 = arith.extui %eq3A_248 : i1 to i32
        %cond3A_250 = arith.constant 0 : i32
        %cond3A_251 = arith.cmpi ne, %convert_element_type3A_249, %cond3A_250 : i32
        scf.if %cond3A_251 {
          %dma_start3A_257 = arith.constant 0 : i32
          %dma_start3A_258 = tpu.memref_slice %arg8[%add3A_196, %dma_start3A_257] : memref<160x125xi32, #tpu.memory_space<vmem>> -> memref<1x125xi32, #tpu.memory_space<vmem>>
          %dma_start3A_259 = tpu.memref_squeeze %dma_start3A_258 : memref<1x125xi32, #tpu.memory_space<vmem>> -> memref<125xi32, #tpu.memory_space<vmem>>
          %dma_start3A_260 = arith.constant 0 : i32
          %dma_start3A_261 = arith.constant 0 : i32
          %dma_start3A_262 = tpu.memref_slice %arg2[%dma_start3A_260, %dma_start3A_261] : memref<10000x64xf32, #tpu.memory_space<hbm>> -> memref<10000x64xf32, #tpu.memory_space<hbm>>
          tpu.enqueue_indirect_dma source(%dma_start3A_262 : memref<10000x64xf32, #tpu.memory_space<hbm>>) target(%arg12 : memref<125x64xf32, #tpu.memory_space<vmem>>) offsets(%dma_start3A_259 : memref<125xi32, #tpu.memory_space<vmem>>) semaphore(%arg19 : memref<!tpu.dma_semaphore, #tpu.memory_space<semaphore_mem>>)
        } else {
        }
        %eq3A_252 = arith.constant 1 : i32
        %eq3A_253 = arith.cmpi eq, %arg0, %eq3A_252 : i32
        %convert_element_type3A_254 = arith.extui %eq3A_253 : i1 to i32
        %cond3A_255 = arith.constant 0 : i32
        %cond3A_256 = arith.cmpi ne, %convert_element_type3A_254, %cond3A_255 : i32
        scf.if %cond3A_256 {
          %dma_start3A_257 = arith.constant 0 : i32
          %dma_start3A_258 = tpu.memref_slice %arg8[%add3A_196, %dma_start3A_257] : memref<160x125xi32, #tpu.memory_space<vmem>> -> memref<1x125xi32, #tpu.memory_space<vmem>>
          %dma_start3A_259 = tpu.memref_squeeze %dma_start3A_258 : memref<1x125xi32, #tpu.memory_space<vmem>> -> memref<125xi32, #tpu.memory_space<vmem>>
          %dma_start3A_260 = arith.constant 0 : i32
          %dma_start3A_261 = arith.constant 0 : i32
          %dma_start3A_262 = tpu.memref_slice %arg3[%dma_start3A_260, %dma_start3A_261] : memref<10000x64xf32, #tpu.memory_space<hbm>> -> memref<10000x64xf32, #tpu.memory_space<hbm>>
          tpu.enqueue_indirect_dma source(%dma_start3A_262 : memref<10000x64xf32, #tpu.memory_space<hbm>>) target(%arg12 : memref<125x64xf32, #tpu.memory_space<vmem>>) offsets(%dma_start3A_259 : memref<125xi32, #tpu.memory_space<vmem>>) semaphore(%arg19 : memref<!tpu.dma_semaphore, #tpu.memory_space<semaphore_mem>>)
        } else {
        }
      } else {
      }
      %add3A_202 = arith.constant 3 : i32
      %add3A_203 = arith.addi %mul3A_157, %add3A_202 : i32
      %dma_wait3A_204 = arith.constant 0 : i32
      %dma_wait3A_205 = tpu.memref_slice %arg8[%add3A_203, %dma_wait3A_204] : memref<160x125xi32, #tpu.memory_space<vmem>> -> memref<1x125xi32, #tpu.memory_space<vmem>>
      %dma_wait3A_206 = tpu.memref_squeeze %dma_wait3A_205 : memref<1x125xi32, #tpu.memory_space<vmem>> -> memref<125xi32, #tpu.memory_space<vmem>>
      %dma_wait3A_207 = arith.constant 0 : i32
      %dma_wait3A_208 = arith.constant 0 : i32
      %dma_wait3A_209 = tpu.memref_slice %arg2[%dma_wait3A_207, %dma_wait3A_208] : memref<10000x64xf32, #tpu.memory_space<hbm>> -> memref<10000x64xf32, #tpu.memory_space<hbm>>
      tpu.wait_indirect_dma semaphore(%arg20 : memref<!tpu.dma_semaphore, #tpu.memory_space<semaphore_mem>>) src(%dma_wait3A_209 : memref<10000x64xf32, #tpu.memory_space<hbm>>) dst(%arg13 : memref<125x64xf32, #tpu.memory_space<vmem>>)
      "tpu.region"() ({
        %run_scoped3A_247 = tpu.sem_alloc : memref<!tpu.dma_semaphore, #tpu.memory_space<semaphore_mem>>
        %dma_start3A_248 = arith.constant 0 : i32
        %dma_start3A_249 = tpu.memref_slice %arg9[%add3A_203, %dma_start3A_248] : memref<160x125xi32, #tpu.memory_space<vmem>> -> memref<1x125xi32, #tpu.memory_space<vmem>>
        %dma_start3A_250 = tpu.memref_squeeze %dma_start3A_249 : memref<1x125xi32, #tpu.memory_space<vmem>> -> memref<125xi32, #tpu.memory_space<vmem>>
        %dma_start3A_251 = arith.constant 0 : i32
        %dma_start3A_252 = arith.constant 0 : i32
        %dma_start3A_253 = tpu.memref_slice %arg16[%dma_start3A_251, %dma_start3A_252] : memref<10000x64xf32, #tpu.memory_space<vmem_shared>> -> memref<10000x64xf32, #tpu.memory_space<vmem_shared>>
        tpu.enqueue_indirect_dma source(%arg13 : memref<125x64xf32, #tpu.memory_space<vmem>>) target(%dma_start3A_253 : memref<10000x64xf32, #tpu.memory_space<vmem_shared>>) offsets(%dma_start3A_250 : memref<125xi32, #tpu.memory_space<vmem>>) semaphore(%run_scoped3A_247 : memref<!tpu.dma_semaphore, #tpu.memory_space<semaphore_mem>>) {add = true}
        %dma_wait3A_254 = arith.constant 0 : i32
        %dma_wait3A_255 = tpu.memref_slice %arg9[%add3A_203, %dma_wait3A_254] : memref<160x125xi32, #tpu.memory_space<vmem>> -> memref<1x125xi32, #tpu.memory_space<vmem>>
        %dma_wait3A_256 = tpu.memref_squeeze %dma_wait3A_255 : memref<1x125xi32, #tpu.memory_space<vmem>> -> memref<125xi32, #tpu.memory_space<vmem>>
        %dma_wait3A_257 = arith.constant 0 : i32
        %dma_wait3A_258 = arith.constant 0 : i32
        %dma_wait3A_259 = tpu.memref_slice %arg16[%dma_wait3A_257, %dma_wait3A_258] : memref<10000x64xf32, #tpu.memory_space<vmem_shared>> -> memref<10000x64xf32, #tpu.memory_space<vmem_shared>>
        tpu.wait_indirect_dma semaphore(%run_scoped3A_247 : memref<!tpu.dma_semaphore, #tpu.memory_space<semaphore_mem>>) src(%arg13 : memref<125x64xf32, #tpu.memory_space<vmem>>) dst(%dma_wait3A_259 : memref<10000x64xf32, #tpu.memory_space<vmem_shared>>)
        tpu.yield
      }) : () -> ()
      %add3A_210 = arith.constant 6 : i32
      %add3A_211 = arith.addi %add3A_203, %add3A_210 : i32
      %lt3A_212 = arith.constant 160 : i32
      %lt3A_213 = arith.cmpi slt, %add3A_211, %lt3A_212 : i32
      %convert_element_type3A_214 = arith.extui %lt3A_213 : i1 to i32
      %cond3A_215 = arith.constant 0 : i32
      %cond3A_216 = arith.cmpi ne, %convert_element_type3A_214, %cond3A_215 : i32
      scf.if %cond3A_216 {
        %eq3A_247 = arith.constant 0 : i32
        %eq3A_248 = arith.cmpi eq, %arg0, %eq3A_247 : i32
        %convert_element_type3A_249 = arith.extui %eq3A_248 : i1 to i32
        %cond3A_250 = arith.constant 0 : i32
        %cond3A_251 = arith.cmpi ne, %convert_element_type3A_249, %cond3A_250 : i32
        scf.if %cond3A_251 {
          %dma_start3A_257 = arith.constant 0 : i32
          %dma_start3A_258 = tpu.memref_slice %arg8[%add3A_211, %dma_start3A_257] : memref<160x125xi32, #tpu.memory_space<vmem>> -> memref<1x125xi32, #tpu.memory_space<vmem>>
          %dma_start3A_259 = tpu.memref_squeeze %dma_start3A_258 : memref<1x125xi32, #tpu.memory_space<vmem>> -> memref<125xi32, #tpu.memory_space<vmem>>
          %dma_start3A_260 = arith.constant 0 : i32
          %dma_start3A_261 = arith.constant 0 : i32
          %dma_start3A_262 = tpu.memref_slice %arg2[%dma_start3A_260, %dma_start3A_261] : memref<10000x64xf32, #tpu.memory_space<hbm>> -> memref<10000x64xf32, #tpu.memory_space<hbm>>
          tpu.enqueue_indirect_dma source(%dma_start3A_262 : memref<10000x64xf32, #tpu.memory_space<hbm>>) target(%arg13 : memref<125x64xf32, #tpu.memory_space<vmem>>) offsets(%dma_start3A_259 : memref<125xi32, #tpu.memory_space<vmem>>) semaphore(%arg20 : memref<!tpu.dma_semaphore, #tpu.memory_space<semaphore_mem>>)
        } else {
        }
        %eq3A_252 = arith.constant 1 : i32
        %eq3A_253 = arith.cmpi eq, %arg0, %eq3A_252 : i32
        %convert_element_type3A_254 = arith.extui %eq3A_253 : i1 to i32
        %cond3A_255 = arith.constant 0 : i32
        %cond3A_256 = arith.cmpi ne, %convert_element_type3A_254, %cond3A_255 : i32
        scf.if %cond3A_256 {
          %dma_start3A_257 = arith.constant 0 : i32
          %dma_start3A_258 = tpu.memref_slice %arg8[%add3A_211, %dma_start3A_257] : memref<160x125xi32, #tpu.memory_space<vmem>> -> memref<1x125xi32, #tpu.memory_space<vmem>>
          %dma_start3A_259 = tpu.memref_squeeze %dma_start3A_258 : memref<1x125xi32, #tpu.memory_space<vmem>> -> memref<125xi32, #tpu.memory_space<vmem>>
          %dma_start3A_260 = arith.constant 0 : i32
          %dma_start3A_261 = arith.constant 0 : i32
          %dma_start3A_262 = tpu.memref_slice %arg3[%dma_start3A_260, %dma_start3A_261] : memref<10000x64xf32, #tpu.memory_space<hbm>> -> memref<10000x64xf32, #tpu.memory_space<hbm>>
          tpu.enqueue_indirect_dma source(%dma_start3A_262 : memref<10000x64xf32, #tpu.memory_space<hbm>>) target(%arg13 : memref<125x64xf32, #tpu.memory_space<vmem>>) offsets(%dma_start3A_259 : memref<125xi32, #tpu.memory_space<vmem>>) semaphore(%arg20 : memref<!tpu.dma_semaphore, #tpu.memory_space<semaphore_mem>>)
        } else {
        }
      } else {
      }
      %add3A_217 = arith.constant 4 : i32
      %add3A_218 = arith.addi %mul3A_157, %add3A_217 : i32
      %dma_wait3A_219 = arith.constant 0 : i32
      %dma_wait3A_220 = tpu.memref_slice %arg8[%add3A_218, %dma_wait3A_219] : memref<160x125xi32, #tpu.memory_space<vmem>> -> memref<1x125xi32, #tpu.memory_space<vmem>>
      %dma_wait3A_221 = tpu.memref_squeeze %dma_wait3A_220 : memref<1x125xi32, #tpu.memory_space<vmem>> -> memref<125xi32, #tpu.memory_space<vmem>>
      %dma_wait3A_222 = arith.constant 0 : i32
      %dma_wait3A_223 = arith.constant 0 : i32
      %dma_wait3A_224 = tpu.memref_slice %arg2[%dma_wait3A_222, %dma_wait3A_223] : memref<10000x64xf32, #tpu.memory_space<hbm>> -> memref<10000x64xf32, #tpu.memory_space<hbm>>
      tpu.wait_indirect_dma semaphore(%arg21 : memref<!tpu.dma_semaphore, #tpu.memory_space<semaphore_mem>>) src(%dma_wait3A_224 : memref<10000x64xf32, #tpu.memory_space<hbm>>) dst(%arg14 : memref<125x64xf32, #tpu.memory_space<vmem>>)
      "tpu.region"() ({
        %run_scoped3A_247 = tpu.sem_alloc : memref<!tpu.dma_semaphore, #tpu.memory_space<semaphore_mem>>
        %dma_start3A_248 = arith.constant 0 : i32
        %dma_start3A_249 = tpu.memref_slice %arg9[%add3A_218, %dma_start3A_248] : memref<160x125xi32, #tpu.memory_space<vmem>> -> memref<1x125xi32, #tpu.memory_space<vmem>>
        %dma_start3A_250 = tpu.memref_squeeze %dma_start3A_249 : memref<1x125xi32, #tpu.memory_space<vmem>> -> memref<125xi32, #tpu.memory_space<vmem>>
        %dma_start3A_251 = arith.constant 0 : i32
        %dma_start3A_252 = arith.constant 0 : i32
        %dma_start3A_253 = tpu.memref_slice %arg16[%dma_start3A_251, %dma_start3A_252] : memref<10000x64xf32, #tpu.memory_space<vmem_shared>> -> memref<10000x64xf32, #tpu.memory_space<vmem_shared>>
        tpu.enqueue_indirect_dma source(%arg14 : memref<125x64xf32, #tpu.memory_space<vmem>>) target(%dma_start3A_253 : memref<10000x64xf32, #tpu.memory_space<vmem_shared>>) offsets(%dma_start3A_250 : memref<125xi32, #tpu.memory_space<vmem>>) semaphore(%run_scoped3A_247 : memref<!tpu.dma_semaphore, #tpu.memory_space<semaphore_mem>>) {add = true}
        %dma_wait3A_254 = arith.constant 0 : i32
        %dma_wait3A_255 = tpu.memref_slice %arg9[%add3A_218, %dma_wait3A_254] : memref<160x125xi32, #tpu.memory_space<vmem>> -> memref<1x125xi32, #tpu.memory_space<vmem>>
        %dma_wait3A_256 = tpu.memref_squeeze %dma_wait3A_255 : memref<1x125xi32, #tpu.memory_space<vmem>> -> memref<125xi32, #tpu.memory_space<vmem>>
        %dma_wait3A_257 = arith.constant 0 : i32
        %dma_wait3A_258 = arith.constant 0 : i32
        %dma_wait3A_259 = tpu.memref_slice %arg16[%dma_wait3A_257, %dma_wait3A_258] : memref<10000x64xf32, #tpu.memory_space<vmem_shared>> -> memref<10000x64xf32, #tpu.memory_space<vmem_shared>>
        tpu.wait_indirect_dma semaphore(%run_scoped3A_247 : memref<!tpu.dma_semaphore, #tpu.memory_space<semaphore_mem>>) src(%arg14 : memref<125x64xf32, #tpu.memory_space<vmem>>) dst(%dma_wait3A_259 : memref<10000x64xf32, #tpu.memory_space<vmem_shared>>)
        tpu.yield
      }) : () -> ()
      %add3A_225 = arith.constant 6 : i32
      %add3A_226 = arith.addi %add3A_218, %add3A_225 : i32
      %lt3A_227 = arith.constant 160 : i32
      %lt3A_228 = arith.cmpi slt, %add3A_226, %lt3A_227 : i32
      %convert_element_type3A_229 = arith.extui %lt3A_228 : i1 to i32
      %cond3A_230 = arith.constant 0 : i32
      %cond3A_231 = arith.cmpi ne, %convert_element_type3A_229, %cond3A_230 : i32
      scf.if %cond3A_231 {
        %eq3A_247 = arith.constant 0 : i32
        %eq3A_248 = arith.cmpi eq, %arg0, %eq3A_247 : i32
        %convert_element_type3A_249 = arith.extui %eq3A_248 : i1 to i32
        %cond3A_250 = arith.constant 0 : i32
        %cond3A_251 = arith.cmpi ne, %convert_element_type3A_249, %cond3A_250 : i32
        scf.if %cond3A_251 {
          %dma_start3A_257 = arith.constant 0 : i32
          %dma_start3A_258 = tpu.memref_slice %arg8[%add3A_226, %dma_start3A_257] : memref<160x125xi32, #tpu.memory_space<vmem>> -> memref<1x125xi32, #tpu.memory_space<vmem>>
          %dma_start3A_259 = tpu.memref_squeeze %dma_start3A_258 : memref<1x125xi32, #tpu.memory_space<vmem>> -> memref<125xi32, #tpu.memory_space<vmem>>
          %dma_start3A_260 = arith.constant 0 : i32
          %dma_start3A_261 = arith.constant 0 : i32
          %dma_start3A_262 = tpu.memref_slice %arg2[%dma_start3A_260, %dma_start3A_261] : memref<10000x64xf32, #tpu.memory_space<hbm>> -> memref<10000x64xf32, #tpu.memory_space<hbm>>
          tpu.enqueue_indirect_dma source(%dma_start3A_262 : memref<10000x64xf32, #tpu.memory_space<hbm>>) target(%arg14 : memref<125x64xf32, #tpu.memory_space<vmem>>) offsets(%dma_start3A_259 : memref<125xi32, #tpu.memory_space<vmem>>) semaphore(%arg21 : memref<!tpu.dma_semaphore, #tpu.memory_space<semaphore_mem>>)
        } else {
        }
        %eq3A_252 = arith.constant 1 : i32
        %eq3A_253 = arith.cmpi eq, %arg0, %eq3A_252 : i32
        %convert_element_type3A_254 = arith.extui %eq3A_253 : i1 to i32
        %cond3A_255 = arith.constant 0 : i32
        %cond3A_256 = arith.cmpi ne, %convert_element_type3A_254, %cond3A_255 : i32
        scf.if %cond3A_256 {
          %dma_start3A_257 = arith.constant 0 : i32
          %dma_start3A_258 = tpu.memref_slice %arg8[%add3A_226, %dma_start3A_257] : memref<160x125xi32, #tpu.memory_space<vmem>> -> memref<1x125xi32, #tpu.memory_space<vmem>>
          %dma_start3A_259 = tpu.memref_squeeze %dma_start3A_258 : memref<1x125xi32, #tpu.memory_space<vmem>> -> memref<125xi32, #tpu.memory_space<vmem>>
          %dma_start3A_260 = arith.constant 0 : i32
          %dma_start3A_261 = arith.constant 0 : i32
          %dma_start3A_262 = tpu.memref_slice %arg3[%dma_start3A_260, %dma_start3A_261] : memref<10000x64xf32, #tpu.memory_space<hbm>> -> memref<10000x64xf32, #tpu.memory_space<hbm>>
          tpu.enqueue_indirect_dma source(%dma_start3A_262 : memref<10000x64xf32, #tpu.memory_space<hbm>>) target(%arg14 : memref<125x64xf32, #tpu.memory_space<vmem>>) offsets(%dma_start3A_259 : memref<125xi32, #tpu.memory_space<vmem>>) semaphore(%arg21 : memref<!tpu.dma_semaphore, #tpu.memory_space<semaphore_mem>>)
        } else {
        }
      } else {
      }
      %add3A_232 = arith.constant 5 : i32
      %add3A_233 = arith.addi %mul3A_157, %add3A_232 : i32
      %dma_wait3A_234 = arith.constant 0 : i32
      %dma_wait3A_235 = tpu.memref_slice %arg8[%add3A_233, %dma_wait3A_234] : memref<160x125xi32, #tpu.memory_space<vmem>> -> memref<1x125xi32, #tpu.memory_space<vmem>>
      %dma_wait3A_236 = tpu.memref_squeeze %dma_wait3A_235 : memref<1x125xi32, #tpu.memory_space<vmem>> -> memref<125xi32, #tpu.memory_space<vmem>>
      %dma_wait3A_237 = arith.constant 0 : i32
      %dma_wait3A_238 = arith.constant 0 : i32
      %dma_wait3A_239 = tpu.memref_slice %arg2[%dma_wait3A_237, %dma_wait3A_238] : memref<10000x64xf32, #tpu.memory_space<hbm>> -> memref<10000x64xf32, #tpu.memory_space<hbm>>
      tpu.wait_indirect_dma semaphore(%arg22 : memref<!tpu.dma_semaphore, #tpu.memory_space<semaphore_mem>>) src(%dma_wait3A_239 : memref<10000x64xf32, #tpu.memory_space<hbm>>) dst(%arg15 : memref<125x64xf32, #tpu.memory_space<vmem>>)
      "tpu.region"() ({
        %run_scoped3A_247 = tpu.sem_alloc : memref<!tpu.dma_semaphore, #tpu.memory_space<semaphore_mem>>
        %dma_start3A_248 = arith.constant 0 : i32
        %dma_start3A_249 = tpu.memref_slice %arg9[%add3A_233, %dma_start3A_248] : memref<160x125xi32, #tpu.memory_space<vmem>> -> memref<1x125xi32, #tpu.memory_space<vmem>>
        %dma_start3A_250 = tpu.memref_squeeze %dma_start3A_249 : memref<1x125xi32, #tpu.memory_space<vmem>> -> memref<125xi32, #tpu.memory_space<vmem>>
        %dma_start3A_251 = arith.constant 0 : i32
        %dma_start3A_252 = arith.constant 0 : i32
        %dma_start3A_253 = tpu.memref_slice %arg16[%dma_start3A_251, %dma_start3A_252] : memref<10000x64xf32, #tpu.memory_space<vmem_shared>> -> memref<10000x64xf32, #tpu.memory_space<vmem_shared>>
        tpu.enqueue_indirect_dma source(%arg15 : memref<125x64xf32, #tpu.memory_space<vmem>>) target(%dma_start3A_253 : memref<10000x64xf32, #tpu.memory_space<vmem_shared>>) offsets(%dma_start3A_250 : memref<125xi32, #tpu.memory_space<vmem>>) semaphore(%run_scoped3A_247 : memref<!tpu.dma_semaphore, #tpu.memory_space<semaphore_mem>>) {add = true}
        %dma_wait3A_254 = arith.constant 0 : i32
        %dma_wait3A_255 = tpu.memref_slice %arg9[%add3A_233, %dma_wait3A_254] : memref<160x125xi32, #tpu.memory_space<vmem>> -> memref<1x125xi32, #tpu.memory_space<vmem>>
        %dma_wait3A_256 = tpu.memref_squeeze %dma_wait3A_255 : memref<1x125xi32, #tpu.memory_space<vmem>> -> memref<125xi32, #tpu.memory_space<vmem>>
        %dma_wait3A_257 = arith.constant 0 : i32
        %dma_wait3A_258 = arith.constant 0 : i32
        %dma_wait3A_259 = tpu.memref_slice %arg16[%dma_wait3A_257, %dma_wait3A_258] : memref<10000x64xf32, #tpu.memory_space<vmem_shared>> -> memref<10000x64xf32, #tpu.memory_space<vmem_shared>>
        tpu.wait_indirect_dma semaphore(%run_scoped3A_247 : memref<!tpu.dma_semaphore, #tpu.memory_space<semaphore_mem>>) src(%arg15 : memref<125x64xf32, #tpu.memory_space<vmem>>) dst(%dma_wait3A_259 : memref<10000x64xf32, #tpu.memory_space<vmem_shared>>)
        tpu.yield
      }) : () -> ()
      %add3A_240 = arith.constant 6 : i32
      %add3A_241 = arith.addi %add3A_233, %add3A_240 : i32
      %lt3A_242 = arith.constant 160 : i32
      %lt3A_243 = arith.cmpi slt, %add3A_241, %lt3A_242 : i32
      %convert_element_type3A_244 = arith.extui %lt3A_243 : i1 to i32
      %cond3A_245 = arith.constant 0 : i32
      %cond3A_246 = arith.cmpi ne, %convert_element_type3A_244, %cond3A_245 : i32
      scf.if %cond3A_246 {
        %eq3A_247 = arith.constant 0 : i32
        %eq3A_248 = arith.cmpi eq, %arg0, %eq3A_247 : i32
        %convert_element_type3A_249 = arith.extui %eq3A_248 : i1 to i32
        %cond3A_250 = arith.constant 0 : i32
        %cond3A_251 = arith.cmpi ne, %convert_element_type3A_249, %cond3A_250 : i32
        scf.if %cond3A_251 {
          %dma_start3A_257 = arith.constant 0 : i32
          %dma_start3A_258 = tpu.memref_slice %arg8[%add3A_241, %dma_start3A_257] : memref<160x125xi32, #tpu.memory_space<vmem>> -> memref<1x125xi32, #tpu.memory_space<vmem>>
          %dma_start3A_259 = tpu.memref_squeeze %dma_start3A_258 : memref<1x125xi32, #tpu.memory_space<vmem>> -> memref<125xi32, #tpu.memory_space<vmem>>
          %dma_start3A_260 = arith.constant 0 : i32
          %dma_start3A_261 = arith.constant 0 : i32
          %dma_start3A_262 = tpu.memref_slice %arg2[%dma_start3A_260, %dma_start3A_261] : memref<10000x64xf32, #tpu.memory_space<hbm>> -> memref<10000x64xf32, #tpu.memory_space<hbm>>
          tpu.enqueue_indirect_dma source(%dma_start3A_262 : memref<10000x64xf32, #tpu.memory_space<hbm>>) target(%arg15 : memref<125x64xf32, #tpu.memory_space<vmem>>) offsets(%dma_start3A_259 : memref<125xi32, #tpu.memory_space<vmem>>) semaphore(%arg22 : memref<!tpu.dma_semaphore, #tpu.memory_space<semaphore_mem>>)
        } else {
        }
        %eq3A_252 = arith.constant 1 : i32
        %eq3A_253 = arith.cmpi eq, %arg0, %eq3A_252 : i32
        %convert_element_type3A_254 = arith.extui %eq3A_253 : i1 to i32
        %cond3A_255 = arith.constant 0 : i32
        %cond3A_256 = arith.cmpi ne, %convert_element_type3A_254, %cond3A_255 : i32
        scf.if %cond3A_256 {
          %dma_start3A_257 = arith.constant 0 : i32
          %dma_start3A_258 = tpu.memref_slice %arg8[%add3A_241, %dma_start3A_257] : memref<160x125xi32, #tpu.memory_space<vmem>> -> memref<1x125xi32, #tpu.memory_space<vmem>>
          %dma_start3A_259 = tpu.memref_squeeze %dma_start3A_258 : memref<1x125xi32, #tpu.memory_space<vmem>> -> memref<125xi32, #tpu.memory_space<vmem>>
          %dma_start3A_260 = arith.constant 0 : i32
          %dma_start3A_261 = arith.constant 0 : i32
          %dma_start3A_262 = tpu.memref_slice %arg3[%dma_start3A_260, %dma_start3A_261] : memref<10000x64xf32, #tpu.memory_space<hbm>> -> memref<10000x64xf32, #tpu.memory_space<hbm>>
          tpu.enqueue_indirect_dma source(%dma_start3A_262 : memref<10000x64xf32, #tpu.memory_space<hbm>>) target(%arg15 : memref<125x64xf32, #tpu.memory_space<vmem>>) offsets(%dma_start3A_259 : memref<125xi32, #tpu.memory_space<vmem>>) semaphore(%arg22 : memref<!tpu.dma_semaphore, #tpu.memory_space<semaphore_mem>>)
        } else {
        }
      } else {
      }
    }
    %scan3A_108 = arith.constant 26 : i32
    %dma_wait3A_109 = arith.constant 156 : i32
    %dma_wait3A_110 = arith.constant 0 : i32
    %dma_wait3A_111 = tpu.memref_slice %arg8[%dma_wait3A_109, %dma_wait3A_110] : memref<160x125xi32, #tpu.memory_space<vmem>> -> memref<1x125xi32, #tpu.memory_space<vmem>>
    %dma_wait3A_112 = tpu.memref_squeeze %dma_wait3A_111 : memref<1x125xi32, #tpu.memory_space<vmem>> -> memref<125xi32, #tpu.memory_space<vmem>>
    %dma_wait3A_113 = arith.constant 0 : i32
    %dma_wait3A_114 = arith.constant 0 : i32
    %dma_wait3A_115 = tpu.memref_slice %arg2[%dma_wait3A_113, %dma_wait3A_114] : memref<10000x64xf32, #tpu.memory_space<hbm>> -> memref<10000x64xf32, #tpu.memory_space<hbm>>
    tpu.wait_indirect_dma semaphore(%arg17 : memref<!tpu.dma_semaphore, #tpu.memory_space<semaphore_mem>>) src(%dma_wait3A_115 : memref<10000x64xf32, #tpu.memory_space<hbm>>) dst(%arg10 : memref<125x64xf32, #tpu.memory_space<vmem>>)
    %run_scoped3A = arith.constant 156 : i32
    "tpu.region"() ({
      %run_scoped3A_151 = tpu.sem_alloc : memref<!tpu.dma_semaphore, #tpu.memory_space<semaphore_mem>>
      %dma_start3A_152 = arith.constant 0 : i32
      %dma_start3A_153 = tpu.memref_slice %arg9[%run_scoped3A, %dma_start3A_152] : memref<160x125xi32, #tpu.memory_space<vmem>> -> memref<1x125xi32, #tpu.memory_space<vmem>>
      %dma_start3A_154 = tpu.memref_squeeze %dma_start3A_153 : memref<1x125xi32, #tpu.memory_space<vmem>> -> memref<125xi32, #tpu.memory_space<vmem>>
      %dma_start3A_155 = arith.constant 0 : i32
      %dma_start3A_156 = arith.constant 0 : i32
      %dma_start3A_157 = tpu.memref_slice %arg16[%dma_start3A_155, %dma_start3A_156] : memref<10000x64xf32, #tpu.memory_space<vmem_shared>> -> memref<10000x64xf32, #tpu.memory_space<vmem_shared>>
      tpu.enqueue_indirect_dma source(%arg10 : memref<125x64xf32, #tpu.memory_space<vmem>>) target(%dma_start3A_157 : memref<10000x64xf32, #tpu.memory_space<vmem_shared>>) offsets(%dma_start3A_154 : memref<125xi32, #tpu.memory_space<vmem>>) semaphore(%run_scoped3A_151 : memref<!tpu.dma_semaphore, #tpu.memory_space<semaphore_mem>>) {add = true}
      %dma_wait3A_158 = arith.constant 0 : i32
      %dma_wait3A_159 = tpu.memref_slice %arg9[%run_scoped3A, %dma_wait3A_158] : memref<160x125xi32, #tpu.memory_space<vmem>> -> memref<1x125xi32, #tpu.memory_space<vmem>>
      %dma_wait3A_160 = tpu.memref_squeeze %dma_wait3A_159 : memref<1x125xi32, #tpu.memory_space<vmem>> -> memref<125xi32, #tpu.memory_space<vmem>>
      %dma_wait3A_161 = arith.constant 0 : i32
      %dma_wait3A_162 = arith.constant 0 : i32
      %dma_wait3A_163 = tpu.memref_slice %arg16[%dma_wait3A_161, %dma_wait3A_162] : memref<10000x64xf32, #tpu.memory_space<vmem_shared>> -> memref<10000x64xf32, #tpu.memory_space<vmem_shared>>
      tpu.wait_indirect_dma semaphore(%run_scoped3A_151 : memref<!tpu.dma_semaphore, #tpu.memory_space<semaphore_mem>>) src(%arg10 : memref<125x64xf32, #tpu.memory_space<vmem>>) dst(%dma_wait3A_163 : memref<10000x64xf32, #tpu.memory_space<vmem_shared>>)
      tpu.yield
    }) : () -> ()
    %dma_wait3A_116 = arith.constant 157 : i32
    %dma_wait3A_117 = arith.constant 0 : i32
    %dma_wait3A_118 = tpu.memref_slice %arg8[%dma_wait3A_116, %dma_wait3A_117] : memref<160x125xi32, #tpu.memory_space<vmem>> -> memref<1x125xi32, #tpu.memory_space<vmem>>
    %dma_wait3A_119 = tpu.memref_squeeze %dma_wait3A_118 : memref<1x125xi32, #tpu.memory_space<vmem>> -> memref<125xi32, #tpu.memory_space<vmem>>
    %dma_wait3A_120 = arith.constant 0 : i32
    %dma_wait3A_121 = arith.constant 0 : i32
    %dma_wait3A_122 = tpu.memref_slice %arg2[%dma_wait3A_120, %dma_wait3A_121] : memref<10000x64xf32, #tpu.memory_space<hbm>> -> memref<10000x64xf32, #tpu.memory_space<hbm>>
    tpu.wait_indirect_dma semaphore(%arg18 : memref<!tpu.dma_semaphore, #tpu.memory_space<semaphore_mem>>) src(%dma_wait3A_122 : memref<10000x64xf32, #tpu.memory_space<hbm>>) dst(%arg11 : memref<125x64xf32, #tpu.memory_space<vmem>>)
    %run_scoped3A_123 = arith.constant 157 : i32
    "tpu.region"() ({
      %run_scoped3A_151 = tpu.sem_alloc : memref<!tpu.dma_semaphore, #tpu.memory_space<semaphore_mem>>
      %dma_start3A_152 = arith.constant 0 : i32
      %dma_start3A_153 = tpu.memref_slice %arg9[%run_scoped3A_123, %dma_start3A_152] : memref<160x125xi32, #tpu.memory_space<vmem>> -> memref<1x125xi32, #tpu.memory_space<vmem>>
      %dma_start3A_154 = tpu.memref_squeeze %dma_start3A_153 : memref<1x125xi32, #tpu.memory_space<vmem>> -> memref<125xi32, #tpu.memory_space<vmem>>
      %dma_start3A_155 = arith.constant 0 : i32
      %dma_start3A_156 = arith.constant 0 : i32
      %dma_start3A_157 = tpu.memref_slice %arg16[%dma_start3A_155, %dma_start3A_156] : memref<10000x64xf32, #tpu.memory_space<vmem_shared>> -> memref<10000x64xf32, #tpu.memory_space<vmem_shared>>
      tpu.enqueue_indirect_dma source(%arg11 : memref<125x64xf32, #tpu.memory_space<vmem>>) target(%dma_start3A_157 : memref<10000x64xf32, #tpu.memory_space<vmem_shared>>) offsets(%dma_start3A_154 : memref<125xi32, #tpu.memory_space<vmem>>) semaphore(%run_scoped3A_151 : memref<!tpu.dma_semaphore, #tpu.memory_space<semaphore_mem>>) {add = true}
      %dma_wait3A_158 = arith.constant 0 : i32
      %dma_wait3A_159 = tpu.memref_slice %arg9[%run_scoped3A_123, %dma_wait3A_158] : memref<160x125xi32, #tpu.memory_space<vmem>> -> memref<1x125xi32, #tpu.memory_space<vmem>>
      %dma_wait3A_160 = tpu.memref_squeeze %dma_wait3A_159 : memref<1x125xi32, #tpu.memory_space<vmem>> -> memref<125xi32, #tpu.memory_space<vmem>>
      %dma_wait3A_161 = arith.constant 0 : i32
      %dma_wait3A_162 = arith.constant 0 : i32
      %dma_wait3A_163 = tpu.memref_slice %arg16[%dma_wait3A_161, %dma_wait3A_162] : memref<10000x64xf32, #tpu.memory_space<vmem_shared>> -> memref<10000x64xf32, #tpu.memory_space<vmem_shared>>
      tpu.wait_indirect_dma semaphore(%run_scoped3A_151 : memref<!tpu.dma_semaphore, #tpu.memory_space<semaphore_mem>>) src(%arg11 : memref<125x64xf32, #tpu.memory_space<vmem>>) dst(%dma_wait3A_163 : memref<10000x64xf32, #tpu.memory_space<vmem_shared>>)
      tpu.yield
    }) : () -> ()
    %dma_wait3A_124 = arith.constant 158 : i32
    %dma_wait3A_125 = arith.constant 0 : i32
    %dma_wait3A_126 = tpu.memref_slice %arg8[%dma_wait3A_124, %dma_wait3A_125] : memref<160x125xi32, #tpu.memory_space<vmem>> -> memref<1x125xi32, #tpu.memory_space<vmem>>
    %dma_wait3A_127 = tpu.memref_squeeze %dma_wait3A_126 : memref<1x125xi32, #tpu.memory_space<vmem>> -> memref<125xi32, #tpu.memory_space<vmem>>
    %dma_wait3A_128 = arith.constant 0 : i32
    %dma_wait3A_129 = arith.constant 0 : i32
    %dma_wait3A_130 = tpu.memref_slice %arg2[%dma_wait3A_128, %dma_wait3A_129] : memref<10000x64xf32, #tpu.memory_space<hbm>> -> memref<10000x64xf32, #tpu.memory_space<hbm>>
    tpu.wait_indirect_dma semaphore(%arg19 : memref<!tpu.dma_semaphore, #tpu.memory_space<semaphore_mem>>) src(%dma_wait3A_130 : memref<10000x64xf32, #tpu.memory_space<hbm>>) dst(%arg12 : memref<125x64xf32, #tpu.memory_space<vmem>>)
    %run_scoped3A_131 = arith.constant 158 : i32
    "tpu.region"() ({
      %run_scoped3A_151 = tpu.sem_alloc : memref<!tpu.dma_semaphore, #tpu.memory_space<semaphore_mem>>
      %dma_start3A_152 = arith.constant 0 : i32
      %dma_start3A_153 = tpu.memref_slice %arg9[%run_scoped3A_131, %dma_start3A_152] : memref<160x125xi32, #tpu.memory_space<vmem>> -> memref<1x125xi32, #tpu.memory_space<vmem>>
      %dma_start3A_154 = tpu.memref_squeeze %dma_start3A_153 : memref<1x125xi32, #tpu.memory_space<vmem>> -> memref<125xi32, #tpu.memory_space<vmem>>
      %dma_start3A_155 = arith.constant 0 : i32
      %dma_start3A_156 = arith.constant 0 : i32
      %dma_start3A_157 = tpu.memref_slice %arg16[%dma_start3A_155, %dma_start3A_156] : memref<10000x64xf32, #tpu.memory_space<vmem_shared>> -> memref<10000x64xf32, #tpu.memory_space<vmem_shared>>
      tpu.enqueue_indirect_dma source(%arg12 : memref<125x64xf32, #tpu.memory_space<vmem>>) target(%dma_start3A_157 : memref<10000x64xf32, #tpu.memory_space<vmem_shared>>) offsets(%dma_start3A_154 : memref<125xi32, #tpu.memory_space<vmem>>) semaphore(%run_scoped3A_151 : memref<!tpu.dma_semaphore, #tpu.memory_space<semaphore_mem>>) {add = true}
      %dma_wait3A_158 = arith.constant 0 : i32
      %dma_wait3A_159 = tpu.memref_slice %arg9[%run_scoped3A_131, %dma_wait3A_158] : memref<160x125xi32, #tpu.memory_space<vmem>> -> memref<1x125xi32, #tpu.memory_space<vmem>>
      %dma_wait3A_160 = tpu.memref_squeeze %dma_wait3A_159 : memref<1x125xi32, #tpu.memory_space<vmem>> -> memref<125xi32, #tpu.memory_space<vmem>>
      %dma_wait3A_161 = arith.constant 0 : i32
      %dma_wait3A_162 = arith.constant 0 : i32
      %dma_wait3A_163 = tpu.memref_slice %arg16[%dma_wait3A_161, %dma_wait3A_162] : memref<10000x64xf32, #tpu.memory_space<vmem_shared>> -> memref<10000x64xf32, #tpu.memory_space<vmem_shared>>
      tpu.wait_indirect_dma semaphore(%run_scoped3A_151 : memref<!tpu.dma_semaphore, #tpu.memory_space<semaphore_mem>>) src(%arg12 : memref<125x64xf32, #tpu.memory_space<vmem>>) dst(%dma_wait3A_163 : memref<10000x64xf32, #tpu.memory_space<vmem_shared>>)
      tpu.yield
    }) : () -> ()
    %dma_wait3A_132 = arith.constant 159 : i32
    %dma_wait3A_133 = arith.constant 0 : i32
    %dma_wait3A_134 = tpu.memref_slice %arg8[%dma_wait3A_132, %dma_wait3A_133] : memref<160x125xi32, #tpu.memory_space<vmem>> -> memref<1x125xi32, #tpu.memory_space<vmem>>
    %dma_wait3A_135 = tpu.memref_squeeze %dma_wait3A_134 : memref<1x125xi32, #tpu.memory_space<vmem>> -> memref<125xi32, #tpu.memory_space<vmem>>
    %dma_wait3A_136 = arith.constant 0 : i32
    %dma_wait3A_137 = arith.constant 0 : i32
    %dma_wait3A_138 = tpu.memref_slice %arg2[%dma_wait3A_136, %dma_wait3A_137] : memref<10000x64xf32, #tpu.memory_space<hbm>> -> memref<10000x64xf32, #tpu.memory_space<hbm>>
    tpu.wait_indirect_dma semaphore(%arg20 : memref<!tpu.dma_semaphore, #tpu.memory_space<semaphore_mem>>) src(%dma_wait3A_138 : memref<10000x64xf32, #tpu.memory_space<hbm>>) dst(%arg13 : memref<125x64xf32, #tpu.memory_space<vmem>>)
    %run_scoped3A_139 = arith.constant 159 : i32
    "tpu.region"() ({
      %run_scoped3A_151 = tpu.sem_alloc : memref<!tpu.dma_semaphore, #tpu.memory_space<semaphore_mem>>
      %dma_start3A_152 = arith.constant 0 : i32
      %dma_start3A_153 = tpu.memref_slice %arg9[%run_scoped3A_139, %dma_start3A_152] : memref<160x125xi32, #tpu.memory_space<vmem>> -> memref<1x125xi32, #tpu.memory_space<vmem>>
      %dma_start3A_154 = tpu.memref_squeeze %dma_start3A_153 : memref<1x125xi32, #tpu.memory_space<vmem>> -> memref<125xi32, #tpu.memory_space<vmem>>
      %dma_start3A_155 = arith.constant 0 : i32
      %dma_start3A_156 = arith.constant 0 : i32
      %dma_start3A_157 = tpu.memref_slice %arg16[%dma_start3A_155, %dma_start3A_156] : memref<10000x64xf32, #tpu.memory_space<vmem_shared>> -> memref<10000x64xf32, #tpu.memory_space<vmem_shared>>
      tpu.enqueue_indirect_dma source(%arg13 : memref<125x64xf32, #tpu.memory_space<vmem>>) target(%dma_start3A_157 : memref<10000x64xf32, #tpu.memory_space<vmem_shared>>) offsets(%dma_start3A_154 : memref<125xi32, #tpu.memory_space<vmem>>) semaphore(%run_scoped3A_151 : memref<!tpu.dma_semaphore, #tpu.memory_space<semaphore_mem>>) {add = true}
      %dma_wait3A_158 = arith.constant 0 : i32
      %dma_wait3A_159 = tpu.memref_slice %arg9[%run_scoped3A_139, %dma_wait3A_158] : memref<160x125xi32, #tpu.memory_space<vmem>> -> memref<1x125xi32, #tpu.memory_space<vmem>>
      %dma_wait3A_160 = tpu.memref_squeeze %dma_wait3A_159 : memref<1x125xi32, #tpu.memory_space<vmem>> -> memref<125xi32, #tpu.memory_space<vmem>>
      %dma_wait3A_161 = arith.constant 0 : i32
      %dma_wait3A_162 = arith.constant 0 : i32
      %dma_wait3A_163 = tpu.memref_slice %arg16[%dma_wait3A_161, %dma_wait3A_162] : memref<10000x64xf32, #tpu.memory_space<vmem_shared>> -> memref<10000x64xf32, #tpu.memory_space<vmem_shared>>
      tpu.wait_indirect_dma semaphore(%run_scoped3A_151 : memref<!tpu.dma_semaphore, #tpu.memory_space<semaphore_mem>>) src(%arg13 : memref<125x64xf32, #tpu.memory_space<vmem>>) dst(%dma_wait3A_163 : memref<10000x64xf32, #tpu.memory_space<vmem_shared>>)
      tpu.yield
    }) : () -> ()
    %barrier3A_140 = arith.constant 0 : index
    tpu.barrier barrier_id(%barrier3A_140)
    %eq3A_141 = arith.constant 0 : i32
    %eq3A_142 = arith.cmpi eq, %arg0, %eq3A_141 : i32
    %convert_element_type3A_143 = arith.extui %eq3A_142 : i1 to i32
    %cond3A_144 = arith.constant 0 : i32
    %cond3A_145 = arith.cmpi ne, %convert_element_type3A_143, %cond3A_144 : i32
    scf.if %cond3A_145 {
      %mul3A_151 = arith.constant 624 : i32
      %mul3A_152 = arith.muli %arg1, %mul3A_151 : i32
      %lt3A = arith.constant 15 : i32
      %lt3A_153 = arith.cmpi slt, %arg1, %lt3A : i32
      %convert_element_type3A_154 = arith.extui %lt3A_153 : i1 to i32
      %cond3A_155 = arith.constant 0 : i32
      %cond3A_156 = arith.cmpi ne, %convert_element_type3A_154, %cond3A_155 : i32
      scf.if %cond3A_156 {
        "tpu.region"() ({
          %run_scoped3A_162 = tpu.sem_alloc : memref<!tpu.dma_semaphore, #tpu.memory_space<semaphore_mem>>
          %dma_start3A_163 = arith.constant 0 : i32
          %dma_start3A_164 = tpu.memref_slice %arg6[%mul3A_152, %dma_start3A_163] : memref<10000x64xf32, #tpu.memory_space<hbm>> -> memref<624x64xf32, #tpu.memory_space<hbm>>
          %dma_start3A_165 = arith.constant 0 : i32
          %dma_start3A_166 = tpu.memref_slice %arg16[%mul3A_152, %dma_start3A_165] : memref<10000x64xf32, #tpu.memory_space<vmem_shared>> -> memref<624x64xf32, #tpu.memory_space<vmem_shared>>
          tpu.enqueue_dma source(%dma_start3A_166 : memref<624x64xf32, #tpu.memory_space<vmem_shared>>) target(%dma_start3A_164 : memref<624x64xf32, #tpu.memory_space<hbm>>) target_semaphore(%run_scoped3A_162 : memref<!tpu.dma_semaphore, #tpu.memory_space<semaphore_mem>>)
          %dma_wait3A_167 = arith.constant 0 : i32
          %dma_wait3A_168 = tpu.memref_slice %arg6[%mul3A_152, %dma_wait3A_167] : memref<10000x64xf32, #tpu.memory_space<hbm>> -> memref<624x64xf32, #tpu.memory_space<hbm>>
          %dma_wait3A_169 = arith.constant 0 : i32
          %dma_wait3A_170 = tpu.memref_slice %arg16[%mul3A_152, %dma_wait3A_169] : memref<10000x64xf32, #tpu.memory_space<vmem_shared>> -> memref<624x64xf32, #tpu.memory_space<vmem_shared>>
          tpu.wait_dma2 semaphore(%run_scoped3A_162 : memref<!tpu.dma_semaphore, #tpu.memory_space<semaphore_mem>>) src(%dma_wait3A_170 : memref<624x64xf32, #tpu.memory_space<vmem_shared>>) dst(%dma_wait3A_168 : memref<624x64xf32, #tpu.memory_space<hbm>>)
          tpu.yield
        }) : () -> ()
      } else {
      }
      %eq3A_157 = arith.constant 15 : i32
      %eq3A_158 = arith.cmpi eq, %arg1, %eq3A_157 : i32
      %convert_element_type3A_159 = arith.extui %eq3A_158 : i1 to i32
      %cond3A_160 = arith.constant 0 : i32
      %cond3A_161 = arith.cmpi ne, %convert_element_type3A_159, %cond3A_160 : i32
      scf.if %cond3A_161 {
        "tpu.region"() ({
          %run_scoped3A_162 = tpu.sem_alloc : memref<!tpu.dma_semaphore, #tpu.memory_space<semaphore_mem>>
          %dma_start3A_163 = arith.constant 0 : i32
          %dma_start3A_164 = tpu.memref_slice %arg6[%mul3A_152, %dma_start3A_163] : memref<10000x64xf32, #tpu.memory_space<hbm>> -> memref<640x64xf32, #tpu.memory_space<hbm>>
          %dma_start3A_165 = arith.constant 0 : i32
          %dma_start3A_166 = tpu.memref_slice %arg16[%mul3A_152, %dma_start3A_165] : memref<10000x64xf32, #tpu.memory_space<vmem_shared>> -> memref<640x64xf32, #tpu.memory_space<vmem_shared>>
          tpu.enqueue_dma source(%dma_start3A_166 : memref<640x64xf32, #tpu.memory_space<vmem_shared>>) target(%dma_start3A_164 : memref<640x64xf32, #tpu.memory_space<hbm>>) target_semaphore(%run_scoped3A_162 : memref<!tpu.dma_semaphore, #tpu.memory_space<semaphore_mem>>)
          %dma_wait3A_167 = arith.constant 0 : i32
          %dma_wait3A_168 = tpu.memref_slice %arg6[%mul3A_152, %dma_wait3A_167] : memref<10000x64xf32, #tpu.memory_space<hbm>> -> memref<640x64xf32, #tpu.memory_space<hbm>>
          %dma_wait3A_169 = arith.constant 0 : i32
          %dma_wait3A_170 = tpu.memref_slice %arg16[%mul3A_152, %dma_wait3A_169] : memref<10000x64xf32, #tpu.memory_space<vmem_shared>> -> memref<640x64xf32, #tpu.memory_space<vmem_shared>>
          tpu.wait_dma2 semaphore(%run_scoped3A_162 : memref<!tpu.dma_semaphore, #tpu.memory_space<semaphore_mem>>) src(%dma_wait3A_170 : memref<640x64xf32, #tpu.memory_space<vmem_shared>>) dst(%dma_wait3A_168 : memref<640x64xf32, #tpu.memory_space<hbm>>)
          tpu.yield
        }) : () -> ()
      } else {
      }
    } else {
    }
    %eq3A_146 = arith.constant 1 : i32
    %eq3A_147 = arith.cmpi eq, %arg0, %eq3A_146 : i32
    %convert_element_type3A_148 = arith.extui %eq3A_147 : i1 to i32
    %cond3A_149 = arith.constant 0 : i32
    %cond3A_150 = arith.cmpi ne, %convert_element_type3A_148, %cond3A_149 : i32
    scf.if %cond3A_150 {
      %mul3A_151 = arith.constant 624 : i32
      %mul3A_152 = arith.muli %arg1, %mul3A_151 : i32
      %lt3A = arith.constant 15 : i32
      %lt3A_153 = arith.cmpi slt, %arg1, %lt3A : i32
      %convert_element_type3A_154 = arith.extui %lt3A_153 : i1 to i32
      %cond3A_155 = arith.constant 0 : i32
      %cond3A_156 = arith.cmpi ne, %convert_element_type3A_154, %cond3A_155 : i32
      scf.if %cond3A_156 {
        "tpu.region"() ({
          %run_scoped3A_162 = tpu.sem_alloc : memref<!tpu.dma_semaphore, #tpu.memory_space<semaphore_mem>>
          %dma_start3A_163 = arith.constant 0 : i32
          %dma_start3A_164 = tpu.memref_slice %arg7[%mul3A_152, %dma_start3A_163] : memref<10000x64xf32, #tpu.memory_space<hbm>> -> memref<624x64xf32, #tpu.memory_space<hbm>>
          %dma_start3A_165 = arith.constant 0 : i32
          %dma_start3A_166 = tpu.memref_slice %arg16[%mul3A_152, %dma_start3A_165] : memref<10000x64xf32, #tpu.memory_space<vmem_shared>> -> memref<624x64xf32, #tpu.memory_space<vmem_shared>>
          tpu.enqueue_dma source(%dma_start3A_166 : memref<624x64xf32, #tpu.memory_space<vmem_shared>>) target(%dma_start3A_164 : memref<624x64xf32, #tpu.memory_space<hbm>>) target_semaphore(%run_scoped3A_162 : memref<!tpu.dma_semaphore, #tpu.memory_space<semaphore_mem>>)
          %dma_wait3A_167 = arith.constant 0 : i32
          %dma_wait3A_168 = tpu.memref_slice %arg7[%mul3A_152, %dma_wait3A_167] : memref<10000x64xf32, #tpu.memory_space<hbm>> -> memref<624x64xf32, #tpu.memory_space<hbm>>
          %dma_wait3A_169 = arith.constant 0 : i32
          %dma_wait3A_170 = tpu.memref_slice %arg16[%mul3A_152, %dma_wait3A_169] : memref<10000x64xf32, #tpu.memory_space<vmem_shared>> -> memref<624x64xf32, #tpu.memory_space<vmem_shared>>
          tpu.wait_dma2 semaphore(%run_scoped3A_162 : memref<!tpu.dma_semaphore, #tpu.memory_space<semaphore_mem>>) src(%dma_wait3A_170 : memref<624x64xf32, #tpu.memory_space<vmem_shared>>) dst(%dma_wait3A_168 : memref<624x64xf32, #tpu.memory_space<hbm>>)
          tpu.yield
        }) : () -> ()
      } else {
      }
      %eq3A_157 = arith.constant 15 : i32
      %eq3A_158 = arith.cmpi eq, %arg1, %eq3A_157 : i32
      %convert_element_type3A_159 = arith.extui %eq3A_158 : i1 to i32
      %cond3A_160 = arith.constant 0 : i32
      %cond3A_161 = arith.cmpi ne, %convert_element_type3A_159, %cond3A_160 : i32
      scf.if %cond3A_161 {
        "tpu.region"() ({
          %run_scoped3A_162 = tpu.sem_alloc : memref<!tpu.dma_semaphore, #tpu.memory_space<semaphore_mem>>
          %dma_start3A_163 = arith.constant 0 : i32
          %dma_start3A_164 = tpu.memref_slice %arg7[%mul3A_152, %dma_start3A_163] : memref<10000x64xf32, #tpu.memory_space<hbm>> -> memref<640x64xf32, #tpu.memory_space<hbm>>
          %dma_start3A_165 = arith.constant 0 : i32
          %dma_start3A_166 = tpu.memref_slice %arg16[%mul3A_152, %dma_start3A_165] : memref<10000x64xf32, #tpu.memory_space<vmem_shared>> -> memref<640x64xf32, #tpu.memory_space<vmem_shared>>
          tpu.enqueue_dma source(%dma_start3A_166 : memref<640x64xf32, #tpu.memory_space<vmem_shared>>) target(%dma_start3A_164 : memref<640x64xf32, #tpu.memory_space<hbm>>) target_semaphore(%run_scoped3A_162 : memref<!tpu.dma_semaphore, #tpu.memory_space<semaphore_mem>>)
          %dma_wait3A_167 = arith.constant 0 : i32
          %dma_wait3A_168 = tpu.memref_slice %arg7[%mul3A_152, %dma_wait3A_167] : memref<10000x64xf32, #tpu.memory_space<hbm>> -> memref<640x64xf32, #tpu.memory_space<hbm>>
          %dma_wait3A_169 = arith.constant 0 : i32
          %dma_wait3A_170 = tpu.memref_slice %arg16[%mul3A_152, %dma_wait3A_169] : memref<10000x64xf32, #tpu.memory_space<vmem_shared>> -> memref<640x64xf32, #tpu.memory_space<vmem_shared>>
          tpu.wait_dma2 semaphore(%run_scoped3A_162 : memref<!tpu.dma_semaphore, #tpu.memory_space<semaphore_mem>>) src(%dma_wait3A_170 : memref<640x64xf32, #tpu.memory_space<vmem_shared>>) dst(%dma_wait3A_168 : memref<640x64xf32, #tpu.memory_space<hbm>>)
          tpu.yield
        }) : () -> ()
      } else {
      }
    } else {
    }
    return
  }
}

#map = affine_map<(d0, d1) -> (0, 0)>
#map1 = affine_map<(d0, d1) -> (0, 0, 0)>
module attributes {stable_mosaic.version = 14 : i64} {
  func.func @_degree_body(%arg0: i32, %arg1: i32, %arg2: memref<2x320000xi32, #tpu.memory_space<hbm>>, %arg3: memref<2x640x16xf32, #tpu.memory_space<hbm>>, %arg4: memref<20000xi32, #tpu.memory_space<vmem>>, %arg5: memref<640x16xf32, #tpu.memory_space<vmem>>, %arg6: memref<5x128xi32, #tpu.memory_space<vmem>>, %arg7: memref<640x16xf32, #tpu.memory_space<vmem_shared>>) attributes {dimension_semantics = [#tpu.dimension_semantics<core_parallel>, #tpu.dimension_semantics<subcore_parallel>], iteration_bounds = array<i64: 2, 16>, scalar_prefetch = 0 : i64, scratch_operands = 4 : i64, tpu.core_type = #tpu.core_type<sc_vector_subcore>, window_params = [{transform_indices = #map}, {transform_indices = #map1}]} {
    %broadcast_in_dim3A = arith.constant 1.000000e+00 : f32
    %broadcast_in_dim3A_0 = vector.broadcast %broadcast_in_dim3A : f32 to vector<16xf32>
    %broadcast_in_dim3A_1 = arith.constant 0.000000e+00 : f32
    %broadcast_in_dim3A_2 = vector.broadcast %broadcast_in_dim3A_1 : f32 to vector<16xf32>
    %iota3A = tpu.iota {dimensions = array<i32: 0>} : vector<16xi32>
    %mul3A = arith.constant 20000 : i32
    %mul3A_3 = arith.muli %arg1, %mul3A : i32
    "tpu.region"() ({
      %run_scoped3A_304 = tpu.sem_alloc : memref<!tpu.dma_semaphore, #tpu.memory_space<semaphore_mem>>
      %dma_start3A = tpu.memref_slice %arg2[%arg0, %mul3A_3] : memref<2x320000xi32, #tpu.memory_space<hbm>> -> memref<1x20000xi32, #tpu.memory_space<hbm>>
      %dma_start3A_305 = tpu.memref_squeeze %dma_start3A : memref<1x20000xi32, #tpu.memory_space<hbm>> -> memref<20000xi32, #tpu.memory_space<hbm>>
      %dma_start3A_306 = tpu.memref_slice %arg2[%arg0, %mul3A_3] : memref<2x320000xi32, #tpu.memory_space<hbm>> -> memref<1x20000xi32, #tpu.memory_space<hbm>>
      %dma_start3A_307 = tpu.memref_squeeze %dma_start3A_306 : memref<1x20000xi32, #tpu.memory_space<hbm>> -> memref<20000xi32, #tpu.memory_space<hbm>>
      tpu.enqueue_dma source(%dma_start3A_307 : memref<20000xi32, #tpu.memory_space<hbm>>) target(%arg4 : memref<20000xi32, #tpu.memory_space<vmem>>) target_semaphore(%run_scoped3A_304 : memref<!tpu.dma_semaphore, #tpu.memory_space<semaphore_mem>>)
      %dma_wait3A = tpu.memref_slice %arg2[%arg0, %mul3A_3] : memref<2x320000xi32, #tpu.memory_space<hbm>> -> memref<1x20000xi32, #tpu.memory_space<hbm>>
      %dma_wait3A_308 = tpu.memref_squeeze %dma_wait3A : memref<1x20000xi32, #tpu.memory_space<hbm>> -> memref<20000xi32, #tpu.memory_space<hbm>>
      %dma_wait3A_309 = tpu.memref_slice %arg2[%arg0, %mul3A_3] : memref<2x320000xi32, #tpu.memory_space<hbm>> -> memref<1x20000xi32, #tpu.memory_space<hbm>>
      %dma_wait3A_310 = tpu.memref_squeeze %dma_wait3A_309 : memref<1x20000xi32, #tpu.memory_space<hbm>> -> memref<20000xi32, #tpu.memory_space<hbm>>
      tpu.wait_dma2 semaphore(%run_scoped3A_304 : memref<!tpu.dma_semaphore, #tpu.memory_space<semaphore_mem>>) src(%dma_wait3A_310 : memref<20000xi32, #tpu.memory_space<hbm>>) dst(%arg4 : memref<20000xi32, #tpu.memory_space<vmem>>)
      tpu.yield
    }) : () -> ()
    %scan3A = arith.constant 0 : i32
    %scan3A_4 = arith.constant 640 : i32
    %scan3A_5 = arith.addi %scan3A, %scan3A_4 : i32
    %scan3A_6 = arith.constant 1 : i32
    scf.for %scan3A_304 = %scan3A to %scan3A_5 step %scan3A_6  : i32 {
      %mul3A_305 = arith.constant 1 : i32
      %mul3A_306 = arith.muli %scan3A_304, %mul3A_305 : i32
      %add3A_307 = arith.constant 0 : i32
      %add3A_308 = arith.addi %add3A_307, %mul3A_306 : i32
      %swap3A_309 = arith.index_cast %add3A_308 : i32 to index
      %swap3A_310 = arith.constant 0 : index
      %swap3A_311 = tpu.vector_load %arg5[%swap3A_309, %swap3A_310] {strides = array<i32>} : memref<640x16xf32, #tpu.memory_space<vmem>>, vector<16xf32>,
      tpu.vector_store %arg5[%swap3A_309, %swap3A_310], %broadcast_in_dim3A_2 {strides = array<i32>} : memref<640x16xf32, #tpu.memory_space<vmem>>, vector<16xf32>,
    }
    %scan3A_7 = arith.constant 640 : i32
    %add3A = arith.constant 0 : i32
    %add3A_8 = vector.broadcast %add3A : i32 to vector<16xi32>
    %add3A_9 = arith.addi %iota3A, %add3A_8 : vector<16xi32>
    %swap3A = arith.constant 0 : i32
    %swap3A_10 = arith.index_cast %swap3A : i32 to index
    %swap3A_11 = arith.constant 0 : index
    %swap3A_12 = tpu.vector_load %arg6[%swap3A_10, %swap3A_11] {strides = array<i32>} : memref<5x128xi32, #tpu.memory_space<vmem>>, vector<16xi32>,
    tpu.vector_store %arg6[%swap3A_10, %swap3A_11], %add3A_9 {strides = array<i32>} : memref<5x128xi32, #tpu.memory_space<vmem>>, vector<16xi32>,
    %add3A_13 = arith.constant 16 : i32
    %add3A_14 = vector.broadcast %add3A_13 : i32 to vector<16xi32>
    %add3A_15 = arith.addi %iota3A, %add3A_14 : vector<16xi32>
    %swap3A_16 = arith.constant 0 : i32
    %swap3A_17 = arith.index_cast %swap3A_16 : i32 to index
    %swap3A_18 = arith.constant 16 : index
    %swap3A_19 = tpu.vector_load %arg6[%swap3A_17, %swap3A_18] {strides = array<i32>} : memref<5x128xi32, #tpu.memory_space<vmem>>, vector<16xi32>,
    tpu.vector_store %arg6[%swap3A_17, %swap3A_18], %add3A_15 {strides = array<i32>} : memref<5x128xi32, #tpu.memory_space<vmem>>, vector<16xi32>,
    %add3A_20 = arith.constant 32 : i32
    %add3A_21 = vector.broadcast %add3A_20 : i32 to vector<16xi32>
    %add3A_22 = arith.addi %iota3A, %add3A_21 : vector<16xi32>
    %swap3A_23 = arith.constant 0 : i32
    %swap3A_24 = arith.index_cast %swap3A_23 : i32 to index
    %swap3A_25 = arith.constant 32 : index
    %swap3A_26 = tpu.vector_load %arg6[%swap3A_24, %swap3A_25] {strides = array<i32>} : memref<5x128xi32, #tpu.memory_space<vmem>>, vector<16xi32>,
    tpu.vector_store %arg6[%swap3A_24, %swap3A_25], %add3A_22 {strides = array<i32>} : memref<5x128xi32, #tpu.memory_space<vmem>>, vector<16xi32>,
    %add3A_27 = arith.constant 48 : i32
    %add3A_28 = vector.broadcast %add3A_27 : i32 to vector<16xi32>
    %add3A_29 = arith.addi %iota3A, %add3A_28 : vector<16xi32>
    %swap3A_30 = arith.constant 0 : i32
    %swap3A_31 = arith.index_cast %swap3A_30 : i32 to index
    %swap3A_32 = arith.constant 48 : index
    %swap3A_33 = tpu.vector_load %arg6[%swap3A_31, %swap3A_32] {strides = array<i32>} : memref<5x128xi32, #tpu.memory_space<vmem>>, vector<16xi32>,
    tpu.vector_store %arg6[%swap3A_31, %swap3A_32], %add3A_29 {strides = array<i32>} : memref<5x128xi32, #tpu.memory_space<vmem>>, vector<16xi32>,
    %add3A_34 = arith.constant 64 : i32
    %add3A_35 = vector.broadcast %add3A_34 : i32 to vector<16xi32>
    %add3A_36 = arith.addi %iota3A, %add3A_35 : vector<16xi32>
    %swap3A_37 = arith.constant 0 : i32
    %swap3A_38 = arith.index_cast %swap3A_37 : i32 to index
    %swap3A_39 = arith.constant 64 : index
    %swap3A_40 = tpu.vector_load %arg6[%swap3A_38, %swap3A_39] {strides = array<i32>} : memref<5x128xi32, #tpu.memory_space<vmem>>, vector<16xi32>,
    tpu.vector_store %arg6[%swap3A_38, %swap3A_39], %add3A_36 {strides = array<i32>} : memref<5x128xi32, #tpu.memory_space<vmem>>, vector<16xi32>,
    %add3A_41 = arith.constant 80 : i32
    %add3A_42 = vector.broadcast %add3A_41 : i32 to vector<16xi32>
    %add3A_43 = arith.addi %iota3A, %add3A_42 : vector<16xi32>
    %swap3A_44 = arith.constant 0 : i32
    %swap3A_45 = arith.index_cast %swap3A_44 : i32 to index
    %swap3A_46 = arith.constant 80 : index
    %swap3A_47 = tpu.vector_load %arg6[%swap3A_45, %swap3A_46] {strides = array<i32>} : memref<5x128xi32, #tpu.memory_space<vmem>>, vector<16xi32>,
    tpu.vector_store %arg6[%swap3A_45, %swap3A_46], %add3A_43 {strides = array<i32>} : memref<5x128xi32, #tpu.memory_space<vmem>>, vector<16xi32>,
    %add3A_48 = arith.constant 96 : i32
    %add3A_49 = vector.broadcast %add3A_48 : i32 to vector<16xi32>
    %add3A_50 = arith.addi %iota3A, %add3A_49 : vector<16xi32>
    %swap3A_51 = arith.constant 0 : i32
    %swap3A_52 = arith.index_cast %swap3A_51 : i32 to index
    %swap3A_53 = arith.constant 96 : index
    %swap3A_54 = tpu.vector_load %arg6[%swap3A_52, %swap3A_53] {strides = array<i32>} : memref<5x128xi32, #tpu.memory_space<vmem>>, vector<16xi32>,
    tpu.vector_store %arg6[%swap3A_52, %swap3A_53], %add3A_50 {strides = array<i32>} : memref<5x128xi32, #tpu.memory_space<vmem>>, vector<16xi32>,
    %add3A_55 = arith.constant 112 : i32
    %add3A_56 = vector.broadcast %add3A_55 : i32 to vector<16xi32>
    %add3A_57 = arith.addi %iota3A, %add3A_56 : vector<16xi32>
    %swap3A_58 = arith.constant 0 : i32
    %swap3A_59 = arith.index_cast %swap3A_58 : i32 to index
    %swap3A_60 = arith.constant 112 : index
    %swap3A_61 = tpu.vector_load %arg6[%swap3A_59, %swap3A_60] {strides = array<i32>} : memref<5x128xi32, #tpu.memory_space<vmem>>, vector<16xi32>,
    tpu.vector_store %arg6[%swap3A_59, %swap3A_60], %add3A_57 {strides = array<i32>} : memref<5x128xi32, #tpu.memory_space<vmem>>, vector<16xi32>,
    %add3A_62 = arith.constant 128 : i32
    %add3A_63 = vector.broadcast %add3A_62 : i32 to vector<16xi32>
    %add3A_64 = arith.addi %iota3A, %add3A_63 : vector<16xi32>
    %swap3A_65 = arith.constant 1 : i32
    %swap3A_66 = arith.index_cast %swap3A_65 : i32 to index
    %swap3A_67 = arith.constant 0 : index
    %swap3A_68 = tpu.vector_load %arg6[%swap3A_66, %swap3A_67] {strides = array<i32>} : memref<5x128xi32, #tpu.memory_space<vmem>>, vector<16xi32>,
    tpu.vector_store %arg6[%swap3A_66, %swap3A_67], %add3A_64 {strides = array<i32>} : memref<5x128xi32, #tpu.memory_space<vmem>>, vector<16xi32>,
    %add3A_69 = arith.constant 144 : i32
    %add3A_70 = vector.broadcast %add3A_69 : i32 to vector<16xi32>
    %add3A_71 = arith.addi %iota3A, %add3A_70 : vector<16xi32>
    %swap3A_72 = arith.constant 1 : i32
    %swap3A_73 = arith.index_cast %swap3A_72 : i32 to index
    %swap3A_74 = arith.constant 16 : index
    %swap3A_75 = tpu.vector_load %arg6[%swap3A_73, %swap3A_74] {strides = array<i32>} : memref<5x128xi32, #tpu.memory_space<vmem>>, vector<16xi32>,
    tpu.vector_store %arg6[%swap3A_73, %swap3A_74], %add3A_71 {strides = array<i32>} : memref<5x128xi32, #tpu.memory_space<vmem>>, vector<16xi32>,
    %add3A_76 = arith.constant 160 : i32
    %add3A_77 = vector.broadcast %add3A_76 : i32 to vector<16xi32>
    %add3A_78 = arith.addi %iota3A, %add3A_77 : vector<16xi32>
    %swap3A_79 = arith.constant 1 : i32
    %swap3A_80 = arith.index_cast %swap3A_79 : i32 to index
    %swap3A_81 = arith.constant 32 : index
    %swap3A_82 = tpu.vector_load %arg6[%swap3A_80, %swap3A_81] {strides = array<i32>} : memref<5x128xi32, #tpu.memory_space<vmem>>, vector<16xi32>,
    tpu.vector_store %arg6[%swap3A_80, %swap3A_81], %add3A_78 {strides = array<i32>} : memref<5x128xi32, #tpu.memory_space<vmem>>, vector<16xi32>,
    %add3A_83 = arith.constant 176 : i32
    %add3A_84 = vector.broadcast %add3A_83 : i32 to vector<16xi32>
    %add3A_85 = arith.addi %iota3A, %add3A_84 : vector<16xi32>
    %swap3A_86 = arith.constant 1 : i32
    %swap3A_87 = arith.index_cast %swap3A_86 : i32 to index
    %swap3A_88 = arith.constant 48 : index
    %swap3A_89 = tpu.vector_load %arg6[%swap3A_87, %swap3A_88] {strides = array<i32>} : memref<5x128xi32, #tpu.memory_space<vmem>>, vector<16xi32>,
    tpu.vector_store %arg6[%swap3A_87, %swap3A_88], %add3A_85 {strides = array<i32>} : memref<5x128xi32, #tpu.memory_space<vmem>>, vector<16xi32>,
    %add3A_90 = arith.constant 192 : i32
    %add3A_91 = vector.broadcast %add3A_90 : i32 to vector<16xi32>
    %add3A_92 = arith.addi %iota3A, %add3A_91 : vector<16xi32>
    %swap3A_93 = arith.constant 1 : i32
    %swap3A_94 = arith.index_cast %swap3A_93 : i32 to index
    %swap3A_95 = arith.constant 64 : index
    %swap3A_96 = tpu.vector_load %arg6[%swap3A_94, %swap3A_95] {strides = array<i32>} : memref<5x128xi32, #tpu.memory_space<vmem>>, vector<16xi32>,
    tpu.vector_store %arg6[%swap3A_94, %swap3A_95], %add3A_92 {strides = array<i32>} : memref<5x128xi32, #tpu.memory_space<vmem>>, vector<16xi32>,
    %add3A_97 = arith.constant 208 : i32
    %add3A_98 = vector.broadcast %add3A_97 : i32 to vector<16xi32>
    %add3A_99 = arith.addi %iota3A, %add3A_98 : vector<16xi32>
    %swap3A_100 = arith.constant 1 : i32
    %swap3A_101 = arith.index_cast %swap3A_100 : i32 to index
    %swap3A_102 = arith.constant 80 : index
    %swap3A_103 = tpu.vector_load %arg6[%swap3A_101, %swap3A_102] {strides = array<i32>} : memref<5x128xi32, #tpu.memory_space<vmem>>, vector<16xi32>,
    tpu.vector_store %arg6[%swap3A_101, %swap3A_102], %add3A_99 {strides = array<i32>} : memref<5x128xi32, #tpu.memory_space<vmem>>, vector<16xi32>,
    %add3A_104 = arith.constant 224 : i32
    %add3A_105 = vector.broadcast %add3A_104 : i32 to vector<16xi32>
    %add3A_106 = arith.addi %iota3A, %add3A_105 : vector<16xi32>
    %swap3A_107 = arith.constant 1 : i32
    %swap3A_108 = arith.index_cast %swap3A_107 : i32 to index
    %swap3A_109 = arith.constant 96 : index
    %swap3A_110 = tpu.vector_load %arg6[%swap3A_108, %swap3A_109] {strides = array<i32>} : memref<5x128xi32, #tpu.memory_space<vmem>>, vector<16xi32>,
    tpu.vector_store %arg6[%swap3A_108, %swap3A_109], %add3A_106 {strides = array<i32>} : memref<5x128xi32, #tpu.memory_space<vmem>>, vector<16xi32>,
    %add3A_111 = arith.constant 240 : i32
    %add3A_112 = vector.broadcast %add3A_111 : i32 to vector<16xi32>
    %add3A_113 = arith.addi %iota3A, %add3A_112 : vector<16xi32>
    %swap3A_114 = arith.constant 1 : i32
    %swap3A_115 = arith.index_cast %swap3A_114 : i32 to index
    %swap3A_116 = arith.constant 112 : index
    %swap3A_117 = tpu.vector_load %arg6[%swap3A_115, %swap3A_116] {strides = array<i32>} : memref<5x128xi32, #tpu.memory_space<vmem>>, vector<16xi32>,
    tpu.vector_store %arg6[%swap3A_115, %swap3A_116], %add3A_113 {strides = array<i32>} : memref<5x128xi32, #tpu.memory_space<vmem>>, vector<16xi32>,
    %add3A_118 = arith.constant 256 : i32
    %add3A_119 = vector.broadcast %add3A_118 : i32 to vector<16xi32>
    %add3A_120 = arith.addi %iota3A, %add3A_119 : vector<16xi32>
    %swap3A_121 = arith.constant 2 : i32
    %swap3A_122 = arith.index_cast %swap3A_121 : i32 to index
    %swap3A_123 = arith.constant 0 : index
    %swap3A_124 = tpu.vector_load %arg6[%swap3A_122, %swap3A_123] {strides = array<i32>} : memref<5x128xi32, #tpu.memory_space<vmem>>, vector<16xi32>,
    tpu.vector_store %arg6[%swap3A_122, %swap3A_123], %add3A_120 {strides = array<i32>} : memref<5x128xi32, #tpu.memory_space<vmem>>, vector<16xi32>,
    %add3A_125 = arith.constant 272 : i32
    %add3A_126 = vector.broadcast %add3A_125 : i32 to vector<16xi32>
    %add3A_127 = arith.addi %iota3A, %add3A_126 : vector<16xi32>
    %swap3A_128 = arith.constant 2 : i32
    %swap3A_129 = arith.index_cast %swap3A_128 : i32 to index
    %swap3A_130 = arith.constant 16 : index
    %swap3A_131 = tpu.vector_load %arg6[%swap3A_129, %swap3A_130] {strides = array<i32>} : memref<5x128xi32, #tpu.memory_space<vmem>>, vector<16xi32>,
    tpu.vector_store %arg6[%swap3A_129, %swap3A_130], %add3A_127 {strides = array<i32>} : memref<5x128xi32, #tpu.memory_space<vmem>>, vector<16xi32>,
    %add3A_132 = arith.constant 288 : i32
    %add3A_133 = vector.broadcast %add3A_132 : i32 to vector<16xi32>
    %add3A_134 = arith.addi %iota3A, %add3A_133 : vector<16xi32>
    %swap3A_135 = arith.constant 2 : i32
    %swap3A_136 = arith.index_cast %swap3A_135 : i32 to index
    %swap3A_137 = arith.constant 32 : index
    %swap3A_138 = tpu.vector_load %arg6[%swap3A_136, %swap3A_137] {strides = array<i32>} : memref<5x128xi32, #tpu.memory_space<vmem>>, vector<16xi32>,
    tpu.vector_store %arg6[%swap3A_136, %swap3A_137], %add3A_134 {strides = array<i32>} : memref<5x128xi32, #tpu.memory_space<vmem>>, vector<16xi32>,
    %add3A_139 = arith.constant 304 : i32
    %add3A_140 = vector.broadcast %add3A_139 : i32 to vector<16xi32>
    %add3A_141 = arith.addi %iota3A, %add3A_140 : vector<16xi32>
    %swap3A_142 = arith.constant 2 : i32
    %swap3A_143 = arith.index_cast %swap3A_142 : i32 to index
    %swap3A_144 = arith.constant 48 : index
    %swap3A_145 = tpu.vector_load %arg6[%swap3A_143, %swap3A_144] {strides = array<i32>} : memref<5x128xi32, #tpu.memory_space<vmem>>, vector<16xi32>,
    tpu.vector_store %arg6[%swap3A_143, %swap3A_144], %add3A_141 {strides = array<i32>} : memref<5x128xi32, #tpu.memory_space<vmem>>, vector<16xi32>,
    %add3A_146 = arith.constant 320 : i32
    %add3A_147 = vector.broadcast %add3A_146 : i32 to vector<16xi32>
    %add3A_148 = arith.addi %iota3A, %add3A_147 : vector<16xi32>
    %swap3A_149 = arith.constant 2 : i32
    %swap3A_150 = arith.index_cast %swap3A_149 : i32 to index
    %swap3A_151 = arith.constant 64 : index
    %swap3A_152 = tpu.vector_load %arg6[%swap3A_150, %swap3A_151] {strides = array<i32>} : memref<5x128xi32, #tpu.memory_space<vmem>>, vector<16xi32>,
    tpu.vector_store %arg6[%swap3A_150, %swap3A_151], %add3A_148 {strides = array<i32>} : memref<5x128xi32, #tpu.memory_space<vmem>>, vector<16xi32>,
    %add3A_153 = arith.constant 336 : i32
    %add3A_154 = vector.broadcast %add3A_153 : i32 to vector<16xi32>
    %add3A_155 = arith.addi %iota3A, %add3A_154 : vector<16xi32>
    %swap3A_156 = arith.constant 2 : i32
    %swap3A_157 = arith.index_cast %swap3A_156 : i32 to index
    %swap3A_158 = arith.constant 80 : index
    %swap3A_159 = tpu.vector_load %arg6[%swap3A_157, %swap3A_158] {strides = array<i32>} : memref<5x128xi32, #tpu.memory_space<vmem>>, vector<16xi32>,
    tpu.vector_store %arg6[%swap3A_157, %swap3A_158], %add3A_155 {strides = array<i32>} : memref<5x128xi32, #tpu.memory_space<vmem>>, vector<16xi32>,
    %add3A_160 = arith.constant 352 : i32
    %add3A_161 = vector.broadcast %add3A_160 : i32 to vector<16xi32>
    %add3A_162 = arith.addi %iota3A, %add3A_161 : vector<16xi32>
    %swap3A_163 = arith.constant 2 : i32
    %swap3A_164 = arith.index_cast %swap3A_163 : i32 to index
    %swap3A_165 = arith.constant 96 : index
    %swap3A_166 = tpu.vector_load %arg6[%swap3A_164, %swap3A_165] {strides = array<i32>} : memref<5x128xi32, #tpu.memory_space<vmem>>, vector<16xi32>,
    tpu.vector_store %arg6[%swap3A_164, %swap3A_165], %add3A_162 {strides = array<i32>} : memref<5x128xi32, #tpu.memory_space<vmem>>, vector<16xi32>,
    %add3A_167 = arith.constant 368 : i32
    %add3A_168 = vector.broadcast %add3A_167 : i32 to vector<16xi32>
    %add3A_169 = arith.addi %iota3A, %add3A_168 : vector<16xi32>
    %swap3A_170 = arith.constant 2 : i32
    %swap3A_171 = arith.index_cast %swap3A_170 : i32 to index
    %swap3A_172 = arith.constant 112 : index
    %swap3A_173 = tpu.vector_load %arg6[%swap3A_171, %swap3A_172] {strides = array<i32>} : memref<5x128xi32, #tpu.memory_space<vmem>>, vector<16xi32>,
    tpu.vector_store %arg6[%swap3A_171, %swap3A_172], %add3A_169 {strides = array<i32>} : memref<5x128xi32, #tpu.memory_space<vmem>>, vector<16xi32>,
    %add3A_174 = arith.constant 384 : i32
    %add3A_175 = vector.broadcast %add3A_174 : i32 to vector<16xi32>
    %add3A_176 = arith.addi %iota3A, %add3A_175 : vector<16xi32>
    %swap3A_177 = arith.constant 3 : i32
    %swap3A_178 = arith.index_cast %swap3A_177 : i32 to index
    %swap3A_179 = arith.constant 0 : index
    %swap3A_180 = tpu.vector_load %arg6[%swap3A_178, %swap3A_179] {strides = array<i32>} : memref<5x128xi32, #tpu.memory_space<vmem>>, vector<16xi32>,
    tpu.vector_store %arg6[%swap3A_178, %swap3A_179], %add3A_176 {strides = array<i32>} : memref<5x128xi32, #tpu.memory_space<vmem>>, vector<16xi32>,
    %add3A_181 = arith.constant 400 : i32
    %add3A_182 = vector.broadcast %add3A_181 : i32 to vector<16xi32>
    %add3A_183 = arith.addi %iota3A, %add3A_182 : vector<16xi32>
    %swap3A_184 = arith.constant 3 : i32
    %swap3A_185 = arith.index_cast %swap3A_184 : i32 to index
    %swap3A_186 = arith.constant 16 : index
    %swap3A_187 = tpu.vector_load %arg6[%swap3A_185, %swap3A_186] {strides = array<i32>} : memref<5x128xi32, #tpu.memory_space<vmem>>, vector<16xi32>,
    tpu.vector_store %arg6[%swap3A_185, %swap3A_186], %add3A_183 {strides = array<i32>} : memref<5x128xi32, #tpu.memory_space<vmem>>, vector<16xi32>,
    %add3A_188 = arith.constant 416 : i32
    %add3A_189 = vector.broadcast %add3A_188 : i32 to vector<16xi32>
    %add3A_190 = arith.addi %iota3A, %add3A_189 : vector<16xi32>
    %swap3A_191 = arith.constant 3 : i32
    %swap3A_192 = arith.index_cast %swap3A_191 : i32 to index
    %swap3A_193 = arith.constant 32 : index
    %swap3A_194 = tpu.vector_load %arg6[%swap3A_192, %swap3A_193] {strides = array<i32>} : memref<5x128xi32, #tpu.memory_space<vmem>>, vector<16xi32>,
    tpu.vector_store %arg6[%swap3A_192, %swap3A_193], %add3A_190 {strides = array<i32>} : memref<5x128xi32, #tpu.memory_space<vmem>>, vector<16xi32>,
    %add3A_195 = arith.constant 432 : i32
    %add3A_196 = vector.broadcast %add3A_195 : i32 to vector<16xi32>
    %add3A_197 = arith.addi %iota3A, %add3A_196 : vector<16xi32>
    %swap3A_198 = arith.constant 3 : i32
    %swap3A_199 = arith.index_cast %swap3A_198 : i32 to index
    %swap3A_200 = arith.constant 48 : index
    %swap3A_201 = tpu.vector_load %arg6[%swap3A_199, %swap3A_200] {strides = array<i32>} : memref<5x128xi32, #tpu.memory_space<vmem>>, vector<16xi32>,
    tpu.vector_store %arg6[%swap3A_199, %swap3A_200], %add3A_197 {strides = array<i32>} : memref<5x128xi32, #tpu.memory_space<vmem>>, vector<16xi32>,
    %add3A_202 = arith.constant 448 : i32
    %add3A_203 = vector.broadcast %add3A_202 : i32 to vector<16xi32>
    %add3A_204 = arith.addi %iota3A, %add3A_203 : vector<16xi32>
    %swap3A_205 = arith.constant 3 : i32
    %swap3A_206 = arith.index_cast %swap3A_205 : i32 to index
    %swap3A_207 = arith.constant 64 : index
    %swap3A_208 = tpu.vector_load %arg6[%swap3A_206, %swap3A_207] {strides = array<i32>} : memref<5x128xi32, #tpu.memory_space<vmem>>, vector<16xi32>,
    tpu.vector_store %arg6[%swap3A_206, %swap3A_207], %add3A_204 {strides = array<i32>} : memref<5x128xi32, #tpu.memory_space<vmem>>, vector<16xi32>,
    %add3A_209 = arith.constant 464 : i32
    %add3A_210 = vector.broadcast %add3A_209 : i32 to vector<16xi32>
    %add3A_211 = arith.addi %iota3A, %add3A_210 : vector<16xi32>
    %swap3A_212 = arith.constant 3 : i32
    %swap3A_213 = arith.index_cast %swap3A_212 : i32 to index
    %swap3A_214 = arith.constant 80 : index
    %swap3A_215 = tpu.vector_load %arg6[%swap3A_213, %swap3A_214] {strides = array<i32>} : memref<5x128xi32, #tpu.memory_space<vmem>>, vector<16xi32>,
    tpu.vector_store %arg6[%swap3A_213, %swap3A_214], %add3A_211 {strides = array<i32>} : memref<5x128xi32, #tpu.memory_space<vmem>>, vector<16xi32>,
    %add3A_216 = arith.constant 480 : i32
    %add3A_217 = vector.broadcast %add3A_216 : i32 to vector<16xi32>
    %add3A_218 = arith.addi %iota3A, %add3A_217 : vector<16xi32>
    %swap3A_219 = arith.constant 3 : i32
    %swap3A_220 = arith.index_cast %swap3A_219 : i32 to index
    %swap3A_221 = arith.constant 96 : index
    %swap3A_222 = tpu.vector_load %arg6[%swap3A_220, %swap3A_221] {strides = array<i32>} : memref<5x128xi32, #tpu.memory_space<vmem>>, vector<16xi32>,
    tpu.vector_store %arg6[%swap3A_220, %swap3A_221], %add3A_218 {strides = array<i32>} : memref<5x128xi32, #tpu.memory_space<vmem>>, vector<16xi32>,
    %add3A_223 = arith.constant 496 : i32
    %add3A_224 = vector.broadcast %add3A_223 : i32 to vector<16xi32>
    %add3A_225 = arith.addi %iota3A, %add3A_224 : vector<16xi32>
    %swap3A_226 = arith.constant 3 : i32
    %swap3A_227 = arith.index_cast %swap3A_226 : i32 to index
    %swap3A_228 = arith.constant 112 : index
    %swap3A_229 = tpu.vector_load %arg6[%swap3A_227, %swap3A_228] {strides = array<i32>} : memref<5x128xi32, #tpu.memory_space<vmem>>, vector<16xi32>,
    tpu.vector_store %arg6[%swap3A_227, %swap3A_228], %add3A_225 {strides = array<i32>} : memref<5x128xi32, #tpu.memory_space<vmem>>, vector<16xi32>,
    %add3A_230 = arith.constant 512 : i32
    %add3A_231 = vector.broadcast %add3A_230 : i32 to vector<16xi32>
    %add3A_232 = arith.addi %iota3A, %add3A_231 : vector<16xi32>
    %swap3A_233 = arith.constant 4 : i32
    %swap3A_234 = arith.index_cast %swap3A_233 : i32 to index
    %swap3A_235 = arith.constant 0 : index
    %swap3A_236 = tpu.vector_load %arg6[%swap3A_234, %swap3A_235] {strides = array<i32>} : memref<5x128xi32, #tpu.memory_space<vmem>>, vector<16xi32>,
    tpu.vector_store %arg6[%swap3A_234, %swap3A_235], %add3A_232 {strides = array<i32>} : memref<5x128xi32, #tpu.memory_space<vmem>>, vector<16xi32>,
    %add3A_237 = arith.constant 528 : i32
    %add3A_238 = vector.broadcast %add3A_237 : i32 to vector<16xi32>
    %add3A_239 = arith.addi %iota3A, %add3A_238 : vector<16xi32>
    %swap3A_240 = arith.constant 4 : i32
    %swap3A_241 = arith.index_cast %swap3A_240 : i32 to index
    %swap3A_242 = arith.constant 16 : index
    %swap3A_243 = tpu.vector_load %arg6[%swap3A_241, %swap3A_242] {strides = array<i32>} : memref<5x128xi32, #tpu.memory_space<vmem>>, vector<16xi32>,
    tpu.vector_store %arg6[%swap3A_241, %swap3A_242], %add3A_239 {strides = array<i32>} : memref<5x128xi32, #tpu.memory_space<vmem>>, vector<16xi32>,
    %add3A_244 = arith.constant 544 : i32
    %add3A_245 = vector.broadcast %add3A_244 : i32 to vector<16xi32>
    %add3A_246 = arith.addi %iota3A, %add3A_245 : vector<16xi32>
    %swap3A_247 = arith.constant 4 : i32
    %swap3A_248 = arith.index_cast %swap3A_247 : i32 to index
    %swap3A_249 = arith.constant 32 : index
    %swap3A_250 = tpu.vector_load %arg6[%swap3A_248, %swap3A_249] {strides = array<i32>} : memref<5x128xi32, #tpu.memory_space<vmem>>, vector<16xi32>,
    tpu.vector_store %arg6[%swap3A_248, %swap3A_249], %add3A_246 {strides = array<i32>} : memref<5x128xi32, #tpu.memory_space<vmem>>, vector<16xi32>,
    %add3A_251 = arith.constant 560 : i32
    %add3A_252 = vector.broadcast %add3A_251 : i32 to vector<16xi32>
    %add3A_253 = arith.addi %iota3A, %add3A_252 : vector<16xi32>
    %swap3A_254 = arith.constant 4 : i32
    %swap3A_255 = arith.index_cast %swap3A_254 : i32 to index
    %swap3A_256 = arith.constant 48 : index
    %swap3A_257 = tpu.vector_load %arg6[%swap3A_255, %swap3A_256] {strides = array<i32>} : memref<5x128xi32, #tpu.memory_space<vmem>>, vector<16xi32>,
    tpu.vector_store %arg6[%swap3A_255, %swap3A_256], %add3A_253 {strides = array<i32>} : memref<5x128xi32, #tpu.memory_space<vmem>>, vector<16xi32>,
    %add3A_258 = arith.constant 576 : i32
    %add3A_259 = vector.broadcast %add3A_258 : i32 to vector<16xi32>
    %add3A_260 = arith.addi %iota3A, %add3A_259 : vector<16xi32>
    %swap3A_261 = arith.constant 4 : i32
    %swap3A_262 = arith.index_cast %swap3A_261 : i32 to index
    %swap3A_263 = arith.constant 64 : index
    %swap3A_264 = tpu.vector_load %arg6[%swap3A_262, %swap3A_263] {strides = array<i32>} : memref<5x128xi32, #tpu.memory_space<vmem>>, vector<16xi32>,
    tpu.vector_store %arg6[%swap3A_262, %swap3A_263], %add3A_260 {strides = array<i32>} : memref<5x128xi32, #tpu.memory_space<vmem>>, vector<16xi32>,
    %add3A_265 = arith.constant 592 : i32
    %add3A_266 = vector.broadcast %add3A_265 : i32 to vector<16xi32>
    %add3A_267 = arith.addi %iota3A, %add3A_266 : vector<16xi32>
    %swap3A_268 = arith.constant 4 : i32
    %swap3A_269 = arith.index_cast %swap3A_268 : i32 to index
    %swap3A_270 = arith.constant 80 : index
    %swap3A_271 = tpu.vector_load %arg6[%swap3A_269, %swap3A_270] {strides = array<i32>} : memref<5x128xi32, #tpu.memory_space<vmem>>, vector<16xi32>,
    tpu.vector_store %arg6[%swap3A_269, %swap3A_270], %add3A_267 {strides = array<i32>} : memref<5x128xi32, #tpu.memory_space<vmem>>, vector<16xi32>,
    %add3A_272 = arith.constant 608 : i32
    %add3A_273 = vector.broadcast %add3A_272 : i32 to vector<16xi32>
    %add3A_274 = arith.addi %iota3A, %add3A_273 : vector<16xi32>
    %swap3A_275 = arith.constant 4 : i32
    %swap3A_276 = arith.index_cast %swap3A_275 : i32 to index
    %swap3A_277 = arith.constant 96 : index
    %swap3A_278 = tpu.vector_load %arg6[%swap3A_276, %swap3A_277] {strides = array<i32>} : memref<5x128xi32, #tpu.memory_space<vmem>>, vector<16xi32>,
    tpu.vector_store %arg6[%swap3A_276, %swap3A_277], %add3A_274 {strides = array<i32>} : memref<5x128xi32, #tpu.memory_space<vmem>>, vector<16xi32>,
    %add3A_279 = arith.constant 624 : i32
    %add3A_280 = vector.broadcast %add3A_279 : i32 to vector<16xi32>
    %add3A_281 = arith.addi %iota3A, %add3A_280 : vector<16xi32>
    %swap3A_282 = arith.constant 4 : i32
    %swap3A_283 = arith.index_cast %swap3A_282 : i32 to index
    %swap3A_284 = arith.constant 112 : index
    %swap3A_285 = tpu.vector_load %arg6[%swap3A_283, %swap3A_284] {strides = array<i32>} : memref<5x128xi32, #tpu.memory_space<vmem>>, vector<16xi32>,
    tpu.vector_store %arg6[%swap3A_283, %swap3A_284], %add3A_281 {strides = array<i32>} : memref<5x128xi32, #tpu.memory_space<vmem>>, vector<16xi32>,
    %mul3A_286 = arith.constant 40 : i32
    %mul3A_287 = arith.muli %arg1, %mul3A_286 : i32
    %mul3A_288 = arith.constant 40 : i32
    %mul3A_289 = arith.muli %arg1, %mul3A_288 : i32
    "tpu.region"() ({
      %run_scoped3A_304 = tpu.sem_alloc : memref<!tpu.dma_semaphore, #tpu.memory_space<semaphore_mem>>
      %dma_start3A = arith.constant 0 : i32
      %dma_start3A_305 = tpu.memref_slice %arg5[%mul3A_287, %dma_start3A] : memref<640x16xf32, #tpu.memory_space<vmem>> -> memref<40x16xf32, #tpu.memory_space<vmem>>
      %dma_start3A_306 = arith.constant 0 : i32
      %dma_start3A_307 = tpu.memref_slice %arg7[%mul3A_289, %dma_start3A_306] : memref<640x16xf32, #tpu.memory_space<vmem_shared>> -> memref<40x16xf32, #tpu.memory_space<vmem_shared>>
      %dma_start3A_308 = arith.constant 0 : i32
      %dma_start3A_309 = tpu.memref_slice %arg7[%mul3A_289, %dma_start3A_308] : memref<640x16xf32, #tpu.memory_space<vmem_shared>> -> memref<40x16xf32, #tpu.memory_space<vmem_shared>>
      %dma_start3A_310 = arith.constant 0 : i32
      %dma_start3A_311 = tpu.memref_slice %arg5[%mul3A_287, %dma_start3A_310] : memref<640x16xf32, #tpu.memory_space<vmem>> -> memref<40x16xf32, #tpu.memory_space<vmem>>
      tpu.enqueue_dma source(%dma_start3A_311 : memref<40x16xf32, #tpu.memory_space<vmem>>) target(%dma_start3A_309 : memref<40x16xf32, #tpu.memory_space<vmem_shared>>) target_semaphore(%run_scoped3A_304 : memref<!tpu.dma_semaphore, #tpu.memory_space<semaphore_mem>>)
      %dma_wait3A = arith.constant 0 : i32
      %dma_wait3A_312 = tpu.memref_slice %arg5[%mul3A_287, %dma_wait3A] : memref<640x16xf32, #tpu.memory_space<vmem>> -> memref<40x16xf32, #tpu.memory_space<vmem>>
      %dma_wait3A_313 = arith.constant 0 : i32
      %dma_wait3A_314 = tpu.memref_slice %arg7[%mul3A_289, %dma_wait3A_313] : memref<640x16xf32, #tpu.memory_space<vmem_shared>> -> memref<40x16xf32, #tpu.memory_space<vmem_shared>>
      %dma_wait3A_315 = arith.constant 0 : i32
      %dma_wait3A_316 = tpu.memref_slice %arg7[%mul3A_289, %dma_wait3A_315] : memref<640x16xf32, #tpu.memory_space<vmem_shared>> -> memref<40x16xf32, #tpu.memory_space<vmem_shared>>
      %dma_wait3A_317 = arith.constant 0 : i32
      %dma_wait3A_318 = tpu.memref_slice %arg5[%mul3A_287, %dma_wait3A_317] : memref<640x16xf32, #tpu.memory_space<vmem>> -> memref<40x16xf32, #tpu.memory_space<vmem>>
      tpu.wait_dma2 semaphore(%run_scoped3A_304 : memref<!tpu.dma_semaphore, #tpu.memory_space<semaphore_mem>>) src(%dma_wait3A_318 : memref<40x16xf32, #tpu.memory_space<vmem>>) dst(%dma_wait3A_316 : memref<40x16xf32, #tpu.memory_space<vmem_shared>>)
      tpu.yield
    }) : () -> ()
    %barrier3A = arith.constant 0 : index
    tpu.barrier barrier_id(%barrier3A)
    %scan3A_290 = arith.constant 0 : i32
    %scan3A_291 = arith.constant 1250 : i32
    %scan3A_292 = arith.addi %scan3A_290, %scan3A_291 : i32
    %scan3A_293 = arith.constant 1 : i32
    scf.for %scan3A_304 = %scan3A_290 to %scan3A_292 step %scan3A_293  : i32 {
      %mul3A_305 = arith.constant 1 : i32
      %mul3A_306 = arith.muli %scan3A_304, %mul3A_305 : i32
      %add3A_307 = arith.constant 0 : i32
      %add3A_308 = arith.addi %add3A_307, %mul3A_306 : i32
      %mul3A_309 = arith.constant 16 : i32
      %mul3A_310 = arith.muli %add3A_308, %mul3A_309 : i32
      %get3A = arith.index_cast %mul3A_310 : i32 to index
      %get3A_311 = tpu.vector_load %arg4[%get3A] {strides = array<i32>} : memref<20000xi32, #tpu.memory_space<vmem>>, vector<16xi32>,
      %shift_right_logical3A = arith.constant 4 : i32
      %shift_right_logical3A_312 = vector.broadcast %shift_right_logical3A : i32 to vector<16xi32>
      %shift_right_logical3A_313 = arith.shrui %get3A_311, %shift_right_logical3A_312 : vector<16xi32>
      %and3A = arith.constant 15 : i32
      %and3A_314 = vector.broadcast %and3A : i32 to vector<16xi32>
      %and3A_315 = arith.andi %get3A_311, %and3A_314 : vector<16xi32>
      tpu.vector_store_idx %arg5[%shift_right_logical3A_313, %and3A_315], %broadcast_in_dim3A_0 {add = true} : memref<640x16xf32, #tpu.memory_space<vmem>>[vector<16xi32>, vector<16xi32>], vector<16xf32>,
    }
    %scan3A_294 = arith.constant 1250 : i32
    %run_scoped3A = arith.constant 0 : i32
    "tpu.region"() ({
      %run_scoped3A_304 = tpu.sem_alloc : memref<!tpu.dma_semaphore, #tpu.memory_space<semaphore_mem>>
      %dma_start3A = arith.constant 0 : i32
      %dma_start3A_305 = arith.constant 0 : i32
      %dma_start3A_306 = tpu.memref_slice %arg5[%dma_start3A, %dma_start3A_305] : memref<640x16xf32, #tpu.memory_space<vmem>> -> memref<128x16xf32, #tpu.memory_space<vmem>>
      %dma_start3A_307 = arith.constant 0 : i32
      %dma_start3A_308 = tpu.memref_slice %arg6[%run_scoped3A, %dma_start3A_307] : memref<5x128xi32, #tpu.memory_space<vmem>> -> memref<1x128xi32, #tpu.memory_space<vmem>>
      %dma_start3A_309 = tpu.memref_squeeze %dma_start3A_308 : memref<1x128xi32, #tpu.memory_space<vmem>> -> memref<128xi32, #tpu.memory_space<vmem>>
      %dma_start3A_310 = arith.constant 0 : i32
      %dma_start3A_311 = arith.constant 0 : i32
      %dma_start3A_312 = tpu.memref_slice %arg7[%dma_start3A_310, %dma_start3A_311] : memref<640x16xf32, #tpu.memory_space<vmem_shared>> -> memref<640x16xf32, #tpu.memory_space<vmem_shared>>
      tpu.enqueue_indirect_dma source(%dma_start3A_306 : memref<128x16xf32, #tpu.memory_space<vmem>>) target(%dma_start3A_312 : memref<640x16xf32, #tpu.memory_space<vmem_shared>>) offsets(%dma_start3A_309 : memref<128xi32, #tpu.memory_space<vmem>>) semaphore(%run_scoped3A_304 : memref<!tpu.dma_semaphore, #tpu.memory_space<semaphore_mem>>) {add = true}
      %dma_wait3A = arith.constant 0 : i32
      %dma_wait3A_313 = arith.constant 0 : i32
      %dma_wait3A_314 = tpu.memref_slice %arg5[%dma_wait3A, %dma_wait3A_313] : memref<640x16xf32, #tpu.memory_space<vmem>> -> memref<128x16xf32, #tpu.memory_space<vmem>>
      %dma_wait3A_315 = arith.constant 0 : i32
      %dma_wait3A_316 = tpu.memref_slice %arg6[%run_scoped3A, %dma_wait3A_315] : memref<5x128xi32, #tpu.memory_space<vmem>> -> memref<1x128xi32, #tpu.memory_space<vmem>>
      %dma_wait3A_317 = tpu.memref_squeeze %dma_wait3A_316 : memref<1x128xi32, #tpu.memory_space<vmem>> -> memref<128xi32, #tpu.memory_space<vmem>>
      %dma_wait3A_318 = arith.constant 0 : i32
      %dma_wait3A_319 = arith.constant 0 : i32
      %dma_wait3A_320 = tpu.memref_slice %arg7[%dma_wait3A_318, %dma_wait3A_319] : memref<640x16xf32, #tpu.memory_space<vmem_shared>> -> memref<640x16xf32, #tpu.memory_space<vmem_shared>>
      tpu.wait_indirect_dma semaphore(%run_scoped3A_304 : memref<!tpu.dma_semaphore, #tpu.memory_space<semaphore_mem>>) src(%dma_wait3A_314 : memref<128x16xf32, #tpu.memory_space<vmem>>) dst(%dma_wait3A_320 : memref<640x16xf32, #tpu.memory_space<vmem_shared>>)
      tpu.yield
    }) : () -> ()
    %run_scoped3A_295 = arith.constant 1 : i32
    "tpu.region"() ({
      %run_scoped3A_304 = tpu.sem_alloc : memref<!tpu.dma_semaphore, #tpu.memory_space<semaphore_mem>>
      %dma_start3A = arith.constant 128 : i32
      %dma_start3A_305 = arith.constant 0 : i32
      %dma_start3A_306 = tpu.memref_slice %arg5[%dma_start3A, %dma_start3A_305] : memref<640x16xf32, #tpu.memory_space<vmem>> -> memref<128x16xf32, #tpu.memory_space<vmem>>
      %dma_start3A_307 = arith.constant 0 : i32
      %dma_start3A_308 = tpu.memref_slice %arg6[%run_scoped3A_295, %dma_start3A_307] : memref<5x128xi32, #tpu.memory_space<vmem>> -> memref<1x128xi32, #tpu.memory_space<vmem>>
      %dma_start3A_309 = tpu.memref_squeeze %dma_start3A_308 : memref<1x128xi32, #tpu.memory_space<vmem>> -> memref<128xi32, #tpu.memory_space<vmem>>
      %dma_start3A_310 = arith.constant 0 : i32
      %dma_start3A_311 = arith.constant 0 : i32
      %dma_start3A_312 = tpu.memref_slice %arg7[%dma_start3A_310, %dma_start3A_311] : memref<640x16xf32, #tpu.memory_space<vmem_shared>> -> memref<640x16xf32, #tpu.memory_space<vmem_shared>>
      tpu.enqueue_indirect_dma source(%dma_start3A_306 : memref<128x16xf32, #tpu.memory_space<vmem>>) target(%dma_start3A_312 : memref<640x16xf32, #tpu.memory_space<vmem_shared>>) offsets(%dma_start3A_309 : memref<128xi32, #tpu.memory_space<vmem>>) semaphore(%run_scoped3A_304 : memref<!tpu.dma_semaphore, #tpu.memory_space<semaphore_mem>>) {add = true}
      %dma_wait3A = arith.constant 128 : i32
      %dma_wait3A_313 = arith.constant 0 : i32
      %dma_wait3A_314 = tpu.memref_slice %arg5[%dma_wait3A, %dma_wait3A_313] : memref<640x16xf32, #tpu.memory_space<vmem>> -> memref<128x16xf32, #tpu.memory_space<vmem>>
      %dma_wait3A_315 = arith.constant 0 : i32
      %dma_wait3A_316 = tpu.memref_slice %arg6[%run_scoped3A_295, %dma_wait3A_315] : memref<5x128xi32, #tpu.memory_space<vmem>> -> memref<1x128xi32, #tpu.memory_space<vmem>>
      %dma_wait3A_317 = tpu.memref_squeeze %dma_wait3A_316 : memref<1x128xi32, #tpu.memory_space<vmem>> -> memref<128xi32, #tpu.memory_space<vmem>>
      %dma_wait3A_318 = arith.constant 0 : i32
      %dma_wait3A_319 = arith.constant 0 : i32
      %dma_wait3A_320 = tpu.memref_slice %arg7[%dma_wait3A_318, %dma_wait3A_319] : memref<640x16xf32, #tpu.memory_space<vmem_shared>> -> memref<640x16xf32, #tpu.memory_space<vmem_shared>>
      tpu.wait_indirect_dma semaphore(%run_scoped3A_304 : memref<!tpu.dma_semaphore, #tpu.memory_space<semaphore_mem>>) src(%dma_wait3A_314 : memref<128x16xf32, #tpu.memory_space<vmem>>) dst(%dma_wait3A_320 : memref<640x16xf32, #tpu.memory_space<vmem_shared>>)
      tpu.yield
    }) : () -> ()
    %run_scoped3A_296 = arith.constant 2 : i32
    "tpu.region"() ({
      %run_scoped3A_304 = tpu.sem_alloc : memref<!tpu.dma_semaphore, #tpu.memory_space<semaphore_mem>>
      %dma_start3A = arith.constant 256 : i32
      %dma_start3A_305 = arith.constant 0 : i32
      %dma_start3A_306 = tpu.memref_slice %arg5[%dma_start3A, %dma_start3A_305] : memref<640x16xf32, #tpu.memory_space<vmem>> -> memref<128x16xf32, #tpu.memory_space<vmem>>
      %dma_start3A_307 = arith.constant 0 : i32
      %dma_start3A_308 = tpu.memref_slice %arg6[%run_scoped3A_296, %dma_start3A_307] : memref<5x128xi32, #tpu.memory_space<vmem>> -> memref<1x128xi32, #tpu.memory_space<vmem>>
      %dma_start3A_309 = tpu.memref_squeeze %dma_start3A_308 : memref<1x128xi32, #tpu.memory_space<vmem>> -> memref<128xi32, #tpu.memory_space<vmem>>
      %dma_start3A_310 = arith.constant 0 : i32
      %dma_start3A_311 = arith.constant 0 : i32
      %dma_start3A_312 = tpu.memref_slice %arg7[%dma_start3A_310, %dma_start3A_311] : memref<640x16xf32, #tpu.memory_space<vmem_shared>> -> memref<640x16xf32, #tpu.memory_space<vmem_shared>>
      tpu.enqueue_indirect_dma source(%dma_start3A_306 : memref<128x16xf32, #tpu.memory_space<vmem>>) target(%dma_start3A_312 : memref<640x16xf32, #tpu.memory_space<vmem_shared>>) offsets(%dma_start3A_309 : memref<128xi32, #tpu.memory_space<vmem>>) semaphore(%run_scoped3A_304 : memref<!tpu.dma_semaphore, #tpu.memory_space<semaphore_mem>>) {add = true}
      %dma_wait3A = arith.constant 256 : i32
      %dma_wait3A_313 = arith.constant 0 : i32
      %dma_wait3A_314 = tpu.memref_slice %arg5[%dma_wait3A, %dma_wait3A_313] : memref<640x16xf32, #tpu.memory_space<vmem>> -> memref<128x16xf32, #tpu.memory_space<vmem>>
      %dma_wait3A_315 = arith.constant 0 : i32
      %dma_wait3A_316 = tpu.memref_slice %arg6[%run_scoped3A_296, %dma_wait3A_315] : memref<5x128xi32, #tpu.memory_space<vmem>> -> memref<1x128xi32, #tpu.memory_space<vmem>>
      %dma_wait3A_317 = tpu.memref_squeeze %dma_wait3A_316 : memref<1x128xi32, #tpu.memory_space<vmem>> -> memref<128xi32, #tpu.memory_space<vmem>>
      %dma_wait3A_318 = arith.constant 0 : i32
      %dma_wait3A_319 = arith.constant 0 : i32
      %dma_wait3A_320 = tpu.memref_slice %arg7[%dma_wait3A_318, %dma_wait3A_319] : memref<640x16xf32, #tpu.memory_space<vmem_shared>> -> memref<640x16xf32, #tpu.memory_space<vmem_shared>>
      tpu.wait_indirect_dma semaphore(%run_scoped3A_304 : memref<!tpu.dma_semaphore, #tpu.memory_space<semaphore_mem>>) src(%dma_wait3A_314 : memref<128x16xf32, #tpu.memory_space<vmem>>) dst(%dma_wait3A_320 : memref<640x16xf32, #tpu.memory_space<vmem_shared>>)
      tpu.yield
    }) : () -> ()
    %run_scoped3A_297 = arith.constant 3 : i32
    "tpu.region"() ({
      %run_scoped3A_304 = tpu.sem_alloc : memref<!tpu.dma_semaphore, #tpu.memory_space<semaphore_mem>>
      %dma_start3A = arith.constant 384 : i32
      %dma_start3A_305 = arith.constant 0 : i32
      %dma_start3A_306 = tpu.memref_slice %arg5[%dma_start3A, %dma_start3A_305] : memref<640x16xf32, #tpu.memory_space<vmem>> -> memref<128x16xf32, #tpu.memory_space<vmem>>
      %dma_start3A_307 = arith.constant 0 : i32
      %dma_start3A_308 = tpu.memref_slice %arg6[%run_scoped3A_297, %dma_start3A_307] : memref<5x128xi32, #tpu.memory_space<vmem>> -> memref<1x128xi32, #tpu.memory_space<vmem>>
      %dma_start3A_309 = tpu.memref_squeeze %dma_start3A_308 : memref<1x128xi32, #tpu.memory_space<vmem>> -> memref<128xi32, #tpu.memory_space<vmem>>
      %dma_start3A_310 = arith.constant 0 : i32
      %dma_start3A_311 = arith.constant 0 : i32
      %dma_start3A_312 = tpu.memref_slice %arg7[%dma_start3A_310, %dma_start3A_311] : memref<640x16xf32, #tpu.memory_space<vmem_shared>> -> memref<640x16xf32, #tpu.memory_space<vmem_shared>>
      tpu.enqueue_indirect_dma source(%dma_start3A_306 : memref<128x16xf32, #tpu.memory_space<vmem>>) target(%dma_start3A_312 : memref<640x16xf32, #tpu.memory_space<vmem_shared>>) offsets(%dma_start3A_309 : memref<128xi32, #tpu.memory_space<vmem>>) semaphore(%run_scoped3A_304 : memref<!tpu.dma_semaphore, #tpu.memory_space<semaphore_mem>>) {add = true}
      %dma_wait3A = arith.constant 384 : i32
      %dma_wait3A_313 = arith.constant 0 : i32
      %dma_wait3A_314 = tpu.memref_slice %arg5[%dma_wait3A, %dma_wait3A_313] : memref<640x16xf32, #tpu.memory_space<vmem>> -> memref<128x16xf32, #tpu.memory_space<vmem>>
      %dma_wait3A_315 = arith.constant 0 : i32
      %dma_wait3A_316 = tpu.memref_slice %arg6[%run_scoped3A_297, %dma_wait3A_315] : memref<5x128xi32, #tpu.memory_space<vmem>> -> memref<1x128xi32, #tpu.memory_space<vmem>>
      %dma_wait3A_317 = tpu.memref_squeeze %dma_wait3A_316 : memref<1x128xi32, #tpu.memory_space<vmem>> -> memref<128xi32, #tpu.memory_space<vmem>>
      %dma_wait3A_318 = arith.constant 0 : i32
      %dma_wait3A_319 = arith.constant 0 : i32
      %dma_wait3A_320 = tpu.memref_slice %arg7[%dma_wait3A_318, %dma_wait3A_319] : memref<640x16xf32, #tpu.memory_space<vmem_shared>> -> memref<640x16xf32, #tpu.memory_space<vmem_shared>>
      tpu.wait_indirect_dma semaphore(%run_scoped3A_304 : memref<!tpu.dma_semaphore, #tpu.memory_space<semaphore_mem>>) src(%dma_wait3A_314 : memref<128x16xf32, #tpu.memory_space<vmem>>) dst(%dma_wait3A_320 : memref<640x16xf32, #tpu.memory_space<vmem_shared>>)
      tpu.yield
    }) : () -> ()
    %run_scoped3A_298 = arith.constant 4 : i32
    "tpu.region"() ({
      %run_scoped3A_304 = tpu.sem_alloc : memref<!tpu.dma_semaphore, #tpu.memory_space<semaphore_mem>>
      %dma_start3A = arith.constant 512 : i32
      %dma_start3A_305 = arith.constant 0 : i32
      %dma_start3A_306 = tpu.memref_slice %arg5[%dma_start3A, %dma_start3A_305] : memref<640x16xf32, #tpu.memory_space<vmem>> -> memref<128x16xf32, #tpu.memory_space<vmem>>
      %dma_start3A_307 = arith.constant 0 : i32
      %dma_start3A_308 = tpu.memref_slice %arg6[%run_scoped3A_298, %dma_start3A_307] : memref<5x128xi32, #tpu.memory_space<vmem>> -> memref<1x128xi32, #tpu.memory_space<vmem>>
      %dma_start3A_309 = tpu.memref_squeeze %dma_start3A_308 : memref<1x128xi32, #tpu.memory_space<vmem>> -> memref<128xi32, #tpu.memory_space<vmem>>
      %dma_start3A_310 = arith.constant 0 : i32
      %dma_start3A_311 = arith.constant 0 : i32
      %dma_start3A_312 = tpu.memref_slice %arg7[%dma_start3A_310, %dma_start3A_311] : memref<640x16xf32, #tpu.memory_space<vmem_shared>> -> memref<640x16xf32, #tpu.memory_space<vmem_shared>>
      tpu.enqueue_indirect_dma source(%dma_start3A_306 : memref<128x16xf32, #tpu.memory_space<vmem>>) target(%dma_start3A_312 : memref<640x16xf32, #tpu.memory_space<vmem_shared>>) offsets(%dma_start3A_309 : memref<128xi32, #tpu.memory_space<vmem>>) semaphore(%run_scoped3A_304 : memref<!tpu.dma_semaphore, #tpu.memory_space<semaphore_mem>>) {add = true}
      %dma_wait3A = arith.constant 512 : i32
      %dma_wait3A_313 = arith.constant 0 : i32
      %dma_wait3A_314 = tpu.memref_slice %arg5[%dma_wait3A, %dma_wait3A_313] : memref<640x16xf32, #tpu.memory_space<vmem>> -> memref<128x16xf32, #tpu.memory_space<vmem>>
      %dma_wait3A_315 = arith.constant 0 : i32
      %dma_wait3A_316 = tpu.memref_slice %arg6[%run_scoped3A_298, %dma_wait3A_315] : memref<5x128xi32, #tpu.memory_space<vmem>> -> memref<1x128xi32, #tpu.memory_space<vmem>>
      %dma_wait3A_317 = tpu.memref_squeeze %dma_wait3A_316 : memref<1x128xi32, #tpu.memory_space<vmem>> -> memref<128xi32, #tpu.memory_space<vmem>>
      %dma_wait3A_318 = arith.constant 0 : i32
      %dma_wait3A_319 = arith.constant 0 : i32
      %dma_wait3A_320 = tpu.memref_slice %arg7[%dma_wait3A_318, %dma_wait3A_319] : memref<640x16xf32, #tpu.memory_space<vmem_shared>> -> memref<640x16xf32, #tpu.memory_space<vmem_shared>>
      tpu.wait_indirect_dma semaphore(%run_scoped3A_304 : memref<!tpu.dma_semaphore, #tpu.memory_space<semaphore_mem>>) src(%dma_wait3A_314 : memref<128x16xf32, #tpu.memory_space<vmem>>) dst(%dma_wait3A_320 : memref<640x16xf32, #tpu.memory_space<vmem_shared>>)
      tpu.yield
    }) : () -> ()
    %barrier3A_299 = arith.constant 0 : index
    tpu.barrier barrier_id(%barrier3A_299)
    %mul3A_300 = arith.constant 40 : i32
    %mul3A_301 = arith.muli %arg1, %mul3A_300 : i32
    %mul3A_302 = arith.constant 40 : i32
    %mul3A_303 = arith.muli %arg1, %mul3A_302 : i32
    "tpu.region"() ({
      %run_scoped3A_304 = tpu.sem_alloc : memref<!tpu.dma_semaphore, #tpu.memory_space<semaphore_mem>>
      %dma_start3A = arith.constant 0 : i32
      %dma_start3A_305 = tpu.memref_slice %arg3[%arg0, %mul3A_303, %dma_start3A] : memref<2x640x16xf32, #tpu.memory_space<hbm>> -> memref<1x40x16xf32, #tpu.memory_space<hbm>>
      %dma_start3A_306 = tpu.memref_squeeze %dma_start3A_305 : memref<1x40x16xf32, #tpu.memory_space<hbm>> -> memref<40x16xf32, #tpu.memory_space<hbm>>
      %dma_start3A_307 = arith.constant 0 : i32
      %dma_start3A_308 = tpu.memref_slice %arg7[%mul3A_301, %dma_start3A_307] : memref<640x16xf32, #tpu.memory_space<vmem_shared>> -> memref<40x16xf32, #tpu.memory_space<vmem_shared>>
      tpu.enqueue_dma source(%dma_start3A_308 : memref<40x16xf32, #tpu.memory_space<vmem_shared>>) target(%dma_start3A_306 : memref<40x16xf32, #tpu.memory_space<hbm>>) target_semaphore(%run_scoped3A_304 : memref<!tpu.dma_semaphore, #tpu.memory_space<semaphore_mem>>)
      %dma_wait3A = arith.constant 0 : i32
      %dma_wait3A_309 = tpu.memref_slice %arg3[%arg0, %mul3A_303, %dma_wait3A] : memref<2x640x16xf32, #tpu.memory_space<hbm>> -> memref<1x40x16xf32, #tpu.memory_space<hbm>>
      %dma_wait3A_310 = tpu.memref_squeeze %dma_wait3A_309 : memref<1x40x16xf32, #tpu.memory_space<hbm>> -> memref<40x16xf32, #tpu.memory_space<hbm>>
      %dma_wait3A_311 = arith.constant 0 : i32
      %dma_wait3A_312 = tpu.memref_slice %arg7[%mul3A_301, %dma_wait3A_311] : memref<640x16xf32, #tpu.memory_space<vmem_shared>> -> memref<40x16xf32, #tpu.memory_space<vmem_shared>>
      tpu.wait_dma2 semaphore(%run_scoped3A_304 : memref<!tpu.dma_semaphore, #tpu.memory_space<semaphore_mem>>) src(%dma_wait3A_312 : memref<40x16xf32, #tpu.memory_space<vmem_shared>>) dst(%dma_wait3A_310 : memref<40x16xf32, #tpu.memory_space<hbm>>)
      tpu.yield
    }) : () -> ()
    return
  }
}

module attributes {stable_mosaic.version = 14 : i64} {
  func.func @_l1_body(%arg0: i32, %arg1: memref<2000x128xf32, #tpu.memory_space<vmem>>, %arg2: memref<128x128xf32, #tpu.memory_space<vmem>>, %arg3: memref<1x128xf32, #tpu.memory_space<vmem>>, %arg4: memref<2000x2xf32, #tpu.memory_space<vmem>>, %arg5: memref<2000x64xf32, #tpu.memory_space<vmem>>, %arg6: memref<2000x64xf32, #tpu.memory_space<vmem>>) attributes {dimension_semantics = [#tpu.dimension_semantics<parallel>], iteration_bounds = array<i64: 5>, scalar_prefetch = 0 : i64, scratch_operands = 0 : i64, tpu.core_type = #tpu.core_type<tc>, window_params = [{transform_indices = @transform_0, window_bounds = array<i64: 2000, 128>}, {pipeline_mode = #tpu.pipeline_mode<synchronous>, transform_indices = @transform_1, window_bounds = array<i64: 128, 128>}, {pipeline_mode = #tpu.pipeline_mode<synchronous>, transform_indices = @transform_2, window_bounds = array<i64: 1, 128>}, {transform_indices = @transform_3, window_bounds = array<i64: 2000, 2>}, {transform_indices = @transform_4, window_bounds = array<i64: 2000, 64>}, {transform_indices = @transform_5, window_bounds = array<i64: 2000, 64>}]} {
    %get3A = arith.constant 0 : index
    %get3A_0 = arith.constant 0 : index
    %get3A_1 = vector.load %arg1[%get3A, %get3A_0] : memref<2000x128xf32, #tpu.memory_space<vmem>>, vector<2000x128xf32>
    %get3A_2 = arith.constant 0 : index
    %get3A_3 = arith.constant 0 : index
    %get3A_4 = vector.load %arg2[%get3A_2, %get3A_3] : memref<128x128xf32, #tpu.memory_space<vmem>>, vector<128x128xf32>
    %dot_general3A = arith.constant dense<0.000000e+00> : vector<2000x128xf32>
    %dot_general3A_5 = tpu.matmul %get3A_1, %get3A_4, %dot_general3A {dimension_numbers = #tpu.dot_dimension_numbers<[1], [0], [0], [1], [0, 0, 1, 1], [], []>, transpose_lhs_hint = false} : vector<2000x128xf32>, vector<128x128xf32>, vector<2000x128xf32> -> vector<2000x128xf32>
    %get3A_6 = arith.constant 0 : index
    %get3A_7 = arith.constant 0 : index
    %get3A_8 = vector.load %arg3[%get3A_6, %get3A_7] : memref<1x128xf32, #tpu.memory_space<vmem>>, vector<1x128xf32>
    %add3A = vector.broadcast %get3A_8 : vector<1x128xf32> to vector<2000x128xf32>
    %add3A_9 = arith.addf %dot_general3A_5, %add3A : vector<2000x128xf32>
    %tanh3A = math.tanh %add3A_9 : vector<2000x128xf32>
    %get3A_10 = arith.constant 0 : index
    %get3A_11 = arith.constant 0 : index
    %get3A_12 = vector.load %arg4[%get3A_10, %get3A_11] : memref<2000x2xf32, #tpu.memory_space<vmem>>, vector<2000x2xf32>
    %slice3A = vector.extract_strided_slice %get3A_12 {offsets = [0, 0], sizes = [2000, 1], strides = [1, 1]} : vector<2000x2xf32> to vector<2000x1xf32>
    %add3A_13 = arith.constant 1.000000e+00 : f32
    %add3A_14 = vector.broadcast %add3A_13 : f32 to vector<2000x1xf32>
    %add3A_15 = arith.addf %slice3A, %add3A_14 : vector<2000x1xf32>
    %max3A = arith.constant 1.000000e+00 : f32
    %max3A_16 = vector.broadcast %max3A : f32 to vector<2000x1xf32>
    %max3A_17 = arith.maximumf %add3A_15, %max3A_16 : vector<2000x1xf32>
    %rsqrt3A = math.rsqrt %max3A_17 : vector<2000x1xf32>
    %mul3A = vector.broadcast %rsqrt3A : vector<2000x1xf32> to vector<2000x128xf32>
    %mul3A_18 = arith.mulf %tanh3A, %mul3A : vector<2000x128xf32>
    %slice3A_19 = vector.extract_strided_slice %mul3A_18 {offsets = [0, 0], sizes = [2000, 64], strides = [1, 1]} : vector<2000x128xf32> to vector<2000x64xf32>
    %swap3A = arith.constant 0 : index
    %swap3A_20 = arith.constant 0 : index
    %swap3A_21 = vector.load %arg5[%swap3A, %swap3A_20] : memref<2000x64xf32, #tpu.memory_space<vmem>>, vector<2000x64xf32>
    tpu.vector_store %arg5[%swap3A, %swap3A_20], %slice3A_19 {strides = array<i32>} : memref<2000x64xf32, #tpu.memory_space<vmem>>, vector<2000x64xf32>,
    %slice3A_22 = vector.extract_strided_slice %mul3A_18 {offsets = [0, 64], sizes = [2000, 64], strides = [1, 1]} : vector<2000x128xf32> to vector<2000x64xf32>
    %swap3A_23 = arith.constant 0 : index
    %swap3A_24 = arith.constant 0 : index
    %swap3A_25 = vector.load %arg6[%swap3A_23, %swap3A_24] : memref<2000x64xf32, #tpu.memory_space<vmem>>, vector<2000x64xf32>
    tpu.vector_store %arg6[%swap3A_23, %swap3A_24], %slice3A_22 {strides = array<i32>} : memref<2000x64xf32, #tpu.memory_space<vmem>>, vector<2000x64xf32>,
    return
  }
  func.func @transform_0(%arg0: i32) -> (i32, i32) {
    %c0_i32 = arith.constant 0 : i32
    %c0_i32_0 = arith.constant 0 : i32
    return %arg0, %c0_i32 : i32, i32
  }
  func.func @transform_1(%arg0: i32) -> (i32, i32) {
    %c0_i32 = arith.constant 0 : i32
    %c0_i32_0 = arith.constant 0 : i32
    %c0_i32_1 = arith.constant 0 : i32
    return %c0_i32, %c0_i32_0 : i32, i32
  }
  func.func @transform_2(%arg0: i32) -> (i32, i32) {
    %c0_i32 = arith.constant 0 : i32
    %c0_i32_0 = arith.constant 0 : i32
    %c0_i32_1 = arith.constant 0 : i32
    return %c0_i32, %c0_i32_0 : i32, i32
  }
  func.func @transform_3(%arg0: i32) -> (i32, i32) {
    %c0_i32 = arith.constant 0 : i32
    %c0_i32_0 = arith.constant 0 : i32
    return %arg0, %c0_i32 : i32, i32
  }
  func.func @transform_4(%arg0: i32) -> (i32, i32) {
    %c0_i32 = arith.constant 0 : i32
    %c0_i32_0 = arith.constant 0 : i32
    return %arg0, %c0_i32 : i32, i32
  }
  func.func @transform_5(%arg0: i32) -> (i32, i32) {
    %c0_i32 = arith.constant 0 : i32
    %c0_i32_0 = arith.constant 0 : i32
    return %arg0, %c0_i32 : i32, i32
  }
}

module attributes {stable_mosaic.version = 14 : i64} {
  func.func @_l2_body(%arg0: i32, %arg1: memref<2000x64xf32, #tpu.memory_space<vmem>>, %arg2: memref<2000x64xf32, #tpu.memory_space<vmem>>, %arg3: memref<2000x64xf32, #tpu.memory_space<vmem>>, %arg4: memref<2000x64xf32, #tpu.memory_space<vmem>>, %arg5: memref<128x128xf32, #tpu.memory_space<vmem>>, %arg6: memref<1x128xf32, #tpu.memory_space<vmem>>, %arg7: memref<2000x2xf32, #tpu.memory_space<vmem>>, %arg8: memref<2000x64xf32, #tpu.memory_space<vmem>>, %arg9: memref<2000x64xf32, #tpu.memory_space<vmem>>) attributes {dimension_semantics = [#tpu.dimension_semantics<parallel>], iteration_bounds = array<i64: 5>, scalar_prefetch = 0 : i64, scratch_operands = 0 : i64, tpu.core_type = #tpu.core_type<tc>, window_params = [{transform_indices = @transform_0, window_bounds = array<i64: 2000, 64>}, {transform_indices = @transform_1, window_bounds = array<i64: 2000, 64>}, {transform_indices = @transform_2, window_bounds = array<i64: 2000, 64>}, {transform_indices = @transform_3, window_bounds = array<i64: 2000, 64>}, {pipeline_mode = #tpu.pipeline_mode<synchronous>, transform_indices = @transform_4, window_bounds = array<i64: 128, 128>}, {pipeline_mode = #tpu.pipeline_mode<synchronous>, transform_indices = @transform_5, window_bounds = array<i64: 1, 128>}, {transform_indices = @transform_6, window_bounds = array<i64: 2000, 2>}, {transform_indices = @transform_7, window_bounds = array<i64: 2000, 64>}, {transform_indices = @transform_8, window_bounds = array<i64: 2000, 64>}]} {
    %get3A = arith.constant 0 : index
    %get3A_0 = arith.constant 0 : index
    %get3A_1 = vector.load %arg1[%get3A, %get3A_0] : memref<2000x64xf32, #tpu.memory_space<vmem>>, vector<2000x64xf32>
    %get3A_2 = arith.constant 0 : index
    %get3A_3 = arith.constant 0 : index
    %get3A_4 = vector.load %arg3[%get3A_2, %get3A_3] : memref<2000x64xf32, #tpu.memory_space<vmem>>, vector<2000x64xf32>
    %add3A = arith.addf %get3A_1, %get3A_4 : vector<2000x64xf32>
    %get3A_5 = arith.constant 0 : index
    %get3A_6 = arith.constant 0 : index
    %get3A_7 = vector.load %arg2[%get3A_5, %get3A_6] : memref<2000x64xf32, #tpu.memory_space<vmem>>, vector<2000x64xf32>
    %get3A_8 = arith.constant 0 : index
    %get3A_9 = arith.constant 0 : index
    %get3A_10 = vector.load %arg4[%get3A_8, %get3A_9] : memref<2000x64xf32, #tpu.memory_space<vmem>>, vector<2000x64xf32>
    %add3A_11 = arith.addf %get3A_7, %get3A_10 : vector<2000x64xf32>
    %concatenate3A = tpu.concatenate %add3A, %add3A_11 in 1 : vector<2000x64xf32>, vector<2000x64xf32> -> vector<2000x128xf32>
    %get3A_12 = arith.constant 0 : index
    %get3A_13 = arith.constant 0 : index
    %get3A_14 = vector.load %arg7[%get3A_12, %get3A_13] : memref<2000x2xf32, #tpu.memory_space<vmem>>, vector<2000x2xf32>
    %slice3A = vector.extract_strided_slice %get3A_14 {offsets = [0, 1], sizes = [2000, 1], strides = [1, 1]} : vector<2000x2xf32> to vector<2000x1xf32>
    %add3A_15 = arith.constant 1.000000e+00 : f32
    %add3A_16 = vector.broadcast %add3A_15 : f32 to vector<2000x1xf32>
    %add3A_17 = arith.addf %slice3A, %add3A_16 : vector<2000x1xf32>
    %max3A = arith.constant 1.000000e+00 : f32
    %max3A_18 = vector.broadcast %max3A : f32 to vector<2000x1xf32>
    %max3A_19 = arith.maximumf %add3A_17, %max3A_18 : vector<2000x1xf32>
    %rsqrt3A = math.rsqrt %max3A_19 : vector<2000x1xf32>
    %mul3A = vector.broadcast %rsqrt3A : vector<2000x1xf32> to vector<2000x128xf32>
    %mul3A_20 = arith.mulf %concatenate3A, %mul3A : vector<2000x128xf32>
    %get3A_21 = arith.constant 0 : index
    %get3A_22 = arith.constant 0 : index
    %get3A_23 = vector.load %arg5[%get3A_21, %get3A_22] : memref<128x128xf32, #tpu.memory_space<vmem>>, vector<128x128xf32>
    %dot_general3A = arith.constant dense<0.000000e+00> : vector<2000x128xf32>
    %dot_general3A_24 = tpu.matmul %mul3A_20, %get3A_23, %dot_general3A {dimension_numbers = #tpu.dot_dimension_numbers<[1], [0], [0], [1], [0, 0, 1, 1], [], []>, transpose_lhs_hint = false} : vector<2000x128xf32>, vector<128x128xf32>, vector<2000x128xf32> -> vector<2000x128xf32>
    %get3A_25 = arith.constant 0 : index
    %get3A_26 = arith.constant 0 : index
    %get3A_27 = vector.load %arg6[%get3A_25, %get3A_26] : memref<1x128xf32, #tpu.memory_space<vmem>>, vector<1x128xf32>
    %add3A_28 = vector.broadcast %get3A_27 : vector<1x128xf32> to vector<2000x128xf32>
    %add3A_29 = arith.addf %dot_general3A_24, %add3A_28 : vector<2000x128xf32>
    %get3A_30 = arith.constant 0 : index
    %get3A_31 = arith.constant 0 : index
    %get3A_32 = vector.load %arg7[%get3A_30, %get3A_31] : memref<2000x2xf32, #tpu.memory_space<vmem>>, vector<2000x2xf32>
    %slice3A_33 = vector.extract_strided_slice %get3A_32 {offsets = [0, 0], sizes = [2000, 1], strides = [1, 1]} : vector<2000x2xf32> to vector<2000x1xf32>
    %max3A_34 = arith.constant 1.000000e+00 : f32
    %max3A_35 = vector.broadcast %max3A_34 : f32 to vector<2000x1xf32>
    %max3A_36 = arith.maximumf %slice3A_33, %max3A_35 : vector<2000x1xf32>
    %rsqrt3A_37 = math.rsqrt %max3A_36 : vector<2000x1xf32>
    %mul3A_38 = vector.broadcast %rsqrt3A_37 : vector<2000x1xf32> to vector<2000x128xf32>
    %mul3A_39 = arith.mulf %add3A_29, %mul3A_38 : vector<2000x128xf32>
    %slice3A_40 = vector.extract_strided_slice %mul3A_39 {offsets = [0, 0], sizes = [2000, 64], strides = [1, 1]} : vector<2000x128xf32> to vector<2000x64xf32>
    %swap3A = arith.constant 0 : index
    %swap3A_41 = arith.constant 0 : index
    %swap3A_42 = vector.load %arg8[%swap3A, %swap3A_41] : memref<2000x64xf32, #tpu.memory_space<vmem>>, vector<2000x64xf32>
    tpu.vector_store %arg8[%swap3A, %swap3A_41], %slice3A_40 {strides = array<i32>} : memref<2000x64xf32, #tpu.memory_space<vmem>>, vector<2000x64xf32>,
    %slice3A_43 = vector.extract_strided_slice %mul3A_39 {offsets = [0, 64], sizes = [2000, 64], strides = [1, 1]} : vector<2000x128xf32> to vector<2000x64xf32>
    %swap3A_44 = arith.constant 0 : index
    %swap3A_45 = arith.constant 0 : index
    %swap3A_46 = vector.load %arg9[%swap3A_44, %swap3A_45] : memref<2000x64xf32, #tpu.memory_space<vmem>>, vector<2000x64xf32>
    tpu.vector_store %arg9[%swap3A_44, %swap3A_45], %slice3A_43 {strides = array<i32>} : memref<2000x64xf32, #tpu.memory_space<vmem>>, vector<2000x64xf32>,
    return
  }
  func.func @transform_0(%arg0: i32) -> (i32, i32) {
    %c0_i32 = arith.constant 0 : i32
    %c0_i32_0 = arith.constant 0 : i32
    return %arg0, %c0_i32 : i32, i32
  }
  func.func @transform_1(%arg0: i32) -> (i32, i32) {
    %c0_i32 = arith.constant 0 : i32
    %c0_i32_0 = arith.constant 0 : i32
    return %arg0, %c0_i32 : i32, i32
  }
  func.func @transform_2(%arg0: i32) -> (i32, i32) {
    %c0_i32 = arith.constant 0 : i32
    %c0_i32_0 = arith.constant 0 : i32
    return %arg0, %c0_i32 : i32, i32
  }
  func.func @transform_3(%arg0: i32) -> (i32, i32) {
    %c0_i32 = arith.constant 0 : i32
    %c0_i32_0 = arith.constant 0 : i32
    return %arg0, %c0_i32 : i32, i32
  }
  func.func @transform_4(%arg0: i32) -> (i32, i32) {
    %c0_i32 = arith.constant 0 : i32
    %c0_i32_0 = arith.constant 0 : i32
    %c0_i32_1 = arith.constant 0 : i32
    return %c0_i32, %c0_i32_0 : i32, i32
  }
  func.func @transform_5(%arg0: i32) -> (i32, i32) {
    %c0_i32 = arith.constant 0 : i32
    %c0_i32_0 = arith.constant 0 : i32
    %c0_i32_1 = arith.constant 0 : i32
    return %c0_i32, %c0_i32_0 : i32, i32
  }
  func.func @transform_6(%arg0: i32) -> (i32, i32) {
    %c0_i32 = arith.constant 0 : i32
    %c0_i32_0 = arith.constant 0 : i32
    return %arg0, %c0_i32 : i32, i32
  }
  func.func @transform_7(%arg0: i32) -> (i32, i32) {
    %c0_i32 = arith.constant 0 : i32
    %c0_i32_0 = arith.constant 0 : i32
    return %arg0, %c0_i32 : i32, i32
  }
  func.func @transform_8(%arg0: i32) -> (i32, i32) {
    %c0_i32 = arith.constant 0 : i32
    %c0_i32_0 = arith.constant 0 : i32
    return %arg0, %c0_i32 : i32, i32
  }
}

module attributes {stable_mosaic.version = 14 : i64} {
  func.func @_fin_body(%arg0: i32, %arg1: memref<2000x64xf32, #tpu.memory_space<vmem>>, %arg2: memref<2000x64xf32, #tpu.memory_space<vmem>>, %arg3: memref<2000x2xf32, #tpu.memory_space<vmem>>, %arg4: memref<2000x128xf32, #tpu.memory_space<vmem>>) attributes {dimension_semantics = [#tpu.dimension_semantics<parallel>], iteration_bounds = array<i64: 5>, scalar_prefetch = 0 : i64, scratch_operands = 0 : i64, tpu.core_type = #tpu.core_type<tc>, window_params = [{transform_indices = @transform_0, window_bounds = array<i64: 2000, 64>}, {transform_indices = @transform_1, window_bounds = array<i64: 2000, 64>}, {transform_indices = @transform_2, window_bounds = array<i64: 2000, 2>}, {transform_indices = @transform_3, window_bounds = array<i64: 2000, 128>}]} {
    %get3A = arith.constant 0 : index
    %get3A_0 = arith.constant 0 : index
    %get3A_1 = vector.load %arg1[%get3A, %get3A_0] : memref<2000x64xf32, #tpu.memory_space<vmem>>, vector<2000x64xf32>
    %get3A_2 = arith.constant 0 : index
    %get3A_3 = arith.constant 0 : index
    %get3A_4 = vector.load %arg2[%get3A_2, %get3A_3] : memref<2000x64xf32, #tpu.memory_space<vmem>>, vector<2000x64xf32>
    %concatenate3A = tpu.concatenate %get3A_1, %get3A_4 in 1 : vector<2000x64xf32>, vector<2000x64xf32> -> vector<2000x128xf32>
    %get3A_5 = arith.constant 0 : index
    %get3A_6 = arith.constant 0 : index
    %get3A_7 = vector.load %arg3[%get3A_5, %get3A_6] : memref<2000x2xf32, #tpu.memory_space<vmem>>, vector<2000x2xf32>
    %slice3A = vector.extract_strided_slice %get3A_7 {offsets = [0, 1], sizes = [2000, 1], strides = [1, 1]} : vector<2000x2xf32> to vector<2000x1xf32>
    %max3A = arith.constant 1.000000e+00 : f32
    %max3A_8 = vector.broadcast %max3A : f32 to vector<2000x1xf32>
    %max3A_9 = arith.maximumf %slice3A, %max3A_8 : vector<2000x1xf32>
    %rsqrt3A = math.rsqrt %max3A_9 : vector<2000x1xf32>
    %mul3A = vector.broadcast %rsqrt3A : vector<2000x1xf32> to vector<2000x128xf32>
    %mul3A_10 = arith.mulf %concatenate3A, %mul3A : vector<2000x128xf32>
    %swap3A = arith.constant 0 : index
    %swap3A_11 = arith.constant 0 : index
    %swap3A_12 = vector.load %arg4[%swap3A, %swap3A_11] : memref<2000x128xf32, #tpu.memory_space<vmem>>, vector<2000x128xf32>
    tpu.vector_store %arg4[%swap3A, %swap3A_11], %mul3A_10 {strides = array<i32>} : memref<2000x128xf32, #tpu.memory_space<vmem>>, vector<2000x128xf32>,
    return
  }
  func.func @transform_0(%arg0: i32) -> (i32, i32) {
    %c0_i32 = arith.constant 0 : i32
    %c0_i32_0 = arith.constant 0 : i32
    return %arg0, %c0_i32 : i32, i32
  }
  func.func @transform_1(%arg0: i32) -> (i32, i32) {
    %c0_i32 = arith.constant 0 : i32
    %c0_i32_0 = arith.constant 0 : i32
    return %arg0, %c0_i32 : i32, i32
  }
  func.func @transform_2(%arg0: i32) -> (i32, i32) {
    %c0_i32 = arith.constant 0 : i32
    %c0_i32_0 = arith.constant 0 : i32
    return %arg0, %c0_i32 : i32, i32
  }
  func.func @transform_3(%arg0: i32) -> (i32, i32) {
    %c0_i32 = arith.constant 0 : i32
    %c0_i32_0 = arith.constant 0 : i32
    return %arg0, %c0_i32 : i32, i32
  }
}

</mosaic_0001>

<sc_bundles>
// kernel: kernel.11.cloned.1.call-start
scs
__scs_entry_jumppad:
0x0: {  	(pc) =	sbr.rel $0x88, $3  }
0x1: {  	(tag) =	ssettag $0x0;
	lr =	simm.s32 $0x1  }
0x2: {  	[smem:$0x3F9A] =	sst lr;
	_ =	strace $0xD0000000  }
0x3: {  	_ = 	snop  }
0x4: {  	_ = 	snop  }
0x5: {  	_ = 	snop  }
0x6: {  	_ = 	snop  }
0x7: {  	_ = 	snop  }
__scs_overlays_trampoline_lowered:
0x8: {  	[smem:$0x3FA9] =	sst s0  }
0x9: {  	[smem:$0x3FAA] =	sst s1  }
0xa: {  	[smem:$0x3FAB] =	sst s2  }
0xb: {  	[smem:$0x3FAC] =	sst s3  }
0xc: {  	[smem:$0x3FAD] =	sst s4  }
0xd: {  	[smem:$0x3FAE] =	sst s5  }
0xe: {  	[smem:$0x3FAF] =	sst s6  }
0xf: {  	[smem:$0x3FB0] =	sst s7  }
0x10: {  	[smem:$0x3FB1] =	sst s8  }
0x11: {  	[smem:$0x3FB2] =	sst s9;
	s0 =	simm.s32 @!p0 $0x0  }
0x12: {  	s1 =	sld [smem:$0x3F98];
	s0 =	simm.s32 @p0 $0x1  }
0x13: {  	[smem:$0x3FB3] =	sst s0;
	s0 =	simm.s32 @!p1 $0x0  }
0x14: {  	s2 =	sld [smem:$0x3F97];
	s0 =	simm.s32 @p1 $0x1  }
0x15: {  	[smem:$0x3FB4] =	sst s0;
	s0 =	simm.s32 @!p2 $0x0  }
0x16: {  	s3 =	sld [smem:$0x3FDB];
	s0 =	simm.s32 @p2 $0x1  }
0x17: {  	s4 =	simm.s32 $0x1BF5;
	[smem:$0x3FB6] =	sst s0  }
0x18: {  	s0 =	sld [smem:$0x3F99];
	_ =	swait.ge [sflag:s4], $0x0  }
0x19: {  	s7 =	sld [smem:$0x3F9A]  }
0x1a: {  	s8 =	sadd.s32 $0xFFFFE003, lr  }
0x1b: {  	s9 =	sadd.s32 $0xFFFFFEF7, lr;
	s5 =	simm.s32 $0xFFFFFFFF;
	p2 =	slt.u32 s8, $0xFFFFF086  }
0x1c: {  	p1 =	slt.u32 s9, $0xF7A;
	s5 =	simm.s32 @!p2 $0x0  }
0x1d: {  	s5 =	simm.s32 @p1 $0x1;
	p0 =	seq.s32 s7, s2  }
0x1e: {  	s7 =	smul.u32 @!p0 $0xF7A, s2;
	p2 =	seq.s32 @!p0 s5, $0x0  }
0x1f: {  	s9 =	smul.u32 $0xF7A, s1;
	s8 =	simm.s32 @!p0 $0x1BF5;
	p2 =	por !p2, p0  }
0x20: {  	[sflag:s8] =	ssyncset.s32 @!p0 $0xFFFFF086;
	s6 =	sadd.s32 @!p0 s3, s7;
	s7 =	simm.s32 @!p0 $0x108  }
0x21: {  	s3 =	sadd.s32 s3, s9;
	s6 =	sadd.s32 @!p0 $0x88, s6;
	s7 =	simm.s32 @p2 $0x1082  }
0x22: {  	[simem:s7], [sflag:s8] =	dma.local @!p0 [hbm:s6], $0xF7A  }
0x23: {  	s9 =	sor.u32 $0xD0000000, s2;
	s6 =	simm.s32 $0x108;
	_ =	swait.ge @!p0 [sflag:s8], $0x0  }
0x24: {  	s3 =	sadd.s32 $0x88, s3;
	s6 =	simm.s32 @!p1 $0x1082;
	[sflag:s4] =	ssyncset.s32 $0xFFFFF086  }
0x25: {  	[simem:s6], [sflag:s4] =	dma.local [hbm:s3], $0xF7A  }
0x26: {  	[smem:$0x3F9A] =	sst s1;
	(tag) =	ssettag s2;
	_ =	strace s9  }
0x27: {  	s1 =	sld [smem:$0x3FAA]  }
0x28: {  	s2 =	sld [smem:$0x3FAB]  }
0x29: {  	s4 =	sld [smem:$0x3FAD]  }
0x2a: {  	p0 =	seq.s32 s5, $0x0;
	s5 =	sld [smem:$0x3FAE]  }
0x2b: {  	s6 =	sld [smem:$0x3FAF]  }
0x2c: {  	s7 =	sld [smem:$0x3FB0]  }
0x2d: {  	s3 =	simm.s32 $0x108;
	s8 =	sld [smem:$0x3FB1]  }
0x2e: {  	s3 =	simm.s32 @!p0 $0x1082;
	s9 =	sld [smem:$0x3FB2]  }
0x2f: {  	lr =	sadd.s32 s0, s3;
	s0 =	sld [smem:$0x3FA9]  }
0x30: {  	s3 =	sld [smem:$0x3FAC]  }
0x31: {  	[smem:$0x3FB5] =	sst s10  }
0x32: {  	s10 =	sld [smem:$0x3FB3];
	_ =	sdelay $0x3  }
0x33: {  	p0 =	seq.s32 s10, $0x1;
	s10 =	sld [smem:$0x3FB5];
	_ =	sdelay $0x3  }
0x34: {  	[smem:$0x3FB5] =	sst s10  }
0x35: {  	s10 =	sld [smem:$0x3FB4];
	_ =	sdelay $0x3  }
0x36: {  	p1 =	seq.s32 s10, $0x1;
	s10 =	sld [smem:$0x3FB5];
	_ =	sdelay $0x3  }
0x37: {  	[smem:$0x3FB5] =	sst s10  }
0x38: {  	s10 =	sld [smem:$0x3FB6]  }
0x39: {  	_ = 	snop;
	(pc) =	sbr.ind lr, $3  }
0x3a: {  	_ = 	snop  }
0x3b: {  	_ = 	snop  }
0x3c: {  	p2 =	seq.s32 s10, $0x1;
	s10 =	sld [smem:$0x3FB5]  }
0x3d: {  	_ =	shalt  }
0x3e: {  	_ =	shalt  }
0x3f: {  	_ =	shalt  }
0x40: {  	_ =	shalt  }
0x41: {  	_ =	shalt  }
0x42: {  	_ =	shalt  }
0x43: {  	_ =	shalt  }
0x44: {  	_ =	shalt  }
0x45: {  	_ =	shalt  }
0x46: {  	_ =	shalt  }
0x47: {  	_ =	shalt  }
0x48: {  	_ =	shalt  }
0x49: {  	_ =	shalt  }
0x4a: {  	_ =	shalt  }
0x4b: {  	_ =	shalt  }
0x4c: {  	_ =	shalt  }
0x4d: {  	_ =	shalt  }
0x4e: {  	_ =	shalt  }
0x4f: {  	_ =	shalt  }
0x50: {  	_ =	shalt  }
0x51: {  	_ =	shalt  }
0x52: {  	_ =	shalt  }
0x53: {  	_ =	shalt  }
0x54: {  	_ =	shalt  }
0x55: {  	_ =	shalt  }
0x56: {  	_ =	shalt  }
0x57: {  	_ =	shalt  }
0x58: {  	_ =	shalt  }
0x59: {  	_ =	shalt  }
0x5a: {  	_ =	shalt  }
0x5b: {  	_ =	shalt  }
0x5c: {  	_ =	shalt  }
0x5d: {  	_ =	shalt  }
0x5e: {  	_ =	shalt  }
0x5f: {  	_ =	shalt  }
0x60: {  	_ =	shalt  }
0x61: {  	_ =	shalt  }
0x62: {  	_ =	shalt  }
0x63: {  	_ =	shalt  }
0x64: {  	_ =	shalt  }
0x65: {  	_ =	shalt  }
0x66: {  	_ =	shalt  }
0x67: {  	_ =	shalt  }
0x68: {  	_ =	shalt  }
0x69: {  	_ =	shalt  }
0x6a: {  	_ =	shalt  }
0x6b: {  	_ =	shalt  }
0x6c: {  	_ =	shalt  }
0x6d: {  	_ =	shalt  }
0x6e: {  	_ =	shalt  }
0x6f: {  	_ =	shalt  }
0x70: {  	_ =	shalt  }
0x71: {  	_ =	shalt  }
0x72: {  	_ =	shalt  }
0x73: {  	_ =	shalt  }
0x74: {  	_ =	shalt  }
0x75: {  	_ =	shalt  }
0x76: {  	_ =	shalt  }
0x77: {  	_ =	shalt  }
0x78: {  	_ =	shalt  }
0x79: {  	_ =	shalt  }
0x7a: {  	_ =	shalt  }
0x7b: {  	_ =	shalt  }
0x7c: {  	_ =	shalt  }
0x7d: {  	_ =	shalt  }
0x7e: {  	_ =	shalt  }
0x7f: {  	_ =	shalt  }
0x80: {  	_ =	shalt  }
0x81: {  	_ =	shalt  }
0x82: {  	_ =	shalt  }
0x83: {  	_ =	shalt  }
0x84: {  	_ =	shalt  }
0x85: {  	_ =	shalt  }
0x86: {  	_ =	shalt  }
0x87: {  	_ =	shalt  }
.Lfunc_end0:
.L_simem_size_0:
called_computation.1_lowered:
.L_overlay_start_0:
0x88: {  	s2 =	sld [smem:$0x3FD9]  }
0x89: {  	s3 =	sld [smem:$0x3FFE];
	_ =	sdelay $0x1  }
0x8a: {  	s1 =	srdreg.scid  }
0x8b: {  	s0 =	sand.u32 $0x1, s1  }
0x8c: {  	s16 =	sshll.u32 s0, $0xA;
	s2 =	sadd.s32 s3, s2  }
0x8d: {  	s2 =	sadd.s32 s2, s16  }
0x8e: {  	[smem:$0x3FC1] =	sst s2  }
0x8f: {  	_ = 	snop  }
0x90: {  	(tm) =	ssettm $0x1  }
0x91: {  	s17 =	sld [smem:$0x3FFB];
	_ =	sdelay $0x3  }
0x92: {  	_ =	strace s17  }
0x93: {  	s2 =	sld [smem:$0x3FFC];
	_ =	sdelay $0x3  }
0x94: {  	_ =	strace s2  }
0x95: {  	s2 =	sld [smem:$0x3FFD];
	_ =	sdelay $0x3  }
0x96: {  	_ =	strace s2  }
0x97: {  	_ =	strace $0x8FFFFFFF  }
0x98: {  	s18 =	sld [smem:$0x3FDB];
	_ =	sdelay $0x1  }
0x99: {  	s19 =	simm.s32 $_scs_section_size  }
0x9a: {  	s4 =	simm.s32 $_size__tile_overlayer_lowered;
	s5 =	simm.s32 $_tile_overlayer_lowered  }
0x9b: {  	s22 =	simm.s32 $0x1BFF;
	s21 =	sshll.u32 s5, $0x1;
	s2 =	sadd.s32 s19, s18  }
0x9c: {  	s6 =	simm.s32 $0x0;
	s20 =	sshll.u32 s4, $0x1;
	s4 =	sadd.s32 s21, s2  }
0x9d: {  	[timem:s6], [sflag:s22] =	dma.local [hbm:s4], s20  }
0x9e: {  	_ =	swait.ge [sflag:s22], s20  }
0x9f: {  	s3 =	ssub.s32 $0x0, s20;
	[sflag:s22] =	ssyncset.done $0x0  }
0xa0: {  	[sflag:s22] =	ssyncadd.s32 s3;
	_ =	sdelay $0x1  }
0xa1: {  	s23 =	simm.s32 $0x1B8B  }
0xa2: {  	_ =	swait.ge [sflag:s23], $0x1  }
0xa3: {  	[sflag:s23] =	ssyncset.done $0x0  }
0xa4: {  	s25 =	simm.s32 $0x1B8E;
	s24 =	sld [smem:$0x3FFE];
	[sflag:s23] =	ssyncadd.s32 $0xFFFFFFFF  }
0xa5: {  	s26 =	simm.s32 $execute0_lowered;
	[smem:$0x3FD2] =	sst s25  }
0xa6: {  	s4 =	sshll.u32 s26, $0x1;
	_ =	strace $0x80000049;
	[dreg:$0x1] =	wrdreg $0xFFFFFFFF  }
0xa7: {  	s28 =	simm.s32 $_size_execute0_lowered;
	s2 =	sadd.s32 s2, s4;
	[dreg:$0x0] =	wrdreg $0x0  }
0xa8: {  	s4 =	sshll.u32 s28, $0x1;
	[dreg:$0x2] =	wrdreg s2  }
0xa9: {  	[dreg:$0x3] =	wrdreg s4  }
0xaa: {  	[dreg:$0x4] =	wrdreg $0xC0  }
0xab: {  	_ =	task [dreg:s6], $0x5FFFF  }
0xac: {  	[dreg:$0x1] =	wrdreg $0xFFFFFFFF  }
0xad: {  	[dreg:$0x0] =	wrdreg $0x60  }
0xae: {  	[dreg:$0x2] =	wrdreg s24  }
0xaf: {  	[dreg:$0x3] =	wrdreg $0x15B800  }
0xb0: {  	[dreg:$0x4] =	wrdreg $0x9  }
0xb1: {  	_ =	task.clear_ibuf [dreg:s6], $0x5FFFF;
	_ =	strace $0x90000049  }
0xb2: {  	s29 =	simm.s32 $0x9;
	_ =	strace $0x8000004B  }
0xb3: {  	_ =	swait.ge [sflag:s29], $0x1  }
0xb4: {  	[sflag:s29] =	ssyncadd.s32 $0xFFFFFFFF  }
0xb5: {  	_ =	strace $0x9000004B  }
0xb6: {  	_ =	sfence  }
0xb7: {  	s30 =	sld [smem:$0x0];
	_ =	sdelay $0x2  }
0xb8: {  	s31 =	sshll.u32 s1, $0xD;
	s1 =	sshrl.u32 s1, $0x2  }
0xb9: {  	s3 =	sand.u32 $0x4000, s31;
	s1 =	sadd.s32 s1, s30  }
0xba: {  	s0 =	sor.u32 s3, s0;
	s1 =	sshll.u32 s1, $0x11  }
0xbb: {  	s0 =	sor.u32 s1, s0  }
0xbc: {  	s0 =	sadd.s32 $0x8F2B, s0  }
0xbd: {  	[sflag:s0] =	ssyncadd.remote.s32 $0x1  }
0xbe: {  	_ =	sfence.sel $0xFFFF  }
0xbf: {  	[dreg:$0x0] =	wrdreg $0xFFFFFFFF;
	(pc) =	sbr.abs _section_cstart, $3  }
0xc0: {  	[dreg:$0x1] =	wrdreg $0xFFFFFFFF  }
0xc1: {  	_ =	task.clear_ibuf [dreg:s6], $0x2FFFF;
	_ =	strace $0x9FFFFFFF  }
0xc2: {  	(tm) =	ssettm $0x7FFFFFFF  }
0xc3: {  	_ =	shalt  }
tec
execute0_lowered:
.L_overlay_start_1:
0x0: {  	(tag) =	ssettag $0x1  }
0x1: {  	s0 =	rddreg [dreg:$0x0]  }
0x2: {  	s2 =	rddreg [dreg:$0x1];
	s18 =	stileid.u32;
	s4 =	simm.s32 $0x0  }
0x3: {  	s3 =	srdreg.scid;
	s19 =	simm.s32 $0xA000;
	s20 =	simm.s32 $0x8  }
0x4: {  	s21 =	simm.s32 $0x7;
	s29 =	simm.s32 $0xFDC0;
	s31 =	simm.s32 $0x11D00  }
0x5: {  	s28 =	simm.s32 $0x3;
	s30 =	simm.s32 $0x4;
	s1 =	smul.u32 $0xA00, s18  }
0x6: {  	[smem:$0x7FF] =	sst s4;
	s22 =	smul.u32 $0x9C00, s18;
	s3 =	sand.u32 $0x1, s3  }
0x7: {  	s6 =	smul.u32 $0x27000, s18;
	s13 =	sadd.s32 $0xA0480, s0;
	s15 =	sadd.s32 $0xB3E80, s0  }
0x8: {  	s4 =	simm.s32 $0x0;
	_ =	strace $0x8000004A;
	s5 =	ssub.s32 $0x2, s3  }
0x9: {  	p0 =	seq.s32 s3, $0x0;
	p3 =	sne.s32 s3, $0x0;
	s3 =	simm.s32 $0x6  }
0xa: {  	s1 =	sadd.s32 s1, s0;
	s7 =	sshrl.u32 s22, $0x3;
	s8 =	sshrl.u32 s5, $0x1  }
0xb: {  	s6 =	sshrl.u32 s6, $0x2;
	p1 =	seq.s32 @p3 s18, $0xF;
	p4 =	seq.s32 @!p3 s18, $0xF  }
0xc: {  	s18 =	simm.s32 $0x13C40;
	s7 =	sadd.s32 s7, s0;
	s5 =	ssub.s32 s5, s8  }
0xd: {  	s23 =	sadd.s32 $0x4800, s1;
	s1 =	sadd.s32 $0xE800, s1;
	s24 =	sadd.s32 s6, s2  }
0xe: {  	s6 =	sadd.s32 s22, s2;
	s22 =	simm.s32 $0x7D;
	[dreg:$0x3] =	wrdreg s23  }
0xf: {  	p2 =	por !p4, p3;
	[dreg:$0x4] =	wrdreg s1;
	s25 =	sadd.s32 $0x1E00, s24  }
0x10: {  	s26 =	sadd.s32 $0x3C00, s24;
	s9 =	sadd.s32 $0x5A00, s24;
	s10 =	sadd.s32 $0x7800, s24  }
0x11: {  	s11 =	sadd.s32 $0x9600, s24;
	s12 =	sadd.s32 $0x8E000, s7;
	s1 =	simm.s32 $0x66C00  }
.Ltmp0:
0x12: {  	s14 =	sadd.s32 $0xA1A00, s7;
	s16 =	smax.u32 s5, $0x1;
	(pc) =	sbr.rel .LBB2_1-.Ltmp0, $4  }
0x13: {  	s24 =	simm.s32 $0xBF40;
	s23 =	simm.s32 $0x1;
	[dreg:$0x5] =	wrdreg s25  }
0x14: {  	[dreg:$0x6] =	wrdreg s26;
	s1 =	simm.s32 @!p0 $0x7A600;
	p0 =	por !p1, !p3  }
0x15: {  	p1 =	por p1, !p3;
	p3 =	por p4, p3;
	s26 =	simm.s32 $0xDE80  }
0x16: {  	v0 =	vimm.f32 $0.0e+00;
	s25 =	simm.s32 $0x2;
	s17 =	sadd.s32 s1, s0;
	s0 =	simm.s32 $0x5  }
.LBB2_6:
0x17: {  	_ =	swait.ge [sflag:s3], $0x1F40  }
0x18: {  	[sflag:s3] =	ssyncset.done $0x0  }
0x19: {  	[sflag:s3] =	ssyncadd.s32 $0xFFFFE0C0  }
0x1a: {  	[spmem:s2] =	stream.indirect.scatter.add.f32 [tilespmem:s18], [sflag:$0x8], $0x40, s7, s22, $0xb8;
	[tilespmem:$0x1F7C0] =	vst v63  }
0x1b: {  	_ =	swait.ge [sflag:s20], $0x1F40  }
0x1c: {  	[sflag:s20] =	ssyncset.done $0x0  }
0x1d: {  	[sflag:s20] =	ssyncadd.s32 $0xFFFFE0C0  }
0x1e: {  	_ =	swait.ge [sflag:s23], $0x1F40  }
0x1f: {  	[sflag:s23] =	ssyncset.done $0x0  }
0x20: {  	s1 =	simm.s32 $0x9E00;
	[sflag:s23] =	ssyncadd.s32 $0xFFFFE0C0  }
0x21: {  	[spmem:s2] =	stream.indirect.scatter.add.f32 [tilespmem:s19], [sflag:$0x8], $0x40, s1, s22, $0xb8;
	[tilespmem:$0x1F7C0] =	vst v63  }
0x22: {  	_ =	swait.ge [sflag:s20], $0x1F40  }
0x23: {  	[sflag:s20] =	ssyncset.done $0x0  }
0x24: {  	[sflag:s20] =	ssyncadd.s32 $0xFFFFE0C0  }
0x25: {  	_ =	swait.ge [sflag:s25], $0x1F40  }
0x26: {  	[sflag:s25] =	ssyncset.done $0x0  }
0x27: {  	s5 =	simm.s32 $0x9E80;
	[sflag:s25] =	ssyncadd.s32 $0xFFFFE0C0  }
0x28: {  	[spmem:s2] =	stream.indirect.scatter.add.f32 [tilespmem:s24], [sflag:$0x8], $0x40, s5, s22, $0xb8;
	[tilespmem:$0x1F7C0] =	vst v63  }
0x29: {  	_ =	swait.ge [sflag:s20], $0x1F40  }
0x2a: {  	[sflag:s20] =	ssyncset.done $0x0  }
0x2b: {  	[sflag:s20] =	ssyncadd.s32 $0xFFFFE0C0  }
0x2c: {  	_ =	swait.ge [sflag:s28], $0x1F40  }
0x2d: {  	[sflag:s28] =	ssyncset.done $0x0  }
0x2e: {  	s7 =	simm.s32 $0x9F00;
	[sflag:s28] =	ssyncadd.s32 $0xFFFFE0C0  }
0x2f: {  	[spmem:s2] =	stream.indirect.scatter.add.f32 [tilespmem:s26], [sflag:$0x8], $0x40, s7, s22, $0xb8;
	[tilespmem:$0x1F7C0] =	vst v63  }
0x30: {  	_ =	swait.ge [sflag:s20], $0x1F40  }
0x31: {  	[sflag:s20] =	ssyncset.done $0x0  }
0x32: {  	[sflag:s20] =	ssyncadd.s32 $0xFFFFE0C0  }
0x33: {  	_ =	swait.ge [sflag:s30], $0x1F40  }
0x34: {  	[sflag:s30] =	ssyncset.done $0x0  }
0x35: {  	s8 =	simm.s32 $0x9F80;
	[sflag:s30] =	ssyncadd.s32 $0xFFFFE0C0  }
0x36: {  	[spmem:s2] =	stream.indirect.scatter.add.f32 [tilespmem:s29], [sflag:$0x8], $0x40, s8, s22, $0xb8;
	[tilespmem:$0x1F7C0] =	vst v63  }
0x37: {  	_ =	swait.ge [sflag:s20], $0x1F40  }
0x38: {  	[sflag:s20] =	ssyncset.done $0x0  }
0x39: {  	[sflag:s20] =	ssyncadd.s32 $0xFFFFE0C0  }
0x3a: {  	s1 =	sshrl.u32 @!p0 s6, $0x3;
	s5 =	simm.s32 @!p0 $0x1FC8;
	[bflag:$0x0] =	sbarrier.arrive $0xFFFF  }
0x3b: {  	[hbm:s13], [sflag:s5] =	dma.local @!p0 [spmem:s1], $0x1400  }
0x3c: {  	s1 =	simm.s32 @!p0 $0x8  }
0x3d: {  	s8 =	stileid.u32;
	_ =	swait.ge @!p0 [sflag:s1], $0x1400  }
0x3e: {  	s5 =	sshll.u32 @!p1 s8, $0x6;
	[sflag:s1] =	ssyncset.done @!p0 $0x0  }
0x3f: {  	[sflag:s1] =	ssyncadd.s32 @!p0 $0xFFFFEC00;
	s1 =	sor.u32 @!p1 $0x1C08, s5;
	s5 =	sshrl.u32 @!p1 s6, $0x3  }
0x40: {  	[hbm:s12], [sflag:s1] =	dma.local @!p1 [spmem:s5], $0x1380  }
0x41: {  	s1 =	simm.s32 @!p1 $0x8  }
0x42: {  	_ =	swait.ge @!p1 [sflag:s1], $0x1380  }
0x43: {  	[sflag:s1] =	ssyncset.done @!p1 $0x0  }
0x44: {  	s5 =	simm.s32 @!p2 $0x1FC8;
	[sflag:s1] =	ssyncadd.s32 @!p1 $0xFFFFEC80;
	s1 =	sshrl.u32 @!p2 s6, $0x3  }
0x45: {  	[hbm:s15], [sflag:s5] =	dma.local @!p2 [spmem:s1], $0x1400  }
0x46: {  	s1 =	simm.s32 @!p2 $0x8  }
0x47: {  	s4 =	sadd.s32 $0x1, s4;
	_ =	swait.ge @!p2 [sflag:s1], $0x1400  }
0x48: {  	p4 =	sne.s32 s4, s16;
	s5 =	sshll.u32 @!p3 s8, $0x6;
	[sflag:s1] =	ssyncset.done @!p2 $0x0  }
0x49: {  	[sflag:s1] =	ssyncadd.s32 @!p2 $0xFFFFEC00;
	s1 =	sor.u32 @!p3 $0x1C08, s5;
	s5 =	sshrl.u32 @!p3 s6, $0x3  }
0x4a: {  	[hbm:s14], [sflag:s1] =	dma.local @!p3 [spmem:s5], $0x1380  }
.Ltmp1:
0x4b: {  	_ = 	snop;
	(pc) =	sbr.rel @!p4 .LBB2_7-.Ltmp1, $4  }
0x4c: {  	s1 =	simm.s32 @!p3 $0x8  }
0x4d: {  	_ =	swait.ge @!p3 [sflag:s1], $0x1380  }
0x4e: {  	[sflag:s1] =	ssyncset.done @!p3 $0x0  }
0x4f: {  	s7 =	stileid.u32;
	[sflag:s1] =	ssyncadd.s32 @!p3 $0xFFFFEC80  }
.LBB2_1:
0x50: {  	s1 =	simm.s32 $0x0;
	s5 =	rddreg [dreg:$0x3]  }
0x51: {  	[tilespmem:s1], [sflag:$0x7] =	stream.linear.gather [hbm4b:s5+s1], $0x5000, $0x38;
	[tilespmem:$0x1F7C0] =	vst v63  }
0x52: {  	s8 =	rddreg [dreg:$0x4];
	s7 =	simm.s32 $0x5000  }
0x53: {  	[tilespmem:s7], [sflag:$0x7] =	stream.linear.gather [hbm4b:s8+s1], $0x5000, $0x38;
	[tilespmem:$0x1F7C0] =	vst v63  }
0x54: {  	s5 =	simm.s32 $0x100;
	s1 =	simm.s32 $0x0  }
.LBB2_2:
0x55: {  	p4 =	sne.s32 s5, $0x7C00;
	[tilespmem:s1+$0xA030] =	vst v0;
	s7 =	smov.u32 s5;
	s5 =	sadd.s32 $0x100, s5  }
.Ltmp2:
0x56: {  	[tilespmem:s1+$0xA020] =	vst v0;
	(pc) =	sbr.rel @p4 .LBB2_2-.Ltmp2, $3  }
0x57: {  	[tilespmem:s1+$0xA000] =	vst v0  }
0x58: {  	[tilespmem:s1+$0xA010] =	vst v0;
	_ =	sdelay $0x1  }
0x59: {  	s1 =	sshra.s32 s7, $0x2  }
0x5a: {  	[tilespmem:s1+$0xA030] =	vst v0  }
0x5b: {  	[tilespmem:s1+$0xA020] =	vst v0  }
0x5c: {  	[tilespmem:s1+$0xA000] =	vst v0  }
0x5d: {  	[tilespmem:s1+$0xA010] =	vst v0  }
0x5e: {  	[spmem:s6] =	stream.linear.scatter [tilespmem:s19], [sflag:$0x8], $0x1E00, $0x38;
	[tilespmem:$0x1F7C0] =	vst v63  }
0x5f: {  	_ =	swait.ge [sflag:s20], $0x1E00  }
0x60: {  	[sflag:s20] =	ssyncset.done $0x0  }
0x61: {  	s5 =	rddreg [dreg:$0x5];
	[sflag:s20] =	ssyncadd.s32 $0xFFFFE200  }
0x62: {  	[spmem:s5] =	stream.linear.scatter [tilespmem:s19], [sflag:$0x8], $0x1E00, $0x38;
	[tilespmem:$0x1F7C0] =	vst v63  }
0x63: {  	_ =	swait.ge [sflag:s20], $0x1E00  }
0x64: {  	[sflag:s20] =	ssyncset.done $0x0  }
0x65: {  	s7 =	rddreg [dreg:$0x6];
	[sflag:s20] =	ssyncadd.s32 $0xFFFFE200  }
0x66: {  	[spmem:s7] =	stream.linear.scatter [tilespmem:s19], [sflag:$0x8], $0x1E00, $0x38;
	[tilespmem:$0x1F7C0] =	vst v63  }
0x67: {  	_ =	swait.ge [sflag:s20], $0x1E00  }
0x68: {  	[sflag:s20] =	ssyncset.done $0x0  }
0x69: {  	[sflag:s20] =	ssyncadd.s32 $0xFFFFE200  }
0x6a: {  	[spmem:s9] =	stream.linear.scatter [tilespmem:s19], [sflag:$0x8], $0x1E00, $0x38;
	[tilespmem:$0x1F7C0] =	vst v63  }
0x6b: {  	_ =	swait.ge [sflag:s20], $0x1E00  }
0x6c: {  	[sflag:s20] =	ssyncset.done $0x0  }
0x6d: {  	[sflag:s20] =	ssyncadd.s32 $0xFFFFE200  }
0x6e: {  	[spmem:s10] =	stream.linear.scatter [tilespmem:s19], [sflag:$0x8], $0x1E00, $0x38;
	[tilespmem:$0x1F7C0] =	vst v63  }
0x6f: {  	_ =	swait.ge [sflag:s20], $0x1E00  }
0x70: {  	[sflag:s20] =	ssyncset.done $0x0  }
0x71: {  	[sflag:s20] =	ssyncadd.s32 $0xFFFFE200  }
0x72: {  	[spmem:s11] =	stream.linear.scatter [tilespmem:s19], [sflag:$0x8], $0xA00, $0x38;
	[tilespmem:$0x1F7C0] =	vst v63  }
0x73: {  	_ =	swait.ge [sflag:s20], $0xA00  }
0x74: {  	[sflag:s20] =	ssyncset.done $0x0  }
0x75: {  	[sflag:s20] =	ssyncadd.s32 $0xFFFFF600  }
0x76: {  	_ =	swait.ge [sflag:s21], $0x5000  }
0x77: {  	[sflag:s21] =	ssyncset.done $0x0  }
0x78: {  	[sflag:s21] =	ssyncadd.s32 $0xFFFFB000  }
0x79: {  	_ =	swait.ge [sflag:s21], $0x5000  }
0x7a: {  	[sflag:s21] =	ssyncset.done $0x0  }
0x7b: {  	[sflag:s21] =	ssyncadd.s32 $0xFFFFB000  }
0x7c: {  	s5 =	simm.s32 $0x0;
	[bflag:$0x0] =	sbarrier.arrive $0xFFFF  }
0x7d: {  	[tilespmem:s19], [sflag:$0x1] =	stream.indirect.gather [hbm4b:s17+s22], $0x40, s5, s22, $0xb8;
	[tilespmem:$0x1F7C0] =	vst v63  }
0x7e: {  	s8 =	simm.s32 $0x80  }
0x7f: {  	[tilespmem:s24], [sflag:$0x2] =	stream.indirect.gather [hbm4b:s17+s22], $0x40, s8, s22, $0xb8;
	[tilespmem:$0x1F7C0] =	vst v63  }
0x80: {  	s7 =	simm.s32 $0x100  }
0x81: {  	[tilespmem:s26], [sflag:$0x3] =	stream.indirect.gather [hbm4b:s17+s22], $0x40, s7, s22, $0xb8;
	[tilespmem:$0x1F7C0] =	vst v63  }
0x82: {  	s8 =	simm.s32 $0x180  }
0x83: {  	[tilespmem:s29], [sflag:$0x4] =	stream.indirect.gather [hbm4b:s17+s22], $0x40, s8, s22, $0xb8;
	[tilespmem:$0x1F7C0] =	vst v63  }
0x84: {  	s7 =	simm.s32 $0x200  }
0x85: {  	[tilespmem:s31], [sflag:$0x5] =	stream.indirect.gather [hbm4b:s17+s22], $0x40, s7, s22, $0xb8;
	[tilespmem:$0x1F7C0] =	vst v63  }
0x86: {  	s8 =	simm.s32 $0x280  }
0x87: {  	[tilespmem:s18], [sflag:$0x6] =	stream.indirect.gather [hbm4b:s17+s22], $0x40, s8, s22, $0xb8;
	[tilespmem:$0x1F7C0] =	vst v63  }
.LBB2_4:
0x88: {  	_ =	swait.ge [sflag:s23], $0x1F40  }
0x89: {  	s1 =	sshra.s32 s5, $0x2;
	[sflag:s23] =	ssyncset.done $0x0  }
0x8a: {  	s7 =	sadd.s32 $0x5000, s1;
	[sflag:s23] =	ssyncadd.s32 $0xFFFFE0C0  }
0x8b: {  	[spmem:s2] =	stream.indirect.scatter.add.f32 [tilespmem:s19], [sflag:$0x8], $0x40, s7, s22, $0xb8;
	[tilespmem:$0x1F7C0] =	vst v63  }
0x8c: {  	_ =	swait.ge [sflag:s20], $0x1F40  }
0x8d: {  	[sflag:s20] =	ssyncset.done $0x0  }
0x8e: {  	s8 =	sadd.s32 $0x300, s1;
	[sflag:s20] =	ssyncadd.s32 $0xFFFFE0C0  }
0x8f: {  	[tilespmem:s19], [sflag:$0x1] =	stream.indirect.gather [hbm4b:s17+s22], $0x40, s8, s22, $0xb8;
	[tilespmem:$0x1F7C0] =	vst v63  }
0x90: {  	_ =	swait.ge [sflag:s25], $0x1F40  }
0x91: {  	[sflag:s25] =	ssyncset.done $0x0  }
0x92: {  	s8 =	sadd.s32 $0x5080, s1;
	[sflag:s25] =	ssyncadd.s32 $0xFFFFE0C0  }
0x93: {  	[spmem:s2] =	stream.indirect.scatter.add.f32 [tilespmem:s24], [sflag:$0x8], $0x40, s8, s22, $0xb8;
	[tilespmem:$0x1F7C0] =	vst v63  }
0x94: {  	_ =	swait.ge [sflag:s20], $0x1F40  }
0x95: {  	[sflag:s20] =	ssyncset.done $0x0  }
0x96: {  	s8 =	sadd.s32 $0x380, s1;
	[sflag:s20] =	ssyncadd.s32 $0xFFFFE0C0  }
0x97: {  	[tilespmem:s24], [sflag:$0x2] =	stream.indirect.gather [hbm4b:s17+s22], $0x40, s8, s22, $0xb8;
	[tilespmem:$0x1F7C0] =	vst v63  }
0x98: {  	_ =	swait.ge [sflag:s28], $0x1F40  }
0x99: {  	[sflag:s28] =	ssyncset.done $0x0  }
0x9a: {  	s8 =	sadd.s32 $0x5100, s1;
	[sflag:s28] =	ssyncadd.s32 $0xFFFFE0C0  }
0x9b: {  	[spmem:s2] =	stream.indirect.scatter.add.f32 [tilespmem:s26], [sflag:$0x8], $0x40, s8, s22, $0xb8;
	[tilespmem:$0x1F7C0] =	vst v63  }
0x9c: {  	_ =	swait.ge [sflag:s20], $0x1F40  }
0x9d: {  	[sflag:s20] =	ssyncset.done $0x0  }
0x9e: {  	s8 =	sadd.s32 $0x400, s1;
	[sflag:s20] =	ssyncadd.s32 $0xFFFFE0C0  }
0x9f: {  	[tilespmem:s26], [sflag:$0x3] =	stream.indirect.gather [hbm4b:s17+s22], $0x40, s8, s22, $0xb8;
	[tilespmem:$0x1F7C0] =	vst v63  }
0xa0: {  	_ =	swait.ge [sflag:s30], $0x1F40  }
0xa1: {  	[sflag:s30] =	ssyncset.done $0x0  }
0xa2: {  	s8 =	sadd.s32 $0x5180, s1;
	[sflag:s30] =	ssyncadd.s32 $0xFFFFE0C0  }
0xa3: {  	[spmem:s2] =	stream.indirect.scatter.add.f32 [tilespmem:s29], [sflag:$0x8], $0x40, s8, s22, $0xb8;
	[tilespmem:$0x1F7C0] =	vst v63  }
0xa4: {  	_ =	swait.ge [sflag:s20], $0x1F40  }
0xa5: {  	[sflag:s20] =	ssyncset.done $0x0  }
0xa6: {  	s8 =	sadd.s32 $0x480, s1;
	[sflag:s20] =	ssyncadd.s32 $0xFFFFE0C0  }
0xa7: {  	[tilespmem:s29], [sflag:$0x4] =	stream.indirect.gather [hbm4b:s17+s22], $0x40, s8, s22, $0xb8;
	[tilespmem:$0x1F7C0] =	vst v63  }
0xa8: {  	_ =	swait.ge [sflag:s0], $0x1F40  }
0xa9: {  	p4 =	seq.s32 s5, $0x12C00;
	[sflag:s0] =	ssyncset.done $0x0  }
.Ltmp3:
0xaa: {  	s8 =	sadd.s32 $0x5200, s1;
	[sflag:s0] =	ssyncadd.s32 $0xFFFFE0C0;
	(pc) =	sbr.rel @p4 .LBB2_6-.Ltmp3, $4  }
0xab: {  	[spmem:s2] =	stream.indirect.scatter.add.f32 [tilespmem:s31], [sflag:$0x8], $0x40, s8, s22, $0xb8;
	[tilespmem:$0x1F7C0] =	vst v63  }
0xac: {  	_ =	swait.ge [sflag:s20], $0x1F40  }
0xad: {  	[sflag:s20] =	ssyncset.done $0x0  }
0xae: {  	s7 =	sadd.s32 $0x5280, s1;
	[sflag:s20] =	ssyncadd.s32 $0xFFFFE0C0  }
0xaf: {  	s8 =	sadd.s32 $0x500, s1  }
0xb0: {  	[tilespmem:s31], [sflag:$0x5] =	stream.indirect.gather [hbm4b:s17+s22], $0x40, s8, s22, $0xb8;
	[tilespmem:$0x1F7C0] =	vst v63  }
0xb1: {  	_ =	swait.ge [sflag:s3], $0x1F40  }
0xb2: {  	[sflag:s3] =	ssyncset.done $0x0  }
0xb3: {  	[sflag:s3] =	ssyncadd.s32 $0xFFFFE0C0  }
0xb4: {  	[spmem:s2] =	stream.indirect.scatter.add.f32 [tilespmem:s18], [sflag:$0x8], $0x40, s7, s22, $0xb8;
	[tilespmem:$0x1F7C0] =	vst v63  }
.Ltmp4:
0xb5: {  	_ = 	snop;
	(pc) =	sbr.rel .LBB2_4-.Ltmp4, $4  }
0xb6: {  	_ =	swait.ge [sflag:s20], $0x1F40  }
0xb7: {  	[sflag:s20] =	ssyncset.done $0x0  }
0xb8: {  	s5 =	sadd.s32 $0xC00, s5;
	s8 =	sadd.s32 $0x580, s1;
	[sflag:s20] =	ssyncadd.s32 $0xFFFFE0C0  }
0xb9: {  	[tilespmem:s18], [sflag:$0x6] =	stream.indirect.gather [hbm4b:s17+s22], $0x40, s8, s22, $0xb8;
	[tilespmem:$0x1F7C0] =	vst v63  }
.LBB2_7:
0xba: {  	_ =	sfence.sel $0x180000  }
0xbb: {  	[bflag:$0x0] =	sbarrier.arrive $0xFFFF  }
0xbc: {  	_ =	strace $0x9000004A  }
0xbd: {  	[bflag:$0x2] =	sbarrier.arrive $0xFFFF  }
0xbe: {  	p0 =	sne.s32 s7, $0x0;
	s0 =	rddreg [dreg:$0x2]  }
0xbf: {  	s0 =	sadd.s32 @!p0 $0x100000, s0  }
0xc0: {  	[sflag:s0] =	ssyncadd.tile.s32 @!p0 $0x1;
	_ =	shalt  }
.Lfunc_end2:
_tile_overlayer_lowered:
.L_overlay_start_2:
0xc1: {  	(tag) =	ssettag $0x2  }
0xc2: {  	s0 =	rddreg [dreg:$0x0];
	s2 =	stileid.u32  }
0xc3: {  	s1 =	rddreg [dreg:$0x1];
	p0 =	sne.s32 s2, $0x0  }
0xc4: {  	s3 =	rddreg [dreg:$0x2];
	[bflag:$0x3] =	sbarrier.arrive $0xFFFF;
	s2 =	simm.s32 @!p0 $0x1C08  }
0xc5: {  	[timem:s3], [sflag:s2] =	dma.local @!p0 [hbm:s0], s1  }
0xc6: {  	s0 =	simm.s32 @!p0 $0x8  }
0xc7: {  	_ =	swait.ge @!p0 [sflag:s0], s1  }
0xc8: {  	s1 =	ssub.s32 @!p0 $0x0, s1;
	[sflag:s0] =	ssyncset.done @!p0 $0x0  }
0xc9: {  	[sflag:s0] =	ssyncadd.s32 @!p0 s1  }
0xca: {  	[bflag:$0x3] =	sbarrier.arrive $0xFFFF  }
0xcb: {  	_ =	shalt  }

// kernel: kernel.14.cloned.1.call-start
scs
__scs_entry_jumppad:
0x0: {  	(pc) =	sbr.rel $0x88, $3  }
0x1: {  	(tag) =	ssettag $0x0;
	lr =	simm.s32 $0x1  }
0x2: {  	[smem:$0x3F9A] =	sst lr;
	_ =	strace $0xD0000000  }
0x3: {  	_ = 	snop  }
0x4: {  	_ = 	snop  }
0x5: {  	_ = 	snop  }
0x6: {  	_ = 	snop  }
0x7: {  	_ = 	snop  }
__scs_overlays_trampoline_lowered:
0x8: {  	[smem:$0x3FA9] =	sst s0  }
0x9: {  	[smem:$0x3FAA] =	sst s1  }
0xa: {  	[smem:$0x3FAB] =	sst s2  }
0xb: {  	[smem:$0x3FAC] =	sst s3  }
0xc: {  	[smem:$0x3FAD] =	sst s4  }
0xd: {  	[smem:$0x3FAE] =	sst s5  }
0xe: {  	[smem:$0x3FAF] =	sst s6  }
0xf: {  	[smem:$0x3FB0] =	sst s7  }
0x10: {  	[smem:$0x3FB1] =	sst s8  }
0x11: {  	[smem:$0x3FB2] =	sst s9;
	s0 =	simm.s32 @!p0 $0x0  }
0x12: {  	s1 =	sld [smem:$0x3F98];
	s0 =	simm.s32 @p0 $0x1  }
0x13: {  	[smem:$0x3FB3] =	sst s0;
	s0 =	simm.s32 @!p1 $0x0  }
0x14: {  	s2 =	sld [smem:$0x3F97];
	s0 =	simm.s32 @p1 $0x1  }
0x15: {  	[smem:$0x3FB4] =	sst s0;
	s0 =	simm.s32 @!p2 $0x0  }
0x16: {  	s3 =	sld [smem:$0x3FDB];
	s0 =	simm.s32 @p2 $0x1  }
0x17: {  	s4 =	simm.s32 $0x1BF5;
	[smem:$0x3FB6] =	sst s0  }
0x18: {  	s0 =	sld [smem:$0x3F99];
	_ =	swait.ge [sflag:s4], $0x0  }
0x19: {  	s7 =	sld [smem:$0x3F9A]  }
0x1a: {  	s8 =	sadd.s32 $0xFFFFE003, lr  }
0x1b: {  	s9 =	sadd.s32 $0xFFFFFEF7, lr;
	s5 =	simm.s32 $0xFFFFFFFF;
	p2 =	slt.u32 s8, $0xFFFFF086  }
0x1c: {  	p1 =	slt.u32 s9, $0xF7A;
	s5 =	simm.s32 @!p2 $0x0  }
0x1d: {  	s5 =	simm.s32 @p1 $0x1;
	p0 =	seq.s32 s7, s2  }
0x1e: {  	s7 =	smul.u32 @!p0 $0xF7A, s2;
	p2 =	seq.s32 @!p0 s5, $0x0  }
0x1f: {  	s9 =	smul.u32 $0xF7A, s1;
	s8 =	simm.s32 @!p0 $0x1BF5;
	p2 =	por !p2, p0  }
0x20: {  	[sflag:s8] =	ssyncset.s32 @!p0 $0xFFFFF086;
	s6 =	sadd.s32 @!p0 s3, s7;
	s7 =	simm.s32 @!p0 $0x108  }
0x21: {  	s3 =	sadd.s32 s3, s9;
	s6 =	sadd.s32 @!p0 $0x88, s6;
	s7 =	simm.s32 @p2 $0x1082  }
0x22: {  	[simem:s7], [sflag:s8] =	dma.local @!p0 [hbm:s6], $0xF7A  }
0x23: {  	s9 =	sor.u32 $0xD0000000, s2;
	s6 =	simm.s32 $0x108;
	_ =	swait.ge @!p0 [sflag:s8], $0x0  }
0x24: {  	s3 =	sadd.s32 $0x88, s3;
	s6 =	simm.s32 @!p1 $0x1082;
	[sflag:s4] =	ssyncset.s32 $0xFFFFF086  }
0x25: {  	[simem:s6], [sflag:s4] =	dma.local [hbm:s3], $0xF7A  }
0x26: {  	[smem:$0x3F9A] =	sst s1;
	(tag) =	ssettag s2;
	_ =	strace s9  }
0x27: {  	s1 =	sld [smem:$0x3FAA]  }
0x28: {  	s2 =	sld [smem:$0x3FAB]  }
0x29: {  	s4 =	sld [smem:$0x3FAD]  }
0x2a: {  	p0 =	seq.s32 s5, $0x0;
	s5 =	sld [smem:$0x3FAE]  }
0x2b: {  	s6 =	sld [smem:$0x3FAF]  }
0x2c: {  	s7 =	sld [smem:$0x3FB0]  }
0x2d: {  	s3 =	simm.s32 $0x108;
	s8 =	sld [smem:$0x3FB1]  }
0x2e: {  	s3 =	simm.s32 @!p0 $0x1082;
	s9 =	sld [smem:$0x3FB2]  }
0x2f: {  	lr =	sadd.s32 s0, s3;
	s0 =	sld [smem:$0x3FA9]  }
0x30: {  	s3 =	sld [smem:$0x3FAC]  }
0x31: {  	[smem:$0x3FB5] =	sst s10  }
0x32: {  	s10 =	sld [smem:$0x3FB3];
	_ =	sdelay $0x3  }
0x33: {  	p0 =	seq.s32 s10, $0x1;
	s10 =	sld [smem:$0x3FB5];
	_ =	sdelay $0x3  }
0x34: {  	[smem:$0x3FB5] =	sst s10  }
0x35: {  	s10 =	sld [smem:$0x3FB4];
	_ =	sdelay $0x3  }
0x36: {  	p1 =	seq.s32 s10, $0x1;
	s10 =	sld [smem:$0x3FB5];
	_ =	sdelay $0x3  }
0x37: {  	[smem:$0x3FB5] =	sst s10  }
0x38: {  	s10 =	sld [smem:$0x3FB6]  }
0x39: {  	_ = 	snop;
	(pc) =	sbr.ind lr, $3  }
0x3a: {  	_ = 	snop  }
0x3b: {  	_ = 	snop  }
0x3c: {  	p2 =	seq.s32 s10, $0x1;
	s10 =	sld [smem:$0x3FB5]  }
0x3d: {  	_ =	shalt  }
0x3e: {  	_ =	shalt  }
0x3f: {  	_ =	shalt  }
0x40: {  	_ =	shalt  }
0x41: {  	_ =	shalt  }
0x42: {  	_ =	shalt  }
0x43: {  	_ =	shalt  }
0x44: {  	_ =	shalt  }
0x45: {  	_ =	shalt  }
0x46: {  	_ =	shalt  }
0x47: {  	_ =	shalt  }
0x48: {  	_ =	shalt  }
0x49: {  	_ =	shalt  }
0x4a: {  	_ =	shalt  }
0x4b: {  	_ =	shalt  }
0x4c: {  	_ =	shalt  }
0x4d: {  	_ =	shalt  }
0x4e: {  	_ =	shalt  }
0x4f: {  	_ =	shalt  }
0x50: {  	_ =	shalt  }
0x51: {  	_ =	shalt  }
0x52: {  	_ =	shalt  }
0x53: {  	_ =	shalt  }
0x54: {  	_ =	shalt  }
0x55: {  	_ =	shalt  }
0x56: {  	_ =	shalt  }
0x57: {  	_ =	shalt  }
0x58: {  	_ =	shalt  }
0x59: {  	_ =	shalt  }
0x5a: {  	_ =	shalt  }
0x5b: {  	_ =	shalt  }
0x5c: {  	_ =	shalt  }
0x5d: {  	_ =	shalt  }
0x5e: {  	_ =	shalt  }
0x5f: {  	_ =	shalt  }
0x60: {  	_ =	shalt  }
0x61: {  	_ =	shalt  }
0x62: {  	_ =	shalt  }
0x63: {  	_ =	shalt  }
0x64: {  	_ =	shalt  }
0x65: {  	_ =	shalt  }
0x66: {  	_ =	shalt  }
0x67: {  	_ =	shalt  }
0x68: {  	_ =	shalt  }
0x69: {  	_ =	shalt  }
0x6a: {  	_ =	shalt  }
0x6b: {  	_ =	shalt  }
0x6c: {  	_ =	shalt  }
0x6d: {  	_ =	shalt  }
0x6e: {  	_ =	shalt  }
0x6f: {  	_ =	shalt  }
0x70: {  	_ =	shalt  }
0x71: {  	_ =	shalt  }
0x72: {  	_ =	shalt  }
0x73: {  	_ =	shalt  }
0x74: {  	_ =	shalt  }
0x75: {  	_ =	shalt  }
0x76: {  	_ =	shalt  }
0x77: {  	_ =	shalt  }
0x78: {  	_ =	shalt  }
0x79: {  	_ =	shalt  }
0x7a: {  	_ =	shalt  }
0x7b: {  	_ =	shalt  }
0x7c: {  	_ =	shalt  }
0x7d: {  	_ =	shalt  }
0x7e: {  	_ =	shalt  }
0x7f: {  	_ =	shalt  }
0x80: {  	_ =	shalt  }
0x81: {  	_ =	shalt  }
0x82: {  	_ =	shalt  }
0x83: {  	_ =	shalt  }
0x84: {  	_ =	shalt  }
0x85: {  	_ =	shalt  }
0x86: {  	_ =	shalt  }
0x87: {  	_ =	shalt  }
.Lfunc_end0:
.L_simem_size_0:
called_computation.2_lowered:
.L_overlay_start_0:
0x88: {  	s2 =	sld [smem:$0x3FD9]  }
0x89: {  	s3 =	sld [smem:$0x3FFE];
	_ =	sdelay $0x1  }
0x8a: {  	s1 =	srdreg.scid  }
0x8b: {  	s0 =	sand.u32 $0x1, s1  }
0x8c: {  	s17 =	sshll.u32 s0, $0xA;
	s2 =	sadd.s32 s3, s2  }
0x8d: {  	s2 =	sadd.s32 s2, s17  }
0x8e: {  	[smem:$0x3FC1] =	sst s2  }
0x8f: {  	_ = 	snop  }
0x90: {  	s2 =	sld [smem:$0x3FD0];
	(tm) =	ssettm $0x1  }
0x91: {  	s18 =	sld [smem:$0x3FFB];
	_ =	sdelay $0x3  }
0x92: {  	_ =	strace s18  }
0x93: {  	s3 =	sld [smem:$0x3FFC];
	_ =	sdelay $0x3  }
0x94: {  	_ =	strace s3  }
0x95: {  	s3 =	sld [smem:$0x3FFD];
	_ =	sdelay $0x3  }
0x96: {  	_ =	strace s3  }
0x97: {  	_ =	strace $0x8FFFFFFF  }
0x98: {  	s19 =	sld [smem:$0x3FDB];
	_ =	sdelay $0x1  }
0x99: {  	s4 =	simm.s32 $_scs_section_size  }
0x9a: {  	s5 =	simm.s32 $_size__tile_overlayer_lowered;
	s6 =	simm.s32 $_tile_overlayer_lowered  }
0x9b: {  	s22 =	simm.s32 $0x1BFF;
	s21 =	sshll.u32 s6, $0x1;
	s3 =	sadd.s32 s4, s19  }
0x9c: {  	s7 =	simm.s32 $0x0;
	s20 =	sshll.u32 s5, $0x1;
	s5 =	sadd.s32 s21, s3  }
0x9d: {  	[timem:s7], [sflag:s22] =	dma.local [hbm:s5], s20  }
0x9e: {  	_ =	swait.ge [sflag:s22], s20  }
0x9f: {  	s4 =	ssub.s32 $0x0, s20;
	[sflag:s22] =	ssyncset.done $0x0  }
0xa0: {  	[sflag:s22] =	ssyncadd.s32 s4;
	_ =	sdelay $0x1  }
0xa1: {  	s23 =	simm.s32 $0x1B8B  }
0xa2: {  	_ =	swait.ge [sflag:s23], $0x1  }
0xa3: {  	[sflag:s23] =	ssyncset.done $0x0  }
0xa4: {  	s25 =	simm.s32 $0x1B8E;
	s24 =	sld [smem:$0x3FFE];
	[sflag:s23] =	ssyncadd.s32 $0xFFFFFFFF  }
0xa5: {  	s26 =	simm.s32 $execute0_lowered;
	[smem:$0x3FD2] =	sst s25  }
0xa6: {  	s5 =	sshll.u32 s26, $0x1;
	_ =	strace $0x8000004C;
	[dreg:$0x1] =	wrdreg $0xFFFFFFFF  }
0xa7: {  	s28 =	simm.s32 $_size_execute0_lowered;
	s3 =	sadd.s32 s3, s5;
	[dreg:$0x0] =	wrdreg $0x0  }
0xa8: {  	s5 =	sshll.u32 s28, $0x1;
	[dreg:$0x2] =	wrdreg s3  }
0xa9: {  	[dreg:$0x3] =	wrdreg s5  }
0xaa: {  	[dreg:$0x4] =	wrdreg $0xC0  }
0xab: {  	_ =	task [dreg:s7], $0x5FFFF  }
0xac: {  	[dreg:$0x1] =	wrdreg $0xFFFFFFFF  }
0xad: {  	[dreg:$0x0] =	wrdreg $0x60  }
0xae: {  	[dreg:$0x2] =	wrdreg s2  }
0xaf: {  	[dreg:$0x3] =	wrdreg s24  }
0xb0: {  	[dreg:$0x4] =	wrdreg $0x15B800  }
0xb1: {  	[dreg:$0x5] =	wrdreg $0x9  }
0xb2: {  	_ =	task.clear_ibuf [dreg:s7], $0x6FFFF;
	_ =	strace $0x9000004C  }
0xb3: {  	s29 =	simm.s32 $0x9;
	_ =	strace $0x8000004E  }
0xb4: {  	_ =	swait.ge [sflag:s29], $0x1  }
0xb5: {  	[sflag:s29] =	ssyncadd.s32 $0xFFFFFFFF  }
0xb6: {  	_ =	strace $0x9000004E  }
0xb7: {  	_ =	sfence  }
0xb8: {  	s30 =	sld [smem:$0x0];
	_ =	sdelay $0x2  }
0xb9: {  	s31 =	sshll.u32 s1, $0xD;
	s1 =	sshrl.u32 s1, $0x2  }
0xba: {  	s3 =	sand.u32 $0x4000, s31;
	s1 =	sadd.s32 s1, s30  }
0xbb: {  	s0 =	sor.u32 s3, s0;
	s1 =	sshll.u32 s1, $0x11  }
0xbc: {  	s0 =	sor.u32 s1, s0  }
0xbd: {  	s0 =	sadd.s32 $0x8F2B, s0  }
0xbe: {  	[sflag:s0] =	ssyncadd.remote.s32 $0x1  }
0xbf: {  	_ =	sfence.sel $0xFFFF  }
0xc0: {  	[dreg:$0x0] =	wrdreg $0xFFFFFFFF;
	(pc) =	sbr.abs _section_cstart, $3  }
0xc1: {  	[dreg:$0x1] =	wrdreg $0xFFFFFFFF  }
0xc2: {  	_ =	task.clear_ibuf [dreg:s7], $0x2FFFF;
	_ =	strace $0x9FFFFFFF  }
0xc3: {  	(tm) =	ssettm $0x7FFFFFFF  }
tec
execute0_lowered:
.L_overlay_start_1:
0x0: {  	(tag) =	ssettag $0x1  }
0x1: {  	s0 =	rddreg [dreg:$0x0]  }
0x2: {  	s1 =	rddreg [dreg:$0x1]  }
0x3: {  	s2 =	rddreg [dreg:$0x2];
	s3 =	simm.s32 $0x0  }
0x4: {  	s18 =	stileid.u32;
	s5 =	srdreg.scid;
	s19 =	simm.s32 $0xA000  }
0x5: {  	s20 =	simm.s32 $0x8;
	s29 =	simm.s32 $0xFDC0;
	s31 =	simm.s32 $0x11D00  }
0x6: {  	s28 =	simm.s32 $0x3;
	s30 =	simm.s32 $0x4;
	s21 =	smul.u32 $0x9C00, s18  }
0x7: {  	[smem:$0x7FF] =	sst s3;
	s4 =	sadd.s32 $0x3FA00, s1;
	s6 =	smul.u32 $0xA00, s18  }
0x8: {  	s5 =	sand.u32 $0x1, s5;
	s9 =	smul.u32 $0x27000, s18;
	s14 =	sadd.s32 $0x65880, s1  }
0x9: {  	s16 =	sadd.s32 $0x79280, s1;
	s3 =	simm.s32 $0x6;
	_ =	strace $0x8000004D  }
0xa: {  	s8 =	ssub.s32 $0x2, s5;
	p0 =	seq.s32 s5, $0x0;
	p3 =	sne.s32 s5, $0x0  }
0xb: {  	s5 =	simm.s32 $0x0;
	s7 =	sshrl.u32 s21, $0x3;
	s6 =	sadd.s32 s6, s1  }
0xc: {  	s22 =	sshrl.u32 s8, $0x1;
	s9 =	sshrl.u32 s9, $0x2;
	s4 =	smov.u32 @p0 s0  }
0xd: {  	p1 =	seq.s32 @p3 s18, $0xF;
	p4 =	seq.s32 @!p3 s18, $0xF;
	s18 =	simm.s32 $0x13C40  }
0xe: {  	s0 =	simm.s32 $0x5;
	s15 =	sadd.s32 s7, s1;
	s8 =	ssub.s32 s8, s22  }
0xf: {  	s23 =	sadd.s32 $0x4800, s6;
	s6 =	sadd.s32 $0xE800, s6;
	s7 =	sadd.s32 s21, s2  }
0x10: {  	s24 =	sadd.s32 s9, s2;
	s21 =	simm.s32 $0x7;
	s22 =	simm.s32 $0x7D  }
0x11: {  	p0 =	por !p1, !p3;
	p1 =	por p1, !p3;
	[dreg:$0x4] =	wrdreg s23  }
0x12: {  	p2 =	por !p4, p3;
	p3 =	por p4, p3;
	[dreg:$0x5] =	wrdreg s6  }
.Ltmp0:
0x13: {  	s25 =	sadd.s32 $0x1E00, s24;
	s26 =	sadd.s32 $0x3C00, s24;
	(pc) =	sbr.rel .LBB2_1-.Ltmp0, $4  }
0x14: {  	s10 =	sadd.s32 $0x5A00, s24;
	s11 =	sadd.s32 $0x7800, s24;
	s12 =	sadd.s32 $0x9600, s24  }
0x15: {  	s13 =	sadd.s32 $0x53400, s15;
	s15 =	sadd.s32 $0x66E00, s15;
	s17 =	smax.u32 s8, $0x1  }
0x16: {  	s24 =	simm.s32 $0xBF40;
	s23 =	simm.s32 $0x1;
	[dreg:$0x6] =	wrdreg s25  }
0x17: {  	v0 =	vimm.f32 $0.0e+00;
	[dreg:$0x7] =	wrdreg s26;
	s26 =	simm.s32 $0xDE80;
	s25 =	simm.s32 $0x2  }
.LBB2_6:
0x18: {  	_ =	swait.ge [sflag:s3], $0x1F40  }
0x19: {  	[sflag:s3] =	ssyncset.done $0x0  }
0x1a: {  	[sflag:s3] =	ssyncadd.s32 $0xFFFFE0C0  }
0x1b: {  	[spmem:s2] =	stream.indirect.scatter.add.f32 [tilespmem:s18], [sflag:$0x8], $0x40, s8, s22, $0xb8;
	[tilespmem:$0x1F7C0] =	vst v63  }
0x1c: {  	_ =	swait.ge [sflag:s20], $0x1F40  }
0x1d: {  	[sflag:s20] =	ssyncset.done $0x0  }
0x1e: {  	[sflag:s20] =	ssyncadd.s32 $0xFFFFE0C0  }
0x1f: {  	_ =	swait.ge [sflag:s23], $0x1F40  }
0x20: {  	[sflag:s23] =	ssyncset.done $0x0  }
0x21: {  	s1 =	simm.s32 $0x9E00;
	[sflag:s23] =	ssyncadd.s32 $0xFFFFE0C0  }
0x22: {  	[spmem:s2] =	stream.indirect.scatter.add.f32 [tilespmem:s19], [sflag:$0x8], $0x40, s1, s22, $0xb8;
	[tilespmem:$0x1F7C0] =	vst v63  }
0x23: {  	_ =	swait.ge [sflag:s20], $0x1F40  }
0x24: {  	[sflag:s20] =	ssyncset.done $0x0  }
0x25: {  	[sflag:s20] =	ssyncadd.s32 $0xFFFFE0C0  }
0x26: {  	_ =	swait.ge [sflag:s25], $0x1F40  }
0x27: {  	[sflag:s25] =	ssyncset.done $0x0  }
0x28: {  	s6 =	simm.s32 $0x9E80;
	[sflag:s25] =	ssyncadd.s32 $0xFFFFE0C0  }
0x29: {  	[spmem:s2] =	stream.indirect.scatter.add.f32 [tilespmem:s24], [sflag:$0x8], $0x40, s6, s22, $0xb8;
	[tilespmem:$0x1F7C0] =	vst v63  }
0x2a: {  	_ =	swait.ge [sflag:s20], $0x1F40  }
0x2b: {  	[sflag:s20] =	ssyncset.done $0x0  }
0x2c: {  	[sflag:s20] =	ssyncadd.s32 $0xFFFFE0C0  }
0x2d: {  	_ =	swait.ge [sflag:s28], $0x1F40  }
0x2e: {  	[sflag:s28] =	ssyncset.done $0x0  }
0x2f: {  	s8 =	simm.s32 $0x9F00;
	[sflag:s28] =	ssyncadd.s32 $0xFFFFE0C0  }
0x30: {  	[spmem:s2] =	stream.indirect.scatter.add.f32 [tilespmem:s26], [sflag:$0x8], $0x40, s8, s22, $0xb8;
	[tilespmem:$0x1F7C0] =	vst v63  }
0x31: {  	_ =	swait.ge [sflag:s20], $0x1F40  }
0x32: {  	[sflag:s20] =	ssyncset.done $0x0  }
0x33: {  	[sflag:s20] =	ssyncadd.s32 $0xFFFFE0C0  }
0x34: {  	_ =	swait.ge [sflag:s30], $0x1F40  }
0x35: {  	[sflag:s30] =	ssyncset.done $0x0  }
0x36: {  	s9 =	simm.s32 $0x9F80;
	[sflag:s30] =	ssyncadd.s32 $0xFFFFE0C0  }
0x37: {  	[spmem:s2] =	stream.indirect.scatter.add.f32 [tilespmem:s29], [sflag:$0x8], $0x40, s9, s22, $0xb8;
	[tilespmem:$0x1F7C0] =	vst v63  }
0x38: {  	_ =	swait.ge [sflag:s20], $0x1F40  }
0x39: {  	[sflag:s20] =	ssyncset.done $0x0  }
0x3a: {  	[sflag:s20] =	ssyncadd.s32 $0xFFFFE0C0  }
0x3b: {  	s1 =	sshrl.u32 @!p0 s7, $0x3;
	s6 =	simm.s32 @!p0 $0x1FC8;
	[bflag:$0x0] =	sbarrier.arrive $0xFFFF  }
0x3c: {  	[hbm:s14], [sflag:s6] =	dma.local @!p0 [spmem:s1], $0x1400  }
0x3d: {  	s1 =	simm.s32 @!p0 $0x8  }
0x3e: {  	s9 =	stileid.u32;
	_ =	swait.ge @!p0 [sflag:s1], $0x1400  }
0x3f: {  	s6 =	sshll.u32 @!p1 s9, $0x6;
	[sflag:s1] =	ssyncset.done @!p0 $0x0  }
0x40: {  	[sflag:s1] =	ssyncadd.s32 @!p0 $0xFFFFEC00;
	s1 =	sor.u32 @!p1 $0x1C08, s6;
	s6 =	sshrl.u32 @!p1 s7, $0x3  }
0x41: {  	[hbm:s13], [sflag:s1] =	dma.local @!p1 [spmem:s6], $0x1380  }
0x42: {  	s1 =	simm.s32 @!p1 $0x8  }
0x43: {  	_ =	swait.ge @!p1 [sflag:s1], $0x1380  }
0x44: {  	[sflag:s1] =	ssyncset.done @!p1 $0x0  }
0x45: {  	s6 =	simm.s32 @!p2 $0x1FC8;
	[sflag:s1] =	ssyncadd.s32 @!p1 $0xFFFFEC80;
	s1 =	sshrl.u32 @!p2 s7, $0x3  }
0x46: {  	[hbm:s16], [sflag:s6] =	dma.local @!p2 [spmem:s1], $0x1400  }
0x47: {  	s1 =	simm.s32 @!p2 $0x8  }
0x48: {  	s5 =	sadd.s32 $0x1, s5;
	_ =	swait.ge @!p2 [sflag:s1], $0x1400  }
0x49: {  	p4 =	sne.s32 s5, s17;
	s6 =	sshll.u32 @!p3 s9, $0x6;
	[sflag:s1] =	ssyncset.done @!p2 $0x0  }
0x4a: {  	[sflag:s1] =	ssyncadd.s32 @!p2 $0xFFFFEC00;
	s1 =	sor.u32 @!p3 $0x1C08, s6;
	s6 =	sshrl.u32 @!p3 s7, $0x3  }
0x4b: {  	[hbm:s15], [sflag:s1] =	dma.local @!p3 [spmem:s6], $0x1380  }
.Ltmp1:
0x4c: {  	_ = 	snop;
	(pc) =	sbr.rel @!p4 .LBB2_7-.Ltmp1, $4  }
0x4d: {  	s1 =	simm.s32 @!p3 $0x8  }
0x4e: {  	_ =	swait.ge @!p3 [sflag:s1], $0x1380  }
0x4f: {  	[sflag:s1] =	ssyncset.done @!p3 $0x0  }
0x50: {  	s8 =	stileid.u32;
	[sflag:s1] =	ssyncadd.s32 @!p3 $0xFFFFEC80  }
.LBB2_1:
0x51: {  	s1 =	simm.s32 $0x0;
	s6 =	rddreg [dreg:$0x4]  }
0x52: {  	[tilespmem:s1], [sflag:$0x7] =	stream.linear.gather [hbm4b:s6+s1], $0x5000, $0x38;
	[tilespmem:$0x1F7C0] =	vst v63  }
0x53: {  	s9 =	rddreg [dreg:$0x5];
	s8 =	simm.s32 $0x5000  }
0x54: {  	[tilespmem:s8], [sflag:$0x7] =	stream.linear.gather [hbm4b:s9+s1], $0x5000, $0x38;
	[tilespmem:$0x1F7C0] =	vst v63  }
0x55: {  	s6 =	simm.s32 $0x100;
	s1 =	simm.s32 $0x0  }
.LBB2_2:
0x56: {  	p4 =	sne.s32 s6, $0x7C00;
	[tilespmem:s1+$0xA030] =	vst v0;
	s8 =	smov.u32 s6;
	s6 =	sadd.s32 $0x100, s6  }
.Ltmp2:
0x57: {  	[tilespmem:s1+$0xA020] =	vst v0;
	(pc) =	sbr.rel @p4 .LBB2_2-.Ltmp2, $3  }
0x58: {  	[tilespmem:s1+$0xA000] =	vst v0  }
0x59: {  	[tilespmem:s1+$0xA010] =	vst v0;
	_ =	sdelay $0x1  }
0x5a: {  	s1 =	sshra.s32 s8, $0x2  }
0x5b: {  	[tilespmem:s1+$0xA030] =	vst v0  }
0x5c: {  	[tilespmem:s1+$0xA020] =	vst v0  }
0x5d: {  	[tilespmem:s1+$0xA000] =	vst v0  }
0x5e: {  	[tilespmem:s1+$0xA010] =	vst v0  }
0x5f: {  	[spmem:s7] =	stream.linear.scatter [tilespmem:s19], [sflag:$0x8], $0x1E00, $0x38;
	[tilespmem:$0x1F7C0] =	vst v63  }
0x60: {  	_ =	swait.ge [sflag:s20], $0x1E00  }
0x61: {  	[sflag:s20] =	ssyncset.done $0x0  }
0x62: {  	s6 =	rddreg [dreg:$0x6];
	[sflag:s20] =	ssyncadd.s32 $0xFFFFE200  }
0x63: {  	[spmem:s6] =	stream.linear.scatter [tilespmem:s19], [sflag:$0x8], $0x1E00, $0x38;
	[tilespmem:$0x1F7C0] =	vst v63  }
0x64: {  	_ =	swait.ge [sflag:s20], $0x1E00  }
0x65: {  	[sflag:s20] =	ssyncset.done $0x0  }
0x66: {  	s8 =	rddreg [dreg:$0x7];
	[sflag:s20] =	ssyncadd.s32 $0xFFFFE200  }
0x67: {  	[spmem:s8] =	stream.linear.scatter [tilespmem:s19], [sflag:$0x8], $0x1E00, $0x38;
	[tilespmem:$0x1F7C0] =	vst v63  }
0x68: {  	_ =	swait.ge [sflag:s20], $0x1E00  }
0x69: {  	[sflag:s20] =	ssyncset.done $0x0  }
0x6a: {  	[sflag:s20] =	ssyncadd.s32 $0xFFFFE200  }
0x6b: {  	[spmem:s10] =	stream.linear.scatter [tilespmem:s19], [sflag:$0x8], $0x1E00, $0x38;
	[tilespmem:$0x1F7C0] =	vst v63  }
0x6c: {  	_ =	swait.ge [sflag:s20], $0x1E00  }
0x6d: {  	[sflag:s20] =	ssyncset.done $0x0  }
0x6e: {  	[sflag:s20] =	ssyncadd.s32 $0xFFFFE200  }
0x6f: {  	[spmem:s11] =	stream.linear.scatter [tilespmem:s19], [sflag:$0x8], $0x1E00, $0x38;
	[tilespmem:$0x1F7C0] =	vst v63  }
0x70: {  	_ =	swait.ge [sflag:s20], $0x1E00  }
0x71: {  	[sflag:s20] =	ssyncset.done $0x0  }
0x72: {  	[sflag:s20] =	ssyncadd.s32 $0xFFFFE200  }
0x73: {  	[spmem:s12] =	stream.linear.scatter [tilespmem:s19], [sflag:$0x8], $0xA00, $0x38;
	[tilespmem:$0x1F7C0] =	vst v63  }
0x74: {  	_ =	swait.ge [sflag:s20], $0xA00  }
0x75: {  	[sflag:s20] =	ssyncset.done $0x0  }
0x76: {  	[sflag:s20] =	ssyncadd.s32 $0xFFFFF600  }
0x77: {  	_ =	swait.ge [sflag:s21], $0x5000  }
0x78: {  	[sflag:s21] =	ssyncset.done $0x0  }
0x79: {  	[sflag:s21] =	ssyncadd.s32 $0xFFFFB000  }
0x7a: {  	_ =	swait.ge [sflag:s21], $0x5000  }
0x7b: {  	[sflag:s21] =	ssyncset.done $0x0  }
0x7c: {  	[sflag:s21] =	ssyncadd.s32 $0xFFFFB000  }
0x7d: {  	s6 =	simm.s32 $0x0;
	[bflag:$0x0] =	sbarrier.arrive $0xFFFF  }
0x7e: {  	[tilespmem:s19], [sflag:$0x1] =	stream.indirect.gather [hbm4b:s4+s22], $0x40, s6, s22, $0xb8;
	[tilespmem:$0x1F7C0] =	vst v63  }
0x7f: {  	s9 =	simm.s32 $0x80  }
0x80: {  	[tilespmem:s24], [sflag:$0x2] =	stream.indirect.gather [hbm4b:s4+s22], $0x40, s9, s22, $0xb8;
	[tilespmem:$0x1F7C0] =	vst v63  }
0x81: {  	s8 =	simm.s32 $0x100  }
0x82: {  	[tilespmem:s26], [sflag:$0x3] =	stream.indirect.gather [hbm4b:s4+s22], $0x40, s8, s22, $0xb8;
	[tilespmem:$0x1F7C0] =	vst v63  }
0x83: {  	s9 =	simm.s32 $0x180  }
0x84: {  	[tilespmem:s29], [sflag:$0x4] =	stream.indirect.gather [hbm4b:s4+s22], $0x40, s9, s22, $0xb8;
	[tilespmem:$0x1F7C0] =	vst v63  }
0x85: {  	s8 =	simm.s32 $0x200  }
0x86: {  	[tilespmem:s31], [sflag:$0x5] =	stream.indirect.gather [hbm4b:s4+s22], $0x40, s8, s22, $0xb8;
	[tilespmem:$0x1F7C0] =	vst v63  }
0x87: {  	s9 =	simm.s32 $0x280  }
0x88: {  	[tilespmem:s18], [sflag:$0x6] =	stream.indirect.gather [hbm4b:s4+s22], $0x40, s9, s22, $0xb8;
	[tilespmem:$0x1F7C0] =	vst v63  }
.LBB2_4:
0x89: {  	_ =	swait.ge [sflag:s23], $0x1F40  }
0x8a: {  	s1 =	sshra.s32 s6, $0x2;
	[sflag:s23] =	ssyncset.done $0x0  }
0x8b: {  	s8 =	sadd.s32 $0x5000, s1;
	[sflag:s23] =	ssyncadd.s32 $0xFFFFE0C0  }
0x8c: {  	[spmem:s2] =	stream.indirect.scatter.add.f32 [tilespmem:s19], [sflag:$0x8], $0x40, s8, s22, $0xb8;
	[tilespmem:$0x1F7C0] =	vst v63  }
0x8d: {  	_ =	swait.ge [sflag:s20], $0x1F40  }
0x8e: {  	[sflag:s20] =	ssyncset.done $0x0  }
0x8f: {  	s9 =	sadd.s32 $0x300, s1;
	[sflag:s20] =	ssyncadd.s32 $0xFFFFE0C0  }
0x90: {  	[tilespmem:s19], [sflag:$0x1] =	stream.indirect.gather [hbm4b:s4+s22], $0x40, s9, s22, $0xb8;
	[tilespmem:$0x1F7C0] =	vst v63  }
0x91: {  	_ =	swait.ge [sflag:s25], $0x1F40  }
0x92: {  	[sflag:s25] =	ssyncset.done $0x0  }
0x93: {  	s9 =	sadd.s32 $0x5080, s1;
	[sflag:s25] =	ssyncadd.s32 $0xFFFFE0C0  }
0x94: {  	[spmem:s2] =	stream.indirect.scatter.add.f32 [tilespmem:s24], [sflag:$0x8], $0x40, s9, s22, $0xb8;
	[tilespmem:$0x1F7C0] =	vst v63  }
0x95: {  	_ =	swait.ge [sflag:s20], $0x1F40  }
0x96: {  	[sflag:s20] =	ssyncset.done $0x0  }
0x97: {  	s9 =	sadd.s32 $0x380, s1;
	[sflag:s20] =	ssyncadd.s32 $0xFFFFE0C0  }
0x98: {  	[tilespmem:s24], [sflag:$0x2] =	stream.indirect.gather [hbm4b:s4+s22], $0x40, s9, s22, $0xb8;
	[tilespmem:$0x1F7C0] =	vst v63  }
0x99: {  	_ =	swait.ge [sflag:s28], $0x1F40  }
0x9a: {  	[sflag:s28] =	ssyncset.done $0x0  }
0x9b: {  	s9 =	sadd.s32 $0x5100, s1;
	[sflag:s28] =	ssyncadd.s32 $0xFFFFE0C0  }
0x9c: {  	[spmem:s2] =	stream.indirect.scatter.add.f32 [tilespmem:s26], [sflag:$0x8], $0x40, s9, s22, $0xb8;
	[tilespmem:$0x1F7C0] =	vst v63  }
0x9d: {  	_ =	swait.ge [sflag:s20], $0x1F40  }
0x9e: {  	[sflag:s20] =	ssyncset.done $0x0  }
0x9f: {  	s9 =	sadd.s32 $0x400, s1;
	[sflag:s20] =	ssyncadd.s32 $0xFFFFE0C0  }
0xa0: {  	[tilespmem:s26], [sflag:$0x3] =	stream.indirect.gather [hbm4b:s4+s22], $0x40, s9, s22, $0xb8;
	[tilespmem:$0x1F7C0] =	vst v63  }
0xa1: {  	_ =	swait.ge [sflag:s30], $0x1F40  }
0xa2: {  	[sflag:s30] =	ssyncset.done $0x0  }
0xa3: {  	s9 =	sadd.s32 $0x5180, s1;
	[sflag:s30] =	ssyncadd.s32 $0xFFFFE0C0  }
0xa4: {  	[spmem:s2] =	stream.indirect.scatter.add.f32 [tilespmem:s29], [sflag:$0x8], $0x40, s9, s22, $0xb8;
	[tilespmem:$0x1F7C0] =	vst v63  }
0xa5: {  	_ =	swait.ge [sflag:s20], $0x1F40  }
0xa6: {  	[sflag:s20] =	ssyncset.done $0x0  }
0xa7: {  	s9 =	sadd.s32 $0x480, s1;
	[sflag:s20] =	ssyncadd.s32 $0xFFFFE0C0  }
0xa8: {  	[tilespmem:s29], [sflag:$0x4] =	stream.indirect.gather [hbm4b:s4+s22], $0x40, s9, s22, $0xb8;
	[tilespmem:$0x1F7C0] =	vst v63  }
0xa9: {  	_ =	swait.ge [sflag:s0], $0x1F40  }
0xaa: {  	p4 =	seq.s32 s6, $0x12C00;
	[sflag:s0] =	ssyncset.done $0x0  }
.Ltmp3:
0xab: {  	s9 =	sadd.s32 $0x5200, s1;
	[sflag:s0] =	ssyncadd.s32 $0xFFFFE0C0;
	(pc) =	sbr.rel @p4 .LBB2_6-.Ltmp3, $4  }
0xac: {  	[spmem:s2] =	stream.indirect.scatter.add.f32 [tilespmem:s31], [sflag:$0x8], $0x40, s9, s22, $0xb8;
	[tilespmem:$0x1F7C0] =	vst v63  }
0xad: {  	_ =	swait.ge [sflag:s20], $0x1F40  }
0xae: {  	[sflag:s20] =	ssyncset.done $0x0  }
0xaf: {  	s8 =	sadd.s32 $0x5280, s1;
	[sflag:s20] =	ssyncadd.s32 $0xFFFFE0C0  }
0xb0: {  	s9 =	sadd.s32 $0x500, s1  }
0xb1: {  	[tilespmem:s31], [sflag:$0x5] =	stream.indirect.gather [hbm4b:s4+s22], $0x40, s9, s22, $0xb8;
	[tilespmem:$0x1F7C0] =	vst v63  }
0xb2: {  	_ =	swait.ge [sflag:s3], $0x1F40  }
0xb3: {  	[sflag:s3] =	ssyncset.done $0x0  }
0xb4: {  	[sflag:s3] =	ssyncadd.s32 $0xFFFFE0C0  }
0xb5: {  	[spmem:s2] =	stream.indirect.scatter.add.f32 [tilespmem:s18], [sflag:$0x8], $0x40, s8, s22, $0xb8;
	[tilespmem:$0x1F7C0] =	vst v63  }
.Ltmp4:
0xb6: {  	_ = 	snop;
	(pc) =	sbr.rel .LBB2_4-.Ltmp4, $4  }
0xb7: {  	_ =	swait.ge [sflag:s20], $0x1F40  }
0xb8: {  	[sflag:s20] =	ssyncset.done $0x0  }
0xb9: {  	s6 =	sadd.s32 $0xC00, s6;
	s9 =	sadd.s32 $0x580, s1;
	[sflag:s20] =	ssyncadd.s32 $0xFFFFE0C0  }
0xba: {  	[tilespmem:s18], [sflag:$0x6] =	stream.indirect.gather [hbm4b:s4+s22], $0x40, s9, s22, $0xb8;
	[tilespmem:$0x1F7C0] =	vst v63  }
.LBB2_7:
0xbb: {  	_ =	sfence.sel $0x180000  }
0xbc: {  	[bflag:$0x0] =	sbarrier.arrive $0xFFFF  }
0xbd: {  	_ =	strace $0x9000004D  }
0xbe: {  	[bflag:$0x2] =	sbarrier.arrive $0xFFFF  }
0xbf: {  	p0 =	sne.s32 s8, $0x0;
	s0 =	rddreg [dreg:$0x3]  }
0xc0: {  	s0 =	sadd.s32 @!p0 $0x100000, s0  }
0xc1: {  	[sflag:s0] =	ssyncadd.tile.s32 @!p0 $0x1;
	_ =	shalt  }
.Lfunc_end2:
_tile_overlayer_lowered:
.L_overlay_start_2:
0xc2: {  	(tag) =	ssettag $0x2  }
0xc3: {  	s0 =	rddreg [dreg:$0x0];
	s2 =	stileid.u32  }
0xc4: {  	s1 =	rddreg [dreg:$0x1];
	p0 =	sne.s32 s2, $0x0  }
0xc5: {  	s3 =	rddreg [dreg:$0x2];
	[bflag:$0x3] =	sbarrier.arrive $0xFFFF;
	s2 =	simm.s32 @!p0 $0x1C08  }
0xc6: {  	[timem:s3], [sflag:s2] =	dma.local @!p0 [hbm:s0], s1  }
0xc7: {  	s0 =	simm.s32 @!p0 $0x8  }
0xc8: {  	_ =	swait.ge @!p0 [sflag:s0], s1  }
0xc9: {  	s1 =	ssub.s32 @!p0 $0x0, s1;
	[sflag:s0] =	ssyncset.done @!p0 $0x0  }
0xca: {  	[sflag:s0] =	ssyncadd.s32 @!p0 s1  }
0xcb: {  	[bflag:$0x3] =	sbarrier.arrive $0xFFFF  }
0xcc: {  	_ =	shalt  }

// kernel: kernel.8.cloned.1.call-start
scs
__scs_entry_jumppad:
0x0: {  	(pc) =	sbr.rel $0x88, $3  }
0x1: {  	(tag) =	ssettag $0x0;
	lr =	simm.s32 $0x1  }
0x2: {  	[smem:$0x3F9A] =	sst lr;
	_ =	strace $0xD0000000  }
0x3: {  	_ = 	snop  }
0x4: {  	_ = 	snop  }
0x5: {  	_ = 	snop  }
0x6: {  	_ = 	snop  }
0x7: {  	_ = 	snop  }
__scs_overlays_trampoline_lowered:
0x8: {  	[smem:$0x3FA9] =	sst s0  }
0x9: {  	[smem:$0x3FAA] =	sst s1  }
0xa: {  	[smem:$0x3FAB] =	sst s2  }
0xb: {  	[smem:$0x3FAC] =	sst s3  }
0xc: {  	[smem:$0x3FAD] =	sst s4  }
0xd: {  	[smem:$0x3FAE] =	sst s5  }
0xe: {  	[smem:$0x3FAF] =	sst s6  }
0xf: {  	[smem:$0x3FB0] =	sst s7  }
0x10: {  	[smem:$0x3FB1] =	sst s8  }
0x11: {  	[smem:$0x3FB2] =	sst s9;
	s0 =	simm.s32 @!p0 $0x0  }
0x12: {  	s1 =	sld [smem:$0x3F98];
	s0 =	simm.s32 @p0 $0x1  }
0x13: {  	[smem:$0x3FB3] =	sst s0;
	s0 =	simm.s32 @!p1 $0x0  }
0x14: {  	s2 =	sld [smem:$0x3F97];
	s0 =	simm.s32 @p1 $0x1  }
0x15: {  	[smem:$0x3FB4] =	sst s0;
	s0 =	simm.s32 @!p2 $0x0  }
0x16: {  	s3 =	sld [smem:$0x3FDB];
	s0 =	simm.s32 @p2 $0x1  }
0x17: {  	s4 =	simm.s32 $0x1BF5;
	[smem:$0x3FB6] =	sst s0  }
0x18: {  	s0 =	sld [smem:$0x3F99];
	_ =	swait.ge [sflag:s4], $0x0  }
0x19: {  	s7 =	sld [smem:$0x3F9A]  }
0x1a: {  	s8 =	sadd.s32 $0xFFFFE003, lr  }
0x1b: {  	s9 =	sadd.s32 $0xFFFFFEF7, lr;
	s5 =	simm.s32 $0xFFFFFFFF;
	p2 =	slt.u32 s8, $0xFFFFF086  }
0x1c: {  	p1 =	slt.u32 s9, $0xF7A;
	s5 =	simm.s32 @!p2 $0x0  }
0x1d: {  	s5 =	simm.s32 @p1 $0x1;
	p0 =	seq.s32 s7, s2  }
0x1e: {  	s7 =	smul.u32 @!p0 $0xF7A, s2;
	p2 =	seq.s32 @!p0 s5, $0x0  }
0x1f: {  	s9 =	smul.u32 $0xF7A, s1;
	s8 =	simm.s32 @!p0 $0x1BF5;
	p2 =	por !p2, p0  }
0x20: {  	[sflag:s8] =	ssyncset.s32 @!p0 $0xFFFFF086;
	s6 =	sadd.s32 @!p0 s3, s7;
	s7 =	simm.s32 @!p0 $0x108  }
0x21: {  	s3 =	sadd.s32 s3, s9;
	s6 =	sadd.s32 @!p0 $0x88, s6;
	s7 =	simm.s32 @p2 $0x1082  }
0x22: {  	[simem:s7], [sflag:s8] =	dma.local @!p0 [hbm:s6], $0xF7A  }
0x23: {  	s9 =	sor.u32 $0xD0000000, s2;
	s6 =	simm.s32 $0x108;
	_ =	swait.ge @!p0 [sflag:s8], $0x0  }
0x24: {  	s3 =	sadd.s32 $0x88, s3;
	s6 =	simm.s32 @!p1 $0x1082;
	[sflag:s4] =	ssyncset.s32 $0xFFFFF086  }
0x25: {  	[simem:s6], [sflag:s4] =	dma.local [hbm:s3], $0xF7A  }
0x26: {  	[smem:$0x3F9A] =	sst s1;
	(tag) =	ssettag s2;
	_ =	strace s9  }
0x27: {  	s1 =	sld [smem:$0x3FAA]  }
0x28: {  	s2 =	sld [smem:$0x3FAB]  }
0x29: {  	s4 =	sld [smem:$0x3FAD]  }
0x2a: {  	p0 =	seq.s32 s5, $0x0;
	s5 =	sld [smem:$0x3FAE]  }
0x2b: {  	s6 =	sld [smem:$0x3FAF]  }
0x2c: {  	s7 =	sld [smem:$0x3FB0]  }
0x2d: {  	s3 =	simm.s32 $0x108;
	s8 =	sld [smem:$0x3FB1]  }
0x2e: {  	s3 =	simm.s32 @!p0 $0x1082;
	s9 =	sld [smem:$0x3FB2]  }
0x2f: {  	lr =	sadd.s32 s0, s3;
	s0 =	sld [smem:$0x3FA9]  }
0x30: {  	s3 =	sld [smem:$0x3FAC]  }
0x31: {  	[smem:$0x3FB5] =	sst s10  }
0x32: {  	s10 =	sld [smem:$0x3FB3];
	_ =	sdelay $0x3  }
0x33: {  	p0 =	seq.s32 s10, $0x1;
	s10 =	sld [smem:$0x3FB5];
	_ =	sdelay $0x3  }
0x34: {  	[smem:$0x3FB5] =	sst s10  }
0x35: {  	s10 =	sld [smem:$0x3FB4];
	_ =	sdelay $0x3  }
0x36: {  	p1 =	seq.s32 s10, $0x1;
	s10 =	sld [smem:$0x3FB5];
	_ =	sdelay $0x3  }
0x37: {  	[smem:$0x3FB5] =	sst s10  }
0x38: {  	s10 =	sld [smem:$0x3FB6]  }
0x39: {  	_ = 	snop;
	(pc) =	sbr.ind lr, $3  }
0x3a: {  	_ = 	snop  }
0x3b: {  	_ = 	snop  }
0x3c: {  	p2 =	seq.s32 s10, $0x1;
	s10 =	sld [smem:$0x3FB5]  }
0x3d: {  	_ =	shalt  }
0x3e: {  	_ =	shalt  }
0x3f: {  	_ =	shalt  }
0x40: {  	_ =	shalt  }
0x41: {  	_ =	shalt  }
0x42: {  	_ =	shalt  }
0x43: {  	_ =	shalt  }
0x44: {  	_ =	shalt  }
0x45: {  	_ =	shalt  }
0x46: {  	_ =	shalt  }
0x47: {  	_ =	shalt  }
0x48: {  	_ =	shalt  }
0x49: {  	_ =	shalt  }
0x4a: {  	_ =	shalt  }
0x4b: {  	_ =	shalt  }
0x4c: {  	_ =	shalt  }
0x4d: {  	_ =	shalt  }
0x4e: {  	_ =	shalt  }
0x4f: {  	_ =	shalt  }
0x50: {  	_ =	shalt  }
0x51: {  	_ =	shalt  }
0x52: {  	_ =	shalt  }
0x53: {  	_ =	shalt  }
0x54: {  	_ =	shalt  }
0x55: {  	_ =	shalt  }
0x56: {  	_ =	shalt  }
0x57: {  	_ =	shalt  }
0x58: {  	_ =	shalt  }
0x59: {  	_ =	shalt  }
0x5a: {  	_ =	shalt  }
0x5b: {  	_ =	shalt  }
0x5c: {  	_ =	shalt  }
0x5d: {  	_ =	shalt  }
0x5e: {  	_ =	shalt  }
0x5f: {  	_ =	shalt  }
0x60: {  	_ =	shalt  }
0x61: {  	_ =	shalt  }
0x62: {  	_ =	shalt  }
0x63: {  	_ =	shalt  }
0x64: {  	_ =	shalt  }
0x65: {  	_ =	shalt  }
0x66: {  	_ =	shalt  }
0x67: {  	_ =	shalt  }
0x68: {  	_ =	shalt  }
0x69: {  	_ =	shalt  }
0x6a: {  	_ =	shalt  }
0x6b: {  	_ =	shalt  }
0x6c: {  	_ =	shalt  }
0x6d: {  	_ =	shalt  }
0x6e: {  	_ =	shalt  }
0x6f: {  	_ =	shalt  }
0x70: {  	_ =	shalt  }
0x71: {  	_ =	shalt  }
0x72: {  	_ =	shalt  }
0x73: {  	_ =	shalt  }
0x74: {  	_ =	shalt  }
0x75: {  	_ =	shalt  }
0x76: {  	_ =	shalt  }
0x77: {  	_ =	shalt  }
0x78: {  	_ =	shalt  }
0x79: {  	_ =	shalt  }
0x7a: {  	_ =	shalt  }
0x7b: {  	_ =	shalt  }
0x7c: {  	_ =	shalt  }
0x7d: {  	_ =	shalt  }
0x7e: {  	_ =	shalt  }
0x7f: {  	_ =	shalt  }
0x80: {  	_ =	shalt  }
0x81: {  	_ =	shalt  }
0x82: {  	_ =	shalt  }
0x83: {  	_ =	shalt  }
0x84: {  	_ =	shalt  }
0x85: {  	_ =	shalt  }
0x86: {  	_ =	shalt  }
0x87: {  	_ =	shalt  }
.Lfunc_end0:
.L_simem_size_0:
called_computation_lowered:
.L_overlay_start_0:
0x88: {  	s2 =	sld [smem:$0x3FD9]  }
0x89: {  	s3 =	sld [smem:$0x3FFE];
	_ =	sdelay $0x1  }
0x8a: {  	s1 =	srdreg.scid  }
0x8b: {  	s0 =	sand.u32 $0x1, s1  }
0x8c: {  	s17 =	sshll.u32 s0, $0xA;
	s2 =	sadd.s32 s3, s2  }
0x8d: {  	s2 =	sadd.s32 s2, s17  }
0x8e: {  	[smem:$0x3FC1] =	sst s2  }
0x8f: {  	_ = 	snop  }
0x90: {  	s2 =	sld [smem:$0x3FD0];
	(tm) =	ssettm $0x1  }
0x91: {  	s18 =	sld [smem:$0x3FFB];
	_ =	sdelay $0x3  }
0x92: {  	_ =	strace s18  }
0x93: {  	s3 =	sld [smem:$0x3FFC];
	_ =	sdelay $0x3  }
0x94: {  	_ =	strace s3  }
0x95: {  	s3 =	sld [smem:$0x3FFD];
	_ =	sdelay $0x3  }
0x96: {  	_ =	strace s3  }
0x97: {  	_ =	strace $0x8FFFFFFF  }
0x98: {  	s19 =	sld [smem:$0x3FDB];
	_ =	sdelay $0x1  }
0x99: {  	s4 =	simm.s32 $_scs_section_size  }
0x9a: {  	s5 =	simm.s32 $_size__tile_overlayer_lowered;
	s6 =	simm.s32 $_tile_overlayer_lowered  }
0x9b: {  	s22 =	simm.s32 $0x1BFF;
	s21 =	sshll.u32 s6, $0x1;
	s3 =	sadd.s32 s4, s19  }
0x9c: {  	s7 =	simm.s32 $0x0;
	s20 =	sshll.u32 s5, $0x1;
	s5 =	sadd.s32 s21, s3  }
0x9d: {  	[timem:s7], [sflag:s22] =	dma.local [hbm:s5], s20  }
0x9e: {  	_ =	swait.ge [sflag:s22], s20  }
0x9f: {  	s4 =	ssub.s32 $0x0, s20;
	[sflag:s22] =	ssyncset.done $0x0  }
0xa0: {  	[sflag:s22] =	ssyncadd.s32 s4;
	_ =	sdelay $0x1  }
0xa1: {  	s23 =	simm.s32 $0x1B8B  }
0xa2: {  	_ =	swait.ge [sflag:s23], $0x1  }
0xa3: {  	[sflag:s23] =	ssyncset.done $0x0  }
0xa4: {  	s25 =	simm.s32 $0x1B8E;
	s24 =	sld [smem:$0x3FFE];
	[sflag:s23] =	ssyncadd.s32 $0xFFFFFFFF  }
0xa5: {  	s26 =	simm.s32 $execute0_lowered;
	[smem:$0x3FD2] =	sst s25  }
0xa6: {  	s5 =	sshll.u32 s26, $0x1;
	_ =	strace $0x80000046;
	[dreg:$0x1] =	wrdreg $0xFFFFFFFF  }
0xa7: {  	s28 =	simm.s32 $_size_execute0_lowered;
	s3 =	sadd.s32 s3, s5;
	[dreg:$0x0] =	wrdreg $0x0  }
0xa8: {  	s5 =	sshll.u32 s28, $0x1;
	[dreg:$0x2] =	wrdreg s3  }
0xa9: {  	[dreg:$0x3] =	wrdreg s5  }
0xaa: {  	[dreg:$0x4] =	wrdreg $0xC0  }
0xab: {  	_ =	task [dreg:s7], $0x5FFFF  }
0xac: {  	[dreg:$0x1] =	wrdreg $0xFFFFFFFF  }
0xad: {  	[dreg:$0x0] =	wrdreg $0x60  }
0xae: {  	[dreg:$0x2] =	wrdreg s2  }
0xaf: {  	[dreg:$0x3] =	wrdreg s24  }
0xb0: {  	[dreg:$0x4] =	wrdreg $0x78A00  }
0xb1: {  	[dreg:$0x5] =	wrdreg $0x9  }
0xb2: {  	_ =	task.clear_ibuf [dreg:s7], $0x6FFFF;
	_ =	strace $0x90000046  }
0xb3: {  	s29 =	simm.s32 $0x9;
	_ =	strace $0x80000048  }
0xb4: {  	_ =	swait.ge [sflag:s29], $0x1  }
0xb5: {  	[sflag:s29] =	ssyncadd.s32 $0xFFFFFFFF  }
0xb6: {  	_ =	strace $0x90000048  }
0xb7: {  	_ =	sfence  }
0xb8: {  	s30 =	sld [smem:$0x0];
	_ =	sdelay $0x2  }
0xb9: {  	s31 =	sshll.u32 s1, $0xD;
	s1 =	sshrl.u32 s1, $0x2  }
0xba: {  	s3 =	sand.u32 $0x4000, s31;
	s1 =	sadd.s32 s1, s30  }
0xbb: {  	s0 =	sor.u32 s3, s0;
	s1 =	sshll.u32 s1, $0x11  }
0xbc: {  	s0 =	sor.u32 s1, s0  }
0xbd: {  	s0 =	sadd.s32 $0x8F2B, s0  }
0xbe: {  	[sflag:s0] =	ssyncadd.remote.s32 $0x1  }
0xbf: {  	_ =	sfence.sel $0xFFFF  }
0xc0: {  	[dreg:$0x0] =	wrdreg $0xFFFFFFFF;
	(pc) =	sbr.abs _section_cstart, $3  }
0xc1: {  	[dreg:$0x1] =	wrdreg $0xFFFFFFFF  }
0xc2: {  	_ =	task.clear_ibuf [dreg:s7], $0x2FFFF;
	_ =	strace $0x9FFFFFFF  }
0xc3: {  	(tm) =	ssettm $0x7FFFFFFF  }
tec
execute0_lowered:
.L_overlay_start_1:
0x0: {  	(tag) =	ssettag $0x1  }
0x1: {  	s4 =	rddreg [dreg:$0x0];
	s1 =	srdreg.scid  }
0x2: {  	s0 =	stileid.u32;
	v0 =	vlaneseq.u32;
	s5 =	rddreg [dreg:$0x1];
	v1 =	vimm.f32 $0.0e+00;
	v41 =	vimm.f32 $1.000000000e+00  }
0x3: {  	s2 =	rddreg [dreg:$0x2];
	s3 =	simm.s32 $0x0;
	s12 =	simm.s32 $0x7620;
	v2 =	vor.u32 $0x10, v0;
	v3 =	vor.u32 $0x20, v0;
	v4 =	vor.u32 $0x30, v0  }
0x4: {  	s13 =	simm.s32 $0x76A0;
	s14 =	simm.s32 $0x5620;
	s15 =	simm.s32 $0x7720;
	v5 =	vor.u32 $0x40, v0;
	v6 =	vor.u32 $0x50, v0;
	v7 =	vor.u32 $0x60, v0  }
0x5: {  	s16 =	simm.s32 $0x5E20;
	s17 =	simm.s32 $0x77A0;
	s18 =	simm.s32 $0x6620;
	v8 =	vor.u32 $0x70, v0;
	v9 =	vor.u32 $0x80, v0;
	v10 =	vor.u32 $0x90, v0  }
0x6: {  	s19 =	simm.s32 $0x7820;
	s20 =	simm.s32 $0x6E20;
	s7 =	smul.u32 $0x280, s0;
	v11 =	vor.u32 $0xA0, v0;
	v12 =	vor.u32 $0xB0, v0;
	v13 =	vor.u32 $0xC0, v0  }
0x7: {  	s6 =	sand.u32 $0x1, s1;
	s1 =	rddreg [dreg:$0x3];
	s10 =	smul.u32 $0x4E20, s0;
	v14 =	vor.u32 $0xD0, v0;
	v15 =	vor.u32 $0xE0, v0;
	v16 =	vor.u32 $0xF0, v0  }
0x8: {  	s23 =	simm.s32 $0x0;
	[smem:$0x7FF] =	sst s3;
	v17 =	vor.u32 $0x100, v0;
	v18 =	vor.u32 $0x110, v0;
	v19 =	vor.u32 $0x120, v0;
	s8 =	smul.u32 $0x2800, s6  }
0x9: {  	v20 =	vor.u32 $0x130, v0;
	v21 =	vor.u32 $0x140, v0;
	v22 =	vor.u32 $0x150, v0;
	s21 =	sshll.u32 s0, $0x6;
	s9 =	smul.u32 $0x4E200, s6;
	s6 =	ssub.s32 $0x2, s6  }
0xa: {  	v23 =	vor.u32 $0x160, v0;
	v24 =	vor.u32 $0x170, v0;
	v25 =	vor.u32 $0x180, v0;
	_ =	strace $0x80000047;
	s21 =	sor.u32 $0x1C01, s21;
	s11 =	sshrl.u32 s6, $0x1  }
0xb: {  	v26 =	vor.u32 $0x190, v0;
	v27 =	vor.u32 $0x1A0, v0;
	v28 =	vor.u32 $0x1B0, v0;
	s8 =	sadd.s32 s7, s8;
	s9 =	sadd.s32 s10, s9;
	s30 =	ssub.s32 s6, s11  }
0xc: {  	v29 =	vor.u32 $0x1C0, v0;
	v30 =	vor.u32 $0x1D0, v0;
	v31 =	vor.u32 $0x1E0, v0;
	s6 =	sadd.s32 $0x4E20, s7;
	s10 =	simm.s32 $0x4E20;
	s11 =	simm.s32 $0x80  }
0xd: {  	v32 =	vor.u32 $0x1F0, v0;
	v33 =	vor.u32 $0x200, v0;
	v34 =	vor.u32 $0x210, v0;
	s8 =	sshrl.u32 s8, $0x3;
	s31 =	sshrl.u32 s9, $0x3;
	s9 =	simm.s32 $0x1  }
0xe: {  	v35 =	vor.u32 $0x220, v0;
	v36 =	vor.u32 $0x230, v0;
	v37 =	vor.u32 $0x240, v0;
	s8 =	sadd.s32 s8, s5;
	s4 =	sadd.s32 s4, s31;
	s5 =	sadd.s32 s7, s2  }
0xf: {  	v38 =	vor.u32 $0x250, v0;
	v39 =	vor.u32 $0x260, v0;
	v40 =	vor.u32 $0x270, v0;
	s7 =	sadd.s32 $0x3E00, s8;
	s8 =	smax.u32 s30, $0x1;
	s22 =	sshrl.u32 s5, $0x3  }
.LBB2_1:
0x10: {  	[tilespmem:s3], [sflag:$0x1] =	stream.linear.gather [hbm4b:s4+s3], $0x4E20, $0x38;
	[tilespmem:$0x7B20] =	vst v63  }
0x11: {  	_ =	swait.ge [sflag:s9], $0x4E20  }
0x12: {  	[sflag:s9] =	ssyncset.done $0x0  }
0x13: {  	s24 =	simm.s32 $0x40;
	s25 =	simm.s32 $0x0;
	[sflag:s9] =	ssyncadd.s32 $0xFFFFB1E0  }
.LBB2_2:
0x14: {  	p0 =	sne.s32 s24, $0x9FC0;
	[tilespmem:s25+$0x4E20] =	vst v1;
	s25 =	smov.u32 s24;
	s24 =	sadd.s32 $0x40, s24  }
.Ltmp0:
0x15: {  	(pc) =	sbr.rel @p0 .LBB2_2-.Ltmp0, $2  }
0x16: {  	_ =	sdelay $0x2  }
0x17: {  	s25 =	sshra.s32 s25, $0x2  }
0x18: {  	[tilespmem:s25+$0x4E20] =	vst v1  }
0x19: {  	[tilespmem:$0x7620] =	vst v0  }
0x1a: {  	[tilespmem:$0x7630] =	vst v2  }
0x1b: {  	[tilespmem:$0x7640] =	vst v3  }
0x1c: {  	[tilespmem:$0x7650] =	vst v4  }
0x1d: {  	[tilespmem:$0x7660] =	vst v5  }
0x1e: {  	[tilespmem:$0x7670] =	vst v6  }
0x1f: {  	[tilespmem:$0x7680] =	vst v7  }
0x20: {  	[tilespmem:$0x7690] =	vst v8  }
0x21: {  	[tilespmem:$0x76A0] =	vst v9  }
0x22: {  	[tilespmem:$0x76B0] =	vst v10  }
0x23: {  	[tilespmem:$0x76C0] =	vst v11  }
0x24: {  	[tilespmem:$0x76D0] =	vst v12  }
0x25: {  	[tilespmem:$0x76E0] =	vst v13  }
0x26: {  	[tilespmem:$0x76F0] =	vst v14  }
0x27: {  	[tilespmem:$0x7700] =	vst v15  }
0x28: {  	[tilespmem:$0x7710] =	vst v16  }
0x29: {  	[tilespmem:$0x7720] =	vst v17  }
0x2a: {  	[tilespmem:$0x7730] =	vst v18  }
0x2b: {  	[tilespmem:$0x7740] =	vst v19  }
0x2c: {  	[tilespmem:$0x7750] =	vst v20  }
0x2d: {  	[tilespmem:$0x7760] =	vst v21  }
0x2e: {  	[tilespmem:$0x7770] =	vst v22  }
0x2f: {  	[tilespmem:$0x7780] =	vst v23  }
0x30: {  	[tilespmem:$0x7790] =	vst v24  }
0x31: {  	[tilespmem:$0x77A0] =	vst v25  }
0x32: {  	[tilespmem:$0x77B0] =	vst v26  }
0x33: {  	[tilespmem:$0x77C0] =	vst v27  }
0x34: {  	[tilespmem:$0x77D0] =	vst v28  }
0x35: {  	[tilespmem:$0x77E0] =	vst v29  }
0x36: {  	[tilespmem:$0x77F0] =	vst v30  }
0x37: {  	[tilespmem:$0x7800] =	vst v31  }
0x38: {  	[tilespmem:$0x7810] =	vst v32  }
0x39: {  	[tilespmem:$0x7820] =	vst v33  }
0x3a: {  	[tilespmem:$0x7830] =	vst v34  }
0x3b: {  	[tilespmem:$0x7840] =	vst v35  }
0x3c: {  	[tilespmem:$0x7850] =	vst v36  }
0x3d: {  	[tilespmem:$0x7860] =	vst v37  }
0x3e: {  	[tilespmem:$0x7870] =	vst v38  }
0x3f: {  	[tilespmem:$0x7880] =	vst v39  }
0x40: {  	[tilespmem:$0x7890] =	vst v40  }
0x41: {  	[spmem:s5] =	stream.linear.scatter [tilespmem:s6], [sflag:$0x1], $0x280, $0x38;
	[tilespmem:$0x7B20] =	vst v63  }
0x42: {  	_ =	swait.ge [sflag:s9], $0x280  }
0x43: {  	[sflag:s9] =	ssyncset.done $0x0  }
0x44: {  	[sflag:s9] =	ssyncadd.s32 $0xFFFFFD80  }
0x45: {  	s25 =	simm.s32 $0x0;
	s24 =	simm.s32 $0x40;
	[bflag:$0x0] =	sbarrier.arrive $0xFFFF  }
.LBB2_4:
0x46: {  	p0 =	sne.s32 s24, $0x13840;
	v42 =	vld [tilespmem:s25+$0x0];
	_ =	sdelay $0x3  }
.Ltmp1:
0x47: {  	(pc) =	sbr.rel @p0 .LBB2_4-.Ltmp1, $2  }
0x48: {  	_ =	sdelay $0x2  }
0x49: {  	s25 =	sshra.s32 s24, $0x2;
	s24 =	sadd.s32 $0x40, s24;
	[tilespmem:v42+s10+$0x0] =	vst.idx.add.f32.msk $0xffff, v41  }
0x4a: {  	v42 =	vld [tilespmem:s25+$0x0];
	_ =	sdelay $0x7  }
0x4b: {  	[tilespmem:v42+s10+$0x0] =	vst.idx.add.f32.msk $0xffff, v41  }
0x4c: {  	[spmem:s2] =	stream.indirect.scatter.add.f32 [tilespmem:s10], [sflag:$0x1], $0x10, s12, s11, $0xb8;
	[tilespmem:$0x7B20] =	vst v63  }
0x4d: {  	_ =	swait.ge [sflag:s9], $0x800  }
0x4e: {  	[sflag:s9] =	ssyncset.done $0x0  }
0x4f: {  	[sflag:s9] =	ssyncadd.s32 $0xFFFFF800  }
0x50: {  	[spmem:s2] =	stream.indirect.scatter.add.f32 [tilespmem:s14], [sflag:$0x1], $0x10, s13, s11, $0xb8;
	[tilespmem:$0x7B20] =	vst v63  }
0x51: {  	_ =	swait.ge [sflag:s9], $0x800  }
0x52: {  	[sflag:s9] =	ssyncset.done $0x0  }
0x53: {  	[sflag:s9] =	ssyncadd.s32 $0xFFFFF800  }
0x54: {  	[spmem:s2] =	stream.indirect.scatter.add.f32 [tilespmem:s16], [sflag:$0x1], $0x10, s15, s11, $0xb8;
	[tilespmem:$0x7B20] =	vst v63  }
0x55: {  	_ =	swait.ge [sflag:s9], $0x800  }
0x56: {  	[sflag:s9] =	ssyncset.done $0x0  }
0x57: {  	[sflag:s9] =	ssyncadd.s32 $0xFFFFF800  }
0x58: {  	[spmem:s2] =	stream.indirect.scatter.add.f32 [tilespmem:s18], [sflag:$0x1], $0x10, s17, s11, $0xb8;
	[tilespmem:$0x7B20] =	vst v63  }
0x59: {  	_ =	swait.ge [sflag:s9], $0x800  }
0x5a: {  	[sflag:s9] =	ssyncset.done $0x0  }
0x5b: {  	[sflag:s9] =	ssyncadd.s32 $0xFFFFF800  }
0x5c: {  	[spmem:s2] =	stream.indirect.scatter.add.f32 [tilespmem:s20], [sflag:$0x1], $0x10, s19, s11, $0xb8;
	[tilespmem:$0x7B20] =	vst v63  }
0x5d: {  	_ =	swait.ge [sflag:s9], $0x800  }
0x5e: {  	s23 =	sadd.s32 $0x1, s23;
	[sflag:s9] =	ssyncset.done $0x0  }
0x5f: {  	p0 =	sne.s32 s23, s8;
	[sflag:s9] =	ssyncadd.s32 $0xFFFFF800  }
.Ltmp2:
0x60: {  	[bflag:$0x0] =	sbarrier.arrive $0xFFFF;
	(pc) =	sbr.rel @p0 .LBB2_1-.Ltmp2, $4  }
0x61: {  	[hbm:s7], [sflag:s21] =	dma.local [spmem:s22], $0x50  }
0x62: {  	_ =	swait.ge [sflag:s9], $0x50  }
0x63: {  	[sflag:s9] =	ssyncset.done $0x0  }
0x64: {  	[sflag:s9] =	ssyncadd.s32 $0xFFFFFFB0  }
0x65: {  	_ =	sfence.sel $0x180000  }
0x66: {  	[bflag:$0x0] =	sbarrier.arrive $0xFFFF  }
0x67: {  	p0 =	sne.s32 s0, $0x0;
	_ =	strace $0x90000047  }
0x68: {  	s0 =	sadd.s32 @!p0 $0x100000, s1;
	[bflag:$0x2] =	sbarrier.arrive $0xFFFF  }
0x69: {  	[sflag:s0] =	ssyncadd.tile.s32 @!p0 $0x1;
	_ =	shalt  }
.Lfunc_end2:
_tile_overlayer_lowered:
.L_overlay_start_2:
0x6a: {  	(tag) =	ssettag $0x2  }
0x6b: {  	s0 =	rddreg [dreg:$0x0];
	s2 =	stileid.u32  }
0x6c: {  	s1 =	rddreg [dreg:$0x1];
	p0 =	sne.s32 s2, $0x0  }
0x6d: {  	s3 =	rddreg [dreg:$0x2];
	[bflag:$0x3] =	sbarrier.arrive $0xFFFF;
	s2 =	simm.s32 @!p0 $0x1C01  }
0x6e: {  	[timem:s3], [sflag:s2] =	dma.local @!p0 [hbm:s0], s1  }
0x6f: {  	s0 =	simm.s32 @!p0 $0x1  }
0x70: {  	_ =	swait.ge @!p0 [sflag:s0], s1  }
0x71: {  	s1 =	ssub.s32 @!p0 $0x0, s1;
	[sflag:s0] =	ssyncset.done @!p0 $0x0  }
0x72: {  	[sflag:s0] =	ssyncadd.s32 @!p0 s1  }
0x73: {  	[bflag:$0x3] =	sbarrier.arrive $0xFFFF  }
0x74: {  	_ =	shalt  }

</sc_bundles>
